<compile_context>
chip_gen: v7x
topology: tpu7x:2x2x1
jax: 0.10.2.dev20260603
libtpu: 0.0.44.dev20260713+nightly
codegen_flags: <defaults>
</compile_context>

<pallas_src>
import functools

import jax
import jax.numpy as jnp
from jax import lax
from jax.experimental import pallas as pl
from jax.experimental.pallas import tpu as pltpu
from jax.experimental.pallas import tpu_sc as plsc

NN = 10000
NP = 10240
EE = 160000
EP = 163840
DIN, DH, DA = 256, 512, 16
NCB = 4
NCBX = 2
CB = 128
NTILE = 16
RPT = NP // NTILE
NCHK = EP // NTILE // 128

@functools.cache
def _mesh():
    return plsc.VectorSubcoreMesh(core_axis_name="c", subcore_axis_name="s",
                                  num_cores=2, num_subcores=NTILE)


def _sc_deg_body(dst32, zeros1, deg_out, idx_v, ones_v, acc, _sem):
    c = lax.axis_index("c")
    s = lax.axis_index("s")
    wid = c * NTILE + s
    pltpu.sync_copy(dst32.at[wid], idx_v)
    for k in range(8):
        ones_v[pl.ds(k * 16, 16)] = jnp.ones((16,), jnp.float32)
    pltpu.sync_copy(zeros1, acc.at[pl.ds(s * RPT, RPT)])
    plsc.subcore_barrier()

    def body(j, carry):
        pltpu.sync_copy(ones_v, acc.at[idx_v.at[j]], add=True)
        return carry

    lax.fori_loop(0, 40, body, 0)
    plsc.subcore_barrier()
    pltpu.sync_copy(acc.at[pl.ds(s * RPT, RPT)],
                    deg_out.at[c, pl.ds(s * RPT, RPT)])


@functools.cache
def _sc_deg():
    return pl.kernel(
        _sc_deg_body,
        out_type=jax.ShapeDtypeStruct((2, NP), jnp.float32),
        mesh=_mesh(),
        scratch_types=[
            pltpu.VMEM((40, 128), jnp.int32),
            pltpu.VMEM((128,), jnp.float32),
            pltpu.VMEM_SHARED((NP,), jnp.float32),
            pltpu.SemaphoreType.DMA,
        ],
    )


def _sc_prop_body(nblk, src16, dst16, g_hbm, t_out,
                  dst_t, sbuf, buf_a, buf_b, acc,
                  se0, se1, se2, se3, sga, sgb, ssa, ssb):
    c = lax.axis_index("c")
    s = lax.axis_index("s")
    src_me = src16.at[s]
    se = [se0, se1, se2, se3]
    dbuf = [buf_a, buf_b]
    sg = [sga, sgb]
    ss = [ssa, ssb]
    pltpu.sync_copy(dst16.at[s], dst_t)

    def fetch_idx(j, k):
        pltpu.async_copy(src_me.at[j], sbuf.at[k], se[k])

    def wait_idx(k):
        pltpu.make_async_copy(src_me.at[0], sbuf.at[k], se[k]).wait()

    for cb in range(nblk):
        cbg = nblk * c + cb
        off = cbg * NP

        def zrow(i, carry):
            for k in range(CB // 16):
                buf_a[i, pl.ds(k * 16, 16)] = jnp.zeros((16,), jnp.float32)
            return carry

        lax.fori_loop(0, 128, zrow, 0)

        def zcp(r, carry):
            pltpu.sync_copy(buf_a, acc.at[pl.ds(s * RPT + r * 128, 128)])
            return carry

        lax.fori_loop(0, RPT // 128, zcp, 0)
        for k in range(3):
            fetch_idx(k, k)
        plsc.subcore_barrier()

        def chunk(j, k, d):
            wait_idx(k)
            for t in range(128 // 16):
                sl = pl.ds(t * 16, 16)
                sbuf[k, sl] = sbuf[k, sl] + off

            @pl.when(j >= 2)
            def _():
                pltpu.make_async_copy(dbuf[d], acc.at[dst_t.at[0]],
                                      ss[d]).wait()

            pltpu.async_copy(g_hbm.at[sbuf.at[k]], dbuf[d], sg[d])

            @pl.when(j >= 1)
            def _():
                pltpu.make_async_copy(g_hbm.at[sbuf.at[k]], dbuf[1 - d],
                                      sg[1 - d]).wait()
                pltpu.async_copy(dbuf[1 - d], acc.at[dst_t.at[j - 1]],
                                 ss[1 - d], add=True)

            @pl.when(j + 3 < NCHK)
            def _():
                fetch_idx(j + 3, (k + 3) % 4)

        def body(m, carry):
            j0 = 4 * m
            for t in range(4):
                chunk(j0 + t, t, t % 2)
            return carry

        lax.fori_loop(0, NCHK // 4, body, 0)
        pltpu.make_async_copy(g_hbm.at[sbuf.at[3]], dbuf[1], sg[1]).wait()
        pltpu.async_copy(dbuf[1], acc.at[dst_t.at[NCHK - 1]], ss[1],
                         add=True)
        pltpu.make_async_copy(dbuf[0], acc.at[dst_t.at[0]], ss[0]).wait()
        pltpu.make_async_copy(dbuf[1], acc.at[dst_t.at[0]], ss[1]).wait()
        plsc.subcore_barrier()
        pltpu.sync_copy(acc.at[pl.ds(s * RPT, RPT)],
                        t_out.at[pl.ds(cbg * NP + s * RPT, RPT)])


@functools.cache
def _sc_prop(nblk):
    return pl.kernel(
        functools.partial(_sc_prop_body, nblk),
        out_type=jax.ShapeDtypeStruct((2 * nblk * NP, CB), jnp.float32),
        mesh=_mesh(),
        scratch_types=[
            pltpu.VMEM((NCHK, 128), jnp.int32),
            pltpu.VMEM((4, 128), jnp.int32),
            pltpu.VMEM((128, CB), jnp.float32),
            pltpu.VMEM((128, CB), jnp.float32),
            pltpu.VMEM_SHARED((NP, CB), jnp.float32),
        ] + [pltpu.SemaphoreType.DMA] * 8,
    )


_RB = 1024
_GRID = NP // _RB


def _dis_of(deg2_blk):
    return lax.rsqrt(deg2_blk[0, :] + deg2_blk[1, :] + 1.0)


def _tc_a_body(x_ref, deg_ref, out_ref):
    dis = _dis_of(deg_ref[...])
    g = x_ref[...] * dis[:, None]
    for cb in range(NCBX):
        out_ref[cb] = g[:, cb * CB:(cb + 1) * CB]


def _tc_a(x_p, deg2):
    return pl.pallas_call(
        _tc_a_body,
        grid=(_GRID,),
        in_specs=[
            pl.BlockSpec((_RB, DIN), lambda i: (i, 0)),
            pl.BlockSpec((2, _RB), lambda i: (0, i)),
        ],
        out_specs=pl.BlockSpec((NCBX, _RB, CB), lambda i: (0, i, 0)),
        out_shape=jax.ShapeDtypeStruct((NCBX, NP, CB), jnp.float32),
    )(x_p, deg2)


def _tc_c_body(t1_ref, g1_ref, deg_ref, w1_ref, w2_ref, b1_ref, out_ref):
    dis = _dis_of(deg_ref[...])
    cols = [dis[:, None] * (t1_ref[cb] + g1_ref[cb]) for cb in range(NCBX)]
    z = jnp.concatenate(cols, axis=1)
    h1 = jnp.dot(z, w1_ref[...], preferred_element_type=jnp.float32,
                 precision=lax.Precision.HIGHEST)
    h1 = jax.nn.relu(h1 + b1_ref[...])
    g2 = jnp.dot(h1, w2_ref[...], preferred_element_type=jnp.float32,
                 precision=lax.Precision.HIGHEST)
    g2 = g2 * dis[:, None]
    for cb in range(NCB):
        out_ref[cb] = g2[:, cb * CB:(cb + 1) * CB]


def _tc_c(T1, G1, deg2, W1, W2, b1):
    return pl.pallas_call(
        _tc_c_body,
        grid=(_GRID,),
        in_specs=[
            pl.BlockSpec((NCBX, _RB, CB), lambda i: (0, i, 0)),
            pl.BlockSpec((NCBX, _RB, CB), lambda i: (0, i, 0)),
            pl.BlockSpec((2, _RB), lambda i: (0, i)),
            pl.BlockSpec((DIN, DH), lambda i: (0, 0)),
            pl.BlockSpec((DH, DH), lambda i: (0, 0)),
            pl.BlockSpec((1, DH), lambda i: (0, 0)),
        ],
        out_specs=pl.BlockSpec((NCB, _RB, CB), lambda i: (0, i, 0)),
        out_shape=jax.ShapeDtypeStruct((NCB, NP, CB), jnp.float32),
    )(T1, G1, deg2, W1, W2, b1)


def _tc_d_body(t2_ref, g2_ref, deg_ref, act_ref, wl1a_ref, wl1b_ref,
               bl1_ref, b2_ref, wl2_ref, bl2_ref, out_ref, acc_ref):
    i = pl.program_id(0)
    dis = _dis_of(deg_ref[...])
    cols = [dis[:, None] * (t2_ref[cb] + g2_ref[cb]) for cb in range(NCB)]
    h2 = jax.nn.relu(jnp.concatenate(cols, axis=1) + b2_ref[...])
    t = jnp.dot(h2, wl1a_ref[...], preferred_element_type=jnp.float32)
    t = t + jnp.dot(act_ref[...], wl1b_ref[...],
                    preferred_element_type=jnp.float32)
    t = jax.nn.relu(t + bl1_ref[...])
    q = jnp.sum(t * wl2_ref[...], axis=1)
    row = i * _RB + lax.broadcasted_iota(jnp.int32, (_RB,), 0)
    q = jnp.where(row < NN, q, 0.0)
    part = jnp.sum(q)

    @pl.when(i == 0)
    def _():
        acc_ref[0] = part

    @pl.when(i > 0)
    def _():
        acc_ref[0] = acc_ref[0] + part

    @pl.when(i == _GRID - 1)
    def _():
        out_ref[...] = jnp.full((1, 1), acc_ref[0] / NN + bl2_ref[0])


def _tc_d(T2, G2, deg2, act_p, Wl1a, Wl1b, bl1, b2, wl2row, bl2):
    return pl.pallas_call(
        _tc_d_body,
        grid=(_GRID,),
        in_specs=[
            pl.BlockSpec((NCB, _RB, CB), lambda i: (0, i, 0)),
            pl.BlockSpec((NCB, _RB, CB), lambda i: (0, i, 0)),
            pl.BlockSpec((2, _RB), lambda i: (0, i)),
            pl.BlockSpec((_RB, DA), lambda i: (i, 0)),
            pl.BlockSpec((DH, DH), lambda i: (0, 0)),
            pl.BlockSpec((DA, DH), lambda i: (0, 0)),
            pl.BlockSpec((1, DH), lambda i: (0, 0)),
            pl.BlockSpec((1, DH), lambda i: (0, 0)),
            pl.BlockSpec((1, DH), lambda i: (0, 0)),
            pl.BlockSpec(memory_space=pltpu.SMEM),
        ],
        out_specs=pl.BlockSpec((1, 1), lambda i: (0, 0)),
        out_shape=jax.ShapeDtypeStruct((1, 1), jnp.float32),
        scratch_shapes=[pltpu.SMEM((1,), jnp.float32)],
    )(T2, G2, deg2, act_p, Wl1a, Wl1b, bl1, b2, wl2row, bl2)


@jax.jit
def kernel(x, edge_index, action, W1, b1, W2, b2, Wl1, bl1, Wl2, bl2):
    f32 = jnp.float32
    src = edge_index[0]
    dst = edge_index[1]
    pad = jnp.full((EP - EE,), NN, jnp.int32)
    srcp = jnp.concatenate([src, pad])
    dstp = jnp.concatenate([dst, pad])
    src16 = srcp.reshape(NTILE, NCHK, 128)
    dst16 = dstp.reshape(NTILE, NCHK, 128)
    dst32 = dstp.reshape(32, 40, 128)

    x_p = jnp.concatenate([x, jnp.zeros((NP - NN, DIN), f32)])
    act_p = jnp.concatenate([action, jnp.zeros((NP - NN, DA), f32)])
    zeros1 = jnp.zeros((RPT,), f32)

    deg2 = _sc_deg()(dst32, zeros1)
    G1 = _tc_a(x_p, deg2)
    T1 = _sc_prop(1)(src16, dst16, G1.reshape(NCBX * NP, CB))
    G2 = _tc_c(T1.reshape(NCBX, NP, CB), G1, deg2, W1, W2,
               b1.reshape(1, DH))
    T2 = _sc_prop(2)(src16, dst16, G2.reshape(NCB * NP, CB))
    q = _tc_d(T2.reshape(NCB, NP, CB), G2, deg2, act_p,
              Wl1[:DH, :], Wl1[DH:, :], bl1.reshape(1, DH),
              b2.reshape(1, DH), Wl2.reshape(1, DH), bl2)
    return q

# --- scband reference (transcript-rebuilt; emitter-appended) ---
"""Pipeline reference for scband-gcncritic-87797721465077 (READ-ONLY COPY).

The authoritative reference and input builder live on the scoring server;
editing this copy changes nothing except your own understanding.
"""

import jax, jax.numpy as jnp
import numpy as np

N, E = 10000, 160000
DIN, DH, DA = 256, 512, 16


def _gcn_conv(x, src, dst, W, b):
    n = x.shape[0]
    loop = jnp.arange(n, dtype=src.dtype)
    s = jnp.concatenate([src, loop])
    d = jnp.concatenate([dst, loop])
    ew = jnp.ones(s.shape[0], dtype=x.dtype)
    deg = jnp.zeros(n, dtype=x.dtype).at[d].add(ew)
    dis = jnp.where(deg > 0, deg ** -0.5, 0.0)
    norm = dis[s] * ew * dis[d]
    h = x @ W
    msg = h[s] * norm[:, None]
    out = jnp.zeros((n, h.shape[1]), dtype=x.dtype).at[d].add(msg)
    return out + b


def setup_inputs(seed: int = 0):
    key = jax.random.key(seed)
    ks = jax.random.split(key, 12)
    x = jax.random.normal(ks[0], (N, DIN), dtype=jnp.float32)
    edge_index = jax.random.randint(ks[1], (2, E), 0, N, dtype=jnp.int32)
    action = jax.random.normal(ks[2], (N, DA), dtype=jnp.float32)
    W1 = jax.random.normal(ks[3], (DIN, DH), dtype=jnp.float32) / np.sqrt(DIN)
    b1 = jnp.zeros((DH,), dtype=jnp.float32)
    W2 = jax.random.normal(ks[4], (DH, DH), dtype=jnp.float32) / np.sqrt(DH)
    b2 = jnp.zeros((DH,), dtype=jnp.float32)
    Wl1 = jax.random.normal(ks[5], (DH + DA, DH), dtype=jnp.float32) / np.sqrt(DH + DA)
    bl1 = jnp.zeros((DH,), dtype=jnp.float32)
    Wl2 = jax.random.normal(ks[6], (DH, 1), dtype=jnp.float32) / np.sqrt(DH)
    bl2 = jnp.zeros((1,), dtype=jnp.float32)
    return {"x": x, "edge_index": edge_index, "action": action,
            "W1": W1, "b1": b1, "W2": W2, "b2": b2,
            "Wl1": Wl1, "bl1": bl1, "Wl2": Wl2, "bl2": bl2}


def reference(x, edge_index, action, W1, b1, W2, b2, Wl1, bl1, Wl2, bl2):
    src, dst = edge_index[0], edge_index[1]
    h = jax.nn.relu(_gcn_conv(x, src, dst, W1, b1))
    h = jax.nn.relu(_gcn_conv(h, src, dst, W2, b2))
    ha = jnp.concatenate([h, action], axis=-1)
    q_node = jax.nn.relu(ha @ Wl1 + bl1)
    q_node = q_node @ Wl2 + bl2
    q_graph = jnp.mean(q_node, axis=0, keepdims=True)
    return q_graph

if __name__ == "__main__":
    import jax
    _d = setup_inputs()
    print(jax.jit(kernel)(*tuple(_d.values())))

</pallas_src>

<mosaic_0001>
#map = affine_map<(d0, d1) -> (0, 0, 0)>
#map1 = affine_map<(d0, d1) -> (0)>
#map2 = affine_map<(d0, d1) -> (0, 0)>
module attributes {stable_mosaic.version = 14 : i64} {
  func.func @_sc_deg_body(%arg0: i32, %arg1: i32, %arg2: memref<32x40x128xi32, #tpu.memory_space<hbm>>, %arg3: memref<640xf32, #tpu.memory_space<hbm>>, %arg4: memref<2x10240xf32, #tpu.memory_space<hbm>>, %arg5: memref<40x128xi32, #tpu.memory_space<vmem>>, %arg6: memref<128xf32, #tpu.memory_space<vmem>>, %arg7: memref<10240xf32, #tpu.memory_space<vmem_shared>>, %arg8: memref<!tpu.dma_semaphore, #tpu.memory_space<semaphore_mem>>) attributes {dimension_semantics = [#tpu.dimension_semantics<core_parallel>, #tpu.dimension_semantics<subcore_parallel>], iteration_bounds = array<i64: 2, 16>, scalar_prefetch = 0 : i64, scratch_operands = 4 : i64, tpu.core_type = #tpu.core_type<sc_vector_subcore>, window_params = [{transform_indices = #map}, {transform_indices = #map1}, {transform_indices = #map2}]} {
    %mul3A = arith.constant 16 : i32
    %mul3A_0 = arith.muli %arg0, %mul3A : i32
    %add3A = arith.addi %mul3A_0, %arg1 : i32
    "tpu.region"() ({
      %run_scoped3A = tpu.sem_alloc : memref<!tpu.dma_semaphore, #tpu.memory_space<semaphore_mem>>
      %dma_start3A = arith.constant 0 : i32
      %dma_start3A_59 = arith.constant 0 : i32
      %dma_start3A_60 = tpu.memref_slice %arg2[%add3A, %dma_start3A, %dma_start3A_59] : memref<32x40x128xi32, #tpu.memory_space<hbm>> -> memref<1x40x128xi32, #tpu.memory_space<hbm>>
      %dma_start3A_61 = tpu.memref_squeeze %dma_start3A_60 : memref<1x40x128xi32, #tpu.memory_space<hbm>> -> memref<40x128xi32, #tpu.memory_space<hbm>>
      %dma_start3A_62 = arith.constant 0 : i32
      %dma_start3A_63 = arith.constant 0 : i32
      %dma_start3A_64 = tpu.memref_slice %arg2[%add3A, %dma_start3A_62, %dma_start3A_63] : memref<32x40x128xi32, #tpu.memory_space<hbm>> -> memref<1x40x128xi32, #tpu.memory_space<hbm>>
      %dma_start3A_65 = tpu.memref_squeeze %dma_start3A_64 : memref<1x40x128xi32, #tpu.memory_space<hbm>> -> memref<40x128xi32, #tpu.memory_space<hbm>>
      tpu.enqueue_dma source(%dma_start3A_65 : memref<40x128xi32, #tpu.memory_space<hbm>>) target(%arg5 : memref<40x128xi32, #tpu.memory_space<vmem>>) target_semaphore(%run_scoped3A : memref<!tpu.dma_semaphore, #tpu.memory_space<semaphore_mem>>)
      %dma_wait3A = arith.constant 0 : i32
      %dma_wait3A_66 = arith.constant 0 : i32
      %dma_wait3A_67 = tpu.memref_slice %arg2[%add3A, %dma_wait3A, %dma_wait3A_66] : memref<32x40x128xi32, #tpu.memory_space<hbm>> -> memref<1x40x128xi32, #tpu.memory_space<hbm>>
      %dma_wait3A_68 = tpu.memref_squeeze %dma_wait3A_67 : memref<1x40x128xi32, #tpu.memory_space<hbm>> -> memref<40x128xi32, #tpu.memory_space<hbm>>
      %dma_wait3A_69 = arith.constant 0 : i32
      %dma_wait3A_70 = arith.constant 0 : i32
      %dma_wait3A_71 = tpu.memref_slice %arg2[%add3A, %dma_wait3A_69, %dma_wait3A_70] : memref<32x40x128xi32, #tpu.memory_space<hbm>> -> memref<1x40x128xi32, #tpu.memory_space<hbm>>
      %dma_wait3A_72 = tpu.memref_squeeze %dma_wait3A_71 : memref<1x40x128xi32, #tpu.memory_space<hbm>> -> memref<40x128xi32, #tpu.memory_space<hbm>>
      tpu.wait_dma2 semaphore(%run_scoped3A : memref<!tpu.dma_semaphore, #tpu.memory_space<semaphore_mem>>) src(%dma_wait3A_72 : memref<40x128xi32, #tpu.memory_space<hbm>>) dst(%arg5 : memref<40x128xi32, #tpu.memory_space<vmem>>)
      tpu.yield
    }) : () -> ()
    %broadcast_in_dim3A = arith.constant 1.000000e+00 : f32
    %broadcast_in_dim3A_1 = vector.broadcast %broadcast_in_dim3A : f32 to vector<16xf32>
    %swap3A = arith.constant 0 : index
    %swap3A_2 = tpu.vector_load %arg6[%swap3A] {strides = array<i32>} : memref<128xf32, #tpu.memory_space<vmem>>, vector<16xf32>,
    %swap3A_3 = vector.shape_cast %swap3A_2 : vector<16xf32> to vector<16xf32>
    %swap3A_4 = vector.shape_cast %broadcast_in_dim3A_1 : vector<16xf32> to vector<16xf32>
    tpu.vector_store %arg6[%swap3A], %swap3A_4 {strides = array<i32>} : memref<128xf32, #tpu.memory_space<vmem>>, vector<16xf32>,
    %broadcast_in_dim3A_5 = arith.constant 1.000000e+00 : f32
    %broadcast_in_dim3A_6 = vector.broadcast %broadcast_in_dim3A_5 : f32 to vector<16xf32>
    %swap3A_7 = arith.constant 16 : index
    %swap3A_8 = tpu.vector_load %arg6[%swap3A_7] {strides = array<i32>} : memref<128xf32, #tpu.memory_space<vmem>>, vector<16xf32>,
    %swap3A_9 = vector.shape_cast %swap3A_8 : vector<16xf32> to vector<16xf32>
    %swap3A_10 = vector.shape_cast %broadcast_in_dim3A_6 : vector<16xf32> to vector<16xf32>
    tpu.vector_store %arg6[%swap3A_7], %swap3A_10 {strides = array<i32>} : memref<128xf32, #tpu.memory_space<vmem>>, vector<16xf32>,
    %broadcast_in_dim3A_11 = arith.constant 1.000000e+00 : f32
    %broadcast_in_dim3A_12 = vector.broadcast %broadcast_in_dim3A_11 : f32 to vector<16xf32>
    %swap3A_13 = arith.constant 32 : index
    %swap3A_14 = tpu.vector_load %arg6[%swap3A_13] {strides = array<i32>} : memref<128xf32, #tpu.memory_space<vmem>>, vector<16xf32>,
    %swap3A_15 = vector.shape_cast %swap3A_14 : vector<16xf32> to vector<16xf32>
    %swap3A_16 = vector.shape_cast %broadcast_in_dim3A_12 : vector<16xf32> to vector<16xf32>
    tpu.vector_store %arg6[%swap3A_13], %swap3A_16 {strides = array<i32>} : memref<128xf32, #tpu.memory_space<vmem>>, vector<16xf32>,
    %broadcast_in_dim3A_17 = arith.constant 1.000000e+00 : f32
    %broadcast_in_dim3A_18 = vector.broadcast %broadcast_in_dim3A_17 : f32 to vector<16xf32>
    %swap3A_19 = arith.constant 48 : index
    %swap3A_20 = tpu.vector_load %arg6[%swap3A_19] {strides = array<i32>} : memref<128xf32, #tpu.memory_space<vmem>>, vector<16xf32>,
    %swap3A_21 = vector.shape_cast %swap3A_20 : vector<16xf32> to vector<16xf32>
    %swap3A_22 = vector.shape_cast %broadcast_in_dim3A_18 : vector<16xf32> to vector<16xf32>
    tpu.vector_store %arg6[%swap3A_19], %swap3A_22 {strides = array<i32>} : memref<128xf32, #tpu.memory_space<vmem>>, vector<16xf32>,
    %broadcast_in_dim3A_23 = arith.constant 1.000000e+00 : f32
    %broadcast_in_dim3A_24 = vector.broadcast %broadcast_in_dim3A_23 : f32 to vector<16xf32>
    %swap3A_25 = arith.constant 64 : index
    %swap3A_26 = tpu.vector_load %arg6[%swap3A_25] {strides = array<i32>} : memref<128xf32, #tpu.memory_space<vmem>>, vector<16xf32>,
    %swap3A_27 = vector.shape_cast %swap3A_26 : vector<16xf32> to vector<16xf32>
    %swap3A_28 = vector.shape_cast %broadcast_in_dim3A_24 : vector<16xf32> to vector<16xf32>
    tpu.vector_store %arg6[%swap3A_25], %swap3A_28 {strides = array<i32>} : memref<128xf32, #tpu.memory_space<vmem>>, vector<16xf32>,
    %broadcast_in_dim3A_29 = arith.constant 1.000000e+00 : f32
    %broadcast_in_dim3A_30 = vector.broadcast %broadcast_in_dim3A_29 : f32 to vector<16xf32>
    %swap3A_31 = arith.constant 80 : index
    %swap3A_32 = tpu.vector_load %arg6[%swap3A_31] {strides = array<i32>} : memref<128xf32, #tpu.memory_space<vmem>>, vector<16xf32>,
    %swap3A_33 = vector.shape_cast %swap3A_32 : vector<16xf32> to vector<16xf32>
    %swap3A_34 = vector.shape_cast %broadcast_in_dim3A_30 : vector<16xf32> to vector<16xf32>
    tpu.vector_store %arg6[%swap3A_31], %swap3A_34 {strides = array<i32>} : memref<128xf32, #tpu.memory_space<vmem>>, vector<16xf32>,
    %broadcast_in_dim3A_35 = arith.constant 1.000000e+00 : f32
    %broadcast_in_dim3A_36 = vector.broadcast %broadcast_in_dim3A_35 : f32 to vector<16xf32>
    %swap3A_37 = arith.constant 96 : index
    %swap3A_38 = tpu.vector_load %arg6[%swap3A_37] {strides = array<i32>} : memref<128xf32, #tpu.memory_space<vmem>>, vector<16xf32>,
    %swap3A_39 = vector.shape_cast %swap3A_38 : vector<16xf32> to vector<16xf32>
    %swap3A_40 = vector.shape_cast %broadcast_in_dim3A_36 : vector<16xf32> to vector<16xf32>
    tpu.vector_store %arg6[%swap3A_37], %swap3A_40 {strides = array<i32>} : memref<128xf32, #tpu.memory_space<vmem>>, vector<16xf32>,
    %broadcast_in_dim3A_41 = arith.constant 1.000000e+00 : f32
    %broadcast_in_dim3A_42 = vector.broadcast %broadcast_in_dim3A_41 : f32 to vector<16xf32>
    %swap3A_43 = arith.constant 112 : index
    %swap3A_44 = tpu.vector_load %arg6[%swap3A_43] {strides = array<i32>} : memref<128xf32, #tpu.memory_space<vmem>>, vector<16xf32>,
    %swap3A_45 = vector.shape_cast %swap3A_44 : vector<16xf32> to vector<16xf32>
    %swap3A_46 = vector.shape_cast %broadcast_in_dim3A_42 : vector<16xf32> to vector<16xf32>
    tpu.vector_store %arg6[%swap3A_43], %swap3A_46 {strides = array<i32>} : memref<128xf32, #tpu.memory_space<vmem>>, vector<16xf32>,
    %mul3A_47 = arith.constant 640 : i32
    %mul3A_48 = arith.muli %arg1, %mul3A_47 : i32
    "tpu.region"() ({
      %run_scoped3A = tpu.sem_alloc : memref<!tpu.dma_semaphore, #tpu.memory_space<semaphore_mem>>
      %dma_start3A = tpu.memref_slice %arg7[%mul3A_48] : memref<10240xf32, #tpu.memory_space<vmem_shared>> -> memref<640xf32, #tpu.memory_space<vmem_shared>>
      tpu.enqueue_dma source(%arg3 : memref<640xf32, #tpu.memory_space<hbm>>) target(%dma_start3A : memref<640xf32, #tpu.memory_space<vmem_shared>>) target_semaphore(%run_scoped3A : memref<!tpu.dma_semaphore, #tpu.memory_space<semaphore_mem>>)
      %dma_wait3A = tpu.memref_slice %arg7[%mul3A_48] : memref<10240xf32, #tpu.memory_space<vmem_shared>> -> memref<640xf32, #tpu.memory_space<vmem_shared>>
      tpu.wait_dma2 semaphore(%run_scoped3A : memref<!tpu.dma_semaphore, #tpu.memory_space<semaphore_mem>>) src(%arg3 : memref<640xf32, #tpu.memory_space<hbm>>) dst(%dma_wait3A : memref<640xf32, #tpu.memory_space<vmem_shared>>)
      tpu.yield
    }) : () -> ()
    %barrier3A = arith.constant 0 : index
    tpu.barrier barrier_id(%barrier3A)
    %scan3A = arith.constant 0 : i32
    %scan3A_49 = arith.constant 0 : i32
    %scan3A_50 = arith.constant 40 : i32
    %scan3A_51 = arith.addi %scan3A_49, %scan3A_50 : i32
    %scan3A_52 = arith.constant 1 : i32
    scf.for %scan3A_59 = %scan3A_49 to %scan3A_51 step %scan3A_52  : i32 {
      "tpu.region"() ({
        %run_scoped3A = tpu.sem_alloc : memref<!tpu.dma_semaphore, #tpu.memory_space<semaphore_mem>>
        %dma_start3A = arith.constant 0 : i32
        %dma_start3A_60 = tpu.memref_slice %arg5[%scan3A_59, %dma_start3A] : memref<40x128xi32, #tpu.memory_space<vmem>> -> memref<1x128xi32, #tpu.memory_space<vmem>>
        %dma_start3A_61 = tpu.memref_squeeze %dma_start3A_60 : memref<1x128xi32, #tpu.memory_space<vmem>> -> memref<128xi32, #tpu.memory_space<vmem>>
        %dma_start3A_62 = arith.constant 0 : i32
        %dma_start3A_63 = tpu.memref_slice %arg7[%dma_start3A_62] : memref<10240xf32, #tpu.memory_space<vmem_shared>> -> memref<10240xf32, #tpu.memory_space<vmem_shared>>
        tpu.enqueue_indirect_dma source(%arg6 : memref<128xf32, #tpu.memory_space<vmem>>) target(%dma_start3A_63 : memref<10240xf32, #tpu.memory_space<vmem_shared>>) offsets(%dma_start3A_61 : memref<128xi32, #tpu.memory_space<vmem>>) semaphore(%run_scoped3A : memref<!tpu.dma_semaphore, #tpu.memory_space<semaphore_mem>>) {add = true}
        %dma_wait3A = arith.constant 0 : i32
        %dma_wait3A_64 = tpu.memref_slice %arg5[%scan3A_59, %dma_wait3A] : memref<40x128xi32, #tpu.memory_space<vmem>> -> memref<1x128xi32, #tpu.memory_space<vmem>>
        %dma_wait3A_65 = tpu.memref_squeeze %dma_wait3A_64 : memref<1x128xi32, #tpu.memory_space<vmem>> -> memref<128xi32, #tpu.memory_space<vmem>>
        %dma_wait3A_66 = arith.constant 0 : i32
        %dma_wait3A_67 = tpu.memref_slice %arg7[%dma_wait3A_66] : memref<10240xf32, #tpu.memory_space<vmem_shared>> -> memref<10240xf32, #tpu.memory_space<vmem_shared>>
        tpu.wait_indirect_dma semaphore(%run_scoped3A : memref<!tpu.dma_semaphore, #tpu.memory_space<semaphore_mem>>) src(%arg6 : memref<128xf32, #tpu.memory_space<vmem>>) dst(%dma_wait3A_67 : memref<10240xf32, #tpu.memory_space<vmem_shared>>)
        tpu.yield
      }) : () -> ()
    }
    %scan3A_53 = arith.constant 40 : i32
    %barrier3A_54 = arith.constant 0 : index
    tpu.barrier barrier_id(%barrier3A_54)
    %mul3A_55 = arith.constant 640 : i32
    %mul3A_56 = arith.muli %arg1, %mul3A_55 : i32
    %mul3A_57 = arith.constant 640 : i32
    %mul3A_58 = arith.muli %arg1, %mul3A_57 : i32
    "tpu.region"() ({
      %run_scoped3A = tpu.sem_alloc : memref<!tpu.dma_semaphore, #tpu.memory_space<semaphore_mem>>
      %dma_start3A = tpu.memref_slice %arg4[%arg0, %mul3A_58] : memref<2x10240xf32, #tpu.memory_space<hbm>> -> memref<1x640xf32, #tpu.memory_space<hbm>>
      %dma_start3A_59 = tpu.memref_squeeze %dma_start3A : memref<1x640xf32, #tpu.memory_space<hbm>> -> memref<640xf32, #tpu.memory_space<hbm>>
      %dma_start3A_60 = tpu.memref_slice %arg7[%mul3A_56] : memref<10240xf32, #tpu.memory_space<vmem_shared>> -> memref<640xf32, #tpu.memory_space<vmem_shared>>
      tpu.enqueue_dma source(%dma_start3A_60 : memref<640xf32, #tpu.memory_space<vmem_shared>>) target(%dma_start3A_59 : memref<640xf32, #tpu.memory_space<hbm>>) target_semaphore(%run_scoped3A : memref<!tpu.dma_semaphore, #tpu.memory_space<semaphore_mem>>)
      %dma_wait3A = tpu.memref_slice %arg4[%arg0, %mul3A_58] : memref<2x10240xf32, #tpu.memory_space<hbm>> -> memref<1x640xf32, #tpu.memory_space<hbm>>
      %dma_wait3A_61 = tpu.memref_squeeze %dma_wait3A : memref<1x640xf32, #tpu.memory_space<hbm>> -> memref<640xf32, #tpu.memory_space<hbm>>
      %dma_wait3A_62 = tpu.memref_slice %arg7[%mul3A_56] : memref<10240xf32, #tpu.memory_space<vmem_shared>> -> memref<640xf32, #tpu.memory_space<vmem_shared>>
      tpu.wait_dma2 semaphore(%run_scoped3A : memref<!tpu.dma_semaphore, #tpu.memory_space<semaphore_mem>>) src(%dma_wait3A_62 : memref<640xf32, #tpu.memory_space<vmem_shared>>) dst(%dma_wait3A_61 : memref<640xf32, #tpu.memory_space<hbm>>)
      tpu.yield
    }) : () -> ()
    return
  }
}

#map = affine_map<(d0, d1) -> (0, 0, 0)>
#map1 = affine_map<(d0, d1) -> (0, 0)>
module attributes {stable_mosaic.version = 14 : i64} {
  func.func @_sc_prop_body(%arg0: i32, %arg1: i32, %arg2: memref<16x80x128xi32, #tpu.memory_space<hbm>>, %arg3: memref<16x80x128xi32, #tpu.memory_space<hbm>>, %arg4: memref<20480x128xf32, #tpu.memory_space<hbm>>, %arg5: memref<20480x128xf32, #tpu.memory_space<hbm>>, %arg6: memref<80x128xi32, #tpu.memory_space<vmem>>, %arg7: memref<4x128xi32, #tpu.memory_space<vmem>>, %arg8: memref<128x128xf32, #tpu.memory_space<vmem>>, %arg9: memref<128x128xf32, #tpu.memory_space<vmem>>, %arg10: memref<10240x128xf32, #tpu.memory_space<vmem_shared>>, %arg11: memref<!tpu.dma_semaphore, #tpu.memory_space<semaphore_mem>>, %arg12: memref<!tpu.dma_semaphore, #tpu.memory_space<semaphore_mem>>, %arg13: memref<!tpu.dma_semaphore, #tpu.memory_space<semaphore_mem>>, %arg14: memref<!tpu.dma_semaphore, #tpu.memory_space<semaphore_mem>>, %arg15: memref<!tpu.dma_semaphore, #tpu.memory_space<semaphore_mem>>, %arg16: memref<!tpu.dma_semaphore, #tpu.memory_space<semaphore_mem>>, %arg17: memref<!tpu.dma_semaphore, #tpu.memory_space<semaphore_mem>>, %arg18: memref<!tpu.dma_semaphore, #tpu.memory_space<semaphore_mem>>) attributes {dimension_semantics = [#tpu.dimension_semantics<core_parallel>, #tpu.dimension_semantics<subcore_parallel>], iteration_bounds = array<i64: 2, 16>, scalar_prefetch = 0 : i64, scratch_operands = 13 : i64, tpu.core_type = #tpu.core_type<sc_vector_subcore>, window_params = [{transform_indices = #map}, {transform_indices = #map}, {transform_indices = #map1}, {transform_indices = #map1}]} {
    "tpu.region"() ({
      %run_scoped3A = tpu.sem_alloc : memref<!tpu.dma_semaphore, #tpu.memory_space<semaphore_mem>>
      %dma_start3A_121 = arith.constant 0 : i32
      %dma_start3A_122 = arith.constant 0 : i32
      %dma_start3A_123 = tpu.memref_slice %arg3[%arg1, %dma_start3A_121, %dma_start3A_122] : memref<16x80x128xi32, #tpu.memory_space<hbm>> -> memref<1x80x128xi32, #tpu.memory_space<hbm>>
      %dma_start3A_124 = tpu.memref_squeeze %dma_start3A_123 : memref<1x80x128xi32, #tpu.memory_space<hbm>> -> memref<80x128xi32, #tpu.memory_space<hbm>>
      %dma_start3A_125 = arith.constant 0 : i32
      %dma_start3A_126 = arith.constant 0 : i32
      %dma_start3A_127 = tpu.memref_slice %arg3[%arg1, %dma_start3A_125, %dma_start3A_126] : memref<16x80x128xi32, #tpu.memory_space<hbm>> -> memref<1x80x128xi32, #tpu.memory_space<hbm>>
      %dma_start3A_128 = tpu.memref_squeeze %dma_start3A_127 : memref<1x80x128xi32, #tpu.memory_space<hbm>> -> memref<80x128xi32, #tpu.memory_space<hbm>>
      tpu.enqueue_dma source(%dma_start3A_128 : memref<80x128xi32, #tpu.memory_space<hbm>>) target(%arg6 : memref<80x128xi32, #tpu.memory_space<vmem>>) target_semaphore(%run_scoped3A : memref<!tpu.dma_semaphore, #tpu.memory_space<semaphore_mem>>)
      %dma_wait3A_129 = arith.constant 0 : i32
      %dma_wait3A_130 = arith.constant 0 : i32
      %dma_wait3A_131 = tpu.memref_slice %arg3[%arg1, %dma_wait3A_129, %dma_wait3A_130] : memref<16x80x128xi32, #tpu.memory_space<hbm>> -> memref<1x80x128xi32, #tpu.memory_space<hbm>>
      %dma_wait3A_132 = tpu.memref_squeeze %dma_wait3A_131 : memref<1x80x128xi32, #tpu.memory_space<hbm>> -> memref<80x128xi32, #tpu.memory_space<hbm>>
      %dma_wait3A_133 = arith.constant 0 : i32
      %dma_wait3A_134 = arith.constant 0 : i32
      %dma_wait3A_135 = tpu.memref_slice %arg3[%arg1, %dma_wait3A_133, %dma_wait3A_134] : memref<16x80x128xi32, #tpu.memory_space<hbm>> -> memref<1x80x128xi32, #tpu.memory_space<hbm>>
      %dma_wait3A_136 = tpu.memref_squeeze %dma_wait3A_135 : memref<1x80x128xi32, #tpu.memory_space<hbm>> -> memref<80x128xi32, #tpu.memory_space<hbm>>
      tpu.wait_dma2 semaphore(%run_scoped3A : memref<!tpu.dma_semaphore, #tpu.memory_space<semaphore_mem>>) src(%dma_wait3A_136 : memref<80x128xi32, #tpu.memory_space<hbm>>) dst(%arg6 : memref<80x128xi32, #tpu.memory_space<vmem>>)
      tpu.yield
    }) : () -> ()
    %mul3A = arith.constant 1 : i32
    %mul3A_0 = arith.muli %mul3A, %arg0 : i32
    %add3A = arith.constant 0 : i32
    %add3A_1 = arith.addi %mul3A_0, %add3A : i32
    %mul3A_2 = arith.constant 10240 : i32
    %mul3A_3 = arith.muli %add3A_1, %mul3A_2 : i32
    %scan3A = arith.constant 0 : i32
    %scan3A_4 = arith.constant 0 : i32
    %scan3A_5 = arith.constant 128 : i32
    %scan3A_6 = arith.addi %scan3A_4, %scan3A_5 : i32
    %scan3A_7 = arith.constant 1 : i32
    scf.for %scan3A_121 = %scan3A_4 to %scan3A_6 step %scan3A_7  : i32 {
      %broadcast_in_dim3A = arith.constant 0.000000e+00 : f32
      %broadcast_in_dim3A_122 = vector.broadcast %broadcast_in_dim3A : f32 to vector<16xf32>
      %swap3A = arith.index_cast %scan3A_121 : i32 to index
      %swap3A_123 = arith.constant 0 : index
      %swap3A_124 = tpu.vector_load %arg8[%swap3A, %swap3A_123] {strides = array<i32>} : memref<128x128xf32, #tpu.memory_space<vmem>>, vector<1x16xf32>,
      %swap3A_125 = vector.shape_cast %swap3A_124 : vector<1x16xf32> to vector<16xf32>
      %swap3A_126 = vector.shape_cast %broadcast_in_dim3A_122 : vector<16xf32> to vector<1x16xf32>
      tpu.vector_store %arg8[%swap3A, %swap3A_123], %swap3A_126 {strides = array<i32>} : memref<128x128xf32, #tpu.memory_space<vmem>>, vector<1x16xf32>,
      %broadcast_in_dim3A_127 = arith.constant 0.000000e+00 : f32
      %broadcast_in_dim3A_128 = vector.broadcast %broadcast_in_dim3A_127 : f32 to vector<16xf32>
      %swap3A_129 = arith.index_cast %scan3A_121 : i32 to index
      %swap3A_130 = arith.constant 16 : index
      %swap3A_131 = tpu.vector_load %arg8[%swap3A_129, %swap3A_130] {strides = array<i32>} : memref<128x128xf32, #tpu.memory_space<vmem>>, vector<1x16xf32>,
      %swap3A_132 = vector.shape_cast %swap3A_131 : vector<1x16xf32> to vector<16xf32>
      %swap3A_133 = vector.shape_cast %broadcast_in_dim3A_128 : vector<16xf32> to vector<1x16xf32>
      tpu.vector_store %arg8[%swap3A_129, %swap3A_130], %swap3A_133 {strides = array<i32>} : memref<128x128xf32, #tpu.memory_space<vmem>>, vector<1x16xf32>,
      %broadcast_in_dim3A_134 = arith.constant 0.000000e+00 : f32
      %broadcast_in_dim3A_135 = vector.broadcast %broadcast_in_dim3A_134 : f32 to vector<16xf32>
      %swap3A_136 = arith.index_cast %scan3A_121 : i32 to index
      %swap3A_137 = arith.constant 32 : index
      %swap3A_138 = tpu.vector_load %arg8[%swap3A_136, %swap3A_137] {strides = array<i32>} : memref<128x128xf32, #tpu.memory_space<vmem>>, vector<1x16xf32>,
      %swap3A_139 = vector.shape_cast %swap3A_138 : vector<1x16xf32> to vector<16xf32>
      %swap3A_140 = vector.shape_cast %broadcast_in_dim3A_135 : vector<16xf32> to vector<1x16xf32>
      tpu.vector_store %arg8[%swap3A_136, %swap3A_137], %swap3A_140 {strides = array<i32>} : memref<128x128xf32, #tpu.memory_space<vmem>>, vector<1x16xf32>,
      %broadcast_in_dim3A_141 = arith.constant 0.000000e+00 : f32
      %broadcast_in_dim3A_142 = vector.broadcast %broadcast_in_dim3A_141 : f32 to vector<16xf32>
      %swap3A_143 = arith.index_cast %scan3A_121 : i32 to index
      %swap3A_144 = arith.constant 48 : index
      %swap3A_145 = tpu.vector_load %arg8[%swap3A_143, %swap3A_144] {strides = array<i32>} : memref<128x128xf32, #tpu.memory_space<vmem>>, vector<1x16xf32>,
      %swap3A_146 = vector.shape_cast %swap3A_145 : vector<1x16xf32> to vector<16xf32>
      %swap3A_147 = vector.shape_cast %broadcast_in_dim3A_142 : vector<16xf32> to vector<1x16xf32>
      tpu.vector_store %arg8[%swap3A_143, %swap3A_144], %swap3A_147 {strides = array<i32>} : memref<128x128xf32, #tpu.memory_space<vmem>>, vector<1x16xf32>,
      %broadcast_in_dim3A_148 = arith.constant 0.000000e+00 : f32
      %broadcast_in_dim3A_149 = vector.broadcast %broadcast_in_dim3A_148 : f32 to vector<16xf32>
      %swap3A_150 = arith.index_cast %scan3A_121 : i32 to index
      %swap3A_151 = arith.constant 64 : index
      %swap3A_152 = tpu.vector_load %arg8[%swap3A_150, %swap3A_151] {strides = array<i32>} : memref<128x128xf32, #tpu.memory_space<vmem>>, vector<1x16xf32>,
      %swap3A_153 = vector.shape_cast %swap3A_152 : vector<1x16xf32> to vector<16xf32>
      %swap3A_154 = vector.shape_cast %broadcast_in_dim3A_149 : vector<16xf32> to vector<1x16xf32>
      tpu.vector_store %arg8[%swap3A_150, %swap3A_151], %swap3A_154 {strides = array<i32>} : memref<128x128xf32, #tpu.memory_space<vmem>>, vector<1x16xf32>,
      %broadcast_in_dim3A_155 = arith.constant 0.000000e+00 : f32
      %broadcast_in_dim3A_156 = vector.broadcast %broadcast_in_dim3A_155 : f32 to vector<16xf32>
      %swap3A_157 = arith.index_cast %scan3A_121 : i32 to index
      %swap3A_158 = arith.constant 80 : index
      %swap3A_159 = tpu.vector_load %arg8[%swap3A_157, %swap3A_158] {strides = array<i32>} : memref<128x128xf32, #tpu.memory_space<vmem>>, vector<1x16xf32>,
      %swap3A_160 = vector.shape_cast %swap3A_159 : vector<1x16xf32> to vector<16xf32>
      %swap3A_161 = vector.shape_cast %broadcast_in_dim3A_156 : vector<16xf32> to vector<1x16xf32>
      tpu.vector_store %arg8[%swap3A_157, %swap3A_158], %swap3A_161 {strides = array<i32>} : memref<128x128xf32, #tpu.memory_space<vmem>>, vector<1x16xf32>,
      %broadcast_in_dim3A_162 = arith.constant 0.000000e+00 : f32
      %broadcast_in_dim3A_163 = vector.broadcast %broadcast_in_dim3A_162 : f32 to vector<16xf32>
      %swap3A_164 = arith.index_cast %scan3A_121 : i32 to index
      %swap3A_165 = arith.constant 96 : index
      %swap3A_166 = tpu.vector_load %arg8[%swap3A_164, %swap3A_165] {strides = array<i32>} : memref<128x128xf32, #tpu.memory_space<vmem>>, vector<1x16xf32>,
      %swap3A_167 = vector.shape_cast %swap3A_166 : vector<1x16xf32> to vector<16xf32>
      %swap3A_168 = vector.shape_cast %broadcast_in_dim3A_163 : vector<16xf32> to vector<1x16xf32>
      tpu.vector_store %arg8[%swap3A_164, %swap3A_165], %swap3A_168 {strides = array<i32>} : memref<128x128xf32, #tpu.memory_space<vmem>>, vector<1x16xf32>,
      %broadcast_in_dim3A_169 = arith.constant 0.000000e+00 : f32
      %broadcast_in_dim3A_170 = vector.broadcast %broadcast_in_dim3A_169 : f32 to vector<16xf32>
      %swap3A_171 = arith.index_cast %scan3A_121 : i32 to index
      %swap3A_172 = arith.constant 112 : index
      %swap3A_173 = tpu.vector_load %arg8[%swap3A_171, %swap3A_172] {strides = array<i32>} : memref<128x128xf32, #tpu.memory_space<vmem>>, vector<1x16xf32>,
      %swap3A_174 = vector.shape_cast %swap3A_173 : vector<1x16xf32> to vector<16xf32>
      %swap3A_175 = vector.shape_cast %broadcast_in_dim3A_170 : vector<16xf32> to vector<1x16xf32>
      tpu.vector_store %arg8[%swap3A_171, %swap3A_172], %swap3A_175 {strides = array<i32>} : memref<128x128xf32, #tpu.memory_space<vmem>>, vector<1x16xf32>,
    }
    %scan3A_8 = arith.constant 128 : i32
    %scan3A_9 = arith.constant 0 : i32
    %scan3A_10 = arith.constant 0 : i32
    %scan3A_11 = arith.constant 5 : i32
    %scan3A_12 = arith.addi %scan3A_10, %scan3A_11 : i32
    %scan3A_13 = arith.constant 1 : i32
    scf.for %scan3A_121 = %scan3A_10 to %scan3A_12 step %scan3A_13  : i32 {
      %mul3A_122 = arith.constant 640 : i32
      %mul3A_123 = arith.muli %arg1, %mul3A_122 : i32
      %mul3A_124 = arith.constant 128 : i32
      %mul3A_125 = arith.muli %scan3A_121, %mul3A_124 : i32
      %add3A_126 = arith.addi %mul3A_123, %mul3A_125 : i32
      "tpu.region"() ({
        %run_scoped3A = tpu.sem_alloc : memref<!tpu.dma_semaphore, #tpu.memory_space<semaphore_mem>>
        %dma_start3A_127 = arith.constant 0 : i32
        %dma_start3A_128 = tpu.memref_slice %arg10[%add3A_126, %dma_start3A_127] : memref<10240x128xf32, #tpu.memory_space<vmem_shared>> -> memref<128x128xf32, #tpu.memory_space<vmem_shared>>
        %dma_start3A_129 = arith.constant 0 : i32
        %dma_start3A_130 = tpu.memref_slice %arg10[%add3A_126, %dma_start3A_129] : memref<10240x128xf32, #tpu.memory_space<vmem_shared>> -> memref<128x128xf32, #tpu.memory_space<vmem_shared>>
        tpu.enqueue_dma source(%arg8 : memref<128x128xf32, #tpu.memory_space<vmem>>) target(%dma_start3A_130 : memref<128x128xf32, #tpu.memory_space<vmem_shared>>) target_semaphore(%run_scoped3A : memref<!tpu.dma_semaphore, #tpu.memory_space<semaphore_mem>>)
        %dma_wait3A_131 = arith.constant 0 : i32
        %dma_wait3A_132 = tpu.memref_slice %arg10[%add3A_126, %dma_wait3A_131] : memref<10240x128xf32, #tpu.memory_space<vmem_shared>> -> memref<128x128xf32, #tpu.memory_space<vmem_shared>>
        %dma_wait3A_133 = arith.constant 0 : i32
        %dma_wait3A_134 = tpu.memref_slice %arg10[%add3A_126, %dma_wait3A_133] : memref<10240x128xf32, #tpu.memory_space<vmem_shared>> -> memref<128x128xf32, #tpu.memory_space<vmem_shared>>
        tpu.wait_dma2 semaphore(%run_scoped3A : memref<!tpu.dma_semaphore, #tpu.memory_space<semaphore_mem>>) src(%arg8 : memref<128x128xf32, #tpu.memory_space<vmem>>) dst(%dma_wait3A_134 : memref<128x128xf32, #tpu.memory_space<vmem_shared>>)
        tpu.yield
      }) : () -> ()
    }
    %scan3A_14 = arith.constant 5 : i32
    %dma_start3A = arith.constant 0 : i32
    %dma_start3A_15 = arith.constant 0 : i32
    %dma_start3A_16 = arith.constant 0 : i32
    %dma_start3A_17 = tpu.memref_slice %arg7[%dma_start3A_15, %dma_start3A_16] : memref<4x128xi32, #tpu.memory_space<vmem>> -> memref<1x128xi32, #tpu.memory_space<vmem>>
    %dma_start3A_18 = tpu.memref_squeeze %dma_start3A_17 : memref<1x128xi32, #tpu.memory_space<vmem>> -> memref<128xi32, #tpu.memory_space<vmem>>
    %dma_start3A_19 = arith.constant 0 : i32
    %dma_start3A_20 = arith.constant 0 : i32
    %dma_start3A_21 = tpu.memref_slice %arg2[%arg1, %dma_start3A_19, %dma_start3A_20] : memref<16x80x128xi32, #tpu.memory_space<hbm>> -> memref<1x80x128xi32, #tpu.memory_space<hbm>>
    %dma_start3A_22 = tpu.memref_squeeze %dma_start3A_21 : memref<1x80x128xi32, #tpu.memory_space<hbm>> -> memref<80x128xi32, #tpu.memory_space<hbm>>
    %dma_start3A_23 = arith.constant 0 : i32
    %dma_start3A_24 = tpu.memref_slice %dma_start3A_22[%dma_start3A, %dma_start3A_23] : memref<80x128xi32, #tpu.memory_space<hbm>> -> memref<1x128xi32, #tpu.memory_space<hbm>>
    %dma_start3A_25 = tpu.memref_squeeze %dma_start3A_24 : memref<1x128xi32, #tpu.memory_space<hbm>> -> memref<128xi32, #tpu.memory_space<hbm>>
    %dma_start3A_26 = arith.constant 0 : i32
    %dma_start3A_27 = tpu.memref_slice %arg7[%dma_start3A_15, %dma_start3A_26] : memref<4x128xi32, #tpu.memory_space<vmem>> -> memref<1x128xi32, #tpu.memory_space<vmem>>
    %dma_start3A_28 = tpu.memref_squeeze %dma_start3A_27 : memref<1x128xi32, #tpu.memory_space<vmem>> -> memref<128xi32, #tpu.memory_space<vmem>>
    %dma_start3A_29 = arith.constant 0 : i32
    %dma_start3A_30 = arith.constant 0 : i32
    %dma_start3A_31 = tpu.memref_slice %arg2[%arg1, %dma_start3A_29, %dma_start3A_30] : memref<16x80x128xi32, #tpu.memory_space<hbm>> -> memref<1x80x128xi32, #tpu.memory_space<hbm>>
    %dma_start3A_32 = tpu.memref_squeeze %dma_start3A_31 : memref<1x80x128xi32, #tpu.memory_space<hbm>> -> memref<80x128xi32, #tpu.memory_space<hbm>>
    %dma_start3A_33 = arith.constant 0 : i32
    %dma_start3A_34 = tpu.memref_slice %dma_start3A_32[%dma_start3A, %dma_start3A_33] : memref<80x128xi32, #tpu.memory_space<hbm>> -> memref<1x128xi32, #tpu.memory_space<hbm>>
    %dma_start3A_35 = tpu.memref_squeeze %dma_start3A_34 : memref<1x128xi32, #tpu.memory_space<hbm>> -> memref<128xi32, #tpu.memory_space<hbm>>
    tpu.enqueue_dma source(%dma_start3A_35 : memref<128xi32, #tpu.memory_space<hbm>>) target(%dma_start3A_28 : memref<128xi32, #tpu.memory_space<vmem>>) target_semaphore(%arg11 : memref<!tpu.dma_semaphore, #tpu.memory_space<semaphore_mem>>)
    %dma_start3A_36 = arith.constant 1 : i32
    %dma_start3A_37 = arith.constant 1 : i32
    %dma_start3A_38 = arith.constant 0 : i32
    %dma_start3A_39 = tpu.memref_slice %arg7[%dma_start3A_37, %dma_start3A_38] : memref<4x128xi32, #tpu.memory_space<vmem>> -> memref<1x128xi32, #tpu.memory_space<vmem>>
    %dma_start3A_40 = tpu.memref_squeeze %dma_start3A_39 : memref<1x128xi32, #tpu.memory_space<vmem>> -> memref<128xi32, #tpu.memory_space<vmem>>
    %dma_start3A_41 = arith.constant 0 : i32
    %dma_start3A_42 = arith.constant 0 : i32
    %dma_start3A_43 = tpu.memref_slice %arg2[%arg1, %dma_start3A_41, %dma_start3A_42] : memref<16x80x128xi32, #tpu.memory_space<hbm>> -> memref<1x80x128xi32, #tpu.memory_space<hbm>>
    %dma_start3A_44 = tpu.memref_squeeze %dma_start3A_43 : memref<1x80x128xi32, #tpu.memory_space<hbm>> -> memref<80x128xi32, #tpu.memory_space<hbm>>
    %dma_start3A_45 = arith.constant 0 : i32
    %dma_start3A_46 = tpu.memref_slice %dma_start3A_44[%dma_start3A_36, %dma_start3A_45] : memref<80x128xi32, #tpu.memory_space<hbm>> -> memref<1x128xi32, #tpu.memory_space<hbm>>
    %dma_start3A_47 = tpu.memref_squeeze %dma_start3A_46 : memref<1x128xi32, #tpu.memory_space<hbm>> -> memref<128xi32, #tpu.memory_space<hbm>>
    %dma_start3A_48 = arith.constant 0 : i32
    %dma_start3A_49 = tpu.memref_slice %arg7[%dma_start3A_37, %dma_start3A_48] : memref<4x128xi32, #tpu.memory_space<vmem>> -> memref<1x128xi32, #tpu.memory_space<vmem>>
    %dma_start3A_50 = tpu.memref_squeeze %dma_start3A_49 : memref<1x128xi32, #tpu.memory_space<vmem>> -> memref<128xi32, #tpu.memory_space<vmem>>
    %dma_start3A_51 = arith.constant 0 : i32
    %dma_start3A_52 = arith.constant 0 : i32
    %dma_start3A_53 = tpu.memref_slice %arg2[%arg1, %dma_start3A_51, %dma_start3A_52] : memref<16x80x128xi32, #tpu.memory_space<hbm>> -> memref<1x80x128xi32, #tpu.memory_space<hbm>>
    %dma_start3A_54 = tpu.memref_squeeze %dma_start3A_53 : memref<1x80x128xi32, #tpu.memory_space<hbm>> -> memref<80x128xi32, #tpu.memory_space<hbm>>
    %dma_start3A_55 = arith.constant 0 : i32
    %dma_start3A_56 = tpu.memref_slice %dma_start3A_54[%dma_start3A_36, %dma_start3A_55] : memref<80x128xi32, #tpu.memory_space<hbm>> -> memref<1x128xi32, #tpu.memory_space<hbm>>
    %dma_start3A_57 = tpu.memref_squeeze %dma_start3A_56 : memref<1x128xi32, #tpu.memory_space<hbm>> -> memref<128xi32, #tpu.memory_space<hbm>>
    tpu.enqueue_dma source(%dma_start3A_57 : memref<128xi32, #tpu.memory_space<hbm>>) target(%dma_start3A_50 : memref<128xi32, #tpu.memory_space<vmem>>) target_semaphore(%arg12 : memref<!tpu.dma_semaphore, #tpu.memory_space<semaphore_mem>>)
    %dma_start3A_58 = arith.constant 2 : i32
    %dma_start3A_59 = arith.constant 2 : i32
    %dma_start3A_60 = arith.constant 0 : i32
    %dma_start3A_61 = tpu.memref_slice %arg7[%dma_start3A_59, %dma_start3A_60] : memref<4x128xi32, #tpu.memory_space<vmem>> -> memref<1x128xi32, #tpu.memory_space<vmem>>
    %dma_start3A_62 = tpu.memref_squeeze %dma_start3A_61 : memref<1x128xi32, #tpu.memory_space<vmem>> -> memref<128xi32, #tpu.memory_space<vmem>>
    %dma_start3A_63 = arith.constant 0 : i32
    %dma_start3A_64 = arith.constant 0 : i32
    %dma_start3A_65 = tpu.memref_slice %arg2[%arg1, %dma_start3A_63, %dma_start3A_64] : memref<16x80x128xi32, #tpu.memory_space<hbm>> -> memref<1x80x128xi32, #tpu.memory_space<hbm>>
    %dma_start3A_66 = tpu.memref_squeeze %dma_start3A_65 : memref<1x80x128xi32, #tpu.memory_space<hbm>> -> memref<80x128xi32, #tpu.memory_space<hbm>>
    %dma_start3A_67 = arith.constant 0 : i32
    %dma_start3A_68 = tpu.memref_slice %dma_start3A_66[%dma_start3A_58, %dma_start3A_67] : memref<80x128xi32, #tpu.memory_space<hbm>> -> memref<1x128xi32, #tpu.memory_space<hbm>>
    %dma_start3A_69 = tpu.memref_squeeze %dma_start3A_68 : memref<1x128xi32, #tpu.memory_space<hbm>> -> memref<128xi32, #tpu.memory_space<hbm>>
    %dma_start3A_70 = arith.constant 0 : i32
    %dma_start3A_71 = tpu.memref_slice %arg7[%dma_start3A_59, %dma_start3A_70] : memref<4x128xi32, #tpu.memory_space<vmem>> -> memref<1x128xi32, #tpu.memory_space<vmem>>
    %dma_start3A_72 = tpu.memref_squeeze %dma_start3A_71 : memref<1x128xi32, #tpu.memory_space<vmem>> -> memref<128xi32, #tpu.memory_space<vmem>>
    %dma_start3A_73 = arith.constant 0 : i32
    %dma_start3A_74 = arith.constant 0 : i32
    %dma_start3A_75 = tpu.memref_slice %arg2[%arg1, %dma_start3A_73, %dma_start3A_74] : memref<16x80x128xi32, #tpu.memory_space<hbm>> -> memref<1x80x128xi32, #tpu.memory_space<hbm>>
    %dma_start3A_76 = tpu.memref_squeeze %dma_start3A_75 : memref<1x80x128xi32, #tpu.memory_space<hbm>> -> memref<80x128xi32, #tpu.memory_space<hbm>>
    %dma_start3A_77 = arith.constant 0 : i32
    %dma_start3A_78 = tpu.memref_slice %dma_start3A_76[%dma_start3A_58, %dma_start3A_77] : memref<80x128xi32, #tpu.memory_space<hbm>> -> memref<1x128xi32, #tpu.memory_space<hbm>>
    %dma_start3A_79 = tpu.memref_squeeze %dma_start3A_78 : memref<1x128xi32, #tpu.memory_space<hbm>> -> memref<128xi32, #tpu.memory_space<hbm>>
    tpu.enqueue_dma source(%dma_start3A_79 : memref<128xi32, #tpu.memory_space<hbm>>) target(%dma_start3A_72 : memref<128xi32, #tpu.memory_space<vmem>>) target_semaphore(%arg13 : memref<!tpu.dma_semaphore, #tpu.memory_space<semaphore_mem>>)
    %barrier3A = arith.constant 0 : index
    tpu.barrier barrier_id(%barrier3A)
    %scan3A_80 = arith.constant 0 : i32
    %scan3A_81 = arith.constant 0 : i32
    %scan3A_82 = arith.constant 20 : i32
    %scan3A_83 = arith.addi %scan3A_81, %scan3A_82 : i32
    %scan3A_84 = arith.constant 1 : i32
    scf.for %scan3A_121 = %scan3A_81 to %scan3A_83 step %scan3A_84  : i32 {
      %mul3A_122 = arith.constant 4 : i32
      %mul3A_123 = arith.muli %mul3A_122, %scan3A_121 : i32
      %add3A_124 = arith.constant 0 : i32
      %add3A_125 = arith.addi %mul3A_123, %add3A_124 : i32
      %dma_wait3A_126 = arith.constant 0 : i32
      %dma_wait3A_127 = arith.constant 0 : i32
      %dma_wait3A_128 = arith.constant 0 : i32
      %dma_wait3A_129 = tpu.memref_slice %arg7[%dma_wait3A_127, %dma_wait3A_128] : memref<4x128xi32, #tpu.memory_space<vmem>> -> memref<1x128xi32, #tpu.memory_space<vmem>>
      %dma_wait3A_130 = tpu.memref_squeeze %dma_wait3A_129 : memref<1x128xi32, #tpu.memory_space<vmem>> -> memref<128xi32, #tpu.memory_space<vmem>>
      %dma_wait3A_131 = arith.constant 0 : i32
      %dma_wait3A_132 = arith.constant 0 : i32
      %dma_wait3A_133 = tpu.memref_slice %arg2[%arg1, %dma_wait3A_131, %dma_wait3A_132] : memref<16x80x128xi32, #tpu.memory_space<hbm>> -> memref<1x80x128xi32, #tpu.memory_space<hbm>>
      %dma_wait3A_134 = tpu.memref_squeeze %dma_wait3A_133 : memref<1x80x128xi32, #tpu.memory_space<hbm>> -> memref<80x128xi32, #tpu.memory_space<hbm>>
      %dma_wait3A_135 = arith.constant 0 : i32
      %dma_wait3A_136 = tpu.memref_slice %dma_wait3A_134[%dma_wait3A_126, %dma_wait3A_135] : memref<80x128xi32, #tpu.memory_space<hbm>> -> memref<1x128xi32, #tpu.memory_space<hbm>>
      %dma_wait3A_137 = tpu.memref_squeeze %dma_wait3A_136 : memref<1x128xi32, #tpu.memory_space<hbm>> -> memref<128xi32, #tpu.memory_space<hbm>>
      %dma_wait3A_138 = arith.constant 0 : i32
      %dma_wait3A_139 = tpu.memref_slice %arg7[%dma_wait3A_127, %dma_wait3A_138] : memref<4x128xi32, #tpu.memory_space<vmem>> -> memref<1x128xi32, #tpu.memory_space<vmem>>
      %dma_wait3A_140 = tpu.memref_squeeze %dma_wait3A_139 : memref<1x128xi32, #tpu.memory_space<vmem>> -> memref<128xi32, #tpu.memory_space<vmem>>
      %dma_wait3A_141 = arith.constant 0 : i32
      %dma_wait3A_142 = arith.constant 0 : i32
      %dma_wait3A_143 = tpu.memref_slice %arg2[%arg1, %dma_wait3A_141, %dma_wait3A_142] : memref<16x80x128xi32, #tpu.memory_space<hbm>> -> memref<1x80x128xi32, #tpu.memory_space<hbm>>
      %dma_wait3A_144 = tpu.memref_squeeze %dma_wait3A_143 : memref<1x80x128xi32, #tpu.memory_space<hbm>> -> memref<80x128xi32, #tpu.memory_space<hbm>>
      %dma_wait3A_145 = arith.constant 0 : i32
      %dma_wait3A_146 = tpu.memref_slice %dma_wait3A_144[%dma_wait3A_126, %dma_wait3A_145] : memref<80x128xi32, #tpu.memory_space<hbm>> -> memref<1x128xi32, #tpu.memory_space<hbm>>
      %dma_wait3A_147 = tpu.memref_squeeze %dma_wait3A_146 : memref<1x128xi32, #tpu.memory_space<hbm>> -> memref<128xi32, #tpu.memory_space<hbm>>
      tpu.wait_dma2 semaphore(%arg11 : memref<!tpu.dma_semaphore, #tpu.memory_space<semaphore_mem>>) src(%dma_wait3A_147 : memref<128xi32, #tpu.memory_space<hbm>>) dst(%dma_wait3A_140 : memref<128xi32, #tpu.memory_space<vmem>>)
      %get3A = arith.constant 0 : i32
      %get3A_148 = arith.index_cast %get3A : i32 to index
      %get3A_149 = arith.constant 0 : index
      %get3A_150 = tpu.vector_load %arg7[%get3A_148, %get3A_149] {strides = array<i32>} : memref<4x128xi32, #tpu.memory_space<vmem>>, vector<1x16xi32>,
      %get3A_151 = vector.shape_cast %get3A_150 : vector<1x16xi32> to vector<16xi32>
      %add3A_152 = vector.broadcast %mul3A_3 : i32 to vector<16xi32>
      %add3A_153 = arith.addi %get3A_151, %add3A_152 : vector<16xi32>
      %swap3A = arith.constant 0 : i32
      %swap3A_154 = arith.index_cast %swap3A : i32 to index
      %swap3A_155 = arith.constant 0 : index
      %swap3A_156 = tpu.vector_load %arg7[%swap3A_154, %swap3A_155] {strides = array<i32>} : memref<4x128xi32, #tpu.memory_space<vmem>>, vector<1x16xi32>,
      %swap3A_157 = vector.shape_cast %swap3A_156 : vector<1x16xi32> to vector<16xi32>
      %swap3A_158 = vector.shape_cast %add3A_153 : vector<16xi32> to vector<1x16xi32>
      tpu.vector_store %arg7[%swap3A_154, %swap3A_155], %swap3A_158 {strides = array<i32>} : memref<4x128xi32, #tpu.memory_space<vmem>>, vector<1x16xi32>,
      %get3A_159 = arith.constant 0 : i32
      %get3A_160 = arith.index_cast %get3A_159 : i32 to index
      %get3A_161 = arith.constant 16 : index
      %get3A_162 = tpu.vector_load %arg7[%get3A_160, %get3A_161] {strides = array<i32>} : memref<4x128xi32, #tpu.memory_space<vmem>>, vector<1x16xi32>,
      %get3A_163 = vector.shape_cast %get3A_162 : vector<1x16xi32> to vector<16xi32>
      %add3A_164 = vector.broadcast %mul3A_3 : i32 to vector<16xi32>
      %add3A_165 = arith.addi %get3A_163, %add3A_164 : vector<16xi32>
      %swap3A_166 = arith.constant 0 : i32
      %swap3A_167 = arith.index_cast %swap3A_166 : i32 to index
      %swap3A_168 = arith.constant 16 : index
      %swap3A_169 = tpu.vector_load %arg7[%swap3A_167, %swap3A_168] {strides = array<i32>} : memref<4x128xi32, #tpu.memory_space<vmem>>, vector<1x16xi32>,
      %swap3A_170 = vector.shape_cast %swap3A_169 : vector<1x16xi32> to vector<16xi32>
      %swap3A_171 = vector.shape_cast %add3A_165 : vector<16xi32> to vector<1x16xi32>
      tpu.vector_store %arg7[%swap3A_167, %swap3A_168], %swap3A_171 {strides = array<i32>} : memref<4x128xi32, #tpu.memory_space<vmem>>, vector<1x16xi32>,
      %get3A_172 = arith.constant 0 : i32
      %get3A_173 = arith.index_cast %get3A_172 : i32 to index
      %get3A_174 = arith.constant 32 : index
      %get3A_175 = tpu.vector_load %arg7[%get3A_173, %get3A_174] {strides = array<i32>} : memref<4x128xi32, #tpu.memory_space<vmem>>, vector<1x16xi32>,
      %get3A_176 = vector.shape_cast %get3A_175 : vector<1x16xi32> to vector<16xi32>
      %add3A_177 = vector.broadcast %mul3A_3 : i32 to vector<16xi32>
      %add3A_178 = arith.addi %get3A_176, %add3A_177 : vector<16xi32>
      %swap3A_179 = arith.constant 0 : i32
      %swap3A_180 = arith.index_cast %swap3A_179 : i32 to index
      %swap3A_181 = arith.constant 32 : index
      %swap3A_182 = tpu.vector_load %arg7[%swap3A_180, %swap3A_181] {strides = array<i32>} : memref<4x128xi32, #tpu.memory_space<vmem>>, vector<1x16xi32>,
      %swap3A_183 = vector.shape_cast %swap3A_182 : vector<1x16xi32> to vector<16xi32>
      %swap3A_184 = vector.shape_cast %add3A_178 : vector<16xi32> to vector<1x16xi32>
      tpu.vector_store %arg7[%swap3A_180, %swap3A_181], %swap3A_184 {strides = array<i32>} : memref<4x128xi32, #tpu.memory_space<vmem>>, vector<1x16xi32>,
      %get3A_185 = arith.constant 0 : i32
      %get3A_186 = arith.index_cast %get3A_185 : i32 to index
      %get3A_187 = arith.constant 48 : index
      %get3A_188 = tpu.vector_load %arg7[%get3A_186, %get3A_187] {strides = array<i32>} : memref<4x128xi32, #tpu.memory_space<vmem>>, vector<1x16xi32>,
      %get3A_189 = vector.shape_cast %get3A_188 : vector<1x16xi32> to vector<16xi32>
      %add3A_190 = vector.broadcast %mul3A_3 : i32 to vector<16xi32>
      %add3A_191 = arith.addi %get3A_189, %add3A_190 : vector<16xi32>
      %swap3A_192 = arith.constant 0 : i32
      %swap3A_193 = arith.index_cast %swap3A_192 : i32 to index
      %swap3A_194 = arith.constant 48 : index
      %swap3A_195 = tpu.vector_load %arg7[%swap3A_193, %swap3A_194] {strides = array<i32>} : memref<4x128xi32, #tpu.memory_space<vmem>>, vector<1x16xi32>,
      %swap3A_196 = vector.shape_cast %swap3A_195 : vector<1x16xi32> to vector<16xi32>
      %swap3A_197 = vector.shape_cast %add3A_191 : vector<16xi32> to vector<1x16xi32>
      tpu.vector_store %arg7[%swap3A_193, %swap3A_194], %swap3A_197 {strides = array<i32>} : memref<4x128xi32, #tpu.memory_space<vmem>>, vector<1x16xi32>,
      %get3A_198 = arith.constant 0 : i32
      %get3A_199 = arith.index_cast %get3A_198 : i32 to index
      %get3A_200 = arith.constant 64 : index
      %get3A_201 = tpu.vector_load %arg7[%get3A_199, %get3A_200] {strides = array<i32>} : memref<4x128xi32, #tpu.memory_space<vmem>>, vector<1x16xi32>,
      %get3A_202 = vector.shape_cast %get3A_201 : vector<1x16xi32> to vector<16xi32>
      %add3A_203 = vector.broadcast %mul3A_3 : i32 to vector<16xi32>
      %add3A_204 = arith.addi %get3A_202, %add3A_203 : vector<16xi32>
      %swap3A_205 = arith.constant 0 : i32
      %swap3A_206 = arith.index_cast %swap3A_205 : i32 to index
      %swap3A_207 = arith.constant 64 : index
      %swap3A_208 = tpu.vector_load %arg7[%swap3A_206, %swap3A_207] {strides = array<i32>} : memref<4x128xi32, #tpu.memory_space<vmem>>, vector<1x16xi32>,
      %swap3A_209 = vector.shape_cast %swap3A_208 : vector<1x16xi32> to vector<16xi32>
      %swap3A_210 = vector.shape_cast %add3A_204 : vector<16xi32> to vector<1x16xi32>
      tpu.vector_store %arg7[%swap3A_206, %swap3A_207], %swap3A_210 {strides = array<i32>} : memref<4x128xi32, #tpu.memory_space<vmem>>, vector<1x16xi32>,
      %get3A_211 = arith.constant 0 : i32
      %get3A_212 = arith.index_cast %get3A_211 : i32 to index
      %get3A_213 = arith.constant 80 : index
      %get3A_214 = tpu.vector_load %arg7[%get3A_212, %get3A_213] {strides = array<i32>} : memref<4x128xi32, #tpu.memory_space<vmem>>, vector<1x16xi32>,
      %get3A_215 = vector.shape_cast %get3A_214 : vector<1x16xi32> to vector<16xi32>
      %add3A_216 = vector.broadcast %mul3A_3 : i32 to vector<16xi32>
      %add3A_217 = arith.addi %get3A_215, %add3A_216 : vector<16xi32>
      %swap3A_218 = arith.constant 0 : i32
      %swap3A_219 = arith.index_cast %swap3A_218 : i32 to index
      %swap3A_220 = arith.constant 80 : index
      %swap3A_221 = tpu.vector_load %arg7[%swap3A_219, %swap3A_220] {strides = array<i32>} : memref<4x128xi32, #tpu.memory_space<vmem>>, vector<1x16xi32>,
      %swap3A_222 = vector.shape_cast %swap3A_221 : vector<1x16xi32> to vector<16xi32>
      %swap3A_223 = vector.shape_cast %add3A_217 : vector<16xi32> to vector<1x16xi32>
      tpu.vector_store %arg7[%swap3A_219, %swap3A_220], %swap3A_223 {strides = array<i32>} : memref<4x128xi32, #tpu.memory_space<vmem>>, vector<1x16xi32>,
      %get3A_224 = arith.constant 0 : i32
      %get3A_225 = arith.index_cast %get3A_224 : i32 to index
      %get3A_226 = arith.constant 96 : index
      %get3A_227 = tpu.vector_load %arg7[%get3A_225, %get3A_226] {strides = array<i32>} : memref<4x128xi32, #tpu.memory_space<vmem>>, vector<1x16xi32>,
      %get3A_228 = vector.shape_cast %get3A_227 : vector<1x16xi32> to vector<16xi32>
      %add3A_229 = vector.broadcast %mul3A_3 : i32 to vector<16xi32>
      %add3A_230 = arith.addi %get3A_228, %add3A_229 : vector<16xi32>
      %swap3A_231 = arith.constant 0 : i32
      %swap3A_232 = arith.index_cast %swap3A_231 : i32 to index
      %swap3A_233 = arith.constant 96 : index
      %swap3A_234 = tpu.vector_load %arg7[%swap3A_232, %swap3A_233] {strides = array<i32>} : memref<4x128xi32, #tpu.memory_space<vmem>>, vector<1x16xi32>,
      %swap3A_235 = vector.shape_cast %swap3A_234 : vector<1x16xi32> to vector<16xi32>
      %swap3A_236 = vector.shape_cast %add3A_230 : vector<16xi32> to vector<1x16xi32>
      tpu.vector_store %arg7[%swap3A_232, %swap3A_233], %swap3A_236 {strides = array<i32>} : memref<4x128xi32, #tpu.memory_space<vmem>>, vector<1x16xi32>,
      %get3A_237 = arith.constant 0 : i32
      %get3A_238 = arith.index_cast %get3A_237 : i32 to index
      %get3A_239 = arith.constant 112 : index
      %get3A_240 = tpu.vector_load %arg7[%get3A_238, %get3A_239] {strides = array<i32>} : memref<4x128xi32, #tpu.memory_space<vmem>>, vector<1x16xi32>,
      %get3A_241 = vector.shape_cast %get3A_240 : vector<1x16xi32> to vector<16xi32>
      %add3A_242 = vector.broadcast %mul3A_3 : i32 to vector<16xi32>
      %add3A_243 = arith.addi %get3A_241, %add3A_242 : vector<16xi32>
      %swap3A_244 = arith.constant 0 : i32
      %swap3A_245 = arith.index_cast %swap3A_244 : i32 to index
      %swap3A_246 = arith.constant 112 : index
      %swap3A_247 = tpu.vector_load %arg7[%swap3A_245, %swap3A_246] {strides = array<i32>} : memref<4x128xi32, #tpu.memory_space<vmem>>, vector<1x16xi32>,
      %swap3A_248 = vector.shape_cast %swap3A_247 : vector<1x16xi32> to vector<16xi32>
      %swap3A_249 = vector.shape_cast %add3A_243 : vector<16xi32> to vector<1x16xi32>
      tpu.vector_store %arg7[%swap3A_245, %swap3A_246], %swap3A_249 {strides = array<i32>} : memref<4x128xi32, #tpu.memory_space<vmem>>, vector<1x16xi32>,
      %ge3A = arith.constant 2 : i32
      %ge3A_250 = arith.cmpi sge, %add3A_125, %ge3A : i32
      %convert_element_type3A = arith.extui %ge3A_250 : i1 to i32
      %cond3A = arith.constant 0 : i32
      %cond3A_251 = arith.cmpi ne, %convert_element_type3A, %cond3A : i32
      scf.if %cond3A_251 {
        %dma_wait3A_726 = arith.constant 0 : i32
        %dma_wait3A_727 = arith.constant 0 : i32
        %dma_wait3A_728 = tpu.memref_slice %arg6[%dma_wait3A_726, %dma_wait3A_727] : memref<80x128xi32, #tpu.memory_space<vmem>> -> memref<1x128xi32, #tpu.memory_space<vmem>>
        %dma_wait3A_729 = tpu.memref_squeeze %dma_wait3A_728 : memref<1x128xi32, #tpu.memory_space<vmem>> -> memref<128xi32, #tpu.memory_space<vmem>>
        %dma_wait3A_730 = arith.constant 0 : i32
        %dma_wait3A_731 = arith.constant 0 : i32
        %dma_wait3A_732 = tpu.memref_slice %arg10[%dma_wait3A_730, %dma_wait3A_731] : memref<10240x128xf32, #tpu.memory_space<vmem_shared>> -> memref<10240x128xf32, #tpu.memory_space<vmem_shared>>
        tpu.wait_indirect_dma semaphore(%arg17 : memref<!tpu.dma_semaphore, #tpu.memory_space<semaphore_mem>>) src(%arg8 : memref<128x128xf32, #tpu.memory_space<vmem>>) dst(%dma_wait3A_732 : memref<10240x128xf32, #tpu.memory_space<vmem_shared>>)
      } else {
      }
      %dma_start3A_252 = arith.constant 0 : i32
      %dma_start3A_253 = arith.constant 0 : i32
      %dma_start3A_254 = tpu.memref_slice %arg7[%dma_start3A_252, %dma_start3A_253] : memref<4x128xi32, #tpu.memory_space<vmem>> -> memref<1x128xi32, #tpu.memory_space<vmem>>
      %dma_start3A_255 = tpu.memref_squeeze %dma_start3A_254 : memref<1x128xi32, #tpu.memory_space<vmem>> -> memref<128xi32, #tpu.memory_space<vmem>>
      %dma_start3A_256 = arith.constant 0 : i32
      %dma_start3A_257 = arith.constant 0 : i32
      %dma_start3A_258 = tpu.memref_slice %arg4[%dma_start3A_256, %dma_start3A_257] : memref<20480x128xf32, #tpu.memory_space<hbm>> -> memref<20480x128xf32, #tpu.memory_space<hbm>>
      tpu.enqueue_indirect_dma source(%dma_start3A_258 : memref<20480x128xf32, #tpu.memory_space<hbm>>) target(%arg8 : memref<128x128xf32, #tpu.memory_space<vmem>>) offsets(%dma_start3A_255 : memref<128xi32, #tpu.memory_space<vmem>>) semaphore(%arg15 : memref<!tpu.dma_semaphore, #tpu.memory_space<semaphore_mem>>)
      %ge3A_259 = arith.constant 1 : i32
      %ge3A_260 = arith.cmpi sge, %add3A_125, %ge3A_259 : i32
      %convert_element_type3A_261 = arith.extui %ge3A_260 : i1 to i32
      %cond3A_262 = arith.constant 0 : i32
      %cond3A_263 = arith.cmpi ne, %convert_element_type3A_261, %cond3A_262 : i32
      scf.if %cond3A_263 {
        %dma_wait3A_726 = arith.constant 0 : i32
        %dma_wait3A_727 = arith.constant 0 : i32
        %dma_wait3A_728 = tpu.memref_slice %arg7[%dma_wait3A_726, %dma_wait3A_727] : memref<4x128xi32, #tpu.memory_space<vmem>> -> memref<1x128xi32, #tpu.memory_space<vmem>>
        %dma_wait3A_729 = tpu.memref_squeeze %dma_wait3A_728 : memref<1x128xi32, #tpu.memory_space<vmem>> -> memref<128xi32, #tpu.memory_space<vmem>>
        %dma_wait3A_730 = arith.constant 0 : i32
        %dma_wait3A_731 = arith.constant 0 : i32
        %dma_wait3A_732 = tpu.memref_slice %arg4[%dma_wait3A_730, %dma_wait3A_731] : memref<20480x128xf32, #tpu.memory_space<hbm>> -> memref<20480x128xf32, #tpu.memory_space<hbm>>
        tpu.wait_indirect_dma semaphore(%arg16 : memref<!tpu.dma_semaphore, #tpu.memory_space<semaphore_mem>>) src(%dma_wait3A_732 : memref<20480x128xf32, #tpu.memory_space<hbm>>) dst(%arg9 : memref<128x128xf32, #tpu.memory_space<vmem>>)
        %sub3A = arith.constant 1 : i32
        %sub3A_733 = arith.subi %add3A_125, %sub3A : i32
        %dma_start3A_734 = arith.constant 0 : i32
        %dma_start3A_735 = tpu.memref_slice %arg6[%sub3A_733, %dma_start3A_734] : memref<80x128xi32, #tpu.memory_space<vmem>> -> memref<1x128xi32, #tpu.memory_space<vmem>>
        %dma_start3A_736 = tpu.memref_squeeze %dma_start3A_735 : memref<1x128xi32, #tpu.memory_space<vmem>> -> memref<128xi32, #tpu.memory_space<vmem>>
        %dma_start3A_737 = arith.constant 0 : i32
        %dma_start3A_738 = arith.constant 0 : i32
        %dma_start3A_739 = tpu.memref_slice %arg10[%dma_start3A_737, %dma_start3A_738] : memref<10240x128xf32, #tpu.memory_space<vmem_shared>> -> memref<10240x128xf32, #tpu.memory_space<vmem_shared>>
        tpu.enqueue_indirect_dma source(%arg9 : memref<128x128xf32, #tpu.memory_space<vmem>>) target(%dma_start3A_739 : memref<10240x128xf32, #tpu.memory_space<vmem_shared>>) offsets(%dma_start3A_736 : memref<128xi32, #tpu.memory_space<vmem>>) semaphore(%arg18 : memref<!tpu.dma_semaphore, #tpu.memory_space<semaphore_mem>>) {add = true}
      } else {
      }
      %add3A_264 = arith.constant 3 : i32
      %add3A_265 = arith.addi %add3A_125, %add3A_264 : i32
      %lt3A = arith.constant 80 : i32
      %lt3A_266 = arith.cmpi slt, %add3A_265, %lt3A : i32
      %convert_element_type3A_267 = arith.extui %lt3A_266 : i1 to i32
      %cond3A_268 = arith.constant 0 : i32
      %cond3A_269 = arith.cmpi ne, %convert_element_type3A_267, %cond3A_268 : i32
      scf.if %cond3A_269 {
        %add3A_726 = arith.constant 3 : i32
        %add3A_727 = arith.addi %add3A_125, %add3A_726 : i32
        %dma_start3A_728 = arith.constant 3 : i32
        %dma_start3A_729 = arith.constant 0 : i32
        %dma_start3A_730 = tpu.memref_slice %arg7[%dma_start3A_728, %dma_start3A_729] : memref<4x128xi32, #tpu.memory_space<vmem>> -> memref<1x128xi32, #tpu.memory_space<vmem>>
        %dma_start3A_731 = tpu.memref_squeeze %dma_start3A_730 : memref<1x128xi32, #tpu.memory_space<vmem>> -> memref<128xi32, #tpu.memory_space<vmem>>
        %dma_start3A_732 = arith.constant 0 : i32
        %dma_start3A_733 = arith.constant 0 : i32
        %dma_start3A_734 = tpu.memref_slice %arg2[%arg1, %dma_start3A_732, %dma_start3A_733] : memref<16x80x128xi32, #tpu.memory_space<hbm>> -> memref<1x80x128xi32, #tpu.memory_space<hbm>>
        %dma_start3A_735 = tpu.memref_squeeze %dma_start3A_734 : memref<1x80x128xi32, #tpu.memory_space<hbm>> -> memref<80x128xi32, #tpu.memory_space<hbm>>
        %dma_start3A_736 = arith.constant 0 : i32
        %dma_start3A_737 = tpu.memref_slice %dma_start3A_735[%add3A_727, %dma_start3A_736] : memref<80x128xi32, #tpu.memory_space<hbm>> -> memref<1x128xi32, #tpu.memory_space<hbm>>
        %dma_start3A_738 = tpu.memref_squeeze %dma_start3A_737 : memref<1x128xi32, #tpu.memory_space<hbm>> -> memref<128xi32, #tpu.memory_space<hbm>>
        %dma_start3A_739 = arith.constant 0 : i32
        %dma_start3A_740 = tpu.memref_slice %arg7[%dma_start3A_728, %dma_start3A_739] : memref<4x128xi32, #tpu.memory_space<vmem>> -> memref<1x128xi32, #tpu.memory_space<vmem>>
        %dma_start3A_741 = tpu.memref_squeeze %dma_start3A_740 : memref<1x128xi32, #tpu.memory_space<vmem>> -> memref<128xi32, #tpu.memory_space<vmem>>
        %dma_start3A_742 = arith.constant 0 : i32
        %dma_start3A_743 = arith.constant 0 : i32
        %dma_start3A_744 = tpu.memref_slice %arg2[%arg1, %dma_start3A_742, %dma_start3A_743] : memref<16x80x128xi32, #tpu.memory_space<hbm>> -> memref<1x80x128xi32, #tpu.memory_space<hbm>>
        %dma_start3A_745 = tpu.memref_squeeze %dma_start3A_744 : memref<1x80x128xi32, #tpu.memory_space<hbm>> -> memref<80x128xi32, #tpu.memory_space<hbm>>
        %dma_start3A_746 = arith.constant 0 : i32
        %dma_start3A_747 = tpu.memref_slice %dma_start3A_745[%add3A_727, %dma_start3A_746] : memref<80x128xi32, #tpu.memory_space<hbm>> -> memref<1x128xi32, #tpu.memory_space<hbm>>
        %dma_start3A_748 = tpu.memref_squeeze %dma_start3A_747 : memref<1x128xi32, #tpu.memory_space<hbm>> -> memref<128xi32, #tpu.memory_space<hbm>>
        tpu.enqueue_dma source(%dma_start3A_748 : memref<128xi32, #tpu.memory_space<hbm>>) target(%dma_start3A_741 : memref<128xi32, #tpu.memory_space<vmem>>) target_semaphore(%arg14 : memref<!tpu.dma_semaphore, #tpu.memory_space<semaphore_mem>>)
      } else {
      }
      %add3A_270 = arith.constant 1 : i32
      %add3A_271 = arith.addi %mul3A_123, %add3A_270 : i32
      %dma_wait3A_272 = arith.constant 0 : i32
      %dma_wait3A_273 = arith.constant 1 : i32
      %dma_wait3A_274 = arith.constant 0 : i32
      %dma_wait3A_275 = tpu.memref_slice %arg7[%dma_wait3A_273, %dma_wait3A_274] : memref<4x128xi32, #tpu.memory_space<vmem>> -> memref<1x128xi32, #tpu.memory_space<vmem>>
      %dma_wait3A_276 = tpu.memref_squeeze %dma_wait3A_275 : memref<1x128xi32, #tpu.memory_space<vmem>> -> memref<128xi32, #tpu.memory_space<vmem>>
      %dma_wait3A_277 = arith.constant 0 : i32
      %dma_wait3A_278 = arith.constant 0 : i32
      %dma_wait3A_279 = tpu.memref_slice %arg2[%arg1, %dma_wait3A_277, %dma_wait3A_278] : memref<16x80x128xi32, #tpu.memory_space<hbm>> -> memref<1x80x128xi32, #tpu.memory_space<hbm>>
      %dma_wait3A_280 = tpu.memref_squeeze %dma_wait3A_279 : memref<1x80x128xi32, #tpu.memory_space<hbm>> -> memref<80x128xi32, #tpu.memory_space<hbm>>
      %dma_wait3A_281 = arith.constant 0 : i32
      %dma_wait3A_282 = tpu.memref_slice %dma_wait3A_280[%dma_wait3A_272, %dma_wait3A_281] : memref<80x128xi32, #tpu.memory_space<hbm>> -> memref<1x128xi32, #tpu.memory_space<hbm>>
      %dma_wait3A_283 = tpu.memref_squeeze %dma_wait3A_282 : memref<1x128xi32, #tpu.memory_space<hbm>> -> memref<128xi32, #tpu.memory_space<hbm>>
      %dma_wait3A_284 = arith.constant 0 : i32
      %dma_wait3A_285 = tpu.memref_slice %arg7[%dma_wait3A_273, %dma_wait3A_284] : memref<4x128xi32, #tpu.memory_space<vmem>> -> memref<1x128xi32, #tpu.memory_space<vmem>>
      %dma_wait3A_286 = tpu.memref_squeeze %dma_wait3A_285 : memref<1x128xi32, #tpu.memory_space<vmem>> -> memref<128xi32, #tpu.memory_space<vmem>>
      %dma_wait3A_287 = arith.constant 0 : i32
      %dma_wait3A_288 = arith.constant 0 : i32
      %dma_wait3A_289 = tpu.memref_slice %arg2[%arg1, %dma_wait3A_287, %dma_wait3A_288] : memref<16x80x128xi32, #tpu.memory_space<hbm>> -> memref<1x80x128xi32, #tpu.memory_space<hbm>>
      %dma_wait3A_290 = tpu.memref_squeeze %dma_wait3A_289 : memref<1x80x128xi32, #tpu.memory_space<hbm>> -> memref<80x128xi32, #tpu.memory_space<hbm>>
      %dma_wait3A_291 = arith.constant 0 : i32
      %dma_wait3A_292 = tpu.memref_slice %dma_wait3A_290[%dma_wait3A_272, %dma_wait3A_291] : memref<80x128xi32, #tpu.memory_space<hbm>> -> memref<1x128xi32, #tpu.memory_space<hbm>>
      %dma_wait3A_293 = tpu.memref_squeeze %dma_wait3A_292 : memref<1x128xi32, #tpu.memory_space<hbm>> -> memref<128xi32, #tpu.memory_space<hbm>>
      tpu.wait_dma2 semaphore(%arg12 : memref<!tpu.dma_semaphore, #tpu.memory_space<semaphore_mem>>) src(%dma_wait3A_293 : memref<128xi32, #tpu.memory_space<hbm>>) dst(%dma_wait3A_286 : memref<128xi32, #tpu.memory_space<vmem>>)
      %get3A_294 = arith.constant 1 : i32
      %get3A_295 = arith.index_cast %get3A_294 : i32 to index
      %get3A_296 = arith.constant 0 : index
      %get3A_297 = tpu.vector_load %arg7[%get3A_295, %get3A_296] {strides = array<i32>} : memref<4x128xi32, #tpu.memory_space<vmem>>, vector<1x16xi32>,
      %get3A_298 = vector.shape_cast %get3A_297 : vector<1x16xi32> to vector<16xi32>
      %add3A_299 = vector.broadcast %mul3A_3 : i32 to vector<16xi32>
      %add3A_300 = arith.addi %get3A_298, %add3A_299 : vector<16xi32>
      %swap3A_301 = arith.constant 1 : i32
      %swap3A_302 = arith.index_cast %swap3A_301 : i32 to index
      %swap3A_303 = arith.constant 0 : index
      %swap3A_304 = tpu.vector_load %arg7[%swap3A_302, %swap3A_303] {strides = array<i32>} : memref<4x128xi32, #tpu.memory_space<vmem>>, vector<1x16xi32>,
      %swap3A_305 = vector.shape_cast %swap3A_304 : vector<1x16xi32> to vector<16xi32>
      %swap3A_306 = vector.shape_cast %add3A_300 : vector<16xi32> to vector<1x16xi32>
      tpu.vector_store %arg7[%swap3A_302, %swap3A_303], %swap3A_306 {strides = array<i32>} : memref<4x128xi32, #tpu.memory_space<vmem>>, vector<1x16xi32>,
      %get3A_307 = arith.constant 1 : i32
      %get3A_308 = arith.index_cast %get3A_307 : i32 to index
      %get3A_309 = arith.constant 16 : index
      %get3A_310 = tpu.vector_load %arg7[%get3A_308, %get3A_309] {strides = array<i32>} : memref<4x128xi32, #tpu.memory_space<vmem>>, vector<1x16xi32>,
      %get3A_311 = vector.shape_cast %get3A_310 : vector<1x16xi32> to vector<16xi32>
      %add3A_312 = vector.broadcast %mul3A_3 : i32 to vector<16xi32>
      %add3A_313 = arith.addi %get3A_311, %add3A_312 : vector<16xi32>
      %swap3A_314 = arith.constant 1 : i32
      %swap3A_315 = arith.index_cast %swap3A_314 : i32 to index
      %swap3A_316 = arith.constant 16 : index
      %swap3A_317 = tpu.vector_load %arg7[%swap3A_315, %swap3A_316] {strides = array<i32>} : memref<4x128xi32, #tpu.memory_space<vmem>>, vector<1x16xi32>,
      %swap3A_318 = vector.shape_cast %swap3A_317 : vector<1x16xi32> to vector<16xi32>
      %swap3A_319 = vector.shape_cast %add3A_313 : vector<16xi32> to vector<1x16xi32>
      tpu.vector_store %arg7[%swap3A_315, %swap3A_316], %swap3A_319 {strides = array<i32>} : memref<4x128xi32, #tpu.memory_space<vmem>>, vector<1x16xi32>,
      %get3A_320 = arith.constant 1 : i32
      %get3A_321 = arith.index_cast %get3A_320 : i32 to index
      %get3A_322 = arith.constant 32 : index
      %get3A_323 = tpu.vector_load %arg7[%get3A_321, %get3A_322] {strides = array<i32>} : memref<4x128xi32, #tpu.memory_space<vmem>>, vector<1x16xi32>,
      %get3A_324 = vector.shape_cast %get3A_323 : vector<1x16xi32> to vector<16xi32>
      %add3A_325 = vector.broadcast %mul3A_3 : i32 to vector<16xi32>
      %add3A_326 = arith.addi %get3A_324, %add3A_325 : vector<16xi32>
      %swap3A_327 = arith.constant 1 : i32
      %swap3A_328 = arith.index_cast %swap3A_327 : i32 to index
      %swap3A_329 = arith.constant 32 : index
      %swap3A_330 = tpu.vector_load %arg7[%swap3A_328, %swap3A_329] {strides = array<i32>} : memref<4x128xi32, #tpu.memory_space<vmem>>, vector<1x16xi32>,
      %swap3A_331 = vector.shape_cast %swap3A_330 : vector<1x16xi32> to vector<16xi32>
      %swap3A_332 = vector.shape_cast %add3A_326 : vector<16xi32> to vector<1x16xi32>
      tpu.vector_store %arg7[%swap3A_328, %swap3A_329], %swap3A_332 {strides = array<i32>} : memref<4x128xi32, #tpu.memory_space<vmem>>, vector<1x16xi32>,
      %get3A_333 = arith.constant 1 : i32
      %get3A_334 = arith.index_cast %get3A_333 : i32 to index
      %get3A_335 = arith.constant 48 : index
      %get3A_336 = tpu.vector_load %arg7[%get3A_334, %get3A_335] {strides = array<i32>} : memref<4x128xi32, #tpu.memory_space<vmem>>, vector<1x16xi32>,
      %get3A_337 = vector.shape_cast %get3A_336 : vector<1x16xi32> to vector<16xi32>
      %add3A_338 = vector.broadcast %mul3A_3 : i32 to vector<16xi32>
      %add3A_339 = arith.addi %get3A_337, %add3A_338 : vector<16xi32>
      %swap3A_340 = arith.constant 1 : i32
      %swap3A_341 = arith.index_cast %swap3A_340 : i32 to index
      %swap3A_342 = arith.constant 48 : index
      %swap3A_343 = tpu.vector_load %arg7[%swap3A_341, %swap3A_342] {strides = array<i32>} : memref<4x128xi32, #tpu.memory_space<vmem>>, vector<1x16xi32>,
      %swap3A_344 = vector.shape_cast %swap3A_343 : vector<1x16xi32> to vector<16xi32>
      %swap3A_345 = vector.shape_cast %add3A_339 : vector<16xi32> to vector<1x16xi32>
      tpu.vector_store %arg7[%swap3A_341, %swap3A_342], %swap3A_345 {strides = array<i32>} : memref<4x128xi32, #tpu.memory_space<vmem>>, vector<1x16xi32>,
      %get3A_346 = arith.constant 1 : i32
      %get3A_347 = arith.index_cast %get3A_346 : i32 to index
      %get3A_348 = arith.constant 64 : index
      %get3A_349 = tpu.vector_load %arg7[%get3A_347, %get3A_348] {strides = array<i32>} : memref<4x128xi32, #tpu.memory_space<vmem>>, vector<1x16xi32>,
      %get3A_350 = vector.shape_cast %get3A_349 : vector<1x16xi32> to vector<16xi32>
      %add3A_351 = vector.broadcast %mul3A_3 : i32 to vector<16xi32>
      %add3A_352 = arith.addi %get3A_350, %add3A_351 : vector<16xi32>
      %swap3A_353 = arith.constant 1 : i32
      %swap3A_354 = arith.index_cast %swap3A_353 : i32 to index
      %swap3A_355 = arith.constant 64 : index
      %swap3A_356 = tpu.vector_load %arg7[%swap3A_354, %swap3A_355] {strides = array<i32>} : memref<4x128xi32, #tpu.memory_space<vmem>>, vector<1x16xi32>,
      %swap3A_357 = vector.shape_cast %swap3A_356 : vector<1x16xi32> to vector<16xi32>
      %swap3A_358 = vector.shape_cast %add3A_352 : vector<16xi32> to vector<1x16xi32>
      tpu.vector_store %arg7[%swap3A_354, %swap3A_355], %swap3A_358 {strides = array<i32>} : memref<4x128xi32, #tpu.memory_space<vmem>>, vector<1x16xi32>,
      %get3A_359 = arith.constant 1 : i32
      %get3A_360 = arith.index_cast %get3A_359 : i32 to index
      %get3A_361 = arith.constant 80 : index
      %get3A_362 = tpu.vector_load %arg7[%get3A_360, %get3A_361] {strides = array<i32>} : memref<4x128xi32, #tpu.memory_space<vmem>>, vector<1x16xi32>,
      %get3A_363 = vector.shape_cast %get3A_362 : vector<1x16xi32> to vector<16xi32>
      %add3A_364 = vector.broadcast %mul3A_3 : i32 to vector<16xi32>
      %add3A_365 = arith.addi %get3A_363, %add3A_364 : vector<16xi32>
      %swap3A_366 = arith.constant 1 : i32
      %swap3A_367 = arith.index_cast %swap3A_366 : i32 to index
      %swap3A_368 = arith.constant 80 : index
      %swap3A_369 = tpu.vector_load %arg7[%swap3A_367, %swap3A_368] {strides = array<i32>} : memref<4x128xi32, #tpu.memory_space<vmem>>, vector<1x16xi32>,
      %swap3A_370 = vector.shape_cast %swap3A_369 : vector<1x16xi32> to vector<16xi32>
      %swap3A_371 = vector.shape_cast %add3A_365 : vector<16xi32> to vector<1x16xi32>
      tpu.vector_store %arg7[%swap3A_367, %swap3A_368], %swap3A_371 {strides = array<i32>} : memref<4x128xi32, #tpu.memory_space<vmem>>, vector<1x16xi32>,
      %get3A_372 = arith.constant 1 : i32
      %get3A_373 = arith.index_cast %get3A_372 : i32 to index
      %get3A_374 = arith.constant 96 : index
      %get3A_375 = tpu.vector_load %arg7[%get3A_373, %get3A_374] {strides = array<i32>} : memref<4x128xi32, #tpu.memory_space<vmem>>, vector<1x16xi32>,
      %get3A_376 = vector.shape_cast %get3A_375 : vector<1x16xi32> to vector<16xi32>
      %add3A_377 = vector.broadcast %mul3A_3 : i32 to vector<16xi32>
      %add3A_378 = arith.addi %get3A_376, %add3A_377 : vector<16xi32>
      %swap3A_379 = arith.constant 1 : i32
      %swap3A_380 = arith.index_cast %swap3A_379 : i32 to index
      %swap3A_381 = arith.constant 96 : index
      %swap3A_382 = tpu.vector_load %arg7[%swap3A_380, %swap3A_381] {strides = array<i32>} : memref<4x128xi32, #tpu.memory_space<vmem>>, vector<1x16xi32>,
      %swap3A_383 = vector.shape_cast %swap3A_382 : vector<1x16xi32> to vector<16xi32>
      %swap3A_384 = vector.shape_cast %add3A_378 : vector<16xi32> to vector<1x16xi32>
      tpu.vector_store %arg7[%swap3A_380, %swap3A_381], %swap3A_384 {strides = array<i32>} : memref<4x128xi32, #tpu.memory_space<vmem>>, vector<1x16xi32>,
      %get3A_385 = arith.constant 1 : i32
      %get3A_386 = arith.index_cast %get3A_385 : i32 to index
      %get3A_387 = arith.constant 112 : index
      %get3A_388 = tpu.vector_load %arg7[%get3A_386, %get3A_387] {strides = array<i32>} : memref<4x128xi32, #tpu.memory_space<vmem>>, vector<1x16xi32>,
      %get3A_389 = vector.shape_cast %get3A_388 : vector<1x16xi32> to vector<16xi32>
      %add3A_390 = vector.broadcast %mul3A_3 : i32 to vector<16xi32>
      %add3A_391 = arith.addi %get3A_389, %add3A_390 : vector<16xi32>
      %swap3A_392 = arith.constant 1 : i32
      %swap3A_393 = arith.index_cast %swap3A_392 : i32 to index
      %swap3A_394 = arith.constant 112 : index
      %swap3A_395 = tpu.vector_load %arg7[%swap3A_393, %swap3A_394] {strides = array<i32>} : memref<4x128xi32, #tpu.memory_space<vmem>>, vector<1x16xi32>,
      %swap3A_396 = vector.shape_cast %swap3A_395 : vector<1x16xi32> to vector<16xi32>
      %swap3A_397 = vector.shape_cast %add3A_391 : vector<16xi32> to vector<1x16xi32>
      tpu.vector_store %arg7[%swap3A_393, %swap3A_394], %swap3A_397 {strides = array<i32>} : memref<4x128xi32, #tpu.memory_space<vmem>>, vector<1x16xi32>,
      %ge3A_398 = arith.constant 2 : i32
      %ge3A_399 = arith.cmpi sge, %add3A_271, %ge3A_398 : i32
      %convert_element_type3A_400 = arith.extui %ge3A_399 : i1 to i32
      %cond3A_401 = arith.constant 0 : i32
      %cond3A_402 = arith.cmpi ne, %convert_element_type3A_400, %cond3A_401 : i32
      scf.if %cond3A_402 {
        %dma_wait3A_726 = arith.constant 0 : i32
        %dma_wait3A_727 = arith.constant 0 : i32
        %dma_wait3A_728 = tpu.memref_slice %arg6[%dma_wait3A_726, %dma_wait3A_727] : memref<80x128xi32, #tpu.memory_space<vmem>> -> memref<1x128xi32, #tpu.memory_space<vmem>>
        %dma_wait3A_729 = tpu.memref_squeeze %dma_wait3A_728 : memref<1x128xi32, #tpu.memory_space<vmem>> -> memref<128xi32, #tpu.memory_space<vmem>>
        %dma_wait3A_730 = arith.constant 0 : i32
        %dma_wait3A_731 = arith.constant 0 : i32
        %dma_wait3A_732 = tpu.memref_slice %arg10[%dma_wait3A_730, %dma_wait3A_731] : memref<10240x128xf32, #tpu.memory_space<vmem_shared>> -> memref<10240x128xf32, #tpu.memory_space<vmem_shared>>
        tpu.wait_indirect_dma semaphore(%arg18 : memref<!tpu.dma_semaphore, #tpu.memory_space<semaphore_mem>>) src(%arg9 : memref<128x128xf32, #tpu.memory_space<vmem>>) dst(%dma_wait3A_732 : memref<10240x128xf32, #tpu.memory_space<vmem_shared>>)
      } else {
      }
      %dma_start3A_403 = arith.constant 1 : i32
      %dma_start3A_404 = arith.constant 0 : i32
      %dma_start3A_405 = tpu.memref_slice %arg7[%dma_start3A_403, %dma_start3A_404] : memref<4x128xi32, #tpu.memory_space<vmem>> -> memref<1x128xi32, #tpu.memory_space<vmem>>
      %dma_start3A_406 = tpu.memref_squeeze %dma_start3A_405 : memref<1x128xi32, #tpu.memory_space<vmem>> -> memref<128xi32, #tpu.memory_space<vmem>>
      %dma_start3A_407 = arith.constant 0 : i32
      %dma_start3A_408 = arith.constant 0 : i32
      %dma_start3A_409 = tpu.memref_slice %arg4[%dma_start3A_407, %dma_start3A_408] : memref<20480x128xf32, #tpu.memory_space<hbm>> -> memref<20480x128xf32, #tpu.memory_space<hbm>>
      tpu.enqueue_indirect_dma source(%dma_start3A_409 : memref<20480x128xf32, #tpu.memory_space<hbm>>) target(%arg9 : memref<128x128xf32, #tpu.memory_space<vmem>>) offsets(%dma_start3A_406 : memref<128xi32, #tpu.memory_space<vmem>>) semaphore(%arg16 : memref<!tpu.dma_semaphore, #tpu.memory_space<semaphore_mem>>)
      %ge3A_410 = arith.constant 1 : i32
      %ge3A_411 = arith.cmpi sge, %add3A_271, %ge3A_410 : i32
      %convert_element_type3A_412 = arith.extui %ge3A_411 : i1 to i32
      %cond3A_413 = arith.constant 0 : i32
      %cond3A_414 = arith.cmpi ne, %convert_element_type3A_412, %cond3A_413 : i32
      scf.if %cond3A_414 {
        %dma_wait3A_726 = arith.constant 1 : i32
        %dma_wait3A_727 = arith.constant 0 : i32
        %dma_wait3A_728 = tpu.memref_slice %arg7[%dma_wait3A_726, %dma_wait3A_727] : memref<4x128xi32, #tpu.memory_space<vmem>> -> memref<1x128xi32, #tpu.memory_space<vmem>>
        %dma_wait3A_729 = tpu.memref_squeeze %dma_wait3A_728 : memref<1x128xi32, #tpu.memory_space<vmem>> -> memref<128xi32, #tpu.memory_space<vmem>>
        %dma_wait3A_730 = arith.constant 0 : i32
        %dma_wait3A_731 = arith.constant 0 : i32
        %dma_wait3A_732 = tpu.memref_slice %arg4[%dma_wait3A_730, %dma_wait3A_731] : memref<20480x128xf32, #tpu.memory_space<hbm>> -> memref<20480x128xf32, #tpu.memory_space<hbm>>
        tpu.wait_indirect_dma semaphore(%arg15 : memref<!tpu.dma_semaphore, #tpu.memory_space<semaphore_mem>>) src(%dma_wait3A_732 : memref<20480x128xf32, #tpu.memory_space<hbm>>) dst(%arg8 : memref<128x128xf32, #tpu.memory_space<vmem>>)
        %sub3A = arith.constant 1 : i32
        %sub3A_733 = arith.subi %add3A_271, %sub3A : i32
        %dma_start3A_734 = arith.constant 0 : i32
        %dma_start3A_735 = tpu.memref_slice %arg6[%sub3A_733, %dma_start3A_734] : memref<80x128xi32, #tpu.memory_space<vmem>> -> memref<1x128xi32, #tpu.memory_space<vmem>>
        %dma_start3A_736 = tpu.memref_squeeze %dma_start3A_735 : memref<1x128xi32, #tpu.memory_space<vmem>> -> memref<128xi32, #tpu.memory_space<vmem>>
        %dma_start3A_737 = arith.constant 0 : i32
        %dma_start3A_738 = arith.constant 0 : i32
        %dma_start3A_739 = tpu.memref_slice %arg10[%dma_start3A_737, %dma_start3A_738] : memref<10240x128xf32, #tpu.memory_space<vmem_shared>> -> memref<10240x128xf32, #tpu.memory_space<vmem_shared>>
        tpu.enqueue_indirect_dma source(%arg8 : memref<128x128xf32, #tpu.memory_space<vmem>>) target(%dma_start3A_739 : memref<10240x128xf32, #tpu.memory_space<vmem_shared>>) offsets(%dma_start3A_736 : memref<128xi32, #tpu.memory_space<vmem>>) semaphore(%arg17 : memref<!tpu.dma_semaphore, #tpu.memory_space<semaphore_mem>>) {add = true}
      } else {
      }
      %add3A_415 = arith.constant 3 : i32
      %add3A_416 = arith.addi %add3A_271, %add3A_415 : i32
      %lt3A_417 = arith.constant 80 : i32
      %lt3A_418 = arith.cmpi slt, %add3A_416, %lt3A_417 : i32
      %convert_element_type3A_419 = arith.extui %lt3A_418 : i1 to i32
      %cond3A_420 = arith.constant 0 : i32
      %cond3A_421 = arith.cmpi ne, %convert_element_type3A_419, %cond3A_420 : i32
      scf.if %cond3A_421 {
        %add3A_726 = arith.constant 3 : i32
        %add3A_727 = arith.addi %add3A_271, %add3A_726 : i32
        %dma_start3A_728 = arith.constant 0 : i32
        %dma_start3A_729 = arith.constant 0 : i32
        %dma_start3A_730 = tpu.memref_slice %arg7[%dma_start3A_728, %dma_start3A_729] : memref<4x128xi32, #tpu.memory_space<vmem>> -> memref<1x128xi32, #tpu.memory_space<vmem>>
        %dma_start3A_731 = tpu.memref_squeeze %dma_start3A_730 : memref<1x128xi32, #tpu.memory_space<vmem>> -> memref<128xi32, #tpu.memory_space<vmem>>
        %dma_start3A_732 = arith.constant 0 : i32
        %dma_start3A_733 = arith.constant 0 : i32
        %dma_start3A_734 = tpu.memref_slice %arg2[%arg1, %dma_start3A_732, %dma_start3A_733] : memref<16x80x128xi32, #tpu.memory_space<hbm>> -> memref<1x80x128xi32, #tpu.memory_space<hbm>>
        %dma_start3A_735 = tpu.memref_squeeze %dma_start3A_734 : memref<1x80x128xi32, #tpu.memory_space<hbm>> -> memref<80x128xi32, #tpu.memory_space<hbm>>
        %dma_start3A_736 = arith.constant 0 : i32
        %dma_start3A_737 = tpu.memref_slice %dma_start3A_735[%add3A_727, %dma_start3A_736] : memref<80x128xi32, #tpu.memory_space<hbm>> -> memref<1x128xi32, #tpu.memory_space<hbm>>
        %dma_start3A_738 = tpu.memref_squeeze %dma_start3A_737 : memref<1x128xi32, #tpu.memory_space<hbm>> -> memref<128xi32, #tpu.memory_space<hbm>>
        %dma_start3A_739 = arith.constant 0 : i32
        %dma_start3A_740 = tpu.memref_slice %arg7[%dma_start3A_728, %dma_start3A_739] : memref<4x128xi32, #tpu.memory_space<vmem>> -> memref<1x128xi32, #tpu.memory_space<vmem>>
        %dma_start3A_741 = tpu.memref_squeeze %dma_start3A_740 : memref<1x128xi32, #tpu.memory_space<vmem>> -> memref<128xi32, #tpu.memory_space<vmem>>
        %dma_start3A_742 = arith.constant 0 : i32
        %dma_start3A_743 = arith.constant 0 : i32
        %dma_start3A_744 = tpu.memref_slice %arg2[%arg1, %dma_start3A_742, %dma_start3A_743] : memref<16x80x128xi32, #tpu.memory_space<hbm>> -> memref<1x80x128xi32, #tpu.memory_space<hbm>>
        %dma_start3A_745 = tpu.memref_squeeze %dma_start3A_744 : memref<1x80x128xi32, #tpu.memory_space<hbm>> -> memref<80x128xi32, #tpu.memory_space<hbm>>
        %dma_start3A_746 = arith.constant 0 : i32
        %dma_start3A_747 = tpu.memref_slice %dma_start3A_745[%add3A_727, %dma_start3A_746] : memref<80x128xi32, #tpu.memory_space<hbm>> -> memref<1x128xi32, #tpu.memory_space<hbm>>
        %dma_start3A_748 = tpu.memref_squeeze %dma_start3A_747 : memref<1x128xi32, #tpu.memory_space<hbm>> -> memref<128xi32, #tpu.memory_space<hbm>>
        tpu.enqueue_dma source(%dma_start3A_748 : memref<128xi32, #tpu.memory_space<hbm>>) target(%dma_start3A_741 : memref<128xi32, #tpu.memory_space<vmem>>) target_semaphore(%arg11 : memref<!tpu.dma_semaphore, #tpu.memory_space<semaphore_mem>>)
      } else {
      }
      %add3A_422 = arith.constant 2 : i32
      %add3A_423 = arith.addi %mul3A_123, %add3A_422 : i32
      %dma_wait3A_424 = arith.constant 0 : i32
      %dma_wait3A_425 = arith.constant 2 : i32
      %dma_wait3A_426 = arith.constant 0 : i32
      %dma_wait3A_427 = tpu.memref_slice %arg7[%dma_wait3A_425, %dma_wait3A_426] : memref<4x128xi32, #tpu.memory_space<vmem>> -> memref<1x128xi32, #tpu.memory_space<vmem>>
      %dma_wait3A_428 = tpu.memref_squeeze %dma_wait3A_427 : memref<1x128xi32, #tpu.memory_space<vmem>> -> memref<128xi32, #tpu.memory_space<vmem>>
      %dma_wait3A_429 = arith.constant 0 : i32
      %dma_wait3A_430 = arith.constant 0 : i32
      %dma_wait3A_431 = tpu.memref_slice %arg2[%arg1, %dma_wait3A_429, %dma_wait3A_430] : memref<16x80x128xi32, #tpu.memory_space<hbm>> -> memref<1x80x128xi32, #tpu.memory_space<hbm>>
      %dma_wait3A_432 = tpu.memref_squeeze %dma_wait3A_431 : memref<1x80x128xi32, #tpu.memory_space<hbm>> -> memref<80x128xi32, #tpu.memory_space<hbm>>
      %dma_wait3A_433 = arith.constant 0 : i32
      %dma_wait3A_434 = tpu.memref_slice %dma_wait3A_432[%dma_wait3A_424, %dma_wait3A_433] : memref<80x128xi32, #tpu.memory_space<hbm>> -> memref<1x128xi32, #tpu.memory_space<hbm>>
      %dma_wait3A_435 = tpu.memref_squeeze %dma_wait3A_434 : memref<1x128xi32, #tpu.memory_space<hbm>> -> memref<128xi32, #tpu.memory_space<hbm>>
      %dma_wait3A_436 = arith.constant 0 : i32
      %dma_wait3A_437 = tpu.memref_slice %arg7[%dma_wait3A_425, %dma_wait3A_436] : memref<4x128xi32, #tpu.memory_space<vmem>> -> memref<1x128xi32, #tpu.memory_space<vmem>>
      %dma_wait3A_438 = tpu.memref_squeeze %dma_wait3A_437 : memref<1x128xi32, #tpu.memory_space<vmem>> -> memref<128xi32, #tpu.memory_space<vmem>>
      %dma_wait3A_439 = arith.constant 0 : i32
      %dma_wait3A_440 = arith.constant 0 : i32
      %dma_wait3A_441 = tpu.memref_slice %arg2[%arg1, %dma_wait3A_439, %dma_wait3A_440] : memref<16x80x128xi32, #tpu.memory_space<hbm>> -> memref<1x80x128xi32, #tpu.memory_space<hbm>>
      %dma_wait3A_442 = tpu.memref_squeeze %dma_wait3A_441 : memref<1x80x128xi32, #tpu.memory_space<hbm>> -> memref<80x128xi32, #tpu.memory_space<hbm>>
      %dma_wait3A_443 = arith.constant 0 : i32
      %dma_wait3A_444 = tpu.memref_slice %dma_wait3A_442[%dma_wait3A_424, %dma_wait3A_443] : memref<80x128xi32, #tpu.memory_space<hbm>> -> memref<1x128xi32, #tpu.memory_space<hbm>>
      %dma_wait3A_445 = tpu.memref_squeeze %dma_wait3A_444 : memref<1x128xi32, #tpu.memory_space<hbm>> -> memref<128xi32, #tpu.memory_space<hbm>>
      tpu.wait_dma2 semaphore(%arg13 : memref<!tpu.dma_semaphore, #tpu.memory_space<semaphore_mem>>) src(%dma_wait3A_445 : memref<128xi32, #tpu.memory_space<hbm>>) dst(%dma_wait3A_438 : memref<128xi32, #tpu.memory_space<vmem>>)
      %get3A_446 = arith.constant 2 : i32
      %get3A_447 = arith.index_cast %get3A_446 : i32 to index
      %get3A_448 = arith.constant 0 : index
      %get3A_449 = tpu.vector_load %arg7[%get3A_447, %get3A_448] {strides = array<i32>} : memref<4x128xi32, #tpu.memory_space<vmem>>, vector<1x16xi32>,
      %get3A_450 = vector.shape_cast %get3A_449 : vector<1x16xi32> to vector<16xi32>
      %add3A_451 = vector.broadcast %mul3A_3 : i32 to vector<16xi32>
      %add3A_452 = arith.addi %get3A_450, %add3A_451 : vector<16xi32>
      %swap3A_453 = arith.constant 2 : i32
      %swap3A_454 = arith.index_cast %swap3A_453 : i32 to index
      %swap3A_455 = arith.constant 0 : index
      %swap3A_456 = tpu.vector_load %arg7[%swap3A_454, %swap3A_455] {strides = array<i32>} : memref<4x128xi32, #tpu.memory_space<vmem>>, vector<1x16xi32>,
      %swap3A_457 = vector.shape_cast %swap3A_456 : vector<1x16xi32> to vector<16xi32>
      %swap3A_458 = vector.shape_cast %add3A_452 : vector<16xi32> to vector<1x16xi32>
      tpu.vector_store %arg7[%swap3A_454, %swap3A_455], %swap3A_458 {strides = array<i32>} : memref<4x128xi32, #tpu.memory_space<vmem>>, vector<1x16xi32>,
      %get3A_459 = arith.constant 2 : i32
      %get3A_460 = arith.index_cast %get3A_459 : i32 to index
      %get3A_461 = arith.constant 16 : index
      %get3A_462 = tpu.vector_load %arg7[%get3A_460, %get3A_461] {strides = array<i32>} : memref<4x128xi32, #tpu.memory_space<vmem>>, vector<1x16xi32>,
      %get3A_463 = vector.shape_cast %get3A_462 : vector<1x16xi32> to vector<16xi32>
      %add3A_464 = vector.broadcast %mul3A_3 : i32 to vector<16xi32>
      %add3A_465 = arith.addi %get3A_463, %add3A_464 : vector<16xi32>
      %swap3A_466 = arith.constant 2 : i32
      %swap3A_467 = arith.index_cast %swap3A_466 : i32 to index
      %swap3A_468 = arith.constant 16 : index
      %swap3A_469 = tpu.vector_load %arg7[%swap3A_467, %swap3A_468] {strides = array<i32>} : memref<4x128xi32, #tpu.memory_space<vmem>>, vector<1x16xi32>,
      %swap3A_470 = vector.shape_cast %swap3A_469 : vector<1x16xi32> to vector<16xi32>
      %swap3A_471 = vector.shape_cast %add3A_465 : vector<16xi32> to vector<1x16xi32>
      tpu.vector_store %arg7[%swap3A_467, %swap3A_468], %swap3A_471 {strides = array<i32>} : memref<4x128xi32, #tpu.memory_space<vmem>>, vector<1x16xi32>,
      %get3A_472 = arith.constant 2 : i32
      %get3A_473 = arith.index_cast %get3A_472 : i32 to index
      %get3A_474 = arith.constant 32 : index
      %get3A_475 = tpu.vector_load %arg7[%get3A_473, %get3A_474] {strides = array<i32>} : memref<4x128xi32, #tpu.memory_space<vmem>>, vector<1x16xi32>,
      %get3A_476 = vector.shape_cast %get3A_475 : vector<1x16xi32> to vector<16xi32>
      %add3A_477 = vector.broadcast %mul3A_3 : i32 to vector<16xi32>
      %add3A_478 = arith.addi %get3A_476, %add3A_477 : vector<16xi32>
      %swap3A_479 = arith.constant 2 : i32
      %swap3A_480 = arith.index_cast %swap3A_479 : i32 to index
      %swap3A_481 = arith.constant 32 : index
      %swap3A_482 = tpu.vector_load %arg7[%swap3A_480, %swap3A_481] {strides = array<i32>} : memref<4x128xi32, #tpu.memory_space<vmem>>, vector<1x16xi32>,
      %swap3A_483 = vector.shape_cast %swap3A_482 : vector<1x16xi32> to vector<16xi32>
      %swap3A_484 = vector.shape_cast %add3A_478 : vector<16xi32> to vector<1x16xi32>
      tpu.vector_store %arg7[%swap3A_480, %swap3A_481], %swap3A_484 {strides = array<i32>} : memref<4x128xi32, #tpu.memory_space<vmem>>, vector<1x16xi32>,
      %get3A_485 = arith.constant 2 : i32
      %get3A_486 = arith.index_cast %get3A_485 : i32 to index
      %get3A_487 = arith.constant 48 : index
      %get3A_488 = tpu.vector_load %arg7[%get3A_486, %get3A_487] {strides = array<i32>} : memref<4x128xi32, #tpu.memory_space<vmem>>, vector<1x16xi32>,
      %get3A_489 = vector.shape_cast %get3A_488 : vector<1x16xi32> to vector<16xi32>
      %add3A_490 = vector.broadcast %mul3A_3 : i32 to vector<16xi32>
      %add3A_491 = arith.addi %get3A_489, %add3A_490 : vector<16xi32>
      %swap3A_492 = arith.constant 2 : i32
      %swap3A_493 = arith.index_cast %swap3A_492 : i32 to index
      %swap3A_494 = arith.constant 48 : index
      %swap3A_495 = tpu.vector_load %arg7[%swap3A_493, %swap3A_494] {strides = array<i32>} : memref<4x128xi32, #tpu.memory_space<vmem>>, vector<1x16xi32>,
      %swap3A_496 = vector.shape_cast %swap3A_495 : vector<1x16xi32> to vector<16xi32>
      %swap3A_497 = vector.shape_cast %add3A_491 : vector<16xi32> to vector<1x16xi32>
      tpu.vector_store %arg7[%swap3A_493, %swap3A_494], %swap3A_497 {strides = array<i32>} : memref<4x128xi32, #tpu.memory_space<vmem>>, vector<1x16xi32>,
      %get3A_498 = arith.constant 2 : i32
      %get3A_499 = arith.index_cast %get3A_498 : i32 to index
      %get3A_500 = arith.constant 64 : index
      %get3A_501 = tpu.vector_load %arg7[%get3A_499, %get3A_500] {strides = array<i32>} : memref<4x128xi32, #tpu.memory_space<vmem>>, vector<1x16xi32>,
      %get3A_502 = vector.shape_cast %get3A_501 : vector<1x16xi32> to vector<16xi32>
      %add3A_503 = vector.broadcast %mul3A_3 : i32 to vector<16xi32>
      %add3A_504 = arith.addi %get3A_502, %add3A_503 : vector<16xi32>
      %swap3A_505 = arith.constant 2 : i32
      %swap3A_506 = arith.index_cast %swap3A_505 : i32 to index
      %swap3A_507 = arith.constant 64 : index
      %swap3A_508 = tpu.vector_load %arg7[%swap3A_506, %swap3A_507] {strides = array<i32>} : memref<4x128xi32, #tpu.memory_space<vmem>>, vector<1x16xi32>,
      %swap3A_509 = vector.shape_cast %swap3A_508 : vector<1x16xi32> to vector<16xi32>
      %swap3A_510 = vector.shape_cast %add3A_504 : vector<16xi32> to vector<1x16xi32>
      tpu.vector_store %arg7[%swap3A_506, %swap3A_507], %swap3A_510 {strides = array<i32>} : memref<4x128xi32, #tpu.memory_space<vmem>>, vector<1x16xi32>,
      %get3A_511 = arith.constant 2 : i32
      %get3A_512 = arith.index_cast %get3A_511 : i32 to index
      %get3A_513 = arith.constant 80 : index
      %get3A_514 = tpu.vector_load %arg7[%get3A_512, %get3A_513] {strides = array<i32>} : memref<4x128xi32, #tpu.memory_space<vmem>>, vector<1x16xi32>,
      %get3A_515 = vector.shape_cast %get3A_514 : vector<1x16xi32> to vector<16xi32>
      %add3A_516 = vector.broadcast %mul3A_3 : i32 to vector<16xi32>
      %add3A_517 = arith.addi %get3A_515, %add3A_516 : vector<16xi32>
      %swap3A_518 = arith.constant 2 : i32
      %swap3A_519 = arith.index_cast %swap3A_518 : i32 to index
      %swap3A_520 = arith.constant 80 : index
      %swap3A_521 = tpu.vector_load %arg7[%swap3A_519, %swap3A_520] {strides = array<i32>} : memref<4x128xi32, #tpu.memory_space<vmem>>, vector<1x16xi32>,
      %swap3A_522 = vector.shape_cast %swap3A_521 : vector<1x16xi32> to vector<16xi32>
      %swap3A_523 = vector.shape_cast %add3A_517 : vector<16xi32> to vector<1x16xi32>
      tpu.vector_store %arg7[%swap3A_519, %swap3A_520], %swap3A_523 {strides = array<i32>} : memref<4x128xi32, #tpu.memory_space<vmem>>, vector<1x16xi32>,
      %get3A_524 = arith.constant 2 : i32
      %get3A_525 = arith.index_cast %get3A_524 : i32 to index
      %get3A_526 = arith.constant 96 : index
      %get3A_527 = tpu.vector_load %arg7[%get3A_525, %get3A_526] {strides = array<i32>} : memref<4x128xi32, #tpu.memory_space<vmem>>, vector<1x16xi32>,
      %get3A_528 = vector.shape_cast %get3A_527 : vector<1x16xi32> to vector<16xi32>
      %add3A_529 = vector.broadcast %mul3A_3 : i32 to vector<16xi32>
      %add3A_530 = arith.addi %get3A_528, %add3A_529 : vector<16xi32>
      %swap3A_531 = arith.constant 2 : i32
      %swap3A_532 = arith.index_cast %swap3A_531 : i32 to index
      %swap3A_533 = arith.constant 96 : index
      %swap3A_534 = tpu.vector_load %arg7[%swap3A_532, %swap3A_533] {strides = array<i32>} : memref<4x128xi32, #tpu.memory_space<vmem>>, vector<1x16xi32>,
      %swap3A_535 = vector.shape_cast %swap3A_534 : vector<1x16xi32> to vector<16xi32>
      %swap3A_536 = vector.shape_cast %add3A_530 : vector<16xi32> to vector<1x16xi32>
      tpu.vector_store %arg7[%swap3A_532, %swap3A_533], %swap3A_536 {strides = array<i32>} : memref<4x128xi32, #tpu.memory_space<vmem>>, vector<1x16xi32>,
      %get3A_537 = arith.constant 2 : i32
      %get3A_538 = arith.index_cast %get3A_537 : i32 to index
      %get3A_539 = arith.constant 112 : index
      %get3A_540 = tpu.vector_load %arg7[%get3A_538, %get3A_539] {strides = array<i32>} : memref<4x128xi32, #tpu.memory_space<vmem>>, vector<1x16xi32>,
      %get3A_541 = vector.shape_cast %get3A_540 : vector<1x16xi32> to vector<16xi32>
      %add3A_542 = vector.broadcast %mul3A_3 : i32 to vector<16xi32>
      %add3A_543 = arith.addi %get3A_541, %add3A_542 : vector<16xi32>
      %swap3A_544 = arith.constant 2 : i32
      %swap3A_545 = arith.index_cast %swap3A_544 : i32 to index
      %swap3A_546 = arith.constant 112 : index
      %swap3A_547 = tpu.vector_load %arg7[%swap3A_545, %swap3A_546] {strides = array<i32>} : memref<4x128xi32, #tpu.memory_space<vmem>>, vector<1x16xi32>,
      %swap3A_548 = vector.shape_cast %swap3A_547 : vector<1x16xi32> to vector<16xi32>
      %swap3A_549 = vector.shape_cast %add3A_543 : vector<16xi32> to vector<1x16xi32>
      tpu.vector_store %arg7[%swap3A_545, %swap3A_546], %swap3A_549 {strides = array<i32>} : memref<4x128xi32, #tpu.memory_space<vmem>>, vector<1x16xi32>,
      %ge3A_550 = arith.constant 2 : i32
      %ge3A_551 = arith.cmpi sge, %add3A_423, %ge3A_550 : i32
      %convert_element_type3A_552 = arith.extui %ge3A_551 : i1 to i32
      %cond3A_553 = arith.constant 0 : i32
      %cond3A_554 = arith.cmpi ne, %convert_element_type3A_552, %cond3A_553 : i32
      scf.if %cond3A_554 {
        %dma_wait3A_726 = arith.constant 0 : i32
        %dma_wait3A_727 = arith.constant 0 : i32
        %dma_wait3A_728 = tpu.memref_slice %arg6[%dma_wait3A_726, %dma_wait3A_727] : memref<80x128xi32, #tpu.memory_space<vmem>> -> memref<1x128xi32, #tpu.memory_space<vmem>>
        %dma_wait3A_729 = tpu.memref_squeeze %dma_wait3A_728 : memref<1x128xi32, #tpu.memory_space<vmem>> -> memref<128xi32, #tpu.memory_space<vmem>>
        %dma_wait3A_730 = arith.constant 0 : i32
        %dma_wait3A_731 = arith.constant 0 : i32
        %dma_wait3A_732 = tpu.memref_slice %arg10[%dma_wait3A_730, %dma_wait3A_731] : memref<10240x128xf32, #tpu.memory_space<vmem_shared>> -> memref<10240x128xf32, #tpu.memory_space<vmem_shared>>
        tpu.wait_indirect_dma semaphore(%arg17 : memref<!tpu.dma_semaphore, #tpu.memory_space<semaphore_mem>>) src(%arg8 : memref<128x128xf32, #tpu.memory_space<vmem>>) dst(%dma_wait3A_732 : memref<10240x128xf32, #tpu.memory_space<vmem_shared>>)
      } else {
      }
      %dma_start3A_555 = arith.constant 2 : i32
      %dma_start3A_556 = arith.constant 0 : i32
      %dma_start3A_557 = tpu.memref_slice %arg7[%dma_start3A_555, %dma_start3A_556] : memref<4x128xi32, #tpu.memory_space<vmem>> -> memref<1x128xi32, #tpu.memory_space<vmem>>
      %dma_start3A_558 = tpu.memref_squeeze %dma_start3A_557 : memref<1x128xi32, #tpu.memory_space<vmem>> -> memref<128xi32, #tpu.memory_space<vmem>>
      %dma_start3A_559 = arith.constant 0 : i32
      %dma_start3A_560 = arith.constant 0 : i32
      %dma_start3A_561 = tpu.memref_slice %arg4[%dma_start3A_559, %dma_start3A_560] : memref<20480x128xf32, #tpu.memory_space<hbm>> -> memref<20480x128xf32, #tpu.memory_space<hbm>>
      tpu.enqueue_indirect_dma source(%dma_start3A_561 : memref<20480x128xf32, #tpu.memory_space<hbm>>) target(%arg8 : memref<128x128xf32, #tpu.memory_space<vmem>>) offsets(%dma_start3A_558 : memref<128xi32, #tpu.memory_space<vmem>>) semaphore(%arg15 : memref<!tpu.dma_semaphore, #tpu.memory_space<semaphore_mem>>)
      %ge3A_562 = arith.constant 1 : i32
      %ge3A_563 = arith.cmpi sge, %add3A_423, %ge3A_562 : i32
      %convert_element_type3A_564 = arith.extui %ge3A_563 : i1 to i32
      %cond3A_565 = arith.constant 0 : i32
      %cond3A_566 = arith.cmpi ne, %convert_element_type3A_564, %cond3A_565 : i32
      scf.if %cond3A_566 {
        %dma_wait3A_726 = arith.constant 2 : i32
        %dma_wait3A_727 = arith.constant 0 : i32
        %dma_wait3A_728 = tpu.memref_slice %arg7[%dma_wait3A_726, %dma_wait3A_727] : memref<4x128xi32, #tpu.memory_space<vmem>> -> memref<1x128xi32, #tpu.memory_space<vmem>>
        %dma_wait3A_729 = tpu.memref_squeeze %dma_wait3A_728 : memref<1x128xi32, #tpu.memory_space<vmem>> -> memref<128xi32, #tpu.memory_space<vmem>>
        %dma_wait3A_730 = arith.constant 0 : i32
        %dma_wait3A_731 = arith.constant 0 : i32
        %dma_wait3A_732 = tpu.memref_slice %arg4[%dma_wait3A_730, %dma_wait3A_731] : memref<20480x128xf32, #tpu.memory_space<hbm>> -> memref<20480x128xf32, #tpu.memory_space<hbm>>
        tpu.wait_indirect_dma semaphore(%arg16 : memref<!tpu.dma_semaphore, #tpu.memory_space<semaphore_mem>>) src(%dma_wait3A_732 : memref<20480x128xf32, #tpu.memory_space<hbm>>) dst(%arg9 : memref<128x128xf32, #tpu.memory_space<vmem>>)
        %sub3A = arith.constant 1 : i32
        %sub3A_733 = arith.subi %add3A_423, %sub3A : i32
        %dma_start3A_734 = arith.constant 0 : i32
        %dma_start3A_735 = tpu.memref_slice %arg6[%sub3A_733, %dma_start3A_734] : memref<80x128xi32, #tpu.memory_space<vmem>> -> memref<1x128xi32, #tpu.memory_space<vmem>>
        %dma_start3A_736 = tpu.memref_squeeze %dma_start3A_735 : memref<1x128xi32, #tpu.memory_space<vmem>> -> memref<128xi32, #tpu.memory_space<vmem>>
        %dma_start3A_737 = arith.constant 0 : i32
        %dma_start3A_738 = arith.constant 0 : i32
        %dma_start3A_739 = tpu.memref_slice %arg10[%dma_start3A_737, %dma_start3A_738] : memref<10240x128xf32, #tpu.memory_space<vmem_shared>> -> memref<10240x128xf32, #tpu.memory_space<vmem_shared>>
        tpu.enqueue_indirect_dma source(%arg9 : memref<128x128xf32, #tpu.memory_space<vmem>>) target(%dma_start3A_739 : memref<10240x128xf32, #tpu.memory_space<vmem_shared>>) offsets(%dma_start3A_736 : memref<128xi32, #tpu.memory_space<vmem>>) semaphore(%arg18 : memref<!tpu.dma_semaphore, #tpu.memory_space<semaphore_mem>>) {add = true}
      } else {
      }
      %add3A_567 = arith.constant 3 : i32
      %add3A_568 = arith.addi %add3A_423, %add3A_567 : i32
      %lt3A_569 = arith.constant 80 : i32
      %lt3A_570 = arith.cmpi slt, %add3A_568, %lt3A_569 : i32
      %convert_element_type3A_571 = arith.extui %lt3A_570 : i1 to i32
      %cond3A_572 = arith.constant 0 : i32
      %cond3A_573 = arith.cmpi ne, %convert_element_type3A_571, %cond3A_572 : i32
      scf.if %cond3A_573 {
        %add3A_726 = arith.constant 3 : i32
        %add3A_727 = arith.addi %add3A_423, %add3A_726 : i32
        %dma_start3A_728 = arith.constant 1 : i32
        %dma_start3A_729 = arith.constant 0 : i32
        %dma_start3A_730 = tpu.memref_slice %arg7[%dma_start3A_728, %dma_start3A_729] : memref<4x128xi32, #tpu.memory_space<vmem>> -> memref<1x128xi32, #tpu.memory_space<vmem>>
        %dma_start3A_731 = tpu.memref_squeeze %dma_start3A_730 : memref<1x128xi32, #tpu.memory_space<vmem>> -> memref<128xi32, #tpu.memory_space<vmem>>
        %dma_start3A_732 = arith.constant 0 : i32
        %dma_start3A_733 = arith.constant 0 : i32
        %dma_start3A_734 = tpu.memref_slice %arg2[%arg1, %dma_start3A_732, %dma_start3A_733] : memref<16x80x128xi32, #tpu.memory_space<hbm>> -> memref<1x80x128xi32, #tpu.memory_space<hbm>>
        %dma_start3A_735 = tpu.memref_squeeze %dma_start3A_734 : memref<1x80x128xi32, #tpu.memory_space<hbm>> -> memref<80x128xi32, #tpu.memory_space<hbm>>
        %dma_start3A_736 = arith.constant 0 : i32
        %dma_start3A_737 = tpu.memref_slice %dma_start3A_735[%add3A_727, %dma_start3A_736] : memref<80x128xi32, #tpu.memory_space<hbm>> -> memref<1x128xi32, #tpu.memory_space<hbm>>
        %dma_start3A_738 = tpu.memref_squeeze %dma_start3A_737 : memref<1x128xi32, #tpu.memory_space<hbm>> -> memref<128xi32, #tpu.memory_space<hbm>>
        %dma_start3A_739 = arith.constant 0 : i32
        %dma_start3A_740 = tpu.memref_slice %arg7[%dma_start3A_728, %dma_start3A_739] : memref<4x128xi32, #tpu.memory_space<vmem>> -> memref<1x128xi32, #tpu.memory_space<vmem>>
        %dma_start3A_741 = tpu.memref_squeeze %dma_start3A_740 : memref<1x128xi32, #tpu.memory_space<vmem>> -> memref<128xi32, #tpu.memory_space<vmem>>
        %dma_start3A_742 = arith.constant 0 : i32
        %dma_start3A_743 = arith.constant 0 : i32
        %dma_start3A_744 = tpu.memref_slice %arg2[%arg1, %dma_start3A_742, %dma_start3A_743] : memref<16x80x128xi32, #tpu.memory_space<hbm>> -> memref<1x80x128xi32, #tpu.memory_space<hbm>>
        %dma_start3A_745 = tpu.memref_squeeze %dma_start3A_744 : memref<1x80x128xi32, #tpu.memory_space<hbm>> -> memref<80x128xi32, #tpu.memory_space<hbm>>
        %dma_start3A_746 = arith.constant 0 : i32
        %dma_start3A_747 = tpu.memref_slice %dma_start3A_745[%add3A_727, %dma_start3A_746] : memref<80x128xi32, #tpu.memory_space<hbm>> -> memref<1x128xi32, #tpu.memory_space<hbm>>
        %dma_start3A_748 = tpu.memref_squeeze %dma_start3A_747 : memref<1x128xi32, #tpu.memory_space<hbm>> -> memref<128xi32, #tpu.memory_space<hbm>>
        tpu.enqueue_dma source(%dma_start3A_748 : memref<128xi32, #tpu.memory_space<hbm>>) target(%dma_start3A_741 : memref<128xi32, #tpu.memory_space<vmem>>) target_semaphore(%arg12 : memref<!tpu.dma_semaphore, #tpu.memory_space<semaphore_mem>>)
      } else {
      }
      %add3A_574 = arith.constant 3 : i32
      %add3A_575 = arith.addi %mul3A_123, %add3A_574 : i32
      %dma_wait3A_576 = arith.constant 0 : i32
      %dma_wait3A_577 = arith.constant 3 : i32
      %dma_wait3A_578 = arith.constant 0 : i32
      %dma_wait3A_579 = tpu.memref_slice %arg7[%dma_wait3A_577, %dma_wait3A_578] : memref<4x128xi32, #tpu.memory_space<vmem>> -> memref<1x128xi32, #tpu.memory_space<vmem>>
      %dma_wait3A_580 = tpu.memref_squeeze %dma_wait3A_579 : memref<1x128xi32, #tpu.memory_space<vmem>> -> memref<128xi32, #tpu.memory_space<vmem>>
      %dma_wait3A_581 = arith.constant 0 : i32
      %dma_wait3A_582 = arith.constant 0 : i32
      %dma_wait3A_583 = tpu.memref_slice %arg2[%arg1, %dma_wait3A_581, %dma_wait3A_582] : memref<16x80x128xi32, #tpu.memory_space<hbm>> -> memref<1x80x128xi32, #tpu.memory_space<hbm>>
      %dma_wait3A_584 = tpu.memref_squeeze %dma_wait3A_583 : memref<1x80x128xi32, #tpu.memory_space<hbm>> -> memref<80x128xi32, #tpu.memory_space<hbm>>
      %dma_wait3A_585 = arith.constant 0 : i32
      %dma_wait3A_586 = tpu.memref_slice %dma_wait3A_584[%dma_wait3A_576, %dma_wait3A_585] : memref<80x128xi32, #tpu.memory_space<hbm>> -> memref<1x128xi32, #tpu.memory_space<hbm>>
      %dma_wait3A_587 = tpu.memref_squeeze %dma_wait3A_586 : memref<1x128xi32, #tpu.memory_space<hbm>> -> memref<128xi32, #tpu.memory_space<hbm>>
      %dma_wait3A_588 = arith.constant 0 : i32
      %dma_wait3A_589 = tpu.memref_slice %arg7[%dma_wait3A_577, %dma_wait3A_588] : memref<4x128xi32, #tpu.memory_space<vmem>> -> memref<1x128xi32, #tpu.memory_space<vmem>>
      %dma_wait3A_590 = tpu.memref_squeeze %dma_wait3A_589 : memref<1x128xi32, #tpu.memory_space<vmem>> -> memref<128xi32, #tpu.memory_space<vmem>>
      %dma_wait3A_591 = arith.constant 0 : i32
      %dma_wait3A_592 = arith.constant 0 : i32
      %dma_wait3A_593 = tpu.memref_slice %arg2[%arg1, %dma_wait3A_591, %dma_wait3A_592] : memref<16x80x128xi32, #tpu.memory_space<hbm>> -> memref<1x80x128xi32, #tpu.memory_space<hbm>>
      %dma_wait3A_594 = tpu.memref_squeeze %dma_wait3A_593 : memref<1x80x128xi32, #tpu.memory_space<hbm>> -> memref<80x128xi32, #tpu.memory_space<hbm>>
      %dma_wait3A_595 = arith.constant 0 : i32
      %dma_wait3A_596 = tpu.memref_slice %dma_wait3A_594[%dma_wait3A_576, %dma_wait3A_595] : memref<80x128xi32, #tpu.memory_space<hbm>> -> memref<1x128xi32, #tpu.memory_space<hbm>>
      %dma_wait3A_597 = tpu.memref_squeeze %dma_wait3A_596 : memref<1x128xi32, #tpu.memory_space<hbm>> -> memref<128xi32, #tpu.memory_space<hbm>>
      tpu.wait_dma2 semaphore(%arg14 : memref<!tpu.dma_semaphore, #tpu.memory_space<semaphore_mem>>) src(%dma_wait3A_597 : memref<128xi32, #tpu.memory_space<hbm>>) dst(%dma_wait3A_590 : memref<128xi32, #tpu.memory_space<vmem>>)
      %get3A_598 = arith.constant 3 : i32
      %get3A_599 = arith.index_cast %get3A_598 : i32 to index
      %get3A_600 = arith.constant 0 : index
      %get3A_601 = tpu.vector_load %arg7[%get3A_599, %get3A_600] {strides = array<i32>} : memref<4x128xi32, #tpu.memory_space<vmem>>, vector<1x16xi32>,
      %get3A_602 = vector.shape_cast %get3A_601 : vector<1x16xi32> to vector<16xi32>
      %add3A_603 = vector.broadcast %mul3A_3 : i32 to vector<16xi32>
      %add3A_604 = arith.addi %get3A_602, %add3A_603 : vector<16xi32>
      %swap3A_605 = arith.constant 3 : i32
      %swap3A_606 = arith.index_cast %swap3A_605 : i32 to index
      %swap3A_607 = arith.constant 0 : index
      %swap3A_608 = tpu.vector_load %arg7[%swap3A_606, %swap3A_607] {strides = array<i32>} : memref<4x128xi32, #tpu.memory_space<vmem>>, vector<1x16xi32>,
      %swap3A_609 = vector.shape_cast %swap3A_608 : vector<1x16xi32> to vector<16xi32>
      %swap3A_610 = vector.shape_cast %add3A_604 : vector<16xi32> to vector<1x16xi32>
      tpu.vector_store %arg7[%swap3A_606, %swap3A_607], %swap3A_610 {strides = array<i32>} : memref<4x128xi32, #tpu.memory_space<vmem>>, vector<1x16xi32>,
      %get3A_611 = arith.constant 3 : i32
      %get3A_612 = arith.index_cast %get3A_611 : i32 to index
      %get3A_613 = arith.constant 16 : index
      %get3A_614 = tpu.vector_load %arg7[%get3A_612, %get3A_613] {strides = array<i32>} : memref<4x128xi32, #tpu.memory_space<vmem>>, vector<1x16xi32>,
      %get3A_615 = vector.shape_cast %get3A_614 : vector<1x16xi32> to vector<16xi32>
      %add3A_616 = vector.broadcast %mul3A_3 : i32 to vector<16xi32>
      %add3A_617 = arith.addi %get3A_615, %add3A_616 : vector<16xi32>
      %swap3A_618 = arith.constant 3 : i32
      %swap3A_619 = arith.index_cast %swap3A_618 : i32 to index
      %swap3A_620 = arith.constant 16 : index
      %swap3A_621 = tpu.vector_load %arg7[%swap3A_619, %swap3A_620] {strides = array<i32>} : memref<4x128xi32, #tpu.memory_space<vmem>>, vector<1x16xi32>,
      %swap3A_622 = vector.shape_cast %swap3A_621 : vector<1x16xi32> to vector<16xi32>
      %swap3A_623 = vector.shape_cast %add3A_617 : vector<16xi32> to vector<1x16xi32>
      tpu.vector_store %arg7[%swap3A_619, %swap3A_620], %swap3A_623 {strides = array<i32>} : memref<4x128xi32, #tpu.memory_space<vmem>>, vector<1x16xi32>,
      %get3A_624 = arith.constant 3 : i32
      %get3A_625 = arith.index_cast %get3A_624 : i32 to index
      %get3A_626 = arith.constant 32 : index
      %get3A_627 = tpu.vector_load %arg7[%get3A_625, %get3A_626] {strides = array<i32>} : memref<4x128xi32, #tpu.memory_space<vmem>>, vector<1x16xi32>,
      %get3A_628 = vector.shape_cast %get3A_627 : vector<1x16xi32> to vector<16xi32>
      %add3A_629 = vector.broadcast %mul3A_3 : i32 to vector<16xi32>
      %add3A_630 = arith.addi %get3A_628, %add3A_629 : vector<16xi32>
      %swap3A_631 = arith.constant 3 : i32
      %swap3A_632 = arith.index_cast %swap3A_631 : i32 to index
      %swap3A_633 = arith.constant 32 : index
      %swap3A_634 = tpu.vector_load %arg7[%swap3A_632, %swap3A_633] {strides = array<i32>} : memref<4x128xi32, #tpu.memory_space<vmem>>, vector<1x16xi32>,
      %swap3A_635 = vector.shape_cast %swap3A_634 : vector<1x16xi32> to vector<16xi32>
      %swap3A_636 = vector.shape_cast %add3A_630 : vector<16xi32> to vector<1x16xi32>
      tpu.vector_store %arg7[%swap3A_632, %swap3A_633], %swap3A_636 {strides = array<i32>} : memref<4x128xi32, #tpu.memory_space<vmem>>, vector<1x16xi32>,
      %get3A_637 = arith.constant 3 : i32
      %get3A_638 = arith.index_cast %get3A_637 : i32 to index
      %get3A_639 = arith.constant 48 : index
      %get3A_640 = tpu.vector_load %arg7[%get3A_638, %get3A_639] {strides = array<i32>} : memref<4x128xi32, #tpu.memory_space<vmem>>, vector<1x16xi32>,
      %get3A_641 = vector.shape_cast %get3A_640 : vector<1x16xi32> to vector<16xi32>
      %add3A_642 = vector.broadcast %mul3A_3 : i32 to vector<16xi32>
      %add3A_643 = arith.addi %get3A_641, %add3A_642 : vector<16xi32>
      %swap3A_644 = arith.constant 3 : i32
      %swap3A_645 = arith.index_cast %swap3A_644 : i32 to index
      %swap3A_646 = arith.constant 48 : index
      %swap3A_647 = tpu.vector_load %arg7[%swap3A_645, %swap3A_646] {strides = array<i32>} : memref<4x128xi32, #tpu.memory_space<vmem>>, vector<1x16xi32>,
      %swap3A_648 = vector.shape_cast %swap3A_647 : vector<1x16xi32> to vector<16xi32>
      %swap3A_649 = vector.shape_cast %add3A_643 : vector<16xi32> to vector<1x16xi32>
      tpu.vector_store %arg7[%swap3A_645, %swap3A_646], %swap3A_649 {strides = array<i32>} : memref<4x128xi32, #tpu.memory_space<vmem>>, vector<1x16xi32>,
      %get3A_650 = arith.constant 3 : i32
      %get3A_651 = arith.index_cast %get3A_650 : i32 to index
      %get3A_652 = arith.constant 64 : index
      %get3A_653 = tpu.vector_load %arg7[%get3A_651, %get3A_652] {strides = array<i32>} : memref<4x128xi32, #tpu.memory_space<vmem>>, vector<1x16xi32>,
      %get3A_654 = vector.shape_cast %get3A_653 : vector<1x16xi32> to vector<16xi32>
      %add3A_655 = vector.broadcast %mul3A_3 : i32 to vector<16xi32>
      %add3A_656 = arith.addi %get3A_654, %add3A_655 : vector<16xi32>
      %swap3A_657 = arith.constant 3 : i32
      %swap3A_658 = arith.index_cast %swap3A_657 : i32 to index
      %swap3A_659 = arith.constant 64 : index
      %swap3A_660 = tpu.vector_load %arg7[%swap3A_658, %swap3A_659] {strides = array<i32>} : memref<4x128xi32, #tpu.memory_space<vmem>>, vector<1x16xi32>,
      %swap3A_661 = vector.shape_cast %swap3A_660 : vector<1x16xi32> to vector<16xi32>
      %swap3A_662 = vector.shape_cast %add3A_656 : vector<16xi32> to vector<1x16xi32>
      tpu.vector_store %arg7[%swap3A_658, %swap3A_659], %swap3A_662 {strides = array<i32>} : memref<4x128xi32, #tpu.memory_space<vmem>>, vector<1x16xi32>,
      %get3A_663 = arith.constant 3 : i32
      %get3A_664 = arith.index_cast %get3A_663 : i32 to index
      %get3A_665 = arith.constant 80 : index
      %get3A_666 = tpu.vector_load %arg7[%get3A_664, %get3A_665] {strides = array<i32>} : memref<4x128xi32, #tpu.memory_space<vmem>>, vector<1x16xi32>,
      %get3A_667 = vector.shape_cast %get3A_666 : vector<1x16xi32> to vector<16xi32>
      %add3A_668 = vector.broadcast %mul3A_3 : i32 to vector<16xi32>
      %add3A_669 = arith.addi %get3A_667, %add3A_668 : vector<16xi32>
      %swap3A_670 = arith.constant 3 : i32
      %swap3A_671 = arith.index_cast %swap3A_670 : i32 to index
      %swap3A_672 = arith.constant 80 : index
      %swap3A_673 = tpu.vector_load %arg7[%swap3A_671, %swap3A_672] {strides = array<i32>} : memref<4x128xi32, #tpu.memory_space<vmem>>, vector<1x16xi32>,
      %swap3A_674 = vector.shape_cast %swap3A_673 : vector<1x16xi32> to vector<16xi32>
      %swap3A_675 = vector.shape_cast %add3A_669 : vector<16xi32> to vector<1x16xi32>
      tpu.vector_store %arg7[%swap3A_671, %swap3A_672], %swap3A_675 {strides = array<i32>} : memref<4x128xi32, #tpu.memory_space<vmem>>, vector<1x16xi32>,
      %get3A_676 = arith.constant 3 : i32
      %get3A_677 = arith.index_cast %get3A_676 : i32 to index
      %get3A_678 = arith.constant 96 : index
      %get3A_679 = tpu.vector_load %arg7[%get3A_677, %get3A_678] {strides = array<i32>} : memref<4x128xi32, #tpu.memory_space<vmem>>, vector<1x16xi32>,
      %get3A_680 = vector.shape_cast %get3A_679 : vector<1x16xi32> to vector<16xi32>
      %add3A_681 = vector.broadcast %mul3A_3 : i32 to vector<16xi32>
      %add3A_682 = arith.addi %get3A_680, %add3A_681 : vector<16xi32>
      %swap3A_683 = arith.constant 3 : i32
      %swap3A_684 = arith.index_cast %swap3A_683 : i32 to index
      %swap3A_685 = arith.constant 96 : index
      %swap3A_686 = tpu.vector_load %arg7[%swap3A_684, %swap3A_685] {strides = array<i32>} : memref<4x128xi32, #tpu.memory_space<vmem>>, vector<1x16xi32>,
      %swap3A_687 = vector.shape_cast %swap3A_686 : vector<1x16xi32> to vector<16xi32>
      %swap3A_688 = vector.shape_cast %add3A_682 : vector<16xi32> to vector<1x16xi32>
      tpu.vector_store %arg7[%swap3A_684, %swap3A_685], %swap3A_688 {strides = array<i32>} : memref<4x128xi32, #tpu.memory_space<vmem>>, vector<1x16xi32>,
      %get3A_689 = arith.constant 3 : i32
      %get3A_690 = arith.index_cast %get3A_689 : i32 to index
      %get3A_691 = arith.constant 112 : index
      %get3A_692 = tpu.vector_load %arg7[%get3A_690, %get3A_691] {strides = array<i32>} : memref<4x128xi32, #tpu.memory_space<vmem>>, vector<1x16xi32>,
      %get3A_693 = vector.shape_cast %get3A_692 : vector<1x16xi32> to vector<16xi32>
      %add3A_694 = vector.broadcast %mul3A_3 : i32 to vector<16xi32>
      %add3A_695 = arith.addi %get3A_693, %add3A_694 : vector<16xi32>
      %swap3A_696 = arith.constant 3 : i32
      %swap3A_697 = arith.index_cast %swap3A_696 : i32 to index
      %swap3A_698 = arith.constant 112 : index
      %swap3A_699 = tpu.vector_load %arg7[%swap3A_697, %swap3A_698] {strides = array<i32>} : memref<4x128xi32, #tpu.memory_space<vmem>>, vector<1x16xi32>,
      %swap3A_700 = vector.shape_cast %swap3A_699 : vector<1x16xi32> to vector<16xi32>
      %swap3A_701 = vector.shape_cast %add3A_695 : vector<16xi32> to vector<1x16xi32>
      tpu.vector_store %arg7[%swap3A_697, %swap3A_698], %swap3A_701 {strides = array<i32>} : memref<4x128xi32, #tpu.memory_space<vmem>>, vector<1x16xi32>,
      %ge3A_702 = arith.constant 2 : i32
      %ge3A_703 = arith.cmpi sge, %add3A_575, %ge3A_702 : i32
      %convert_element_type3A_704 = arith.extui %ge3A_703 : i1 to i32
      %cond3A_705 = arith.constant 0 : i32
      %cond3A_706 = arith.cmpi ne, %convert_element_type3A_704, %cond3A_705 : i32
      scf.if %cond3A_706 {
        %dma_wait3A_726 = arith.constant 0 : i32
        %dma_wait3A_727 = arith.constant 0 : i32
        %dma_wait3A_728 = tpu.memref_slice %arg6[%dma_wait3A_726, %dma_wait3A_727] : memref<80x128xi32, #tpu.memory_space<vmem>> -> memref<1x128xi32, #tpu.memory_space<vmem>>
        %dma_wait3A_729 = tpu.memref_squeeze %dma_wait3A_728 : memref<1x128xi32, #tpu.memory_space<vmem>> -> memref<128xi32, #tpu.memory_space<vmem>>
        %dma_wait3A_730 = arith.constant 0 : i32
        %dma_wait3A_731 = arith.constant 0 : i32
        %dma_wait3A_732 = tpu.memref_slice %arg10[%dma_wait3A_730, %dma_wait3A_731] : memref<10240x128xf32, #tpu.memory_space<vmem_shared>> -> memref<10240x128xf32, #tpu.memory_space<vmem_shared>>
        tpu.wait_indirect_dma semaphore(%arg18 : memref<!tpu.dma_semaphore, #tpu.memory_space<semaphore_mem>>) src(%arg9 : memref<128x128xf32, #tpu.memory_space<vmem>>) dst(%dma_wait3A_732 : memref<10240x128xf32, #tpu.memory_space<vmem_shared>>)
      } else {
      }
      %dma_start3A_707 = arith.constant 3 : i32
      %dma_start3A_708 = arith.constant 0 : i32
      %dma_start3A_709 = tpu.memref_slice %arg7[%dma_start3A_707, %dma_start3A_708] : memref<4x128xi32, #tpu.memory_space<vmem>> -> memref<1x128xi32, #tpu.memory_space<vmem>>
      %dma_start3A_710 = tpu.memref_squeeze %dma_start3A_709 : memref<1x128xi32, #tpu.memory_space<vmem>> -> memref<128xi32, #tpu.memory_space<vmem>>
      %dma_start3A_711 = arith.constant 0 : i32
      %dma_start3A_712 = arith.constant 0 : i32
      %dma_start3A_713 = tpu.memref_slice %arg4[%dma_start3A_711, %dma_start3A_712] : memref<20480x128xf32, #tpu.memory_space<hbm>> -> memref<20480x128xf32, #tpu.memory_space<hbm>>
      tpu.enqueue_indirect_dma source(%dma_start3A_713 : memref<20480x128xf32, #tpu.memory_space<hbm>>) target(%arg9 : memref<128x128xf32, #tpu.memory_space<vmem>>) offsets(%dma_start3A_710 : memref<128xi32, #tpu.memory_space<vmem>>) semaphore(%arg16 : memref<!tpu.dma_semaphore, #tpu.memory_space<semaphore_mem>>)
      %ge3A_714 = arith.constant 1 : i32
      %ge3A_715 = arith.cmpi sge, %add3A_575, %ge3A_714 : i32
      %convert_element_type3A_716 = arith.extui %ge3A_715 : i1 to i32
      %cond3A_717 = arith.constant 0 : i32
      %cond3A_718 = arith.cmpi ne, %convert_element_type3A_716, %cond3A_717 : i32
      scf.if %cond3A_718 {
        %dma_wait3A_726 = arith.constant 3 : i32
        %dma_wait3A_727 = arith.constant 0 : i32
        %dma_wait3A_728 = tpu.memref_slice %arg7[%dma_wait3A_726, %dma_wait3A_727] : memref<4x128xi32, #tpu.memory_space<vmem>> -> memref<1x128xi32, #tpu.memory_space<vmem>>
        %dma_wait3A_729 = tpu.memref_squeeze %dma_wait3A_728 : memref<1x128xi32, #tpu.memory_space<vmem>> -> memref<128xi32, #tpu.memory_space<vmem>>
        %dma_wait3A_730 = arith.constant 0 : i32
        %dma_wait3A_731 = arith.constant 0 : i32
        %dma_wait3A_732 = tpu.memref_slice %arg4[%dma_wait3A_730, %dma_wait3A_731] : memref<20480x128xf32, #tpu.memory_space<hbm>> -> memref<20480x128xf32, #tpu.memory_space<hbm>>
        tpu.wait_indirect_dma semaphore(%arg15 : memref<!tpu.dma_semaphore, #tpu.memory_space<semaphore_mem>>) src(%dma_wait3A_732 : memref<20480x128xf32, #tpu.memory_space<hbm>>) dst(%arg8 : memref<128x128xf32, #tpu.memory_space<vmem>>)
        %sub3A = arith.constant 1 : i32
        %sub3A_733 = arith.subi %add3A_575, %sub3A : i32
        %dma_start3A_734 = arith.constant 0 : i32
        %dma_start3A_735 = tpu.memref_slice %arg6[%sub3A_733, %dma_start3A_734] : memref<80x128xi32, #tpu.memory_space<vmem>> -> memref<1x128xi32, #tpu.memory_space<vmem>>
        %dma_start3A_736 = tpu.memref_squeeze %dma_start3A_735 : memref<1x128xi32, #tpu.memory_space<vmem>> -> memref<128xi32, #tpu.memory_space<vmem>>
        %dma_start3A_737 = arith.constant 0 : i32
        %dma_start3A_738 = arith.constant 0 : i32
        %dma_start3A_739 = tpu.memref_slice %arg10[%dma_start3A_737, %dma_start3A_738] : memref<10240x128xf32, #tpu.memory_space<vmem_shared>> -> memref<10240x128xf32, #tpu.memory_space<vmem_shared>>
        tpu.enqueue_indirect_dma source(%arg8 : memref<128x128xf32, #tpu.memory_space<vmem>>) target(%dma_start3A_739 : memref<10240x128xf32, #tpu.memory_space<vmem_shared>>) offsets(%dma_start3A_736 : memref<128xi32, #tpu.memory_space<vmem>>) semaphore(%arg17 : memref<!tpu.dma_semaphore, #tpu.memory_space<semaphore_mem>>) {add = true}
      } else {
      }
      %add3A_719 = arith.constant 3 : i32
      %add3A_720 = arith.addi %add3A_575, %add3A_719 : i32
      %lt3A_721 = arith.constant 80 : i32
      %lt3A_722 = arith.cmpi slt, %add3A_720, %lt3A_721 : i32
      %convert_element_type3A_723 = arith.extui %lt3A_722 : i1 to i32
      %cond3A_724 = arith.constant 0 : i32
      %cond3A_725 = arith.cmpi ne, %convert_element_type3A_723, %cond3A_724 : i32
      scf.if %cond3A_725 {
        %add3A_726 = arith.constant 3 : i32
        %add3A_727 = arith.addi %add3A_575, %add3A_726 : i32
        %dma_start3A_728 = arith.constant 2 : i32
        %dma_start3A_729 = arith.constant 0 : i32
        %dma_start3A_730 = tpu.memref_slice %arg7[%dma_start3A_728, %dma_start3A_729] : memref<4x128xi32, #tpu.memory_space<vmem>> -> memref<1x128xi32, #tpu.memory_space<vmem>>
        %dma_start3A_731 = tpu.memref_squeeze %dma_start3A_730 : memref<1x128xi32, #tpu.memory_space<vmem>> -> memref<128xi32, #tpu.memory_space<vmem>>
        %dma_start3A_732 = arith.constant 0 : i32
        %dma_start3A_733 = arith.constant 0 : i32
        %dma_start3A_734 = tpu.memref_slice %arg2[%arg1, %dma_start3A_732, %dma_start3A_733] : memref<16x80x128xi32, #tpu.memory_space<hbm>> -> memref<1x80x128xi32, #tpu.memory_space<hbm>>
        %dma_start3A_735 = tpu.memref_squeeze %dma_start3A_734 : memref<1x80x128xi32, #tpu.memory_space<hbm>> -> memref<80x128xi32, #tpu.memory_space<hbm>>
        %dma_start3A_736 = arith.constant 0 : i32
        %dma_start3A_737 = tpu.memref_slice %dma_start3A_735[%add3A_727, %dma_start3A_736] : memref<80x128xi32, #tpu.memory_space<hbm>> -> memref<1x128xi32, #tpu.memory_space<hbm>>
        %dma_start3A_738 = tpu.memref_squeeze %dma_start3A_737 : memref<1x128xi32, #tpu.memory_space<hbm>> -> memref<128xi32, #tpu.memory_space<hbm>>
        %dma_start3A_739 = arith.constant 0 : i32
        %dma_start3A_740 = tpu.memref_slice %arg7[%dma_start3A_728, %dma_start3A_739] : memref<4x128xi32, #tpu.memory_space<vmem>> -> memref<1x128xi32, #tpu.memory_space<vmem>>
        %dma_start3A_741 = tpu.memref_squeeze %dma_start3A_740 : memref<1x128xi32, #tpu.memory_space<vmem>> -> memref<128xi32, #tpu.memory_space<vmem>>
        %dma_start3A_742 = arith.constant 0 : i32
        %dma_start3A_743 = arith.constant 0 : i32
        %dma_start3A_744 = tpu.memref_slice %arg2[%arg1, %dma_start3A_742, %dma_start3A_743] : memref<16x80x128xi32, #tpu.memory_space<hbm>> -> memref<1x80x128xi32, #tpu.memory_space<hbm>>
        %dma_start3A_745 = tpu.memref_squeeze %dma_start3A_744 : memref<1x80x128xi32, #tpu.memory_space<hbm>> -> memref<80x128xi32, #tpu.memory_space<hbm>>
        %dma_start3A_746 = arith.constant 0 : i32
        %dma_start3A_747 = tpu.memref_slice %dma_start3A_745[%add3A_727, %dma_start3A_746] : memref<80x128xi32, #tpu.memory_space<hbm>> -> memref<1x128xi32, #tpu.memory_space<hbm>>
        %dma_start3A_748 = tpu.memref_squeeze %dma_start3A_747 : memref<1x128xi32, #tpu.memory_space<hbm>> -> memref<128xi32, #tpu.memory_space<hbm>>
        tpu.enqueue_dma source(%dma_start3A_748 : memref<128xi32, #tpu.memory_space<hbm>>) target(%dma_start3A_741 : memref<128xi32, #tpu.memory_space<vmem>>) target_semaphore(%arg13 : memref<!tpu.dma_semaphore, #tpu.memory_space<semaphore_mem>>)
      } else {
      }
    }
    %scan3A_85 = arith.constant 20 : i32
    %dma_wait3A = arith.constant 3 : i32
    %dma_wait3A_86 = arith.constant 0 : i32
    %dma_wait3A_87 = tpu.memref_slice %arg7[%dma_wait3A, %dma_wait3A_86] : memref<4x128xi32, #tpu.memory_space<vmem>> -> memref<1x128xi32, #tpu.memory_space<vmem>>
    %dma_wait3A_88 = tpu.memref_squeeze %dma_wait3A_87 : memref<1x128xi32, #tpu.memory_space<vmem>> -> memref<128xi32, #tpu.memory_space<vmem>>
    %dma_wait3A_89 = arith.constant 0 : i32
    %dma_wait3A_90 = arith.constant 0 : i32
    %dma_wait3A_91 = tpu.memref_slice %arg4[%dma_wait3A_89, %dma_wait3A_90] : memref<20480x128xf32, #tpu.memory_space<hbm>> -> memref<20480x128xf32, #tpu.memory_space<hbm>>
    tpu.wait_indirect_dma semaphore(%arg16 : memref<!tpu.dma_semaphore, #tpu.memory_space<semaphore_mem>>) src(%dma_wait3A_91 : memref<20480x128xf32, #tpu.memory_space<hbm>>) dst(%arg9 : memref<128x128xf32, #tpu.memory_space<vmem>>)
    %dma_start3A_92 = arith.constant 79 : i32
    %dma_start3A_93 = arith.constant 0 : i32
    %dma_start3A_94 = tpu.memref_slice %arg6[%dma_start3A_92, %dma_start3A_93] : memref<80x128xi32, #tpu.memory_space<vmem>> -> memref<1x128xi32, #tpu.memory_space<vmem>>
    %dma_start3A_95 = tpu.memref_squeeze %dma_start3A_94 : memref<1x128xi32, #tpu.memory_space<vmem>> -> memref<128xi32, #tpu.memory_space<vmem>>
    %dma_start3A_96 = arith.constant 0 : i32
    %dma_start3A_97 = arith.constant 0 : i32
    %dma_start3A_98 = tpu.memref_slice %arg10[%dma_start3A_96, %dma_start3A_97] : memref<10240x128xf32, #tpu.memory_space<vmem_shared>> -> memref<10240x128xf32, #tpu.memory_space<vmem_shared>>
    tpu.enqueue_indirect_dma source(%arg9 : memref<128x128xf32, #tpu.memory_space<vmem>>) target(%dma_start3A_98 : memref<10240x128xf32, #tpu.memory_space<vmem_shared>>) offsets(%dma_start3A_95 : memref<128xi32, #tpu.memory_space<vmem>>) semaphore(%arg18 : memref<!tpu.dma_semaphore, #tpu.memory_space<semaphore_mem>>) {add = true}
    %dma_wait3A_99 = arith.constant 0 : i32
    %dma_wait3A_100 = arith.constant 0 : i32
    %dma_wait3A_101 = tpu.memref_slice %arg6[%dma_wait3A_99, %dma_wait3A_100] : memref<80x128xi32, #tpu.memory_space<vmem>> -> memref<1x128xi32, #tpu.memory_space<vmem>>
    %dma_wait3A_102 = tpu.memref_squeeze %dma_wait3A_101 : memref<1x128xi32, #tpu.memory_space<vmem>> -> memref<128xi32, #tpu.memory_space<vmem>>
    %dma_wait3A_103 = arith.constant 0 : i32
    %dma_wait3A_104 = arith.constant 0 : i32
    %dma_wait3A_105 = tpu.memref_slice %arg10[%dma_wait3A_103, %dma_wait3A_104] : memref<10240x128xf32, #tpu.memory_space<vmem_shared>> -> memref<10240x128xf32, #tpu.memory_space<vmem_shared>>
    tpu.wait_indirect_dma semaphore(%arg17 : memref<!tpu.dma_semaphore, #tpu.memory_space<semaphore_mem>>) src(%arg8 : memref<128x128xf32, #tpu.memory_space<vmem>>) dst(%dma_wait3A_105 : memref<10240x128xf32, #tpu.memory_space<vmem_shared>>)
    %dma_wait3A_106 = arith.constant 0 : i32
    %dma_wait3A_107 = arith.constant 0 : i32
    %dma_wait3A_108 = tpu.memref_slice %arg6[%dma_wait3A_106, %dma_wait3A_107] : memref<80x128xi32, #tpu.memory_space<vmem>> -> memref<1x128xi32, #tpu.memory_space<vmem>>
    %dma_wait3A_109 = tpu.memref_squeeze %dma_wait3A_108 : memref<1x128xi32, #tpu.memory_space<vmem>> -> memref<128xi32, #tpu.memory_space<vmem>>
    %dma_wait3A_110 = arith.constant 0 : i32
    %dma_wait3A_111 = arith.constant 0 : i32
    %dma_wait3A_112 = tpu.memref_slice %arg10[%dma_wait3A_110, %dma_wait3A_111] : memref<10240x128xf32, #tpu.memory_space<vmem_shared>> -> memref<10240x128xf32, #tpu.memory_space<vmem_shared>>
    tpu.wait_indirect_dma semaphore(%arg18 : memref<!tpu.dma_semaphore, #tpu.memory_space<semaphore_mem>>) src(%arg9 : memref<128x128xf32, #tpu.memory_space<vmem>>) dst(%dma_wait3A_112 : memref<10240x128xf32, #tpu.memory_space<vmem_shared>>)
    %barrier3A_113 = arith.constant 0 : index
    tpu.barrier barrier_id(%barrier3A_113)
    %mul3A_114 = arith.constant 640 : i32
    %mul3A_115 = arith.muli %arg1, %mul3A_114 : i32
    %mul3A_116 = arith.constant 10240 : i32
    %mul3A_117 = arith.muli %add3A_1, %mul3A_116 : i32
    %mul3A_118 = arith.constant 640 : i32
    %mul3A_119 = arith.muli %arg1, %mul3A_118 : i32
    %add3A_120 = arith.addi %mul3A_117, %mul3A_119 : i32
    "tpu.region"() ({
      %run_scoped3A = tpu.sem_alloc : memref<!tpu.dma_semaphore, #tpu.memory_space<semaphore_mem>>
      %dma_start3A_121 = arith.constant 0 : i32
      %dma_start3A_122 = tpu.memref_slice %arg5[%add3A_120, %dma_start3A_121] : memref<20480x128xf32, #tpu.memory_space<hbm>> -> memref<640x128xf32, #tpu.memory_space<hbm>>
      %dma_start3A_123 = arith.constant 0 : i32
      %dma_start3A_124 = tpu.memref_slice %arg10[%mul3A_115, %dma_start3A_123] : memref<10240x128xf32, #tpu.memory_space<vmem_shared>> -> memref<640x128xf32, #tpu.memory_space<vmem_shared>>
      tpu.enqueue_dma source(%dma_start3A_124 : memref<640x128xf32, #tpu.memory_space<vmem_shared>>) target(%dma_start3A_122 : memref<640x128xf32, #tpu.memory_space<hbm>>) target_semaphore(%run_scoped3A : memref<!tpu.dma_semaphore, #tpu.memory_space<semaphore_mem>>)
      %dma_wait3A_125 = arith.constant 0 : i32
      %dma_wait3A_126 = tpu.memref_slice %arg5[%add3A_120, %dma_wait3A_125] : memref<20480x128xf32, #tpu.memory_space<hbm>> -> memref<640x128xf32, #tpu.memory_space<hbm>>
      %dma_wait3A_127 = arith.constant 0 : i32
      %dma_wait3A_128 = tpu.memref_slice %arg10[%mul3A_115, %dma_wait3A_127] : memref<10240x128xf32, #tpu.memory_space<vmem_shared>> -> memref<640x128xf32, #tpu.memory_space<vmem_shared>>
      tpu.wait_dma2 semaphore(%run_scoped3A : memref<!tpu.dma_semaphore, #tpu.memory_space<semaphore_mem>>) src(%dma_wait3A_128 : memref<640x128xf32, #tpu.memory_space<vmem_shared>>) dst(%dma_wait3A_126 : memref<640x128xf32, #tpu.memory_space<hbm>>)
      tpu.yield
    }) : () -> ()
    return
  }
}

#map = affine_map<(d0, d1) -> (0, 0, 0)>
#map1 = affine_map<(d0, d1) -> (0, 0)>
module attributes {stable_mosaic.version = 14 : i64} {
  func.func @_sc_prop_body(%arg0: i32, %arg1: i32, %arg2: memref<16x80x128xi32, #tpu.memory_space<hbm>>, %arg3: memref<16x80x128xi32, #tpu.memory_space<hbm>>, %arg4: memref<40960x128xf32, #tpu.memory_space<hbm>>, %arg5: memref<40960x128xf32, #tpu.memory_space<hbm>>, %arg6: memref<80x128xi32, #tpu.memory_space<vmem>>, %arg7: memref<4x128xi32, #tpu.memory_space<vmem>>, %arg8: memref<128x128xf32, #tpu.memory_space<vmem>>, %arg9: memref<128x128xf32, #tpu.memory_space<vmem>>, %arg10: memref<10240x128xf32, #tpu.memory_space<vmem_shared>>, %arg11: memref<!tpu.dma_semaphore, #tpu.memory_space<semaphore_mem>>, %arg12: memref<!tpu.dma_semaphore, #tpu.memory_space<semaphore_mem>>, %arg13: memref<!tpu.dma_semaphore, #tpu.memory_space<semaphore_mem>>, %arg14: memref<!tpu.dma_semaphore, #tpu.memory_space<semaphore_mem>>, %arg15: memref<!tpu.dma_semaphore, #tpu.memory_space<semaphore_mem>>, %arg16: memref<!tpu.dma_semaphore, #tpu.memory_space<semaphore_mem>>, %arg17: memref<!tpu.dma_semaphore, #tpu.memory_space<semaphore_mem>>, %arg18: memref<!tpu.dma_semaphore, #tpu.memory_space<semaphore_mem>>) attributes {dimension_semantics = [#tpu.dimension_semantics<core_parallel>, #tpu.dimension_semantics<subcore_parallel>], iteration_bounds = array<i64: 2, 16>, scalar_prefetch = 0 : i64, scratch_operands = 13 : i64, tpu.core_type = #tpu.core_type<sc_vector_subcore>, window_params = [{transform_indices = #map}, {transform_indices = #map}, {transform_indices = #map1}, {transform_indices = #map1}]} {
    "tpu.region"() ({
      %run_scoped3A = tpu.sem_alloc : memref<!tpu.dma_semaphore, #tpu.memory_space<semaphore_mem>>
      %dma_start3A_248 = arith.constant 0 : i32
      %dma_start3A_249 = arith.constant 0 : i32
      %dma_start3A_250 = tpu.memref_slice %arg3[%arg1, %dma_start3A_248, %dma_start3A_249] : memref<16x80x128xi32, #tpu.memory_space<hbm>> -> memref<1x80x128xi32, #tpu.memory_space<hbm>>
      %dma_start3A_251 = tpu.memref_squeeze %dma_start3A_250 : memref<1x80x128xi32, #tpu.memory_space<hbm>> -> memref<80x128xi32, #tpu.memory_space<hbm>>
      %dma_start3A_252 = arith.constant 0 : i32
      %dma_start3A_253 = arith.constant 0 : i32
      %dma_start3A_254 = tpu.memref_slice %arg3[%arg1, %dma_start3A_252, %dma_start3A_253] : memref<16x80x128xi32, #tpu.memory_space<hbm>> -> memref<1x80x128xi32, #tpu.memory_space<hbm>>
      %dma_start3A_255 = tpu.memref_squeeze %dma_start3A_254 : memref<1x80x128xi32, #tpu.memory_space<hbm>> -> memref<80x128xi32, #tpu.memory_space<hbm>>
      tpu.enqueue_dma source(%dma_start3A_255 : memref<80x128xi32, #tpu.memory_space<hbm>>) target(%arg6 : memref<80x128xi32, #tpu.memory_space<vmem>>) target_semaphore(%run_scoped3A : memref<!tpu.dma_semaphore, #tpu.memory_space<semaphore_mem>>)
      %dma_wait3A_256 = arith.constant 0 : i32
      %dma_wait3A_257 = arith.constant 0 : i32
      %dma_wait3A_258 = tpu.memref_slice %arg3[%arg1, %dma_wait3A_256, %dma_wait3A_257] : memref<16x80x128xi32, #tpu.memory_space<hbm>> -> memref<1x80x128xi32, #tpu.memory_space<hbm>>
      %dma_wait3A_259 = tpu.memref_squeeze %dma_wait3A_258 : memref<1x80x128xi32, #tpu.memory_space<hbm>> -> memref<80x128xi32, #tpu.memory_space<hbm>>
      %dma_wait3A_260 = arith.constant 0 : i32
      %dma_wait3A_261 = arith.constant 0 : i32
      %dma_wait3A_262 = tpu.memref_slice %arg3[%arg1, %dma_wait3A_260, %dma_wait3A_261] : memref<16x80x128xi32, #tpu.memory_space<hbm>> -> memref<1x80x128xi32, #tpu.memory_space<hbm>>
      %dma_wait3A_263 = tpu.memref_squeeze %dma_wait3A_262 : memref<1x80x128xi32, #tpu.memory_space<hbm>> -> memref<80x128xi32, #tpu.memory_space<hbm>>
      tpu.wait_dma2 semaphore(%run_scoped3A : memref<!tpu.dma_semaphore, #tpu.memory_space<semaphore_mem>>) src(%dma_wait3A_263 : memref<80x128xi32, #tpu.memory_space<hbm>>) dst(%arg6 : memref<80x128xi32, #tpu.memory_space<vmem>>)
      tpu.yield
    }) : () -> ()
    %mul3A = arith.constant 2 : i32
    %mul3A_0 = arith.muli %mul3A, %arg0 : i32
    %add3A = arith.constant 0 : i32
    %add3A_1 = arith.addi %mul3A_0, %add3A : i32
    %mul3A_2 = arith.constant 10240 : i32
    %mul3A_3 = arith.muli %add3A_1, %mul3A_2 : i32
    %scan3A = arith.constant 0 : i32
    %scan3A_4 = arith.constant 0 : i32
    %scan3A_5 = arith.constant 128 : i32
    %scan3A_6 = arith.addi %scan3A_4, %scan3A_5 : i32
    %scan3A_7 = arith.constant 1 : i32
    scf.for %scan3A_248 = %scan3A_4 to %scan3A_6 step %scan3A_7  : i32 {
      %broadcast_in_dim3A = arith.constant 0.000000e+00 : f32
      %broadcast_in_dim3A_249 = vector.broadcast %broadcast_in_dim3A : f32 to vector<16xf32>
      %swap3A = arith.index_cast %scan3A_248 : i32 to index
      %swap3A_250 = arith.constant 0 : index
      %swap3A_251 = tpu.vector_load %arg8[%swap3A, %swap3A_250] {strides = array<i32>} : memref<128x128xf32, #tpu.memory_space<vmem>>, vector<1x16xf32>,
      %swap3A_252 = vector.shape_cast %swap3A_251 : vector<1x16xf32> to vector<16xf32>
      %swap3A_253 = vector.shape_cast %broadcast_in_dim3A_249 : vector<16xf32> to vector<1x16xf32>
      tpu.vector_store %arg8[%swap3A, %swap3A_250], %swap3A_253 {strides = array<i32>} : memref<128x128xf32, #tpu.memory_space<vmem>>, vector<1x16xf32>,
      %broadcast_in_dim3A_254 = arith.constant 0.000000e+00 : f32
      %broadcast_in_dim3A_255 = vector.broadcast %broadcast_in_dim3A_254 : f32 to vector<16xf32>
      %swap3A_256 = arith.index_cast %scan3A_248 : i32 to index
      %swap3A_257 = arith.constant 16 : index
      %swap3A_258 = tpu.vector_load %arg8[%swap3A_256, %swap3A_257] {strides = array<i32>} : memref<128x128xf32, #tpu.memory_space<vmem>>, vector<1x16xf32>,
      %swap3A_259 = vector.shape_cast %swap3A_258 : vector<1x16xf32> to vector<16xf32>
      %swap3A_260 = vector.shape_cast %broadcast_in_dim3A_255 : vector<16xf32> to vector<1x16xf32>
      tpu.vector_store %arg8[%swap3A_256, %swap3A_257], %swap3A_260 {strides = array<i32>} : memref<128x128xf32, #tpu.memory_space<vmem>>, vector<1x16xf32>,
      %broadcast_in_dim3A_261 = arith.constant 0.000000e+00 : f32
      %broadcast_in_dim3A_262 = vector.broadcast %broadcast_in_dim3A_261 : f32 to vector<16xf32>
      %swap3A_263 = arith.index_cast %scan3A_248 : i32 to index
      %swap3A_264 = arith.constant 32 : index
      %swap3A_265 = tpu.vector_load %arg8[%swap3A_263, %swap3A_264] {strides = array<i32>} : memref<128x128xf32, #tpu.memory_space<vmem>>, vector<1x16xf32>,
      %swap3A_266 = vector.shape_cast %swap3A_265 : vector<1x16xf32> to vector<16xf32>
      %swap3A_267 = vector.shape_cast %broadcast_in_dim3A_262 : vector<16xf32> to vector<1x16xf32>
      tpu.vector_store %arg8[%swap3A_263, %swap3A_264], %swap3A_267 {strides = array<i32>} : memref<128x128xf32, #tpu.memory_space<vmem>>, vector<1x16xf32>,
      %broadcast_in_dim3A_268 = arith.constant 0.000000e+00 : f32
      %broadcast_in_dim3A_269 = vector.broadcast %broadcast_in_dim3A_268 : f32 to vector<16xf32>
      %swap3A_270 = arith.index_cast %scan3A_248 : i32 to index
      %swap3A_271 = arith.constant 48 : index
      %swap3A_272 = tpu.vector_load %arg8[%swap3A_270, %swap3A_271] {strides = array<i32>} : memref<128x128xf32, #tpu.memory_space<vmem>>, vector<1x16xf32>,
      %swap3A_273 = vector.shape_cast %swap3A_272 : vector<1x16xf32> to vector<16xf32>
      %swap3A_274 = vector.shape_cast %broadcast_in_dim3A_269 : vector<16xf32> to vector<1x16xf32>
      tpu.vector_store %arg8[%swap3A_270, %swap3A_271], %swap3A_274 {strides = array<i32>} : memref<128x128xf32, #tpu.memory_space<vmem>>, vector<1x16xf32>,
      %broadcast_in_dim3A_275 = arith.constant 0.000000e+00 : f32
      %broadcast_in_dim3A_276 = vector.broadcast %broadcast_in_dim3A_275 : f32 to vector<16xf32>
      %swap3A_277 = arith.index_cast %scan3A_248 : i32 to index
      %swap3A_278 = arith.constant 64 : index
      %swap3A_279 = tpu.vector_load %arg8[%swap3A_277, %swap3A_278] {strides = array<i32>} : memref<128x128xf32, #tpu.memory_space<vmem>>, vector<1x16xf32>,
      %swap3A_280 = vector.shape_cast %swap3A_279 : vector<1x16xf32> to vector<16xf32>
      %swap3A_281 = vector.shape_cast %broadcast_in_dim3A_276 : vector<16xf32> to vector<1x16xf32>
      tpu.vector_store %arg8[%swap3A_277, %swap3A_278], %swap3A_281 {strides = array<i32>} : memref<128x128xf32, #tpu.memory_space<vmem>>, vector<1x16xf32>,
      %broadcast_in_dim3A_282 = arith.constant 0.000000e+00 : f32
      %broadcast_in_dim3A_283 = vector.broadcast %broadcast_in_dim3A_282 : f32 to vector<16xf32>
      %swap3A_284 = arith.index_cast %scan3A_248 : i32 to index
      %swap3A_285 = arith.constant 80 : index
      %swap3A_286 = tpu.vector_load %arg8[%swap3A_284, %swap3A_285] {strides = array<i32>} : memref<128x128xf32, #tpu.memory_space<vmem>>, vector<1x16xf32>,
      %swap3A_287 = vector.shape_cast %swap3A_286 : vector<1x16xf32> to vector<16xf32>
      %swap3A_288 = vector.shape_cast %broadcast_in_dim3A_283 : vector<16xf32> to vector<1x16xf32>
      tpu.vector_store %arg8[%swap3A_284, %swap3A_285], %swap3A_288 {strides = array<i32>} : memref<128x128xf32, #tpu.memory_space<vmem>>, vector<1x16xf32>,
      %broadcast_in_dim3A_289 = arith.constant 0.000000e+00 : f32
      %broadcast_in_dim3A_290 = vector.broadcast %broadcast_in_dim3A_289 : f32 to vector<16xf32>
      %swap3A_291 = arith.index_cast %scan3A_248 : i32 to index
      %swap3A_292 = arith.constant 96 : index
      %swap3A_293 = tpu.vector_load %arg8[%swap3A_291, %swap3A_292] {strides = array<i32>} : memref<128x128xf32, #tpu.memory_space<vmem>>, vector<1x16xf32>,
      %swap3A_294 = vector.shape_cast %swap3A_293 : vector<1x16xf32> to vector<16xf32>
      %swap3A_295 = vector.shape_cast %broadcast_in_dim3A_290 : vector<16xf32> to vector<1x16xf32>
      tpu.vector_store %arg8[%swap3A_291, %swap3A_292], %swap3A_295 {strides = array<i32>} : memref<128x128xf32, #tpu.memory_space<vmem>>, vector<1x16xf32>,
      %broadcast_in_dim3A_296 = arith.constant 0.000000e+00 : f32
      %broadcast_in_dim3A_297 = vector.broadcast %broadcast_in_dim3A_296 : f32 to vector<16xf32>
      %swap3A_298 = arith.index_cast %scan3A_248 : i32 to index
      %swap3A_299 = arith.constant 112 : index
      %swap3A_300 = tpu.vector_load %arg8[%swap3A_298, %swap3A_299] {strides = array<i32>} : memref<128x128xf32, #tpu.memory_space<vmem>>, vector<1x16xf32>,
      %swap3A_301 = vector.shape_cast %swap3A_300 : vector<1x16xf32> to vector<16xf32>
      %swap3A_302 = vector.shape_cast %broadcast_in_dim3A_297 : vector<16xf32> to vector<1x16xf32>
      tpu.vector_store %arg8[%swap3A_298, %swap3A_299], %swap3A_302 {strides = array<i32>} : memref<128x128xf32, #tpu.memory_space<vmem>>, vector<1x16xf32>,
    }
    %scan3A_8 = arith.constant 128 : i32
    %scan3A_9 = arith.constant 0 : i32
    %scan3A_10 = arith.constant 0 : i32
    %scan3A_11 = arith.constant 5 : i32
    %scan3A_12 = arith.addi %scan3A_10, %scan3A_11 : i32
    %scan3A_13 = arith.constant 1 : i32
    scf.for %scan3A_248 = %scan3A_10 to %scan3A_12 step %scan3A_13  : i32 {
      %mul3A_249 = arith.constant 640 : i32
      %mul3A_250 = arith.muli %arg1, %mul3A_249 : i32
      %mul3A_251 = arith.constant 128 : i32
      %mul3A_252 = arith.muli %scan3A_248, %mul3A_251 : i32
      %add3A_253 = arith.addi %mul3A_250, %mul3A_252 : i32
      "tpu.region"() ({
        %run_scoped3A = tpu.sem_alloc : memref<!tpu.dma_semaphore, #tpu.memory_space<semaphore_mem>>
        %dma_start3A_254 = arith.constant 0 : i32
        %dma_start3A_255 = tpu.memref_slice %arg10[%add3A_253, %dma_start3A_254] : memref<10240x128xf32, #tpu.memory_space<vmem_shared>> -> memref<128x128xf32, #tpu.memory_space<vmem_shared>>
        %dma_start3A_256 = arith.constant 0 : i32
        %dma_start3A_257 = tpu.memref_slice %arg10[%add3A_253, %dma_start3A_256] : memref<10240x128xf32, #tpu.memory_space<vmem_shared>> -> memref<128x128xf32, #tpu.memory_space<vmem_shared>>
        tpu.enqueue_dma source(%arg8 : memref<128x128xf32, #tpu.memory_space<vmem>>) target(%dma_start3A_257 : memref<128x128xf32, #tpu.memory_space<vmem_shared>>) target_semaphore(%run_scoped3A : memref<!tpu.dma_semaphore, #tpu.memory_space<semaphore_mem>>)
        %dma_wait3A_258 = arith.constant 0 : i32
        %dma_wait3A_259 = tpu.memref_slice %arg10[%add3A_253, %dma_wait3A_258] : memref<10240x128xf32, #tpu.memory_space<vmem_shared>> -> memref<128x128xf32, #tpu.memory_space<vmem_shared>>
        %dma_wait3A_260 = arith.constant 0 : i32
        %dma_wait3A_261 = tpu.memref_slice %arg10[%add3A_253, %dma_wait3A_260] : memref<10240x128xf32, #tpu.memory_space<vmem_shared>> -> memref<128x128xf32, #tpu.memory_space<vmem_shared>>
        tpu.wait_dma2 semaphore(%run_scoped3A : memref<!tpu.dma_semaphore, #tpu.memory_space<semaphore_mem>>) src(%arg8 : memref<128x128xf32, #tpu.memory_space<vmem>>) dst(%dma_wait3A_261 : memref<128x128xf32, #tpu.memory_space<vmem_shared>>)
        tpu.yield
      }) : () -> ()
    }
    %scan3A_14 = arith.constant 5 : i32
    %dma_start3A = arith.constant 0 : i32
    %dma_start3A_15 = arith.constant 0 : i32
    %dma_start3A_16 = arith.constant 0 : i32
    %dma_start3A_17 = tpu.memref_slice %arg7[%dma_start3A_15, %dma_start3A_16] : memref<4x128xi32, #tpu.memory_space<vmem>> -> memref<1x128xi32, #tpu.memory_space<vmem>>
    %dma_start3A_18 = tpu.memref_squeeze %dma_start3A_17 : memref<1x128xi32, #tpu.memory_space<vmem>> -> memref<128xi32, #tpu.memory_space<vmem>>
    %dma_start3A_19 = arith.constant 0 : i32
    %dma_start3A_20 = arith.constant 0 : i32
    %dma_start3A_21 = tpu.memref_slice %arg2[%arg1, %dma_start3A_19, %dma_start3A_20] : memref<16x80x128xi32, #tpu.memory_space<hbm>> -> memref<1x80x128xi32, #tpu.memory_space<hbm>>
    %dma_start3A_22 = tpu.memref_squeeze %dma_start3A_21 : memref<1x80x128xi32, #tpu.memory_space<hbm>> -> memref<80x128xi32, #tpu.memory_space<hbm>>
    %dma_start3A_23 = arith.constant 0 : i32
    %dma_start3A_24 = tpu.memref_slice %dma_start3A_22[%dma_start3A, %dma_start3A_23] : memref<80x128xi32, #tpu.memory_space<hbm>> -> memref<1x128xi32, #tpu.memory_space<hbm>>
    %dma_start3A_25 = tpu.memref_squeeze %dma_start3A_24 : memref<1x128xi32, #tpu.memory_space<hbm>> -> memref<128xi32, #tpu.memory_space<hbm>>
    %dma_start3A_26 = arith.constant 0 : i32
    %dma_start3A_27 = tpu.memref_slice %arg7[%dma_start3A_15, %dma_start3A_26] : memref<4x128xi32, #tpu.memory_space<vmem>> -> memref<1x128xi32, #tpu.memory_space<vmem>>
    %dma_start3A_28 = tpu.memref_squeeze %dma_start3A_27 : memref<1x128xi32, #tpu.memory_space<vmem>> -> memref<128xi32, #tpu.memory_space<vmem>>
    %dma_start3A_29 = arith.constant 0 : i32
    %dma_start3A_30 = arith.constant 0 : i32
    %dma_start3A_31 = tpu.memref_slice %arg2[%arg1, %dma_start3A_29, %dma_start3A_30] : memref<16x80x128xi32, #tpu.memory_space<hbm>> -> memref<1x80x128xi32, #tpu.memory_space<hbm>>
    %dma_start3A_32 = tpu.memref_squeeze %dma_start3A_31 : memref<1x80x128xi32, #tpu.memory_space<hbm>> -> memref<80x128xi32, #tpu.memory_space<hbm>>
    %dma_start3A_33 = arith.constant 0 : i32
    %dma_start3A_34 = tpu.memref_slice %dma_start3A_32[%dma_start3A, %dma_start3A_33] : memref<80x128xi32, #tpu.memory_space<hbm>> -> memref<1x128xi32, #tpu.memory_space<hbm>>
    %dma_start3A_35 = tpu.memref_squeeze %dma_start3A_34 : memref<1x128xi32, #tpu.memory_space<hbm>> -> memref<128xi32, #tpu.memory_space<hbm>>
    tpu.enqueue_dma source(%dma_start3A_35 : memref<128xi32, #tpu.memory_space<hbm>>) target(%dma_start3A_28 : memref<128xi32, #tpu.memory_space<vmem>>) target_semaphore(%arg11 : memref<!tpu.dma_semaphore, #tpu.memory_space<semaphore_mem>>)
    %dma_start3A_36 = arith.constant 1 : i32
    %dma_start3A_37 = arith.constant 1 : i32
    %dma_start3A_38 = arith.constant 0 : i32
    %dma_start3A_39 = tpu.memref_slice %arg7[%dma_start3A_37, %dma_start3A_38] : memref<4x128xi32, #tpu.memory_space<vmem>> -> memref<1x128xi32, #tpu.memory_space<vmem>>
    %dma_start3A_40 = tpu.memref_squeeze %dma_start3A_39 : memref<1x128xi32, #tpu.memory_space<vmem>> -> memref<128xi32, #tpu.memory_space<vmem>>
    %dma_start3A_41 = arith.constant 0 : i32
    %dma_start3A_42 = arith.constant 0 : i32
    %dma_start3A_43 = tpu.memref_slice %arg2[%arg1, %dma_start3A_41, %dma_start3A_42] : memref<16x80x128xi32, #tpu.memory_space<hbm>> -> memref<1x80x128xi32, #tpu.memory_space<hbm>>
    %dma_start3A_44 = tpu.memref_squeeze %dma_start3A_43 : memref<1x80x128xi32, #tpu.memory_space<hbm>> -> memref<80x128xi32, #tpu.memory_space<hbm>>
    %dma_start3A_45 = arith.constant 0 : i32
    %dma_start3A_46 = tpu.memref_slice %dma_start3A_44[%dma_start3A_36, %dma_start3A_45] : memref<80x128xi32, #tpu.memory_space<hbm>> -> memref<1x128xi32, #tpu.memory_space<hbm>>
    %dma_start3A_47 = tpu.memref_squeeze %dma_start3A_46 : memref<1x128xi32, #tpu.memory_space<hbm>> -> memref<128xi32, #tpu.memory_space<hbm>>
    %dma_start3A_48 = arith.constant 0 : i32
    %dma_start3A_49 = tpu.memref_slice %arg7[%dma_start3A_37, %dma_start3A_48] : memref<4x128xi32, #tpu.memory_space<vmem>> -> memref<1x128xi32, #tpu.memory_space<vmem>>
    %dma_start3A_50 = tpu.memref_squeeze %dma_start3A_49 : memref<1x128xi32, #tpu.memory_space<vmem>> -> memref<128xi32, #tpu.memory_space<vmem>>
    %dma_start3A_51 = arith.constant 0 : i32
    %dma_start3A_52 = arith.constant 0 : i32
    %dma_start3A_53 = tpu.memref_slice %arg2[%arg1, %dma_start3A_51, %dma_start3A_52] : memref<16x80x128xi32, #tpu.memory_space<hbm>> -> memref<1x80x128xi32, #tpu.memory_space<hbm>>
    %dma_start3A_54 = tpu.memref_squeeze %dma_start3A_53 : memref<1x80x128xi32, #tpu.memory_space<hbm>> -> memref<80x128xi32, #tpu.memory_space<hbm>>
    %dma_start3A_55 = arith.constant 0 : i32
    %dma_start3A_56 = tpu.memref_slice %dma_start3A_54[%dma_start3A_36, %dma_start3A_55] : memref<80x128xi32, #tpu.memory_space<hbm>> -> memref<1x128xi32, #tpu.memory_space<hbm>>
    %dma_start3A_57 = tpu.memref_squeeze %dma_start3A_56 : memref<1x128xi32, #tpu.memory_space<hbm>> -> memref<128xi32, #tpu.memory_space<hbm>>
    tpu.enqueue_dma source(%dma_start3A_57 : memref<128xi32, #tpu.memory_space<hbm>>) target(%dma_start3A_50 : memref<128xi32, #tpu.memory_space<vmem>>) target_semaphore(%arg12 : memref<!tpu.dma_semaphore, #tpu.memory_space<semaphore_mem>>)
    %dma_start3A_58 = arith.constant 2 : i32
    %dma_start3A_59 = arith.constant 2 : i32
    %dma_start3A_60 = arith.constant 0 : i32
    %dma_start3A_61 = tpu.memref_slice %arg7[%dma_start3A_59, %dma_start3A_60] : memref<4x128xi32, #tpu.memory_space<vmem>> -> memref<1x128xi32, #tpu.memory_space<vmem>>
    %dma_start3A_62 = tpu.memref_squeeze %dma_start3A_61 : memref<1x128xi32, #tpu.memory_space<vmem>> -> memref<128xi32, #tpu.memory_space<vmem>>
    %dma_start3A_63 = arith.constant 0 : i32
    %dma_start3A_64 = arith.constant 0 : i32
    %dma_start3A_65 = tpu.memref_slice %arg2[%arg1, %dma_start3A_63, %dma_start3A_64] : memref<16x80x128xi32, #tpu.memory_space<hbm>> -> memref<1x80x128xi32, #tpu.memory_space<hbm>>
    %dma_start3A_66 = tpu.memref_squeeze %dma_start3A_65 : memref<1x80x128xi32, #tpu.memory_space<hbm>> -> memref<80x128xi32, #tpu.memory_space<hbm>>
    %dma_start3A_67 = arith.constant 0 : i32
    %dma_start3A_68 = tpu.memref_slice %dma_start3A_66[%dma_start3A_58, %dma_start3A_67] : memref<80x128xi32, #tpu.memory_space<hbm>> -> memref<1x128xi32, #tpu.memory_space<hbm>>
    %dma_start3A_69 = tpu.memref_squeeze %dma_start3A_68 : memref<1x128xi32, #tpu.memory_space<hbm>> -> memref<128xi32, #tpu.memory_space<hbm>>
    %dma_start3A_70 = arith.constant 0 : i32
    %dma_start3A_71 = tpu.memref_slice %arg7[%dma_start3A_59, %dma_start3A_70] : memref<4x128xi32, #tpu.memory_space<vmem>> -> memref<1x128xi32, #tpu.memory_space<vmem>>
    %dma_start3A_72 = tpu.memref_squeeze %dma_start3A_71 : memref<1x128xi32, #tpu.memory_space<vmem>> -> memref<128xi32, #tpu.memory_space<vmem>>
    %dma_start3A_73 = arith.constant 0 : i32
    %dma_start3A_74 = arith.constant 0 : i32
    %dma_start3A_75 = tpu.memref_slice %arg2[%arg1, %dma_start3A_73, %dma_start3A_74] : memref<16x80x128xi32, #tpu.memory_space<hbm>> -> memref<1x80x128xi32, #tpu.memory_space<hbm>>
    %dma_start3A_76 = tpu.memref_squeeze %dma_start3A_75 : memref<1x80x128xi32, #tpu.memory_space<hbm>> -> memref<80x128xi32, #tpu.memory_space<hbm>>
    %dma_start3A_77 = arith.constant 0 : i32
    %dma_start3A_78 = tpu.memref_slice %dma_start3A_76[%dma_start3A_58, %dma_start3A_77] : memref<80x128xi32, #tpu.memory_space<hbm>> -> memref<1x128xi32, #tpu.memory_space<hbm>>
    %dma_start3A_79 = tpu.memref_squeeze %dma_start3A_78 : memref<1x128xi32, #tpu.memory_space<hbm>> -> memref<128xi32, #tpu.memory_space<hbm>>
    tpu.enqueue_dma source(%dma_start3A_79 : memref<128xi32, #tpu.memory_space<hbm>>) target(%dma_start3A_72 : memref<128xi32, #tpu.memory_space<vmem>>) target_semaphore(%arg13 : memref<!tpu.dma_semaphore, #tpu.memory_space<semaphore_mem>>)
    %barrier3A = arith.constant 0 : index
    tpu.barrier barrier_id(%barrier3A)
    %scan3A_80 = arith.constant 0 : i32
    %scan3A_81 = arith.constant 0 : i32
    %scan3A_82 = arith.constant 20 : i32
    %scan3A_83 = arith.addi %scan3A_81, %scan3A_82 : i32
    %scan3A_84 = arith.constant 1 : i32
    scf.for %scan3A_248 = %scan3A_81 to %scan3A_83 step %scan3A_84  : i32 {
      %mul3A_249 = arith.constant 4 : i32
      %mul3A_250 = arith.muli %mul3A_249, %scan3A_248 : i32
      %add3A_251 = arith.constant 0 : i32
      %add3A_252 = arith.addi %mul3A_250, %add3A_251 : i32
      %dma_wait3A_253 = arith.constant 0 : i32
      %dma_wait3A_254 = arith.constant 0 : i32
      %dma_wait3A_255 = arith.constant 0 : i32
      %dma_wait3A_256 = tpu.memref_slice %arg7[%dma_wait3A_254, %dma_wait3A_255] : memref<4x128xi32, #tpu.memory_space<vmem>> -> memref<1x128xi32, #tpu.memory_space<vmem>>
      %dma_wait3A_257 = tpu.memref_squeeze %dma_wait3A_256 : memref<1x128xi32, #tpu.memory_space<vmem>> -> memref<128xi32, #tpu.memory_space<vmem>>
      %dma_wait3A_258 = arith.constant 0 : i32
      %dma_wait3A_259 = arith.constant 0 : i32
      %dma_wait3A_260 = tpu.memref_slice %arg2[%arg1, %dma_wait3A_258, %dma_wait3A_259] : memref<16x80x128xi32, #tpu.memory_space<hbm>> -> memref<1x80x128xi32, #tpu.memory_space<hbm>>
      %dma_wait3A_261 = tpu.memref_squeeze %dma_wait3A_260 : memref<1x80x128xi32, #tpu.memory_space<hbm>> -> memref<80x128xi32, #tpu.memory_space<hbm>>
      %dma_wait3A_262 = arith.constant 0 : i32
      %dma_wait3A_263 = tpu.memref_slice %dma_wait3A_261[%dma_wait3A_253, %dma_wait3A_262] : memref<80x128xi32, #tpu.memory_space<hbm>> -> memref<1x128xi32, #tpu.memory_space<hbm>>
      %dma_wait3A_264 = tpu.memref_squeeze %dma_wait3A_263 : memref<1x128xi32, #tpu.memory_space<hbm>> -> memref<128xi32, #tpu.memory_space<hbm>>
      %dma_wait3A_265 = arith.constant 0 : i32
      %dma_wait3A_266 = tpu.memref_slice %arg7[%dma_wait3A_254, %dma_wait3A_265] : memref<4x128xi32, #tpu.memory_space<vmem>> -> memref<1x128xi32, #tpu.memory_space<vmem>>
      %dma_wait3A_267 = tpu.memref_squeeze %dma_wait3A_266 : memref<1x128xi32, #tpu.memory_space<vmem>> -> memref<128xi32, #tpu.memory_space<vmem>>
      %dma_wait3A_268 = arith.constant 0 : i32
      %dma_wait3A_269 = arith.constant 0 : i32
      %dma_wait3A_270 = tpu.memref_slice %arg2[%arg1, %dma_wait3A_268, %dma_wait3A_269] : memref<16x80x128xi32, #tpu.memory_space<hbm>> -> memref<1x80x128xi32, #tpu.memory_space<hbm>>
      %dma_wait3A_271 = tpu.memref_squeeze %dma_wait3A_270 : memref<1x80x128xi32, #tpu.memory_space<hbm>> -> memref<80x128xi32, #tpu.memory_space<hbm>>
      %dma_wait3A_272 = arith.constant 0 : i32
      %dma_wait3A_273 = tpu.memref_slice %dma_wait3A_271[%dma_wait3A_253, %dma_wait3A_272] : memref<80x128xi32, #tpu.memory_space<hbm>> -> memref<1x128xi32, #tpu.memory_space<hbm>>
      %dma_wait3A_274 = tpu.memref_squeeze %dma_wait3A_273 : memref<1x128xi32, #tpu.memory_space<hbm>> -> memref<128xi32, #tpu.memory_space<hbm>>
      tpu.wait_dma2 semaphore(%arg11 : memref<!tpu.dma_semaphore, #tpu.memory_space<semaphore_mem>>) src(%dma_wait3A_274 : memref<128xi32, #tpu.memory_space<hbm>>) dst(%dma_wait3A_267 : memref<128xi32, #tpu.memory_space<vmem>>)
      %get3A = arith.constant 0 : i32
      %get3A_275 = arith.index_cast %get3A : i32 to index
      %get3A_276 = arith.constant 0 : index
      %get3A_277 = tpu.vector_load %arg7[%get3A_275, %get3A_276] {strides = array<i32>} : memref<4x128xi32, #tpu.memory_space<vmem>>, vector<1x16xi32>,
      %get3A_278 = vector.shape_cast %get3A_277 : vector<1x16xi32> to vector<16xi32>
      %add3A_279 = vector.broadcast %mul3A_3 : i32 to vector<16xi32>
      %add3A_280 = arith.addi %get3A_278, %add3A_279 : vector<16xi32>
      %swap3A = arith.constant 0 : i32
      %swap3A_281 = arith.index_cast %swap3A : i32 to index
      %swap3A_282 = arith.constant 0 : index
      %swap3A_283 = tpu.vector_load %arg7[%swap3A_281, %swap3A_282] {strides = array<i32>} : memref<4x128xi32, #tpu.memory_space<vmem>>, vector<1x16xi32>,
      %swap3A_284 = vector.shape_cast %swap3A_283 : vector<1x16xi32> to vector<16xi32>
      %swap3A_285 = vector.shape_cast %add3A_280 : vector<16xi32> to vector<1x16xi32>
      tpu.vector_store %arg7[%swap3A_281, %swap3A_282], %swap3A_285 {strides = array<i32>} : memref<4x128xi32, #tpu.memory_space<vmem>>, vector<1x16xi32>,
      %get3A_286 = arith.constant 0 : i32
      %get3A_287 = arith.index_cast %get3A_286 : i32 to index
      %get3A_288 = arith.constant 16 : index
      %get3A_289 = tpu.vector_load %arg7[%get3A_287, %get3A_288] {strides = array<i32>} : memref<4x128xi32, #tpu.memory_space<vmem>>, vector<1x16xi32>,
      %get3A_290 = vector.shape_cast %get3A_289 : vector<1x16xi32> to vector<16xi32>
      %add3A_291 = vector.broadcast %mul3A_3 : i32 to vector<16xi32>
      %add3A_292 = arith.addi %get3A_290, %add3A_291 : vector<16xi32>
      %swap3A_293 = arith.constant 0 : i32
      %swap3A_294 = arith.index_cast %swap3A_293 : i32 to index
      %swap3A_295 = arith.constant 16 : index
      %swap3A_296 = tpu.vector_load %arg7[%swap3A_294, %swap3A_295] {strides = array<i32>} : memref<4x128xi32, #tpu.memory_space<vmem>>, vector<1x16xi32>,
      %swap3A_297 = vector.shape_cast %swap3A_296 : vector<1x16xi32> to vector<16xi32>
      %swap3A_298 = vector.shape_cast %add3A_292 : vector<16xi32> to vector<1x16xi32>
      tpu.vector_store %arg7[%swap3A_294, %swap3A_295], %swap3A_298 {strides = array<i32>} : memref<4x128xi32, #tpu.memory_space<vmem>>, vector<1x16xi32>,
      %get3A_299 = arith.constant 0 : i32
      %get3A_300 = arith.index_cast %get3A_299 : i32 to index
      %get3A_301 = arith.constant 32 : index
      %get3A_302 = tpu.vector_load %arg7[%get3A_300, %get3A_301] {strides = array<i32>} : memref<4x128xi32, #tpu.memory_space<vmem>>, vector<1x16xi32>,
      %get3A_303 = vector.shape_cast %get3A_302 : vector<1x16xi32> to vector<16xi32>
      %add3A_304 = vector.broadcast %mul3A_3 : i32 to vector<16xi32>
      %add3A_305 = arith.addi %get3A_303, %add3A_304 : vector<16xi32>
      %swap3A_306 = arith.constant 0 : i32
      %swap3A_307 = arith.index_cast %swap3A_306 : i32 to index
      %swap3A_308 = arith.constant 32 : index
      %swap3A_309 = tpu.vector_load %arg7[%swap3A_307, %swap3A_308] {strides = array<i32>} : memref<4x128xi32, #tpu.memory_space<vmem>>, vector<1x16xi32>,
      %swap3A_310 = vector.shape_cast %swap3A_309 : vector<1x16xi32> to vector<16xi32>
      %swap3A_311 = vector.shape_cast %add3A_305 : vector<16xi32> to vector<1x16xi32>
      tpu.vector_store %arg7[%swap3A_307, %swap3A_308], %swap3A_311 {strides = array<i32>} : memref<4x128xi32, #tpu.memory_space<vmem>>, vector<1x16xi32>,
      %get3A_312 = arith.constant 0 : i32
      %get3A_313 = arith.index_cast %get3A_312 : i32 to index
      %get3A_314 = arith.constant 48 : index
      %get3A_315 = tpu.vector_load %arg7[%get3A_313, %get3A_314] {strides = array<i32>} : memref<4x128xi32, #tpu.memory_space<vmem>>, vector<1x16xi32>,
      %get3A_316 = vector.shape_cast %get3A_315 : vector<1x16xi32> to vector<16xi32>
      %add3A_317 = vector.broadcast %mul3A_3 : i32 to vector<16xi32>
      %add3A_318 = arith.addi %get3A_316, %add3A_317 : vector<16xi32>
      %swap3A_319 = arith.constant 0 : i32
      %swap3A_320 = arith.index_cast %swap3A_319 : i32 to index
      %swap3A_321 = arith.constant 48 : index
      %swap3A_322 = tpu.vector_load %arg7[%swap3A_320, %swap3A_321] {strides = array<i32>} : memref<4x128xi32, #tpu.memory_space<vmem>>, vector<1x16xi32>,
      %swap3A_323 = vector.shape_cast %swap3A_322 : vector<1x16xi32> to vector<16xi32>
      %swap3A_324 = vector.shape_cast %add3A_318 : vector<16xi32> to vector<1x16xi32>
      tpu.vector_store %arg7[%swap3A_320, %swap3A_321], %swap3A_324 {strides = array<i32>} : memref<4x128xi32, #tpu.memory_space<vmem>>, vector<1x16xi32>,
      %get3A_325 = arith.constant 0 : i32
      %get3A_326 = arith.index_cast %get3A_325 : i32 to index
      %get3A_327 = arith.constant 64 : index
      %get3A_328 = tpu.vector_load %arg7[%get3A_326, %get3A_327] {strides = array<i32>} : memref<4x128xi32, #tpu.memory_space<vmem>>, vector<1x16xi32>,
      %get3A_329 = vector.shape_cast %get3A_328 : vector<1x16xi32> to vector<16xi32>
      %add3A_330 = vector.broadcast %mul3A_3 : i32 to vector<16xi32>
      %add3A_331 = arith.addi %get3A_329, %add3A_330 : vector<16xi32>
      %swap3A_332 = arith.constant 0 : i32
      %swap3A_333 = arith.index_cast %swap3A_332 : i32 to index
      %swap3A_334 = arith.constant 64 : index
      %swap3A_335 = tpu.vector_load %arg7[%swap3A_333, %swap3A_334] {strides = array<i32>} : memref<4x128xi32, #tpu.memory_space<vmem>>, vector<1x16xi32>,
      %swap3A_336 = vector.shape_cast %swap3A_335 : vector<1x16xi32> to vector<16xi32>
      %swap3A_337 = vector.shape_cast %add3A_331 : vector<16xi32> to vector<1x16xi32>
      tpu.vector_store %arg7[%swap3A_333, %swap3A_334], %swap3A_337 {strides = array<i32>} : memref<4x128xi32, #tpu.memory_space<vmem>>, vector<1x16xi32>,
      %get3A_338 = arith.constant 0 : i32
      %get3A_339 = arith.index_cast %get3A_338 : i32 to index
      %get3A_340 = arith.constant 80 : index
      %get3A_341 = tpu.vector_load %arg7[%get3A_339, %get3A_340] {strides = array<i32>} : memref<4x128xi32, #tpu.memory_space<vmem>>, vector<1x16xi32>,
      %get3A_342 = vector.shape_cast %get3A_341 : vector<1x16xi32> to vector<16xi32>
      %add3A_343 = vector.broadcast %mul3A_3 : i32 to vector<16xi32>
      %add3A_344 = arith.addi %get3A_342, %add3A_343 : vector<16xi32>
      %swap3A_345 = arith.constant 0 : i32
      %swap3A_346 = arith.index_cast %swap3A_345 : i32 to index
      %swap3A_347 = arith.constant 80 : index
      %swap3A_348 = tpu.vector_load %arg7[%swap3A_346, %swap3A_347] {strides = array<i32>} : memref<4x128xi32, #tpu.memory_space<vmem>>, vector<1x16xi32>,
      %swap3A_349 = vector.shape_cast %swap3A_348 : vector<1x16xi32> to vector<16xi32>
      %swap3A_350 = vector.shape_cast %add3A_344 : vector<16xi32> to vector<1x16xi32>
      tpu.vector_store %arg7[%swap3A_346, %swap3A_347], %swap3A_350 {strides = array<i32>} : memref<4x128xi32, #tpu.memory_space<vmem>>, vector<1x16xi32>,
      %get3A_351 = arith.constant 0 : i32
      %get3A_352 = arith.index_cast %get3A_351 : i32 to index
      %get3A_353 = arith.constant 96 : index
      %get3A_354 = tpu.vector_load %arg7[%get3A_352, %get3A_353] {strides = array<i32>} : memref<4x128xi32, #tpu.memory_space<vmem>>, vector<1x16xi32>,
      %get3A_355 = vector.shape_cast %get3A_354 : vector<1x16xi32> to vector<16xi32>
      %add3A_356 = vector.broadcast %mul3A_3 : i32 to vector<16xi32>
      %add3A_357 = arith.addi %get3A_355, %add3A_356 : vector<16xi32>
      %swap3A_358 = arith.constant 0 : i32
      %swap3A_359 = arith.index_cast %swap3A_358 : i32 to index
      %swap3A_360 = arith.constant 96 : index
      %swap3A_361 = tpu.vector_load %arg7[%swap3A_359, %swap3A_360] {strides = array<i32>} : memref<4x128xi32, #tpu.memory_space<vmem>>, vector<1x16xi32>,
      %swap3A_362 = vector.shape_cast %swap3A_361 : vector<1x16xi32> to vector<16xi32>
      %swap3A_363 = vector.shape_cast %add3A_357 : vector<16xi32> to vector<1x16xi32>
      tpu.vector_store %arg7[%swap3A_359, %swap3A_360], %swap3A_363 {strides = array<i32>} : memref<4x128xi32, #tpu.memory_space<vmem>>, vector<1x16xi32>,
      %get3A_364 = arith.constant 0 : i32
      %get3A_365 = arith.index_cast %get3A_364 : i32 to index
      %get3A_366 = arith.constant 112 : index
      %get3A_367 = tpu.vector_load %arg7[%get3A_365, %get3A_366] {strides = array<i32>} : memref<4x128xi32, #tpu.memory_space<vmem>>, vector<1x16xi32>,
      %get3A_368 = vector.shape_cast %get3A_367 : vector<1x16xi32> to vector<16xi32>
      %add3A_369 = vector.broadcast %mul3A_3 : i32 to vector<16xi32>
      %add3A_370 = arith.addi %get3A_368, %add3A_369 : vector<16xi32>
      %swap3A_371 = arith.constant 0 : i32
      %swap3A_372 = arith.index_cast %swap3A_371 : i32 to index
      %swap3A_373 = arith.constant 112 : index
      %swap3A_374 = tpu.vector_load %arg7[%swap3A_372, %swap3A_373] {strides = array<i32>} : memref<4x128xi32, #tpu.memory_space<vmem>>, vector<1x16xi32>,
      %swap3A_375 = vector.shape_cast %swap3A_374 : vector<1x16xi32> to vector<16xi32>
      %swap3A_376 = vector.shape_cast %add3A_370 : vector<16xi32> to vector<1x16xi32>
      tpu.vector_store %arg7[%swap3A_372, %swap3A_373], %swap3A_376 {strides = array<i32>} : memref<4x128xi32, #tpu.memory_space<vmem>>, vector<1x16xi32>,
      %ge3A = arith.constant 2 : i32
      %ge3A_377 = arith.cmpi sge, %add3A_252, %ge3A : i32
      %convert_element_type3A = arith.extui %ge3A_377 : i1 to i32
      %cond3A = arith.constant 0 : i32
      %cond3A_378 = arith.cmpi ne, %convert_element_type3A, %cond3A : i32
      scf.if %cond3A_378 {
        %dma_wait3A_853 = arith.constant 0 : i32
        %dma_wait3A_854 = arith.constant 0 : i32
        %dma_wait3A_855 = tpu.memref_slice %arg6[%dma_wait3A_853, %dma_wait3A_854] : memref<80x128xi32, #tpu.memory_space<vmem>> -> memref<1x128xi32, #tpu.memory_space<vmem>>
        %dma_wait3A_856 = tpu.memref_squeeze %dma_wait3A_855 : memref<1x128xi32, #tpu.memory_space<vmem>> -> memref<128xi32, #tpu.memory_space<vmem>>
        %dma_wait3A_857 = arith.constant 0 : i32
        %dma_wait3A_858 = arith.constant 0 : i32
        %dma_wait3A_859 = tpu.memref_slice %arg10[%dma_wait3A_857, %dma_wait3A_858] : memref<10240x128xf32, #tpu.memory_space<vmem_shared>> -> memref<10240x128xf32, #tpu.memory_space<vmem_shared>>
        tpu.wait_indirect_dma semaphore(%arg17 : memref<!tpu.dma_semaphore, #tpu.memory_space<semaphore_mem>>) src(%arg8 : memref<128x128xf32, #tpu.memory_space<vmem>>) dst(%dma_wait3A_859 : memref<10240x128xf32, #tpu.memory_space<vmem_shared>>)
      } else {
      }
      %dma_start3A_379 = arith.constant 0 : i32
      %dma_start3A_380 = arith.constant 0 : i32
      %dma_start3A_381 = tpu.memref_slice %arg7[%dma_start3A_379, %dma_start3A_380] : memref<4x128xi32, #tpu.memory_space<vmem>> -> memref<1x128xi32, #tpu.memory_space<vmem>>
      %dma_start3A_382 = tpu.memref_squeeze %dma_start3A_381 : memref<1x128xi32, #tpu.memory_space<vmem>> -> memref<128xi32, #tpu.memory_space<vmem>>
      %dma_start3A_383 = arith.constant 0 : i32
      %dma_start3A_384 = arith.constant 0 : i32
      %dma_start3A_385 = tpu.memref_slice %arg4[%dma_start3A_383, %dma_start3A_384] : memref<40960x128xf32, #tpu.memory_space<hbm>> -> memref<40960x128xf32, #tpu.memory_space<hbm>>
      tpu.enqueue_indirect_dma source(%dma_start3A_385 : memref<40960x128xf32, #tpu.memory_space<hbm>>) target(%arg8 : memref<128x128xf32, #tpu.memory_space<vmem>>) offsets(%dma_start3A_382 : memref<128xi32, #tpu.memory_space<vmem>>) semaphore(%arg15 : memref<!tpu.dma_semaphore, #tpu.memory_space<semaphore_mem>>)
      %ge3A_386 = arith.constant 1 : i32
      %ge3A_387 = arith.cmpi sge, %add3A_252, %ge3A_386 : i32
      %convert_element_type3A_388 = arith.extui %ge3A_387 : i1 to i32
      %cond3A_389 = arith.constant 0 : i32
      %cond3A_390 = arith.cmpi ne, %convert_element_type3A_388, %cond3A_389 : i32
      scf.if %cond3A_390 {
        %dma_wait3A_853 = arith.constant 0 : i32
        %dma_wait3A_854 = arith.constant 0 : i32
        %dma_wait3A_855 = tpu.memref_slice %arg7[%dma_wait3A_853, %dma_wait3A_854] : memref<4x128xi32, #tpu.memory_space<vmem>> -> memref<1x128xi32, #tpu.memory_space<vmem>>
        %dma_wait3A_856 = tpu.memref_squeeze %dma_wait3A_855 : memref<1x128xi32, #tpu.memory_space<vmem>> -> memref<128xi32, #tpu.memory_space<vmem>>
        %dma_wait3A_857 = arith.constant 0 : i32
        %dma_wait3A_858 = arith.constant 0 : i32
        %dma_wait3A_859 = tpu.memref_slice %arg4[%dma_wait3A_857, %dma_wait3A_858] : memref<40960x128xf32, #tpu.memory_space<hbm>> -> memref<40960x128xf32, #tpu.memory_space<hbm>>
        tpu.wait_indirect_dma semaphore(%arg16 : memref<!tpu.dma_semaphore, #tpu.memory_space<semaphore_mem>>) src(%dma_wait3A_859 : memref<40960x128xf32, #tpu.memory_space<hbm>>) dst(%arg9 : memref<128x128xf32, #tpu.memory_space<vmem>>)
        %sub3A = arith.constant 1 : i32
        %sub3A_860 = arith.subi %add3A_252, %sub3A : i32
        %dma_start3A_861 = arith.constant 0 : i32
        %dma_start3A_862 = tpu.memref_slice %arg6[%sub3A_860, %dma_start3A_861] : memref<80x128xi32, #tpu.memory_space<vmem>> -> memref<1x128xi32, #tpu.memory_space<vmem>>
        %dma_start3A_863 = tpu.memref_squeeze %dma_start3A_862 : memref<1x128xi32, #tpu.memory_space<vmem>> -> memref<128xi32, #tpu.memory_space<vmem>>
        %dma_start3A_864 = arith.constant 0 : i32
        %dma_start3A_865 = arith.constant 0 : i32
        %dma_start3A_866 = tpu.memref_slice %arg10[%dma_start3A_864, %dma_start3A_865] : memref<10240x128xf32, #tpu.memory_space<vmem_shared>> -> memref<10240x128xf32, #tpu.memory_space<vmem_shared>>
        tpu.enqueue_indirect_dma source(%arg9 : memref<128x128xf32, #tpu.memory_space<vmem>>) target(%dma_start3A_866 : memref<10240x128xf32, #tpu.memory_space<vmem_shared>>) offsets(%dma_start3A_863 : memref<128xi32, #tpu.memory_space<vmem>>) semaphore(%arg18 : memref<!tpu.dma_semaphore, #tpu.memory_space<semaphore_mem>>) {add = true}
      } else {
      }
      %add3A_391 = arith.constant 3 : i32
      %add3A_392 = arith.addi %add3A_252, %add3A_391 : i32
      %lt3A = arith.constant 80 : i32
      %lt3A_393 = arith.cmpi slt, %add3A_392, %lt3A : i32
      %convert_element_type3A_394 = arith.extui %lt3A_393 : i1 to i32
      %cond3A_395 = arith.constant 0 : i32
      %cond3A_396 = arith.cmpi ne, %convert_element_type3A_394, %cond3A_395 : i32
      scf.if %cond3A_396 {
        %add3A_853 = arith.constant 3 : i32
        %add3A_854 = arith.addi %add3A_252, %add3A_853 : i32
        %dma_start3A_855 = arith.constant 3 : i32
        %dma_start3A_856 = arith.constant 0 : i32
        %dma_start3A_857 = tpu.memref_slice %arg7[%dma_start3A_855, %dma_start3A_856] : memref<4x128xi32, #tpu.memory_space<vmem>> -> memref<1x128xi32, #tpu.memory_space<vmem>>
        %dma_start3A_858 = tpu.memref_squeeze %dma_start3A_857 : memref<1x128xi32, #tpu.memory_space<vmem>> -> memref<128xi32, #tpu.memory_space<vmem>>
        %dma_start3A_859 = arith.constant 0 : i32
        %dma_start3A_860 = arith.constant 0 : i32
        %dma_start3A_861 = tpu.memref_slice %arg2[%arg1, %dma_start3A_859, %dma_start3A_860] : memref<16x80x128xi32, #tpu.memory_space<hbm>> -> memref<1x80x128xi32, #tpu.memory_space<hbm>>
        %dma_start3A_862 = tpu.memref_squeeze %dma_start3A_861 : memref<1x80x128xi32, #tpu.memory_space<hbm>> -> memref<80x128xi32, #tpu.memory_space<hbm>>
        %dma_start3A_863 = arith.constant 0 : i32
        %dma_start3A_864 = tpu.memref_slice %dma_start3A_862[%add3A_854, %dma_start3A_863] : memref<80x128xi32, #tpu.memory_space<hbm>> -> memref<1x128xi32, #tpu.memory_space<hbm>>
        %dma_start3A_865 = tpu.memref_squeeze %dma_start3A_864 : memref<1x128xi32, #tpu.memory_space<hbm>> -> memref<128xi32, #tpu.memory_space<hbm>>
        %dma_start3A_866 = arith.constant 0 : i32
        %dma_start3A_867 = tpu.memref_slice %arg7[%dma_start3A_855, %dma_start3A_866] : memref<4x128xi32, #tpu.memory_space<vmem>> -> memref<1x128xi32, #tpu.memory_space<vmem>>
        %dma_start3A_868 = tpu.memref_squeeze %dma_start3A_867 : memref<1x128xi32, #tpu.memory_space<vmem>> -> memref<128xi32, #tpu.memory_space<vmem>>
        %dma_start3A_869 = arith.constant 0 : i32
        %dma_start3A_870 = arith.constant 0 : i32
        %dma_start3A_871 = tpu.memref_slice %arg2[%arg1, %dma_start3A_869, %dma_start3A_870] : memref<16x80x128xi32, #tpu.memory_space<hbm>> -> memref<1x80x128xi32, #tpu.memory_space<hbm>>
        %dma_start3A_872 = tpu.memref_squeeze %dma_start3A_871 : memref<1x80x128xi32, #tpu.memory_space<hbm>> -> memref<80x128xi32, #tpu.memory_space<hbm>>
        %dma_start3A_873 = arith.constant 0 : i32
        %dma_start3A_874 = tpu.memref_slice %dma_start3A_872[%add3A_854, %dma_start3A_873] : memref<80x128xi32, #tpu.memory_space<hbm>> -> memref<1x128xi32, #tpu.memory_space<hbm>>
        %dma_start3A_875 = tpu.memref_squeeze %dma_start3A_874 : memref<1x128xi32, #tpu.memory_space<hbm>> -> memref<128xi32, #tpu.memory_space<hbm>>
        tpu.enqueue_dma source(%dma_start3A_875 : memref<128xi32, #tpu.memory_space<hbm>>) target(%dma_start3A_868 : memref<128xi32, #tpu.memory_space<vmem>>) target_semaphore(%arg14 : memref<!tpu.dma_semaphore, #tpu.memory_space<semaphore_mem>>)
      } else {
      }
      %add3A_397 = arith.constant 1 : i32
      %add3A_398 = arith.addi %mul3A_250, %add3A_397 : i32
      %dma_wait3A_399 = arith.constant 0 : i32
      %dma_wait3A_400 = arith.constant 1 : i32
      %dma_wait3A_401 = arith.constant 0 : i32
      %dma_wait3A_402 = tpu.memref_slice %arg7[%dma_wait3A_400, %dma_wait3A_401] : memref<4x128xi32, #tpu.memory_space<vmem>> -> memref<1x128xi32, #tpu.memory_space<vmem>>
      %dma_wait3A_403 = tpu.memref_squeeze %dma_wait3A_402 : memref<1x128xi32, #tpu.memory_space<vmem>> -> memref<128xi32, #tpu.memory_space<vmem>>
      %dma_wait3A_404 = arith.constant 0 : i32
      %dma_wait3A_405 = arith.constant 0 : i32
      %dma_wait3A_406 = tpu.memref_slice %arg2[%arg1, %dma_wait3A_404, %dma_wait3A_405] : memref<16x80x128xi32, #tpu.memory_space<hbm>> -> memref<1x80x128xi32, #tpu.memory_space<hbm>>
      %dma_wait3A_407 = tpu.memref_squeeze %dma_wait3A_406 : memref<1x80x128xi32, #tpu.memory_space<hbm>> -> memref<80x128xi32, #tpu.memory_space<hbm>>
      %dma_wait3A_408 = arith.constant 0 : i32
      %dma_wait3A_409 = tpu.memref_slice %dma_wait3A_407[%dma_wait3A_399, %dma_wait3A_408] : memref<80x128xi32, #tpu.memory_space<hbm>> -> memref<1x128xi32, #tpu.memory_space<hbm>>
      %dma_wait3A_410 = tpu.memref_squeeze %dma_wait3A_409 : memref<1x128xi32, #tpu.memory_space<hbm>> -> memref<128xi32, #tpu.memory_space<hbm>>
      %dma_wait3A_411 = arith.constant 0 : i32
      %dma_wait3A_412 = tpu.memref_slice %arg7[%dma_wait3A_400, %dma_wait3A_411] : memref<4x128xi32, #tpu.memory_space<vmem>> -> memref<1x128xi32, #tpu.memory_space<vmem>>
      %dma_wait3A_413 = tpu.memref_squeeze %dma_wait3A_412 : memref<1x128xi32, #tpu.memory_space<vmem>> -> memref<128xi32, #tpu.memory_space<vmem>>
      %dma_wait3A_414 = arith.constant 0 : i32
      %dma_wait3A_415 = arith.constant 0 : i32
      %dma_wait3A_416 = tpu.memref_slice %arg2[%arg1, %dma_wait3A_414, %dma_wait3A_415] : memref<16x80x128xi32, #tpu.memory_space<hbm>> -> memref<1x80x128xi32, #tpu.memory_space<hbm>>
      %dma_wait3A_417 = tpu.memref_squeeze %dma_wait3A_416 : memref<1x80x128xi32, #tpu.memory_space<hbm>> -> memref<80x128xi32, #tpu.memory_space<hbm>>
      %dma_wait3A_418 = arith.constant 0 : i32
      %dma_wait3A_419 = tpu.memref_slice %dma_wait3A_417[%dma_wait3A_399, %dma_wait3A_418] : memref<80x128xi32, #tpu.memory_space<hbm>> -> memref<1x128xi32, #tpu.memory_space<hbm>>
      %dma_wait3A_420 = tpu.memref_squeeze %dma_wait3A_419 : memref<1x128xi32, #tpu.memory_space<hbm>> -> memref<128xi32, #tpu.memory_space<hbm>>
      tpu.wait_dma2 semaphore(%arg12 : memref<!tpu.dma_semaphore, #tpu.memory_space<semaphore_mem>>) src(%dma_wait3A_420 : memref<128xi32, #tpu.memory_space<hbm>>) dst(%dma_wait3A_413 : memref<128xi32, #tpu.memory_space<vmem>>)
      %get3A_421 = arith.constant 1 : i32
      %get3A_422 = arith.index_cast %get3A_421 : i32 to index
      %get3A_423 = arith.constant 0 : index
      %get3A_424 = tpu.vector_load %arg7[%get3A_422, %get3A_423] {strides = array<i32>} : memref<4x128xi32, #tpu.memory_space<vmem>>, vector<1x16xi32>,
      %get3A_425 = vector.shape_cast %get3A_424 : vector<1x16xi32> to vector<16xi32>
      %add3A_426 = vector.broadcast %mul3A_3 : i32 to vector<16xi32>
      %add3A_427 = arith.addi %get3A_425, %add3A_426 : vector<16xi32>
      %swap3A_428 = arith.constant 1 : i32
      %swap3A_429 = arith.index_cast %swap3A_428 : i32 to index
      %swap3A_430 = arith.constant 0 : index
      %swap3A_431 = tpu.vector_load %arg7[%swap3A_429, %swap3A_430] {strides = array<i32>} : memref<4x128xi32, #tpu.memory_space<vmem>>, vector<1x16xi32>,
      %swap3A_432 = vector.shape_cast %swap3A_431 : vector<1x16xi32> to vector<16xi32>
      %swap3A_433 = vector.shape_cast %add3A_427 : vector<16xi32> to vector<1x16xi32>
      tpu.vector_store %arg7[%swap3A_429, %swap3A_430], %swap3A_433 {strides = array<i32>} : memref<4x128xi32, #tpu.memory_space<vmem>>, vector<1x16xi32>,
      %get3A_434 = arith.constant 1 : i32
      %get3A_435 = arith.index_cast %get3A_434 : i32 to index
      %get3A_436 = arith.constant 16 : index
      %get3A_437 = tpu.vector_load %arg7[%get3A_435, %get3A_436] {strides = array<i32>} : memref<4x128xi32, #tpu.memory_space<vmem>>, vector<1x16xi32>,
      %get3A_438 = vector.shape_cast %get3A_437 : vector<1x16xi32> to vector<16xi32>
      %add3A_439 = vector.broadcast %mul3A_3 : i32 to vector<16xi32>
      %add3A_440 = arith.addi %get3A_438, %add3A_439 : vector<16xi32>
      %swap3A_441 = arith.constant 1 : i32
      %swap3A_442 = arith.index_cast %swap3A_441 : i32 to index
      %swap3A_443 = arith.constant 16 : index
      %swap3A_444 = tpu.vector_load %arg7[%swap3A_442, %swap3A_443] {strides = array<i32>} : memref<4x128xi32, #tpu.memory_space<vmem>>, vector<1x16xi32>,
      %swap3A_445 = vector.shape_cast %swap3A_444 : vector<1x16xi32> to vector<16xi32>
      %swap3A_446 = vector.shape_cast %add3A_440 : vector<16xi32> to vector<1x16xi32>
      tpu.vector_store %arg7[%swap3A_442, %swap3A_443], %swap3A_446 {strides = array<i32>} : memref<4x128xi32, #tpu.memory_space<vmem>>, vector<1x16xi32>,
      %get3A_447 = arith.constant 1 : i32
      %get3A_448 = arith.index_cast %get3A_447 : i32 to index
      %get3A_449 = arith.constant 32 : index
      %get3A_450 = tpu.vector_load %arg7[%get3A_448, %get3A_449] {strides = array<i32>} : memref<4x128xi32, #tpu.memory_space<vmem>>, vector<1x16xi32>,
      %get3A_451 = vector.shape_cast %get3A_450 : vector<1x16xi32> to vector<16xi32>
      %add3A_452 = vector.broadcast %mul3A_3 : i32 to vector<16xi32>
      %add3A_453 = arith.addi %get3A_451, %add3A_452 : vector<16xi32>
      %swap3A_454 = arith.constant 1 : i32
      %swap3A_455 = arith.index_cast %swap3A_454 : i32 to index
      %swap3A_456 = arith.constant 32 : index
      %swap3A_457 = tpu.vector_load %arg7[%swap3A_455, %swap3A_456] {strides = array<i32>} : memref<4x128xi32, #tpu.memory_space<vmem>>, vector<1x16xi32>,
      %swap3A_458 = vector.shape_cast %swap3A_457 : vector<1x16xi32> to vector<16xi32>
      %swap3A_459 = vector.shape_cast %add3A_453 : vector<16xi32> to vector<1x16xi32>
      tpu.vector_store %arg7[%swap3A_455, %swap3A_456], %swap3A_459 {strides = array<i32>} : memref<4x128xi32, #tpu.memory_space<vmem>>, vector<1x16xi32>,
      %get3A_460 = arith.constant 1 : i32
      %get3A_461 = arith.index_cast %get3A_460 : i32 to index
      %get3A_462 = arith.constant 48 : index
      %get3A_463 = tpu.vector_load %arg7[%get3A_461, %get3A_462] {strides = array<i32>} : memref<4x128xi32, #tpu.memory_space<vmem>>, vector<1x16xi32>,
      %get3A_464 = vector.shape_cast %get3A_463 : vector<1x16xi32> to vector<16xi32>
      %add3A_465 = vector.broadcast %mul3A_3 : i32 to vector<16xi32>
      %add3A_466 = arith.addi %get3A_464, %add3A_465 : vector<16xi32>
      %swap3A_467 = arith.constant 1 : i32
      %swap3A_468 = arith.index_cast %swap3A_467 : i32 to index
      %swap3A_469 = arith.constant 48 : index
      %swap3A_470 = tpu.vector_load %arg7[%swap3A_468, %swap3A_469] {strides = array<i32>} : memref<4x128xi32, #tpu.memory_space<vmem>>, vector<1x16xi32>,
      %swap3A_471 = vector.shape_cast %swap3A_470 : vector<1x16xi32> to vector<16xi32>
      %swap3A_472 = vector.shape_cast %add3A_466 : vector<16xi32> to vector<1x16xi32>
      tpu.vector_store %arg7[%swap3A_468, %swap3A_469], %swap3A_472 {strides = array<i32>} : memref<4x128xi32, #tpu.memory_space<vmem>>, vector<1x16xi32>,
      %get3A_473 = arith.constant 1 : i32
      %get3A_474 = arith.index_cast %get3A_473 : i32 to index
      %get3A_475 = arith.constant 64 : index
      %get3A_476 = tpu.vector_load %arg7[%get3A_474, %get3A_475] {strides = array<i32>} : memref<4x128xi32, #tpu.memory_space<vmem>>, vector<1x16xi32>,
      %get3A_477 = vector.shape_cast %get3A_476 : vector<1x16xi32> to vector<16xi32>
      %add3A_478 = vector.broadcast %mul3A_3 : i32 to vector<16xi32>
      %add3A_479 = arith.addi %get3A_477, %add3A_478 : vector<16xi32>
      %swap3A_480 = arith.constant 1 : i32
      %swap3A_481 = arith.index_cast %swap3A_480 : i32 to index
      %swap3A_482 = arith.constant 64 : index
      %swap3A_483 = tpu.vector_load %arg7[%swap3A_481, %swap3A_482] {strides = array<i32>} : memref<4x128xi32, #tpu.memory_space<vmem>>, vector<1x16xi32>,
      %swap3A_484 = vector.shape_cast %swap3A_483 : vector<1x16xi32> to vector<16xi32>
      %swap3A_485 = vector.shape_cast %add3A_479 : vector<16xi32> to vector<1x16xi32>
      tpu.vector_store %arg7[%swap3A_481, %swap3A_482], %swap3A_485 {strides = array<i32>} : memref<4x128xi32, #tpu.memory_space<vmem>>, vector<1x16xi32>,
      %get3A_486 = arith.constant 1 : i32
      %get3A_487 = arith.index_cast %get3A_486 : i32 to index
      %get3A_488 = arith.constant 80 : index
      %get3A_489 = tpu.vector_load %arg7[%get3A_487, %get3A_488] {strides = array<i32>} : memref<4x128xi32, #tpu.memory_space<vmem>>, vector<1x16xi32>,
      %get3A_490 = vector.shape_cast %get3A_489 : vector<1x16xi32> to vector<16xi32>
      %add3A_491 = vector.broadcast %mul3A_3 : i32 to vector<16xi32>
      %add3A_492 = arith.addi %get3A_490, %add3A_491 : vector<16xi32>
      %swap3A_493 = arith.constant 1 : i32
      %swap3A_494 = arith.index_cast %swap3A_493 : i32 to index
      %swap3A_495 = arith.constant 80 : index
      %swap3A_496 = tpu.vector_load %arg7[%swap3A_494, %swap3A_495] {strides = array<i32>} : memref<4x128xi32, #tpu.memory_space<vmem>>, vector<1x16xi32>,
      %swap3A_497 = vector.shape_cast %swap3A_496 : vector<1x16xi32> to vector<16xi32>
      %swap3A_498 = vector.shape_cast %add3A_492 : vector<16xi32> to vector<1x16xi32>
      tpu.vector_store %arg7[%swap3A_494, %swap3A_495], %swap3A_498 {strides = array<i32>} : memref<4x128xi32, #tpu.memory_space<vmem>>, vector<1x16xi32>,
      %get3A_499 = arith.constant 1 : i32
      %get3A_500 = arith.index_cast %get3A_499 : i32 to index
      %get3A_501 = arith.constant 96 : index
      %get3A_502 = tpu.vector_load %arg7[%get3A_500, %get3A_501] {strides = array<i32>} : memref<4x128xi32, #tpu.memory_space<vmem>>, vector<1x16xi32>,
      %get3A_503 = vector.shape_cast %get3A_502 : vector<1x16xi32> to vector<16xi32>
      %add3A_504 = vector.broadcast %mul3A_3 : i32 to vector<16xi32>
      %add3A_505 = arith.addi %get3A_503, %add3A_504 : vector<16xi32>
      %swap3A_506 = arith.constant 1 : i32
      %swap3A_507 = arith.index_cast %swap3A_506 : i32 to index
      %swap3A_508 = arith.constant 96 : index
      %swap3A_509 = tpu.vector_load %arg7[%swap3A_507, %swap3A_508] {strides = array<i32>} : memref<4x128xi32, #tpu.memory_space<vmem>>, vector<1x16xi32>,
      %swap3A_510 = vector.shape_cast %swap3A_509 : vector<1x16xi32> to vector<16xi32>
      %swap3A_511 = vector.shape_cast %add3A_505 : vector<16xi32> to vector<1x16xi32>
      tpu.vector_store %arg7[%swap3A_507, %swap3A_508], %swap3A_511 {strides = array<i32>} : memref<4x128xi32, #tpu.memory_space<vmem>>, vector<1x16xi32>,
      %get3A_512 = arith.constant 1 : i32
      %get3A_513 = arith.index_cast %get3A_512 : i32 to index
      %get3A_514 = arith.constant 112 : index
      %get3A_515 = tpu.vector_load %arg7[%get3A_513, %get3A_514] {strides = array<i32>} : memref<4x128xi32, #tpu.memory_space<vmem>>, vector<1x16xi32>,
      %get3A_516 = vector.shape_cast %get3A_515 : vector<1x16xi32> to vector<16xi32>
      %add3A_517 = vector.broadcast %mul3A_3 : i32 to vector<16xi32>
      %add3A_518 = arith.addi %get3A_516, %add3A_517 : vector<16xi32>
      %swap3A_519 = arith.constant 1 : i32
      %swap3A_520 = arith.index_cast %swap3A_519 : i32 to index
      %swap3A_521 = arith.constant 112 : index
      %swap3A_522 = tpu.vector_load %arg7[%swap3A_520, %swap3A_521] {strides = array<i32>} : memref<4x128xi32, #tpu.memory_space<vmem>>, vector<1x16xi32>,
      %swap3A_523 = vector.shape_cast %swap3A_522 : vector<1x16xi32> to vector<16xi32>
      %swap3A_524 = vector.shape_cast %add3A_518 : vector<16xi32> to vector<1x16xi32>
      tpu.vector_store %arg7[%swap3A_520, %swap3A_521], %swap3A_524 {strides = array<i32>} : memref<4x128xi32, #tpu.memory_space<vmem>>, vector<1x16xi32>,
      %ge3A_525 = arith.constant 2 : i32
      %ge3A_526 = arith.cmpi sge, %add3A_398, %ge3A_525 : i32
      %convert_element_type3A_527 = arith.extui %ge3A_526 : i1 to i32
      %cond3A_528 = arith.constant 0 : i32
      %cond3A_529 = arith.cmpi ne, %convert_element_type3A_527, %cond3A_528 : i32
      scf.if %cond3A_529 {
        %dma_wait3A_853 = arith.constant 0 : i32
        %dma_wait3A_854 = arith.constant 0 : i32
        %dma_wait3A_855 = tpu.memref_slice %arg6[%dma_wait3A_853, %dma_wait3A_854] : memref<80x128xi32, #tpu.memory_space<vmem>> -> memref<1x128xi32, #tpu.memory_space<vmem>>
        %dma_wait3A_856 = tpu.memref_squeeze %dma_wait3A_855 : memref<1x128xi32, #tpu.memory_space<vmem>> -> memref<128xi32, #tpu.memory_space<vmem>>
        %dma_wait3A_857 = arith.constant 0 : i32
        %dma_wait3A_858 = arith.constant 0 : i32
        %dma_wait3A_859 = tpu.memref_slice %arg10[%dma_wait3A_857, %dma_wait3A_858] : memref<10240x128xf32, #tpu.memory_space<vmem_shared>> -> memref<10240x128xf32, #tpu.memory_space<vmem_shared>>
        tpu.wait_indirect_dma semaphore(%arg18 : memref<!tpu.dma_semaphore, #tpu.memory_space<semaphore_mem>>) src(%arg9 : memref<128x128xf32, #tpu.memory_space<vmem>>) dst(%dma_wait3A_859 : memref<10240x128xf32, #tpu.memory_space<vmem_shared>>)
      } else {
      }
      %dma_start3A_530 = arith.constant 1 : i32
      %dma_start3A_531 = arith.constant 0 : i32
      %dma_start3A_532 = tpu.memref_slice %arg7[%dma_start3A_530, %dma_start3A_531] : memref<4x128xi32, #tpu.memory_space<vmem>> -> memref<1x128xi32, #tpu.memory_space<vmem>>
      %dma_start3A_533 = tpu.memref_squeeze %dma_start3A_532 : memref<1x128xi32, #tpu.memory_space<vmem>> -> memref<128xi32, #tpu.memory_space<vmem>>
      %dma_start3A_534 = arith.constant 0 : i32
      %dma_start3A_535 = arith.constant 0 : i32
      %dma_start3A_536 = tpu.memref_slice %arg4[%dma_start3A_534, %dma_start3A_535] : memref<40960x128xf32, #tpu.memory_space<hbm>> -> memref<40960x128xf32, #tpu.memory_space<hbm>>
      tpu.enqueue_indirect_dma source(%dma_start3A_536 : memref<40960x128xf32, #tpu.memory_space<hbm>>) target(%arg9 : memref<128x128xf32, #tpu.memory_space<vmem>>) offsets(%dma_start3A_533 : memref<128xi32, #tpu.memory_space<vmem>>) semaphore(%arg16 : memref<!tpu.dma_semaphore, #tpu.memory_space<semaphore_mem>>)
      %ge3A_537 = arith.constant 1 : i32
      %ge3A_538 = arith.cmpi sge, %add3A_398, %ge3A_537 : i32
      %convert_element_type3A_539 = arith.extui %ge3A_538 : i1 to i32
      %cond3A_540 = arith.constant 0 : i32
      %cond3A_541 = arith.cmpi ne, %convert_element_type3A_539, %cond3A_540 : i32
      scf.if %cond3A_541 {
        %dma_wait3A_853 = arith.constant 1 : i32
        %dma_wait3A_854 = arith.constant 0 : i32
        %dma_wait3A_855 = tpu.memref_slice %arg7[%dma_wait3A_853, %dma_wait3A_854] : memref<4x128xi32, #tpu.memory_space<vmem>> -> memref<1x128xi32, #tpu.memory_space<vmem>>
        %dma_wait3A_856 = tpu.memref_squeeze %dma_wait3A_855 : memref<1x128xi32, #tpu.memory_space<vmem>> -> memref<128xi32, #tpu.memory_space<vmem>>
        %dma_wait3A_857 = arith.constant 0 : i32
        %dma_wait3A_858 = arith.constant 0 : i32
        %dma_wait3A_859 = tpu.memref_slice %arg4[%dma_wait3A_857, %dma_wait3A_858] : memref<40960x128xf32, #tpu.memory_space<hbm>> -> memref<40960x128xf32, #tpu.memory_space<hbm>>
        tpu.wait_indirect_dma semaphore(%arg15 : memref<!tpu.dma_semaphore, #tpu.memory_space<semaphore_mem>>) src(%dma_wait3A_859 : memref<40960x128xf32, #tpu.memory_space<hbm>>) dst(%arg8 : memref<128x128xf32, #tpu.memory_space<vmem>>)
        %sub3A = arith.constant 1 : i32
        %sub3A_860 = arith.subi %add3A_398, %sub3A : i32
        %dma_start3A_861 = arith.constant 0 : i32
        %dma_start3A_862 = tpu.memref_slice %arg6[%sub3A_860, %dma_start3A_861] : memref<80x128xi32, #tpu.memory_space<vmem>> -> memref<1x128xi32, #tpu.memory_space<vmem>>
        %dma_start3A_863 = tpu.memref_squeeze %dma_start3A_862 : memref<1x128xi32, #tpu.memory_space<vmem>> -> memref<128xi32, #tpu.memory_space<vmem>>
        %dma_start3A_864 = arith.constant 0 : i32
        %dma_start3A_865 = arith.constant 0 : i32
        %dma_start3A_866 = tpu.memref_slice %arg10[%dma_start3A_864, %dma_start3A_865] : memref<10240x128xf32, #tpu.memory_space<vmem_shared>> -> memref<10240x128xf32, #tpu.memory_space<vmem_shared>>
        tpu.enqueue_indirect_dma source(%arg8 : memref<128x128xf32, #tpu.memory_space<vmem>>) target(%dma_start3A_866 : memref<10240x128xf32, #tpu.memory_space<vmem_shared>>) offsets(%dma_start3A_863 : memref<128xi32, #tpu.memory_space<vmem>>) semaphore(%arg17 : memref<!tpu.dma_semaphore, #tpu.memory_space<semaphore_mem>>) {add = true}
      } else {
      }
      %add3A_542 = arith.constant 3 : i32
      %add3A_543 = arith.addi %add3A_398, %add3A_542 : i32
      %lt3A_544 = arith.constant 80 : i32
      %lt3A_545 = arith.cmpi slt, %add3A_543, %lt3A_544 : i32
      %convert_element_type3A_546 = arith.extui %lt3A_545 : i1 to i32
      %cond3A_547 = arith.constant 0 : i32
      %cond3A_548 = arith.cmpi ne, %convert_element_type3A_546, %cond3A_547 : i32
      scf.if %cond3A_548 {
        %add3A_853 = arith.constant 3 : i32
        %add3A_854 = arith.addi %add3A_398, %add3A_853 : i32
        %dma_start3A_855 = arith.constant 0 : i32
        %dma_start3A_856 = arith.constant 0 : i32
        %dma_start3A_857 = tpu.memref_slice %arg7[%dma_start3A_855, %dma_start3A_856] : memref<4x128xi32, #tpu.memory_space<vmem>> -> memref<1x128xi32, #tpu.memory_space<vmem>>
        %dma_start3A_858 = tpu.memref_squeeze %dma_start3A_857 : memref<1x128xi32, #tpu.memory_space<vmem>> -> memref<128xi32, #tpu.memory_space<vmem>>
        %dma_start3A_859 = arith.constant 0 : i32
        %dma_start3A_860 = arith.constant 0 : i32
        %dma_start3A_861 = tpu.memref_slice %arg2[%arg1, %dma_start3A_859, %dma_start3A_860] : memref<16x80x128xi32, #tpu.memory_space<hbm>> -> memref<1x80x128xi32, #tpu.memory_space<hbm>>
        %dma_start3A_862 = tpu.memref_squeeze %dma_start3A_861 : memref<1x80x128xi32, #tpu.memory_space<hbm>> -> memref<80x128xi32, #tpu.memory_space<hbm>>
        %dma_start3A_863 = arith.constant 0 : i32
        %dma_start3A_864 = tpu.memref_slice %dma_start3A_862[%add3A_854, %dma_start3A_863] : memref<80x128xi32, #tpu.memory_space<hbm>> -> memref<1x128xi32, #tpu.memory_space<hbm>>
        %dma_start3A_865 = tpu.memref_squeeze %dma_start3A_864 : memref<1x128xi32, #tpu.memory_space<hbm>> -> memref<128xi32, #tpu.memory_space<hbm>>
        %dma_start3A_866 = arith.constant 0 : i32
        %dma_start3A_867 = tpu.memref_slice %arg7[%dma_start3A_855, %dma_start3A_866] : memref<4x128xi32, #tpu.memory_space<vmem>> -> memref<1x128xi32, #tpu.memory_space<vmem>>
        %dma_start3A_868 = tpu.memref_squeeze %dma_start3A_867 : memref<1x128xi32, #tpu.memory_space<vmem>> -> memref<128xi32, #tpu.memory_space<vmem>>
        %dma_start3A_869 = arith.constant 0 : i32
        %dma_start3A_870 = arith.constant 0 : i32
        %dma_start3A_871 = tpu.memref_slice %arg2[%arg1, %dma_start3A_869, %dma_start3A_870] : memref<16x80x128xi32, #tpu.memory_space<hbm>> -> memref<1x80x128xi32, #tpu.memory_space<hbm>>
        %dma_start3A_872 = tpu.memref_squeeze %dma_start3A_871 : memref<1x80x128xi32, #tpu.memory_space<hbm>> -> memref<80x128xi32, #tpu.memory_space<hbm>>
        %dma_start3A_873 = arith.constant 0 : i32
        %dma_start3A_874 = tpu.memref_slice %dma_start3A_872[%add3A_854, %dma_start3A_873] : memref<80x128xi32, #tpu.memory_space<hbm>> -> memref<1x128xi32, #tpu.memory_space<hbm>>
        %dma_start3A_875 = tpu.memref_squeeze %dma_start3A_874 : memref<1x128xi32, #tpu.memory_space<hbm>> -> memref<128xi32, #tpu.memory_space<hbm>>
        tpu.enqueue_dma source(%dma_start3A_875 : memref<128xi32, #tpu.memory_space<hbm>>) target(%dma_start3A_868 : memref<128xi32, #tpu.memory_space<vmem>>) target_semaphore(%arg11 : memref<!tpu.dma_semaphore, #tpu.memory_space<semaphore_mem>>)
      } else {
      }
      %add3A_549 = arith.constant 2 : i32
      %add3A_550 = arith.addi %mul3A_250, %add3A_549 : i32
      %dma_wait3A_551 = arith.constant 0 : i32
      %dma_wait3A_552 = arith.constant 2 : i32
      %dma_wait3A_553 = arith.constant 0 : i32
      %dma_wait3A_554 = tpu.memref_slice %arg7[%dma_wait3A_552, %dma_wait3A_553] : memref<4x128xi32, #tpu.memory_space<vmem>> -> memref<1x128xi32, #tpu.memory_space<vmem>>
      %dma_wait3A_555 = tpu.memref_squeeze %dma_wait3A_554 : memref<1x128xi32, #tpu.memory_space<vmem>> -> memref<128xi32, #tpu.memory_space<vmem>>
      %dma_wait3A_556 = arith.constant 0 : i32
      %dma_wait3A_557 = arith.constant 0 : i32
      %dma_wait3A_558 = tpu.memref_slice %arg2[%arg1, %dma_wait3A_556, %dma_wait3A_557] : memref<16x80x128xi32, #tpu.memory_space<hbm>> -> memref<1x80x128xi32, #tpu.memory_space<hbm>>
      %dma_wait3A_559 = tpu.memref_squeeze %dma_wait3A_558 : memref<1x80x128xi32, #tpu.memory_space<hbm>> -> memref<80x128xi32, #tpu.memory_space<hbm>>
      %dma_wait3A_560 = arith.constant 0 : i32
      %dma_wait3A_561 = tpu.memref_slice %dma_wait3A_559[%dma_wait3A_551, %dma_wait3A_560] : memref<80x128xi32, #tpu.memory_space<hbm>> -> memref<1x128xi32, #tpu.memory_space<hbm>>
      %dma_wait3A_562 = tpu.memref_squeeze %dma_wait3A_561 : memref<1x128xi32, #tpu.memory_space<hbm>> -> memref<128xi32, #tpu.memory_space<hbm>>
      %dma_wait3A_563 = arith.constant 0 : i32
      %dma_wait3A_564 = tpu.memref_slice %arg7[%dma_wait3A_552, %dma_wait3A_563] : memref<4x128xi32, #tpu.memory_space<vmem>> -> memref<1x128xi32, #tpu.memory_space<vmem>>
      %dma_wait3A_565 = tpu.memref_squeeze %dma_wait3A_564 : memref<1x128xi32, #tpu.memory_space<vmem>> -> memref<128xi32, #tpu.memory_space<vmem>>
      %dma_wait3A_566 = arith.constant 0 : i32
      %dma_wait3A_567 = arith.constant 0 : i32
      %dma_wait3A_568 = tpu.memref_slice %arg2[%arg1, %dma_wait3A_566, %dma_wait3A_567] : memref<16x80x128xi32, #tpu.memory_space<hbm>> -> memref<1x80x128xi32, #tpu.memory_space<hbm>>
      %dma_wait3A_569 = tpu.memref_squeeze %dma_wait3A_568 : memref<1x80x128xi32, #tpu.memory_space<hbm>> -> memref<80x128xi32, #tpu.memory_space<hbm>>
      %dma_wait3A_570 = arith.constant 0 : i32
      %dma_wait3A_571 = tpu.memref_slice %dma_wait3A_569[%dma_wait3A_551, %dma_wait3A_570] : memref<80x128xi32, #tpu.memory_space<hbm>> -> memref<1x128xi32, #tpu.memory_space<hbm>>
      %dma_wait3A_572 = tpu.memref_squeeze %dma_wait3A_571 : memref<1x128xi32, #tpu.memory_space<hbm>> -> memref<128xi32, #tpu.memory_space<hbm>>
      tpu.wait_dma2 semaphore(%arg13 : memref<!tpu.dma_semaphore, #tpu.memory_space<semaphore_mem>>) src(%dma_wait3A_572 : memref<128xi32, #tpu.memory_space<hbm>>) dst(%dma_wait3A_565 : memref<128xi32, #tpu.memory_space<vmem>>)
      %get3A_573 = arith.constant 2 : i32
      %get3A_574 = arith.index_cast %get3A_573 : i32 to index
      %get3A_575 = arith.constant 0 : index
      %get3A_576 = tpu.vector_load %arg7[%get3A_574, %get3A_575] {strides = array<i32>} : memref<4x128xi32, #tpu.memory_space<vmem>>, vector<1x16xi32>,
      %get3A_577 = vector.shape_cast %get3A_576 : vector<1x16xi32> to vector<16xi32>
      %add3A_578 = vector.broadcast %mul3A_3 : i32 to vector<16xi32>
      %add3A_579 = arith.addi %get3A_577, %add3A_578 : vector<16xi32>
      %swap3A_580 = arith.constant 2 : i32
      %swap3A_581 = arith.index_cast %swap3A_580 : i32 to index
      %swap3A_582 = arith.constant 0 : index
      %swap3A_583 = tpu.vector_load %arg7[%swap3A_581, %swap3A_582] {strides = array<i32>} : memref<4x128xi32, #tpu.memory_space<vmem>>, vector<1x16xi32>,
      %swap3A_584 = vector.shape_cast %swap3A_583 : vector<1x16xi32> to vector<16xi32>
      %swap3A_585 = vector.shape_cast %add3A_579 : vector<16xi32> to vector<1x16xi32>
      tpu.vector_store %arg7[%swap3A_581, %swap3A_582], %swap3A_585 {strides = array<i32>} : memref<4x128xi32, #tpu.memory_space<vmem>>, vector<1x16xi32>,
      %get3A_586 = arith.constant 2 : i32
      %get3A_587 = arith.index_cast %get3A_586 : i32 to index
      %get3A_588 = arith.constant 16 : index
      %get3A_589 = tpu.vector_load %arg7[%get3A_587, %get3A_588] {strides = array<i32>} : memref<4x128xi32, #tpu.memory_space<vmem>>, vector<1x16xi32>,
      %get3A_590 = vector.shape_cast %get3A_589 : vector<1x16xi32> to vector<16xi32>
      %add3A_591 = vector.broadcast %mul3A_3 : i32 to vector<16xi32>
      %add3A_592 = arith.addi %get3A_590, %add3A_591 : vector<16xi32>
      %swap3A_593 = arith.constant 2 : i32
      %swap3A_594 = arith.index_cast %swap3A_593 : i32 to index
      %swap3A_595 = arith.constant 16 : index
      %swap3A_596 = tpu.vector_load %arg7[%swap3A_594, %swap3A_595] {strides = array<i32>} : memref<4x128xi32, #tpu.memory_space<vmem>>, vector<1x16xi32>,
      %swap3A_597 = vector.shape_cast %swap3A_596 : vector<1x16xi32> to vector<16xi32>
      %swap3A_598 = vector.shape_cast %add3A_592 : vector<16xi32> to vector<1x16xi32>
      tpu.vector_store %arg7[%swap3A_594, %swap3A_595], %swap3A_598 {strides = array<i32>} : memref<4x128xi32, #tpu.memory_space<vmem>>, vector<1x16xi32>,
      %get3A_599 = arith.constant 2 : i32
      %get3A_600 = arith.index_cast %get3A_599 : i32 to index
      %get3A_601 = arith.constant 32 : index
      %get3A_602 = tpu.vector_load %arg7[%get3A_600, %get3A_601] {strides = array<i32>} : memref<4x128xi32, #tpu.memory_space<vmem>>, vector<1x16xi32>,
      %get3A_603 = vector.shape_cast %get3A_602 : vector<1x16xi32> to vector<16xi32>
      %add3A_604 = vector.broadcast %mul3A_3 : i32 to vector<16xi32>
      %add3A_605 = arith.addi %get3A_603, %add3A_604 : vector<16xi32>
      %swap3A_606 = arith.constant 2 : i32
      %swap3A_607 = arith.index_cast %swap3A_606 : i32 to index
      %swap3A_608 = arith.constant 32 : index
      %swap3A_609 = tpu.vector_load %arg7[%swap3A_607, %swap3A_608] {strides = array<i32>} : memref<4x128xi32, #tpu.memory_space<vmem>>, vector<1x16xi32>,
      %swap3A_610 = vector.shape_cast %swap3A_609 : vector<1x16xi32> to vector<16xi32>
      %swap3A_611 = vector.shape_cast %add3A_605 : vector<16xi32> to vector<1x16xi32>
      tpu.vector_store %arg7[%swap3A_607, %swap3A_608], %swap3A_611 {strides = array<i32>} : memref<4x128xi32, #tpu.memory_space<vmem>>, vector<1x16xi32>,
      %get3A_612 = arith.constant 2 : i32
      %get3A_613 = arith.index_cast %get3A_612 : i32 to index
      %get3A_614 = arith.constant 48 : index
      %get3A_615 = tpu.vector_load %arg7[%get3A_613, %get3A_614] {strides = array<i32>} : memref<4x128xi32, #tpu.memory_space<vmem>>, vector<1x16xi32>,
      %get3A_616 = vector.shape_cast %get3A_615 : vector<1x16xi32> to vector<16xi32>
      %add3A_617 = vector.broadcast %mul3A_3 : i32 to vector<16xi32>
      %add3A_618 = arith.addi %get3A_616, %add3A_617 : vector<16xi32>
      %swap3A_619 = arith.constant 2 : i32
      %swap3A_620 = arith.index_cast %swap3A_619 : i32 to index
      %swap3A_621 = arith.constant 48 : index
      %swap3A_622 = tpu.vector_load %arg7[%swap3A_620, %swap3A_621] {strides = array<i32>} : memref<4x128xi32, #tpu.memory_space<vmem>>, vector<1x16xi32>,
      %swap3A_623 = vector.shape_cast %swap3A_622 : vector<1x16xi32> to vector<16xi32>
      %swap3A_624 = vector.shape_cast %add3A_618 : vector<16xi32> to vector<1x16xi32>
      tpu.vector_store %arg7[%swap3A_620, %swap3A_621], %swap3A_624 {strides = array<i32>} : memref<4x128xi32, #tpu.memory_space<vmem>>, vector<1x16xi32>,
      %get3A_625 = arith.constant 2 : i32
      %get3A_626 = arith.index_cast %get3A_625 : i32 to index
      %get3A_627 = arith.constant 64 : index
      %get3A_628 = tpu.vector_load %arg7[%get3A_626, %get3A_627] {strides = array<i32>} : memref<4x128xi32, #tpu.memory_space<vmem>>, vector<1x16xi32>,
      %get3A_629 = vector.shape_cast %get3A_628 : vector<1x16xi32> to vector<16xi32>
      %add3A_630 = vector.broadcast %mul3A_3 : i32 to vector<16xi32>
      %add3A_631 = arith.addi %get3A_629, %add3A_630 : vector<16xi32>
      %swap3A_632 = arith.constant 2 : i32
      %swap3A_633 = arith.index_cast %swap3A_632 : i32 to index
      %swap3A_634 = arith.constant 64 : index
      %swap3A_635 = tpu.vector_load %arg7[%swap3A_633, %swap3A_634] {strides = array<i32>} : memref<4x128xi32, #tpu.memory_space<vmem>>, vector<1x16xi32>,
      %swap3A_636 = vector.shape_cast %swap3A_635 : vector<1x16xi32> to vector<16xi32>
      %swap3A_637 = vector.shape_cast %add3A_631 : vector<16xi32> to vector<1x16xi32>
      tpu.vector_store %arg7[%swap3A_633, %swap3A_634], %swap3A_637 {strides = array<i32>} : memref<4x128xi32, #tpu.memory_space<vmem>>, vector<1x16xi32>,
      %get3A_638 = arith.constant 2 : i32
      %get3A_639 = arith.index_cast %get3A_638 : i32 to index
      %get3A_640 = arith.constant 80 : index
      %get3A_641 = tpu.vector_load %arg7[%get3A_639, %get3A_640] {strides = array<i32>} : memref<4x128xi32, #tpu.memory_space<vmem>>, vector<1x16xi32>,
      %get3A_642 = vector.shape_cast %get3A_641 : vector<1x16xi32> to vector<16xi32>
      %add3A_643 = vector.broadcast %mul3A_3 : i32 to vector<16xi32>
      %add3A_644 = arith.addi %get3A_642, %add3A_643 : vector<16xi32>
      %swap3A_645 = arith.constant 2 : i32
      %swap3A_646 = arith.index_cast %swap3A_645 : i32 to index
      %swap3A_647 = arith.constant 80 : index
      %swap3A_648 = tpu.vector_load %arg7[%swap3A_646, %swap3A_647] {strides = array<i32>} : memref<4x128xi32, #tpu.memory_space<vmem>>, vector<1x16xi32>,
      %swap3A_649 = vector.shape_cast %swap3A_648 : vector<1x16xi32> to vector<16xi32>
      %swap3A_650 = vector.shape_cast %add3A_644 : vector<16xi32> to vector<1x16xi32>
      tpu.vector_store %arg7[%swap3A_646, %swap3A_647], %swap3A_650 {strides = array<i32>} : memref<4x128xi32, #tpu.memory_space<vmem>>, vector<1x16xi32>,
      %get3A_651 = arith.constant 2 : i32
      %get3A_652 = arith.index_cast %get3A_651 : i32 to index
      %get3A_653 = arith.constant 96 : index
      %get3A_654 = tpu.vector_load %arg7[%get3A_652, %get3A_653] {strides = array<i32>} : memref<4x128xi32, #tpu.memory_space<vmem>>, vector<1x16xi32>,
      %get3A_655 = vector.shape_cast %get3A_654 : vector<1x16xi32> to vector<16xi32>
      %add3A_656 = vector.broadcast %mul3A_3 : i32 to vector<16xi32>
      %add3A_657 = arith.addi %get3A_655, %add3A_656 : vector<16xi32>
      %swap3A_658 = arith.constant 2 : i32
      %swap3A_659 = arith.index_cast %swap3A_658 : i32 to index
      %swap3A_660 = arith.constant 96 : index
      %swap3A_661 = tpu.vector_load %arg7[%swap3A_659, %swap3A_660] {strides = array<i32>} : memref<4x128xi32, #tpu.memory_space<vmem>>, vector<1x16xi32>,
      %swap3A_662 = vector.shape_cast %swap3A_661 : vector<1x16xi32> to vector<16xi32>
      %swap3A_663 = vector.shape_cast %add3A_657 : vector<16xi32> to vector<1x16xi32>
      tpu.vector_store %arg7[%swap3A_659, %swap3A_660], %swap3A_663 {strides = array<i32>} : memref<4x128xi32, #tpu.memory_space<vmem>>, vector<1x16xi32>,
      %get3A_664 = arith.constant 2 : i32
      %get3A_665 = arith.index_cast %get3A_664 : i32 to index
      %get3A_666 = arith.constant 112 : index
      %get3A_667 = tpu.vector_load %arg7[%get3A_665, %get3A_666] {strides = array<i32>} : memref<4x128xi32, #tpu.memory_space<vmem>>, vector<1x16xi32>,
      %get3A_668 = vector.shape_cast %get3A_667 : vector<1x16xi32> to vector<16xi32>
      %add3A_669 = vector.broadcast %mul3A_3 : i32 to vector<16xi32>
      %add3A_670 = arith.addi %get3A_668, %add3A_669 : vector<16xi32>
      %swap3A_671 = arith.constant 2 : i32
      %swap3A_672 = arith.index_cast %swap3A_671 : i32 to index
      %swap3A_673 = arith.constant 112 : index
      %swap3A_674 = tpu.vector_load %arg7[%swap3A_672, %swap3A_673] {strides = array<i32>} : memref<4x128xi32, #tpu.memory_space<vmem>>, vector<1x16xi32>,
      %swap3A_675 = vector.shape_cast %swap3A_674 : vector<1x16xi32> to vector<16xi32>
      %swap3A_676 = vector.shape_cast %add3A_670 : vector<16xi32> to vector<1x16xi32>
      tpu.vector_store %arg7[%swap3A_672, %swap3A_673], %swap3A_676 {strides = array<i32>} : memref<4x128xi32, #tpu.memory_space<vmem>>, vector<1x16xi32>,
      %ge3A_677 = arith.constant 2 : i32
      %ge3A_678 = arith.cmpi sge, %add3A_550, %ge3A_677 : i32
      %convert_element_type3A_679 = arith.extui %ge3A_678 : i1 to i32
      %cond3A_680 = arith.constant 0 : i32
      %cond3A_681 = arith.cmpi ne, %convert_element_type3A_679, %cond3A_680 : i32
      scf.if %cond3A_681 {
        %dma_wait3A_853 = arith.constant 0 : i32
        %dma_wait3A_854 = arith.constant 0 : i32
        %dma_wait3A_855 = tpu.memref_slice %arg6[%dma_wait3A_853, %dma_wait3A_854] : memref<80x128xi32, #tpu.memory_space<vmem>> -> memref<1x128xi32, #tpu.memory_space<vmem>>
        %dma_wait3A_856 = tpu.memref_squeeze %dma_wait3A_855 : memref<1x128xi32, #tpu.memory_space<vmem>> -> memref<128xi32, #tpu.memory_space<vmem>>
        %dma_wait3A_857 = arith.constant 0 : i32
        %dma_wait3A_858 = arith.constant 0 : i32
        %dma_wait3A_859 = tpu.memref_slice %arg10[%dma_wait3A_857, %dma_wait3A_858] : memref<10240x128xf32, #tpu.memory_space<vmem_shared>> -> memref<10240x128xf32, #tpu.memory_space<vmem_shared>>
        tpu.wait_indirect_dma semaphore(%arg17 : memref<!tpu.dma_semaphore, #tpu.memory_space<semaphore_mem>>) src(%arg8 : memref<128x128xf32, #tpu.memory_space<vmem>>) dst(%dma_wait3A_859 : memref<10240x128xf32, #tpu.memory_space<vmem_shared>>)
      } else {
      }
      %dma_start3A_682 = arith.constant 2 : i32
      %dma_start3A_683 = arith.constant 0 : i32
      %dma_start3A_684 = tpu.memref_slice %arg7[%dma_start3A_682, %dma_start3A_683] : memref<4x128xi32, #tpu.memory_space<vmem>> -> memref<1x128xi32, #tpu.memory_space<vmem>>
      %dma_start3A_685 = tpu.memref_squeeze %dma_start3A_684 : memref<1x128xi32, #tpu.memory_space<vmem>> -> memref<128xi32, #tpu.memory_space<vmem>>
      %dma_start3A_686 = arith.constant 0 : i32
      %dma_start3A_687 = arith.constant 0 : i32
      %dma_start3A_688 = tpu.memref_slice %arg4[%dma_start3A_686, %dma_start3A_687] : memref<40960x128xf32, #tpu.memory_space<hbm>> -> memref<40960x128xf32, #tpu.memory_space<hbm>>
      tpu.enqueue_indirect_dma source(%dma_start3A_688 : memref<40960x128xf32, #tpu.memory_space<hbm>>) target(%arg8 : memref<128x128xf32, #tpu.memory_space<vmem>>) offsets(%dma_start3A_685 : memref<128xi32, #tpu.memory_space<vmem>>) semaphore(%arg15 : memref<!tpu.dma_semaphore, #tpu.memory_space<semaphore_mem>>)
      %ge3A_689 = arith.constant 1 : i32
      %ge3A_690 = arith.cmpi sge, %add3A_550, %ge3A_689 : i32
      %convert_element_type3A_691 = arith.extui %ge3A_690 : i1 to i32
      %cond3A_692 = arith.constant 0 : i32
      %cond3A_693 = arith.cmpi ne, %convert_element_type3A_691, %cond3A_692 : i32
      scf.if %cond3A_693 {
        %dma_wait3A_853 = arith.constant 2 : i32
        %dma_wait3A_854 = arith.constant 0 : i32
        %dma_wait3A_855 = tpu.memref_slice %arg7[%dma_wait3A_853, %dma_wait3A_854] : memref<4x128xi32, #tpu.memory_space<vmem>> -> memref<1x128xi32, #tpu.memory_space<vmem>>
        %dma_wait3A_856 = tpu.memref_squeeze %dma_wait3A_855 : memref<1x128xi32, #tpu.memory_space<vmem>> -> memref<128xi32, #tpu.memory_space<vmem>>
        %dma_wait3A_857 = arith.constant 0 : i32
        %dma_wait3A_858 = arith.constant 0 : i32
        %dma_wait3A_859 = tpu.memref_slice %arg4[%dma_wait3A_857, %dma_wait3A_858] : memref<40960x128xf32, #tpu.memory_space<hbm>> -> memref<40960x128xf32, #tpu.memory_space<hbm>>
        tpu.wait_indirect_dma semaphore(%arg16 : memref<!tpu.dma_semaphore, #tpu.memory_space<semaphore_mem>>) src(%dma_wait3A_859 : memref<40960x128xf32, #tpu.memory_space<hbm>>) dst(%arg9 : memref<128x128xf32, #tpu.memory_space<vmem>>)
        %sub3A = arith.constant 1 : i32
        %sub3A_860 = arith.subi %add3A_550, %sub3A : i32
        %dma_start3A_861 = arith.constant 0 : i32
        %dma_start3A_862 = tpu.memref_slice %arg6[%sub3A_860, %dma_start3A_861] : memref<80x128xi32, #tpu.memory_space<vmem>> -> memref<1x128xi32, #tpu.memory_space<vmem>>
        %dma_start3A_863 = tpu.memref_squeeze %dma_start3A_862 : memref<1x128xi32, #tpu.memory_space<vmem>> -> memref<128xi32, #tpu.memory_space<vmem>>
        %dma_start3A_864 = arith.constant 0 : i32
        %dma_start3A_865 = arith.constant 0 : i32
        %dma_start3A_866 = tpu.memref_slice %arg10[%dma_start3A_864, %dma_start3A_865] : memref<10240x128xf32, #tpu.memory_space<vmem_shared>> -> memref<10240x128xf32, #tpu.memory_space<vmem_shared>>
        tpu.enqueue_indirect_dma source(%arg9 : memref<128x128xf32, #tpu.memory_space<vmem>>) target(%dma_start3A_866 : memref<10240x128xf32, #tpu.memory_space<vmem_shared>>) offsets(%dma_start3A_863 : memref<128xi32, #tpu.memory_space<vmem>>) semaphore(%arg18 : memref<!tpu.dma_semaphore, #tpu.memory_space<semaphore_mem>>) {add = true}
      } else {
      }
      %add3A_694 = arith.constant 3 : i32
      %add3A_695 = arith.addi %add3A_550, %add3A_694 : i32
      %lt3A_696 = arith.constant 80 : i32
      %lt3A_697 = arith.cmpi slt, %add3A_695, %lt3A_696 : i32
      %convert_element_type3A_698 = arith.extui %lt3A_697 : i1 to i32
      %cond3A_699 = arith.constant 0 : i32
      %cond3A_700 = arith.cmpi ne, %convert_element_type3A_698, %cond3A_699 : i32
      scf.if %cond3A_700 {
        %add3A_853 = arith.constant 3 : i32
        %add3A_854 = arith.addi %add3A_550, %add3A_853 : i32
        %dma_start3A_855 = arith.constant 1 : i32
        %dma_start3A_856 = arith.constant 0 : i32
        %dma_start3A_857 = tpu.memref_slice %arg7[%dma_start3A_855, %dma_start3A_856] : memref<4x128xi32, #tpu.memory_space<vmem>> -> memref<1x128xi32, #tpu.memory_space<vmem>>
        %dma_start3A_858 = tpu.memref_squeeze %dma_start3A_857 : memref<1x128xi32, #tpu.memory_space<vmem>> -> memref<128xi32, #tpu.memory_space<vmem>>
        %dma_start3A_859 = arith.constant 0 : i32
        %dma_start3A_860 = arith.constant 0 : i32
        %dma_start3A_861 = tpu.memref_slice %arg2[%arg1, %dma_start3A_859, %dma_start3A_860] : memref<16x80x128xi32, #tpu.memory_space<hbm>> -> memref<1x80x128xi32, #tpu.memory_space<hbm>>
        %dma_start3A_862 = tpu.memref_squeeze %dma_start3A_861 : memref<1x80x128xi32, #tpu.memory_space<hbm>> -> memref<80x128xi32, #tpu.memory_space<hbm>>
        %dma_start3A_863 = arith.constant 0 : i32
        %dma_start3A_864 = tpu.memref_slice %dma_start3A_862[%add3A_854, %dma_start3A_863] : memref<80x128xi32, #tpu.memory_space<hbm>> -> memref<1x128xi32, #tpu.memory_space<hbm>>
        %dma_start3A_865 = tpu.memref_squeeze %dma_start3A_864 : memref<1x128xi32, #tpu.memory_space<hbm>> -> memref<128xi32, #tpu.memory_space<hbm>>
        %dma_start3A_866 = arith.constant 0 : i32
        %dma_start3A_867 = tpu.memref_slice %arg7[%dma_start3A_855, %dma_start3A_866] : memref<4x128xi32, #tpu.memory_space<vmem>> -> memref<1x128xi32, #tpu.memory_space<vmem>>
        %dma_start3A_868 = tpu.memref_squeeze %dma_start3A_867 : memref<1x128xi32, #tpu.memory_space<vmem>> -> memref<128xi32, #tpu.memory_space<vmem>>
        %dma_start3A_869 = arith.constant 0 : i32
        %dma_start3A_870 = arith.constant 0 : i32
        %dma_start3A_871 = tpu.memref_slice %arg2[%arg1, %dma_start3A_869, %dma_start3A_870] : memref<16x80x128xi32, #tpu.memory_space<hbm>> -> memref<1x80x128xi32, #tpu.memory_space<hbm>>
        %dma_start3A_872 = tpu.memref_squeeze %dma_start3A_871 : memref<1x80x128xi32, #tpu.memory_space<hbm>> -> memref<80x128xi32, #tpu.memory_space<hbm>>
        %dma_start3A_873 = arith.constant 0 : i32
        %dma_start3A_874 = tpu.memref_slice %dma_start3A_872[%add3A_854, %dma_start3A_873] : memref<80x128xi32, #tpu.memory_space<hbm>> -> memref<1x128xi32, #tpu.memory_space<hbm>>
        %dma_start3A_875 = tpu.memref_squeeze %dma_start3A_874 : memref<1x128xi32, #tpu.memory_space<hbm>> -> memref<128xi32, #tpu.memory_space<hbm>>
        tpu.enqueue_dma source(%dma_start3A_875 : memref<128xi32, #tpu.memory_space<hbm>>) target(%dma_start3A_868 : memref<128xi32, #tpu.memory_space<vmem>>) target_semaphore(%arg12 : memref<!tpu.dma_semaphore, #tpu.memory_space<semaphore_mem>>)
      } else {
      }
      %add3A_701 = arith.constant 3 : i32
      %add3A_702 = arith.addi %mul3A_250, %add3A_701 : i32
      %dma_wait3A_703 = arith.constant 0 : i32
      %dma_wait3A_704 = arith.constant 3 : i32
      %dma_wait3A_705 = arith.constant 0 : i32
      %dma_wait3A_706 = tpu.memref_slice %arg7[%dma_wait3A_704, %dma_wait3A_705] : memref<4x128xi32, #tpu.memory_space<vmem>> -> memref<1x128xi32, #tpu.memory_space<vmem>>
      %dma_wait3A_707 = tpu.memref_squeeze %dma_wait3A_706 : memref<1x128xi32, #tpu.memory_space<vmem>> -> memref<128xi32, #tpu.memory_space<vmem>>
      %dma_wait3A_708 = arith.constant 0 : i32
      %dma_wait3A_709 = arith.constant 0 : i32
      %dma_wait3A_710 = tpu.memref_slice %arg2[%arg1, %dma_wait3A_708, %dma_wait3A_709] : memref<16x80x128xi32, #tpu.memory_space<hbm>> -> memref<1x80x128xi32, #tpu.memory_space<hbm>>
      %dma_wait3A_711 = tpu.memref_squeeze %dma_wait3A_710 : memref<1x80x128xi32, #tpu.memory_space<hbm>> -> memref<80x128xi32, #tpu.memory_space<hbm>>
      %dma_wait3A_712 = arith.constant 0 : i32
      %dma_wait3A_713 = tpu.memref_slice %dma_wait3A_711[%dma_wait3A_703, %dma_wait3A_712] : memref<80x128xi32, #tpu.memory_space<hbm>> -> memref<1x128xi32, #tpu.memory_space<hbm>>
      %dma_wait3A_714 = tpu.memref_squeeze %dma_wait3A_713 : memref<1x128xi32, #tpu.memory_space<hbm>> -> memref<128xi32, #tpu.memory_space<hbm>>
      %dma_wait3A_715 = arith.constant 0 : i32
      %dma_wait3A_716 = tpu.memref_slice %arg7[%dma_wait3A_704, %dma_wait3A_715] : memref<4x128xi32, #tpu.memory_space<vmem>> -> memref<1x128xi32, #tpu.memory_space<vmem>>
      %dma_wait3A_717 = tpu.memref_squeeze %dma_wait3A_716 : memref<1x128xi32, #tpu.memory_space<vmem>> -> memref<128xi32, #tpu.memory_space<vmem>>
      %dma_wait3A_718 = arith.constant 0 : i32
      %dma_wait3A_719 = arith.constant 0 : i32
      %dma_wait3A_720 = tpu.memref_slice %arg2[%arg1, %dma_wait3A_718, %dma_wait3A_719] : memref<16x80x128xi32, #tpu.memory_space<hbm>> -> memref<1x80x128xi32, #tpu.memory_space<hbm>>
      %dma_wait3A_721 = tpu.memref_squeeze %dma_wait3A_720 : memref<1x80x128xi32, #tpu.memory_space<hbm>> -> memref<80x128xi32, #tpu.memory_space<hbm>>
      %dma_wait3A_722 = arith.constant 0 : i32
      %dma_wait3A_723 = tpu.memref_slice %dma_wait3A_721[%dma_wait3A_703, %dma_wait3A_722] : memref<80x128xi32, #tpu.memory_space<hbm>> -> memref<1x128xi32, #tpu.memory_space<hbm>>
      %dma_wait3A_724 = tpu.memref_squeeze %dma_wait3A_723 : memref<1x128xi32, #tpu.memory_space<hbm>> -> memref<128xi32, #tpu.memory_space<hbm>>
      tpu.wait_dma2 semaphore(%arg14 : memref<!tpu.dma_semaphore, #tpu.memory_space<semaphore_mem>>) src(%dma_wait3A_724 : memref<128xi32, #tpu.memory_space<hbm>>) dst(%dma_wait3A_717 : memref<128xi32, #tpu.memory_space<vmem>>)
      %get3A_725 = arith.constant 3 : i32
      %get3A_726 = arith.index_cast %get3A_725 : i32 to index
      %get3A_727 = arith.constant 0 : index
      %get3A_728 = tpu.vector_load %arg7[%get3A_726, %get3A_727] {strides = array<i32>} : memref<4x128xi32, #tpu.memory_space<vmem>>, vector<1x16xi32>,
      %get3A_729 = vector.shape_cast %get3A_728 : vector<1x16xi32> to vector<16xi32>
      %add3A_730 = vector.broadcast %mul3A_3 : i32 to vector<16xi32>
      %add3A_731 = arith.addi %get3A_729, %add3A_730 : vector<16xi32>
      %swap3A_732 = arith.constant 3 : i32
      %swap3A_733 = arith.index_cast %swap3A_732 : i32 to index
      %swap3A_734 = arith.constant 0 : index
      %swap3A_735 = tpu.vector_load %arg7[%swap3A_733, %swap3A_734] {strides = array<i32>} : memref<4x128xi32, #tpu.memory_space<vmem>>, vector<1x16xi32>,
      %swap3A_736 = vector.shape_cast %swap3A_735 : vector<1x16xi32> to vector<16xi32>
      %swap3A_737 = vector.shape_cast %add3A_731 : vector<16xi32> to vector<1x16xi32>
      tpu.vector_store %arg7[%swap3A_733, %swap3A_734], %swap3A_737 {strides = array<i32>} : memref<4x128xi32, #tpu.memory_space<vmem>>, vector<1x16xi32>,
      %get3A_738 = arith.constant 3 : i32
      %get3A_739 = arith.index_cast %get3A_738 : i32 to index
      %get3A_740 = arith.constant 16 : index
      %get3A_741 = tpu.vector_load %arg7[%get3A_739, %get3A_740] {strides = array<i32>} : memref<4x128xi32, #tpu.memory_space<vmem>>, vector<1x16xi32>,
      %get3A_742 = vector.shape_cast %get3A_741 : vector<1x16xi32> to vector<16xi32>
      %add3A_743 = vector.broadcast %mul3A_3 : i32 to vector<16xi32>
      %add3A_744 = arith.addi %get3A_742, %add3A_743 : vector<16xi32>
      %swap3A_745 = arith.constant 3 : i32
      %swap3A_746 = arith.index_cast %swap3A_745 : i32 to index
      %swap3A_747 = arith.constant 16 : index
      %swap3A_748 = tpu.vector_load %arg7[%swap3A_746, %swap3A_747] {strides = array<i32>} : memref<4x128xi32, #tpu.memory_space<vmem>>, vector<1x16xi32>,
      %swap3A_749 = vector.shape_cast %swap3A_748 : vector<1x16xi32> to vector<16xi32>
      %swap3A_750 = vector.shape_cast %add3A_744 : vector<16xi32> to vector<1x16xi32>
      tpu.vector_store %arg7[%swap3A_746, %swap3A_747], %swap3A_750 {strides = array<i32>} : memref<4x128xi32, #tpu.memory_space<vmem>>, vector<1x16xi32>,
      %get3A_751 = arith.constant 3 : i32
      %get3A_752 = arith.index_cast %get3A_751 : i32 to index
      %get3A_753 = arith.constant 32 : index
      %get3A_754 = tpu.vector_load %arg7[%get3A_752, %get3A_753] {strides = array<i32>} : memref<4x128xi32, #tpu.memory_space<vmem>>, vector<1x16xi32>,
      %get3A_755 = vector.shape_cast %get3A_754 : vector<1x16xi32> to vector<16xi32>
      %add3A_756 = vector.broadcast %mul3A_3 : i32 to vector<16xi32>
      %add3A_757 = arith.addi %get3A_755, %add3A_756 : vector<16xi32>
      %swap3A_758 = arith.constant 3 : i32
      %swap3A_759 = arith.index_cast %swap3A_758 : i32 to index
      %swap3A_760 = arith.constant 32 : index
      %swap3A_761 = tpu.vector_load %arg7[%swap3A_759, %swap3A_760] {strides = array<i32>} : memref<4x128xi32, #tpu.memory_space<vmem>>, vector<1x16xi32>,
      %swap3A_762 = vector.shape_cast %swap3A_761 : vector<1x16xi32> to vector<16xi32>
      %swap3A_763 = vector.shape_cast %add3A_757 : vector<16xi32> to vector<1x16xi32>
      tpu.vector_store %arg7[%swap3A_759, %swap3A_760], %swap3A_763 {strides = array<i32>} : memref<4x128xi32, #tpu.memory_space<vmem>>, vector<1x16xi32>,
      %get3A_764 = arith.constant 3 : i32
      %get3A_765 = arith.index_cast %get3A_764 : i32 to index
      %get3A_766 = arith.constant 48 : index
      %get3A_767 = tpu.vector_load %arg7[%get3A_765, %get3A_766] {strides = array<i32>} : memref<4x128xi32, #tpu.memory_space<vmem>>, vector<1x16xi32>,
      %get3A_768 = vector.shape_cast %get3A_767 : vector<1x16xi32> to vector<16xi32>
      %add3A_769 = vector.broadcast %mul3A_3 : i32 to vector<16xi32>
      %add3A_770 = arith.addi %get3A_768, %add3A_769 : vector<16xi32>
      %swap3A_771 = arith.constant 3 : i32
      %swap3A_772 = arith.index_cast %swap3A_771 : i32 to index
      %swap3A_773 = arith.constant 48 : index
      %swap3A_774 = tpu.vector_load %arg7[%swap3A_772, %swap3A_773] {strides = array<i32>} : memref<4x128xi32, #tpu.memory_space<vmem>>, vector<1x16xi32>,
      %swap3A_775 = vector.shape_cast %swap3A_774 : vector<1x16xi32> to vector<16xi32>
      %swap3A_776 = vector.shape_cast %add3A_770 : vector<16xi32> to vector<1x16xi32>
      tpu.vector_store %arg7[%swap3A_772, %swap3A_773], %swap3A_776 {strides = array<i32>} : memref<4x128xi32, #tpu.memory_space<vmem>>, vector<1x16xi32>,
      %get3A_777 = arith.constant 3 : i32
      %get3A_778 = arith.index_cast %get3A_777 : i32 to index
      %get3A_779 = arith.constant 64 : index
      %get3A_780 = tpu.vector_load %arg7[%get3A_778, %get3A_779] {strides = array<i32>} : memref<4x128xi32, #tpu.memory_space<vmem>>, vector<1x16xi32>,
      %get3A_781 = vector.shape_cast %get3A_780 : vector<1x16xi32> to vector<16xi32>
      %add3A_782 = vector.broadcast %mul3A_3 : i32 to vector<16xi32>
      %add3A_783 = arith.addi %get3A_781, %add3A_782 : vector<16xi32>
      %swap3A_784 = arith.constant 3 : i32
      %swap3A_785 = arith.index_cast %swap3A_784 : i32 to index
      %swap3A_786 = arith.constant 64 : index
      %swap3A_787 = tpu.vector_load %arg7[%swap3A_785, %swap3A_786] {strides = array<i32>} : memref<4x128xi32, #tpu.memory_space<vmem>>, vector<1x16xi32>,
      %swap3A_788 = vector.shape_cast %swap3A_787 : vector<1x16xi32> to vector<16xi32>
      %swap3A_789 = vector.shape_cast %add3A_783 : vector<16xi32> to vector<1x16xi32>
      tpu.vector_store %arg7[%swap3A_785, %swap3A_786], %swap3A_789 {strides = array<i32>} : memref<4x128xi32, #tpu.memory_space<vmem>>, vector<1x16xi32>,
      %get3A_790 = arith.constant 3 : i32
      %get3A_791 = arith.index_cast %get3A_790 : i32 to index
      %get3A_792 = arith.constant 80 : index
      %get3A_793 = tpu.vector_load %arg7[%get3A_791, %get3A_792] {strides = array<i32>} : memref<4x128xi32, #tpu.memory_space<vmem>>, vector<1x16xi32>,
      %get3A_794 = vector.shape_cast %get3A_793 : vector<1x16xi32> to vector<16xi32>
      %add3A_795 = vector.broadcast %mul3A_3 : i32 to vector<16xi32>
      %add3A_796 = arith.addi %get3A_794, %add3A_795 : vector<16xi32>
      %swap3A_797 = arith.constant 3 : i32
      %swap3A_798 = arith.index_cast %swap3A_797 : i32 to index
      %swap3A_799 = arith.constant 80 : index
      %swap3A_800 = tpu.vector_load %arg7[%swap3A_798, %swap3A_799] {strides = array<i32>} : memref<4x128xi32, #tpu.memory_space<vmem>>, vector<1x16xi32>,
      %swap3A_801 = vector.shape_cast %swap3A_800 : vector<1x16xi32> to vector<16xi32>
      %swap3A_802 = vector.shape_cast %add3A_796 : vector<16xi32> to vector<1x16xi32>
      tpu.vector_store %arg7[%swap3A_798, %swap3A_799], %swap3A_802 {strides = array<i32>} : memref<4x128xi32, #tpu.memory_space<vmem>>, vector<1x16xi32>,
      %get3A_803 = arith.constant 3 : i32
      %get3A_804 = arith.index_cast %get3A_803 : i32 to index
      %get3A_805 = arith.constant 96 : index
      %get3A_806 = tpu.vector_load %arg7[%get3A_804, %get3A_805] {strides = array<i32>} : memref<4x128xi32, #tpu.memory_space<vmem>>, vector<1x16xi32>,
      %get3A_807 = vector.shape_cast %get3A_806 : vector<1x16xi32> to vector<16xi32>
      %add3A_808 = vector.broadcast %mul3A_3 : i32 to vector<16xi32>
      %add3A_809 = arith.addi %get3A_807, %add3A_808 : vector<16xi32>
      %swap3A_810 = arith.constant 3 : i32
      %swap3A_811 = arith.index_cast %swap3A_810 : i32 to index
      %swap3A_812 = arith.constant 96 : index
      %swap3A_813 = tpu.vector_load %arg7[%swap3A_811, %swap3A_812] {strides = array<i32>} : memref<4x128xi32, #tpu.memory_space<vmem>>, vector<1x16xi32>,
      %swap3A_814 = vector.shape_cast %swap3A_813 : vector<1x16xi32> to vector<16xi32>
      %swap3A_815 = vector.shape_cast %add3A_809 : vector<16xi32> to vector<1x16xi32>
      tpu.vector_store %arg7[%swap3A_811, %swap3A_812], %swap3A_815 {strides = array<i32>} : memref<4x128xi32, #tpu.memory_space<vmem>>, vector<1x16xi32>,
      %get3A_816 = arith.constant 3 : i32
      %get3A_817 = arith.index_cast %get3A_816 : i32 to index
      %get3A_818 = arith.constant 112 : index
      %get3A_819 = tpu.vector_load %arg7[%get3A_817, %get3A_818] {strides = array<i32>} : memref<4x128xi32, #tpu.memory_space<vmem>>, vector<1x16xi32>,
      %get3A_820 = vector.shape_cast %get3A_819 : vector<1x16xi32> to vector<16xi32>
      %add3A_821 = vector.broadcast %mul3A_3 : i32 to vector<16xi32>
      %add3A_822 = arith.addi %get3A_820, %add3A_821 : vector<16xi32>
      %swap3A_823 = arith.constant 3 : i32
      %swap3A_824 = arith.index_cast %swap3A_823 : i32 to index
      %swap3A_825 = arith.constant 112 : index
      %swap3A_826 = tpu.vector_load %arg7[%swap3A_824, %swap3A_825] {strides = array<i32>} : memref<4x128xi32, #tpu.memory_space<vmem>>, vector<1x16xi32>,
      %swap3A_827 = vector.shape_cast %swap3A_826 : vector<1x16xi32> to vector<16xi32>
      %swap3A_828 = vector.shape_cast %add3A_822 : vector<16xi32> to vector<1x16xi32>
      tpu.vector_store %arg7[%swap3A_824, %swap3A_825], %swap3A_828 {strides = array<i32>} : memref<4x128xi32, #tpu.memory_space<vmem>>, vector<1x16xi32>,
      %ge3A_829 = arith.constant 2 : i32
      %ge3A_830 = arith.cmpi sge, %add3A_702, %ge3A_829 : i32
      %convert_element_type3A_831 = arith.extui %ge3A_830 : i1 to i32
      %cond3A_832 = arith.constant 0 : i32
      %cond3A_833 = arith.cmpi ne, %convert_element_type3A_831, %cond3A_832 : i32
      scf.if %cond3A_833 {
        %dma_wait3A_853 = arith.constant 0 : i32
        %dma_wait3A_854 = arith.constant 0 : i32
        %dma_wait3A_855 = tpu.memref_slice %arg6[%dma_wait3A_853, %dma_wait3A_854] : memref<80x128xi32, #tpu.memory_space<vmem>> -> memref<1x128xi32, #tpu.memory_space<vmem>>
        %dma_wait3A_856 = tpu.memref_squeeze %dma_wait3A_855 : memref<1x128xi32, #tpu.memory_space<vmem>> -> memref<128xi32, #tpu.memory_space<vmem>>
        %dma_wait3A_857 = arith.constant 0 : i32
        %dma_wait3A_858 = arith.constant 0 : i32
        %dma_wait3A_859 = tpu.memref_slice %arg10[%dma_wait3A_857, %dma_wait3A_858] : memref<10240x128xf32, #tpu.memory_space<vmem_shared>> -> memref<10240x128xf32, #tpu.memory_space<vmem_shared>>
        tpu.wait_indirect_dma semaphore(%arg18 : memref<!tpu.dma_semaphore, #tpu.memory_space<semaphore_mem>>) src(%arg9 : memref<128x128xf32, #tpu.memory_space<vmem>>) dst(%dma_wait3A_859 : memref<10240x128xf32, #tpu.memory_space<vmem_shared>>)
      } else {
      }
      %dma_start3A_834 = arith.constant 3 : i32
      %dma_start3A_835 = arith.constant 0 : i32
      %dma_start3A_836 = tpu.memref_slice %arg7[%dma_start3A_834, %dma_start3A_835] : memref<4x128xi32, #tpu.memory_space<vmem>> -> memref<1x128xi32, #tpu.memory_space<vmem>>
      %dma_start3A_837 = tpu.memref_squeeze %dma_start3A_836 : memref<1x128xi32, #tpu.memory_space<vmem>> -> memref<128xi32, #tpu.memory_space<vmem>>
      %dma_start3A_838 = arith.constant 0 : i32
      %dma_start3A_839 = arith.constant 0 : i32
      %dma_start3A_840 = tpu.memref_slice %arg4[%dma_start3A_838, %dma_start3A_839] : memref<40960x128xf32, #tpu.memory_space<hbm>> -> memref<40960x128xf32, #tpu.memory_space<hbm>>
      tpu.enqueue_indirect_dma source(%dma_start3A_840 : memref<40960x128xf32, #tpu.memory_space<hbm>>) target(%arg9 : memref<128x128xf32, #tpu.memory_space<vmem>>) offsets(%dma_start3A_837 : memref<128xi32, #tpu.memory_space<vmem>>) semaphore(%arg16 : memref<!tpu.dma_semaphore, #tpu.memory_space<semaphore_mem>>)
      %ge3A_841 = arith.constant 1 : i32
      %ge3A_842 = arith.cmpi sge, %add3A_702, %ge3A_841 : i32
      %convert_element_type3A_843 = arith.extui %ge3A_842 : i1 to i32
      %cond3A_844 = arith.constant 0 : i32
      %cond3A_845 = arith.cmpi ne, %convert_element_type3A_843, %cond3A_844 : i32
      scf.if %cond3A_845 {
        %dma_wait3A_853 = arith.constant 3 : i32
        %dma_wait3A_854 = arith.constant 0 : i32
        %dma_wait3A_855 = tpu.memref_slice %arg7[%dma_wait3A_853, %dma_wait3A_854] : memref<4x128xi32, #tpu.memory_space<vmem>> -> memref<1x128xi32, #tpu.memory_space<vmem>>
        %dma_wait3A_856 = tpu.memref_squeeze %dma_wait3A_855 : memref<1x128xi32, #tpu.memory_space<vmem>> -> memref<128xi32, #tpu.memory_space<vmem>>
        %dma_wait3A_857 = arith.constant 0 : i32
        %dma_wait3A_858 = arith.constant 0 : i32
        %dma_wait3A_859 = tpu.memref_slice %arg4[%dma_wait3A_857, %dma_wait3A_858] : memref<40960x128xf32, #tpu.memory_space<hbm>> -> memref<40960x128xf32, #tpu.memory_space<hbm>>
        tpu.wait_indirect_dma semaphore(%arg15 : memref<!tpu.dma_semaphore, #tpu.memory_space<semaphore_mem>>) src(%dma_wait3A_859 : memref<40960x128xf32, #tpu.memory_space<hbm>>) dst(%arg8 : memref<128x128xf32, #tpu.memory_space<vmem>>)
        %sub3A = arith.constant 1 : i32
        %sub3A_860 = arith.subi %add3A_702, %sub3A : i32
        %dma_start3A_861 = arith.constant 0 : i32
        %dma_start3A_862 = tpu.memref_slice %arg6[%sub3A_860, %dma_start3A_861] : memref<80x128xi32, #tpu.memory_space<vmem>> -> memref<1x128xi32, #tpu.memory_space<vmem>>
        %dma_start3A_863 = tpu.memref_squeeze %dma_start3A_862 : memref<1x128xi32, #tpu.memory_space<vmem>> -> memref<128xi32, #tpu.memory_space<vmem>>
        %dma_start3A_864 = arith.constant 0 : i32
        %dma_start3A_865 = arith.constant 0 : i32
        %dma_start3A_866 = tpu.memref_slice %arg10[%dma_start3A_864, %dma_start3A_865] : memref<10240x128xf32, #tpu.memory_space<vmem_shared>> -> memref<10240x128xf32, #tpu.memory_space<vmem_shared>>
        tpu.enqueue_indirect_dma source(%arg8 : memref<128x128xf32, #tpu.memory_space<vmem>>) target(%dma_start3A_866 : memref<10240x128xf32, #tpu.memory_space<vmem_shared>>) offsets(%dma_start3A_863 : memref<128xi32, #tpu.memory_space<vmem>>) semaphore(%arg17 : memref<!tpu.dma_semaphore, #tpu.memory_space<semaphore_mem>>) {add = true}
      } else {
      }
      %add3A_846 = arith.constant 3 : i32
      %add3A_847 = arith.addi %add3A_702, %add3A_846 : i32
      %lt3A_848 = arith.constant 80 : i32
      %lt3A_849 = arith.cmpi slt, %add3A_847, %lt3A_848 : i32
      %convert_element_type3A_850 = arith.extui %lt3A_849 : i1 to i32
      %cond3A_851 = arith.constant 0 : i32
      %cond3A_852 = arith.cmpi ne, %convert_element_type3A_850, %cond3A_851 : i32
      scf.if %cond3A_852 {
        %add3A_853 = arith.constant 3 : i32
        %add3A_854 = arith.addi %add3A_702, %add3A_853 : i32
        %dma_start3A_855 = arith.constant 2 : i32
        %dma_start3A_856 = arith.constant 0 : i32
        %dma_start3A_857 = tpu.memref_slice %arg7[%dma_start3A_855, %dma_start3A_856] : memref<4x128xi32, #tpu.memory_space<vmem>> -> memref<1x128xi32, #tpu.memory_space<vmem>>
        %dma_start3A_858 = tpu.memref_squeeze %dma_start3A_857 : memref<1x128xi32, #tpu.memory_space<vmem>> -> memref<128xi32, #tpu.memory_space<vmem>>
        %dma_start3A_859 = arith.constant 0 : i32
        %dma_start3A_860 = arith.constant 0 : i32
        %dma_start3A_861 = tpu.memref_slice %arg2[%arg1, %dma_start3A_859, %dma_start3A_860] : memref<16x80x128xi32, #tpu.memory_space<hbm>> -> memref<1x80x128xi32, #tpu.memory_space<hbm>>
        %dma_start3A_862 = tpu.memref_squeeze %dma_start3A_861 : memref<1x80x128xi32, #tpu.memory_space<hbm>> -> memref<80x128xi32, #tpu.memory_space<hbm>>
        %dma_start3A_863 = arith.constant 0 : i32
        %dma_start3A_864 = tpu.memref_slice %dma_start3A_862[%add3A_854, %dma_start3A_863] : memref<80x128xi32, #tpu.memory_space<hbm>> -> memref<1x128xi32, #tpu.memory_space<hbm>>
        %dma_start3A_865 = tpu.memref_squeeze %dma_start3A_864 : memref<1x128xi32, #tpu.memory_space<hbm>> -> memref<128xi32, #tpu.memory_space<hbm>>
        %dma_start3A_866 = arith.constant 0 : i32
        %dma_start3A_867 = tpu.memref_slice %arg7[%dma_start3A_855, %dma_start3A_866] : memref<4x128xi32, #tpu.memory_space<vmem>> -> memref<1x128xi32, #tpu.memory_space<vmem>>
        %dma_start3A_868 = tpu.memref_squeeze %dma_start3A_867 : memref<1x128xi32, #tpu.memory_space<vmem>> -> memref<128xi32, #tpu.memory_space<vmem>>
        %dma_start3A_869 = arith.constant 0 : i32
        %dma_start3A_870 = arith.constant 0 : i32
        %dma_start3A_871 = tpu.memref_slice %arg2[%arg1, %dma_start3A_869, %dma_start3A_870] : memref<16x80x128xi32, #tpu.memory_space<hbm>> -> memref<1x80x128xi32, #tpu.memory_space<hbm>>
        %dma_start3A_872 = tpu.memref_squeeze %dma_start3A_871 : memref<1x80x128xi32, #tpu.memory_space<hbm>> -> memref<80x128xi32, #tpu.memory_space<hbm>>
        %dma_start3A_873 = arith.constant 0 : i32
        %dma_start3A_874 = tpu.memref_slice %dma_start3A_872[%add3A_854, %dma_start3A_873] : memref<80x128xi32, #tpu.memory_space<hbm>> -> memref<1x128xi32, #tpu.memory_space<hbm>>
        %dma_start3A_875 = tpu.memref_squeeze %dma_start3A_874 : memref<1x128xi32, #tpu.memory_space<hbm>> -> memref<128xi32, #tpu.memory_space<hbm>>
        tpu.enqueue_dma source(%dma_start3A_875 : memref<128xi32, #tpu.memory_space<hbm>>) target(%dma_start3A_868 : memref<128xi32, #tpu.memory_space<vmem>>) target_semaphore(%arg13 : memref<!tpu.dma_semaphore, #tpu.memory_space<semaphore_mem>>)
      } else {
      }
    }
    %scan3A_85 = arith.constant 20 : i32
    %dma_wait3A = arith.constant 3 : i32
    %dma_wait3A_86 = arith.constant 0 : i32
    %dma_wait3A_87 = tpu.memref_slice %arg7[%dma_wait3A, %dma_wait3A_86] : memref<4x128xi32, #tpu.memory_space<vmem>> -> memref<1x128xi32, #tpu.memory_space<vmem>>
    %dma_wait3A_88 = tpu.memref_squeeze %dma_wait3A_87 : memref<1x128xi32, #tpu.memory_space<vmem>> -> memref<128xi32, #tpu.memory_space<vmem>>
    %dma_wait3A_89 = arith.constant 0 : i32
    %dma_wait3A_90 = arith.constant 0 : i32
    %dma_wait3A_91 = tpu.memref_slice %arg4[%dma_wait3A_89, %dma_wait3A_90] : memref<40960x128xf32, #tpu.memory_space<hbm>> -> memref<40960x128xf32, #tpu.memory_space<hbm>>
    tpu.wait_indirect_dma semaphore(%arg16 : memref<!tpu.dma_semaphore, #tpu.memory_space<semaphore_mem>>) src(%dma_wait3A_91 : memref<40960x128xf32, #tpu.memory_space<hbm>>) dst(%arg9 : memref<128x128xf32, #tpu.memory_space<vmem>>)
    %dma_start3A_92 = arith.constant 79 : i32
    %dma_start3A_93 = arith.constant 0 : i32
    %dma_start3A_94 = tpu.memref_slice %arg6[%dma_start3A_92, %dma_start3A_93] : memref<80x128xi32, #tpu.memory_space<vmem>> -> memref<1x128xi32, #tpu.memory_space<vmem>>
    %dma_start3A_95 = tpu.memref_squeeze %dma_start3A_94 : memref<1x128xi32, #tpu.memory_space<vmem>> -> memref<128xi32, #tpu.memory_space<vmem>>
    %dma_start3A_96 = arith.constant 0 : i32
    %dma_start3A_97 = arith.constant 0 : i32
    %dma_start3A_98 = tpu.memref_slice %arg10[%dma_start3A_96, %dma_start3A_97] : memref<10240x128xf32, #tpu.memory_space<vmem_shared>> -> memref<10240x128xf32, #tpu.memory_space<vmem_shared>>
    tpu.enqueue_indirect_dma source(%arg9 : memref<128x128xf32, #tpu.memory_space<vmem>>) target(%dma_start3A_98 : memref<10240x128xf32, #tpu.memory_space<vmem_shared>>) offsets(%dma_start3A_95 : memref<128xi32, #tpu.memory_space<vmem>>) semaphore(%arg18 : memref<!tpu.dma_semaphore, #tpu.memory_space<semaphore_mem>>) {add = true}
    %dma_wait3A_99 = arith.constant 0 : i32
    %dma_wait3A_100 = arith.constant 0 : i32
    %dma_wait3A_101 = tpu.memref_slice %arg6[%dma_wait3A_99, %dma_wait3A_100] : memref<80x128xi32, #tpu.memory_space<vmem>> -> memref<1x128xi32, #tpu.memory_space<vmem>>
    %dma_wait3A_102 = tpu.memref_squeeze %dma_wait3A_101 : memref<1x128xi32, #tpu.memory_space<vmem>> -> memref<128xi32, #tpu.memory_space<vmem>>
    %dma_wait3A_103 = arith.constant 0 : i32
    %dma_wait3A_104 = arith.constant 0 : i32
    %dma_wait3A_105 = tpu.memref_slice %arg10[%dma_wait3A_103, %dma_wait3A_104] : memref<10240x128xf32, #tpu.memory_space<vmem_shared>> -> memref<10240x128xf32, #tpu.memory_space<vmem_shared>>
    tpu.wait_indirect_dma semaphore(%arg17 : memref<!tpu.dma_semaphore, #tpu.memory_space<semaphore_mem>>) src(%arg8 : memref<128x128xf32, #tpu.memory_space<vmem>>) dst(%dma_wait3A_105 : memref<10240x128xf32, #tpu.memory_space<vmem_shared>>)
    %dma_wait3A_106 = arith.constant 0 : i32
    %dma_wait3A_107 = arith.constant 0 : i32
    %dma_wait3A_108 = tpu.memref_slice %arg6[%dma_wait3A_106, %dma_wait3A_107] : memref<80x128xi32, #tpu.memory_space<vmem>> -> memref<1x128xi32, #tpu.memory_space<vmem>>
    %dma_wait3A_109 = tpu.memref_squeeze %dma_wait3A_108 : memref<1x128xi32, #tpu.memory_space<vmem>> -> memref<128xi32, #tpu.memory_space<vmem>>
    %dma_wait3A_110 = arith.constant 0 : i32
    %dma_wait3A_111 = arith.constant 0 : i32
    %dma_wait3A_112 = tpu.memref_slice %arg10[%dma_wait3A_110, %dma_wait3A_111] : memref<10240x128xf32, #tpu.memory_space<vmem_shared>> -> memref<10240x128xf32, #tpu.memory_space<vmem_shared>>
    tpu.wait_indirect_dma semaphore(%arg18 : memref<!tpu.dma_semaphore, #tpu.memory_space<semaphore_mem>>) src(%arg9 : memref<128x128xf32, #tpu.memory_space<vmem>>) dst(%dma_wait3A_112 : memref<10240x128xf32, #tpu.memory_space<vmem_shared>>)
    %barrier3A_113 = arith.constant 0 : index
    tpu.barrier barrier_id(%barrier3A_113)
    %mul3A_114 = arith.constant 640 : i32
    %mul3A_115 = arith.muli %arg1, %mul3A_114 : i32
    %mul3A_116 = arith.constant 10240 : i32
    %mul3A_117 = arith.muli %add3A_1, %mul3A_116 : i32
    %mul3A_118 = arith.constant 640 : i32
    %mul3A_119 = arith.muli %arg1, %mul3A_118 : i32
    %add3A_120 = arith.addi %mul3A_117, %mul3A_119 : i32
    "tpu.region"() ({
      %run_scoped3A = tpu.sem_alloc : memref<!tpu.dma_semaphore, #tpu.memory_space<semaphore_mem>>
      %dma_start3A_248 = arith.constant 0 : i32
      %dma_start3A_249 = tpu.memref_slice %arg5[%add3A_120, %dma_start3A_248] : memref<40960x128xf32, #tpu.memory_space<hbm>> -> memref<640x128xf32, #tpu.memory_space<hbm>>
      %dma_start3A_250 = arith.constant 0 : i32
      %dma_start3A_251 = tpu.memref_slice %arg10[%mul3A_115, %dma_start3A_250] : memref<10240x128xf32, #tpu.memory_space<vmem_shared>> -> memref<640x128xf32, #tpu.memory_space<vmem_shared>>
      tpu.enqueue_dma source(%dma_start3A_251 : memref<640x128xf32, #tpu.memory_space<vmem_shared>>) target(%dma_start3A_249 : memref<640x128xf32, #tpu.memory_space<hbm>>) target_semaphore(%run_scoped3A : memref<!tpu.dma_semaphore, #tpu.memory_space<semaphore_mem>>)
      %dma_wait3A_252 = arith.constant 0 : i32
      %dma_wait3A_253 = tpu.memref_slice %arg5[%add3A_120, %dma_wait3A_252] : memref<40960x128xf32, #tpu.memory_space<hbm>> -> memref<640x128xf32, #tpu.memory_space<hbm>>
      %dma_wait3A_254 = arith.constant 0 : i32
      %dma_wait3A_255 = tpu.memref_slice %arg10[%mul3A_115, %dma_wait3A_254] : memref<10240x128xf32, #tpu.memory_space<vmem_shared>> -> memref<640x128xf32, #tpu.memory_space<vmem_shared>>
      tpu.wait_dma2 semaphore(%run_scoped3A : memref<!tpu.dma_semaphore, #tpu.memory_space<semaphore_mem>>) src(%dma_wait3A_255 : memref<640x128xf32, #tpu.memory_space<vmem_shared>>) dst(%dma_wait3A_253 : memref<640x128xf32, #tpu.memory_space<hbm>>)
      tpu.yield
    }) : () -> ()
    %mul3A_121 = arith.constant 2 : i32
    %mul3A_122 = arith.muli %mul3A_121, %arg0 : i32
    %add3A_123 = arith.constant 1 : i32
    %add3A_124 = arith.addi %mul3A_122, %add3A_123 : i32
    %mul3A_125 = arith.constant 10240 : i32
    %mul3A_126 = arith.muli %add3A_124, %mul3A_125 : i32
    %scan3A_127 = arith.constant 0 : i32
    %scan3A_128 = arith.constant 0 : i32
    %scan3A_129 = arith.constant 128 : i32
    %scan3A_130 = arith.addi %scan3A_128, %scan3A_129 : i32
    %scan3A_131 = arith.constant 1 : i32
    scf.for %scan3A_248 = %scan3A_128 to %scan3A_130 step %scan3A_131  : i32 {
      %broadcast_in_dim3A = arith.constant 0.000000e+00 : f32
      %broadcast_in_dim3A_249 = vector.broadcast %broadcast_in_dim3A : f32 to vector<16xf32>
      %swap3A = arith.index_cast %scan3A_248 : i32 to index
      %swap3A_250 = arith.constant 0 : index
      %swap3A_251 = tpu.vector_load %arg8[%swap3A, %swap3A_250] {strides = array<i32>} : memref<128x128xf32, #tpu.memory_space<vmem>>, vector<1x16xf32>,
      %swap3A_252 = vector.shape_cast %swap3A_251 : vector<1x16xf32> to vector<16xf32>
      %swap3A_253 = vector.shape_cast %broadcast_in_dim3A_249 : vector<16xf32> to vector<1x16xf32>
      tpu.vector_store %arg8[%swap3A, %swap3A_250], %swap3A_253 {strides = array<i32>} : memref<128x128xf32, #tpu.memory_space<vmem>>, vector<1x16xf32>,
      %broadcast_in_dim3A_254 = arith.constant 0.000000e+00 : f32
      %broadcast_in_dim3A_255 = vector.broadcast %broadcast_in_dim3A_254 : f32 to vector<16xf32>
      %swap3A_256 = arith.index_cast %scan3A_248 : i32 to index
      %swap3A_257 = arith.constant 16 : index
      %swap3A_258 = tpu.vector_load %arg8[%swap3A_256, %swap3A_257] {strides = array<i32>} : memref<128x128xf32, #tpu.memory_space<vmem>>, vector<1x16xf32>,
      %swap3A_259 = vector.shape_cast %swap3A_258 : vector<1x16xf32> to vector<16xf32>
      %swap3A_260 = vector.shape_cast %broadcast_in_dim3A_255 : vector<16xf32> to vector<1x16xf32>
      tpu.vector_store %arg8[%swap3A_256, %swap3A_257], %swap3A_260 {strides = array<i32>} : memref<128x128xf32, #tpu.memory_space<vmem>>, vector<1x16xf32>,
      %broadcast_in_dim3A_261 = arith.constant 0.000000e+00 : f32
      %broadcast_in_dim3A_262 = vector.broadcast %broadcast_in_dim3A_261 : f32 to vector<16xf32>
      %swap3A_263 = arith.index_cast %scan3A_248 : i32 to index
      %swap3A_264 = arith.constant 32 : index
      %swap3A_265 = tpu.vector_load %arg8[%swap3A_263, %swap3A_264] {strides = array<i32>} : memref<128x128xf32, #tpu.memory_space<vmem>>, vector<1x16xf32>,
      %swap3A_266 = vector.shape_cast %swap3A_265 : vector<1x16xf32> to vector<16xf32>
      %swap3A_267 = vector.shape_cast %broadcast_in_dim3A_262 : vector<16xf32> to vector<1x16xf32>
      tpu.vector_store %arg8[%swap3A_263, %swap3A_264], %swap3A_267 {strides = array<i32>} : memref<128x128xf32, #tpu.memory_space<vmem>>, vector<1x16xf32>,
      %broadcast_in_dim3A_268 = arith.constant 0.000000e+00 : f32
      %broadcast_in_dim3A_269 = vector.broadcast %broadcast_in_dim3A_268 : f32 to vector<16xf32>
      %swap3A_270 = arith.index_cast %scan3A_248 : i32 to index
      %swap3A_271 = arith.constant 48 : index
      %swap3A_272 = tpu.vector_load %arg8[%swap3A_270, %swap3A_271] {strides = array<i32>} : memref<128x128xf32, #tpu.memory_space<vmem>>, vector<1x16xf32>,
      %swap3A_273 = vector.shape_cast %swap3A_272 : vector<1x16xf32> to vector<16xf32>
      %swap3A_274 = vector.shape_cast %broadcast_in_dim3A_269 : vector<16xf32> to vector<1x16xf32>
      tpu.vector_store %arg8[%swap3A_270, %swap3A_271], %swap3A_274 {strides = array<i32>} : memref<128x128xf32, #tpu.memory_space<vmem>>, vector<1x16xf32>,
      %broadcast_in_dim3A_275 = arith.constant 0.000000e+00 : f32
      %broadcast_in_dim3A_276 = vector.broadcast %broadcast_in_dim3A_275 : f32 to vector<16xf32>
      %swap3A_277 = arith.index_cast %scan3A_248 : i32 to index
      %swap3A_278 = arith.constant 64 : index
      %swap3A_279 = tpu.vector_load %arg8[%swap3A_277, %swap3A_278] {strides = array<i32>} : memref<128x128xf32, #tpu.memory_space<vmem>>, vector<1x16xf32>,
      %swap3A_280 = vector.shape_cast %swap3A_279 : vector<1x16xf32> to vector<16xf32>
      %swap3A_281 = vector.shape_cast %broadcast_in_dim3A_276 : vector<16xf32> to vector<1x16xf32>
      tpu.vector_store %arg8[%swap3A_277, %swap3A_278], %swap3A_281 {strides = array<i32>} : memref<128x128xf32, #tpu.memory_space<vmem>>, vector<1x16xf32>,
      %broadcast_in_dim3A_282 = arith.constant 0.000000e+00 : f32
      %broadcast_in_dim3A_283 = vector.broadcast %broadcast_in_dim3A_282 : f32 to vector<16xf32>
      %swap3A_284 = arith.index_cast %scan3A_248 : i32 to index
      %swap3A_285 = arith.constant 80 : index
      %swap3A_286 = tpu.vector_load %arg8[%swap3A_284, %swap3A_285] {strides = array<i32>} : memref<128x128xf32, #tpu.memory_space<vmem>>, vector<1x16xf32>,
      %swap3A_287 = vector.shape_cast %swap3A_286 : vector<1x16xf32> to vector<16xf32>
      %swap3A_288 = vector.shape_cast %broadcast_in_dim3A_283 : vector<16xf32> to vector<1x16xf32>
      tpu.vector_store %arg8[%swap3A_284, %swap3A_285], %swap3A_288 {strides = array<i32>} : memref<128x128xf32, #tpu.memory_space<vmem>>, vector<1x16xf32>,
      %broadcast_in_dim3A_289 = arith.constant 0.000000e+00 : f32
      %broadcast_in_dim3A_290 = vector.broadcast %broadcast_in_dim3A_289 : f32 to vector<16xf32>
      %swap3A_291 = arith.index_cast %scan3A_248 : i32 to index
      %swap3A_292 = arith.constant 96 : index
      %swap3A_293 = tpu.vector_load %arg8[%swap3A_291, %swap3A_292] {strides = array<i32>} : memref<128x128xf32, #tpu.memory_space<vmem>>, vector<1x16xf32>,
      %swap3A_294 = vector.shape_cast %swap3A_293 : vector<1x16xf32> to vector<16xf32>
      %swap3A_295 = vector.shape_cast %broadcast_in_dim3A_290 : vector<16xf32> to vector<1x16xf32>
      tpu.vector_store %arg8[%swap3A_291, %swap3A_292], %swap3A_295 {strides = array<i32>} : memref<128x128xf32, #tpu.memory_space<vmem>>, vector<1x16xf32>,
      %broadcast_in_dim3A_296 = arith.constant 0.000000e+00 : f32
      %broadcast_in_dim3A_297 = vector.broadcast %broadcast_in_dim3A_296 : f32 to vector<16xf32>
      %swap3A_298 = arith.index_cast %scan3A_248 : i32 to index
      %swap3A_299 = arith.constant 112 : index
      %swap3A_300 = tpu.vector_load %arg8[%swap3A_298, %swap3A_299] {strides = array<i32>} : memref<128x128xf32, #tpu.memory_space<vmem>>, vector<1x16xf32>,
      %swap3A_301 = vector.shape_cast %swap3A_300 : vector<1x16xf32> to vector<16xf32>
      %swap3A_302 = vector.shape_cast %broadcast_in_dim3A_297 : vector<16xf32> to vector<1x16xf32>
      tpu.vector_store %arg8[%swap3A_298, %swap3A_299], %swap3A_302 {strides = array<i32>} : memref<128x128xf32, #tpu.memory_space<vmem>>, vector<1x16xf32>,
    }
    %scan3A_132 = arith.constant 128 : i32
    %scan3A_133 = arith.constant 0 : i32
    %scan3A_134 = arith.constant 0 : i32
    %scan3A_135 = arith.constant 5 : i32
    %scan3A_136 = arith.addi %scan3A_134, %scan3A_135 : i32
    %scan3A_137 = arith.constant 1 : i32
    scf.for %scan3A_248 = %scan3A_134 to %scan3A_136 step %scan3A_137  : i32 {
      %mul3A_249 = arith.constant 640 : i32
      %mul3A_250 = arith.muli %arg1, %mul3A_249 : i32
      %mul3A_251 = arith.constant 128 : i32
      %mul3A_252 = arith.muli %scan3A_248, %mul3A_251 : i32
      %add3A_253 = arith.addi %mul3A_250, %mul3A_252 : i32
      "tpu.region"() ({
        %run_scoped3A = tpu.sem_alloc : memref<!tpu.dma_semaphore, #tpu.memory_space<semaphore_mem>>
        %dma_start3A_254 = arith.constant 0 : i32
        %dma_start3A_255 = tpu.memref_slice %arg10[%add3A_253, %dma_start3A_254] : memref<10240x128xf32, #tpu.memory_space<vmem_shared>> -> memref<128x128xf32, #tpu.memory_space<vmem_shared>>
        %dma_start3A_256 = arith.constant 0 : i32
        %dma_start3A_257 = tpu.memref_slice %arg10[%add3A_253, %dma_start3A_256] : memref<10240x128xf32, #tpu.memory_space<vmem_shared>> -> memref<128x128xf32, #tpu.memory_space<vmem_shared>>
        tpu.enqueue_dma source(%arg8 : memref<128x128xf32, #tpu.memory_space<vmem>>) target(%dma_start3A_257 : memref<128x128xf32, #tpu.memory_space<vmem_shared>>) target_semaphore(%run_scoped3A : memref<!tpu.dma_semaphore, #tpu.memory_space<semaphore_mem>>)
        %dma_wait3A_258 = arith.constant 0 : i32
        %dma_wait3A_259 = tpu.memref_slice %arg10[%add3A_253, %dma_wait3A_258] : memref<10240x128xf32, #tpu.memory_space<vmem_shared>> -> memref<128x128xf32, #tpu.memory_space<vmem_shared>>
        %dma_wait3A_260 = arith.constant 0 : i32
        %dma_wait3A_261 = tpu.memref_slice %arg10[%add3A_253, %dma_wait3A_260] : memref<10240x128xf32, #tpu.memory_space<vmem_shared>> -> memref<128x128xf32, #tpu.memory_space<vmem_shared>>
        tpu.wait_dma2 semaphore(%run_scoped3A : memref<!tpu.dma_semaphore, #tpu.memory_space<semaphore_mem>>) src(%arg8 : memref<128x128xf32, #tpu.memory_space<vmem>>) dst(%dma_wait3A_261 : memref<128x128xf32, #tpu.memory_space<vmem_shared>>)
        tpu.yield
      }) : () -> ()
    }
    %scan3A_138 = arith.constant 5 : i32
    %dma_start3A_139 = arith.constant 0 : i32
    %dma_start3A_140 = arith.constant 0 : i32
    %dma_start3A_141 = arith.constant 0 : i32
    %dma_start3A_142 = tpu.memref_slice %arg7[%dma_start3A_140, %dma_start3A_141] : memref<4x128xi32, #tpu.memory_space<vmem>> -> memref<1x128xi32, #tpu.memory_space<vmem>>
    %dma_start3A_143 = tpu.memref_squeeze %dma_start3A_142 : memref<1x128xi32, #tpu.memory_space<vmem>> -> memref<128xi32, #tpu.memory_space<vmem>>
    %dma_start3A_144 = arith.constant 0 : i32
    %dma_start3A_145 = arith.constant 0 : i32
    %dma_start3A_146 = tpu.memref_slice %arg2[%arg1, %dma_start3A_144, %dma_start3A_145] : memref<16x80x128xi32, #tpu.memory_space<hbm>> -> memref<1x80x128xi32, #tpu.memory_space<hbm>>
    %dma_start3A_147 = tpu.memref_squeeze %dma_start3A_146 : memref<1x80x128xi32, #tpu.memory_space<hbm>> -> memref<80x128xi32, #tpu.memory_space<hbm>>
    %dma_start3A_148 = arith.constant 0 : i32
    %dma_start3A_149 = tpu.memref_slice %dma_start3A_147[%dma_start3A_139, %dma_start3A_148] : memref<80x128xi32, #tpu.memory_space<hbm>> -> memref<1x128xi32, #tpu.memory_space<hbm>>
    %dma_start3A_150 = tpu.memref_squeeze %dma_start3A_149 : memref<1x128xi32, #tpu.memory_space<hbm>> -> memref<128xi32, #tpu.memory_space<hbm>>
    %dma_start3A_151 = arith.constant 0 : i32
    %dma_start3A_152 = tpu.memref_slice %arg7[%dma_start3A_140, %dma_start3A_151] : memref<4x128xi32, #tpu.memory_space<vmem>> -> memref<1x128xi32, #tpu.memory_space<vmem>>
    %dma_start3A_153 = tpu.memref_squeeze %dma_start3A_152 : memref<1x128xi32, #tpu.memory_space<vmem>> -> memref<128xi32, #tpu.memory_space<vmem>>
    %dma_start3A_154 = arith.constant 0 : i32
    %dma_start3A_155 = arith.constant 0 : i32
    %dma_start3A_156 = tpu.memref_slice %arg2[%arg1, %dma_start3A_154, %dma_start3A_155] : memref<16x80x128xi32, #tpu.memory_space<hbm>> -> memref<1x80x128xi32, #tpu.memory_space<hbm>>
    %dma_start3A_157 = tpu.memref_squeeze %dma_start3A_156 : memref<1x80x128xi32, #tpu.memory_space<hbm>> -> memref<80x128xi32, #tpu.memory_space<hbm>>
    %dma_start3A_158 = arith.constant 0 : i32
    %dma_start3A_159 = tpu.memref_slice %dma_start3A_157[%dma_start3A_139, %dma_start3A_158] : memref<80x128xi32, #tpu.memory_space<hbm>> -> memref<1x128xi32, #tpu.memory_space<hbm>>
    %dma_start3A_160 = tpu.memref_squeeze %dma_start3A_159 : memref<1x128xi32, #tpu.memory_space<hbm>> -> memref<128xi32, #tpu.memory_space<hbm>>
    tpu.enqueue_dma source(%dma_start3A_160 : memref<128xi32, #tpu.memory_space<hbm>>) target(%dma_start3A_153 : memref<128xi32, #tpu.memory_space<vmem>>) target_semaphore(%arg11 : memref<!tpu.dma_semaphore, #tpu.memory_space<semaphore_mem>>)
    %dma_start3A_161 = arith.constant 1 : i32
    %dma_start3A_162 = arith.constant 1 : i32
    %dma_start3A_163 = arith.constant 0 : i32
    %dma_start3A_164 = tpu.memref_slice %arg7[%dma_start3A_162, %dma_start3A_163] : memref<4x128xi32, #tpu.memory_space<vmem>> -> memref<1x128xi32, #tpu.memory_space<vmem>>
    %dma_start3A_165 = tpu.memref_squeeze %dma_start3A_164 : memref<1x128xi32, #tpu.memory_space<vmem>> -> memref<128xi32, #tpu.memory_space<vmem>>
    %dma_start3A_166 = arith.constant 0 : i32
    %dma_start3A_167 = arith.constant 0 : i32
    %dma_start3A_168 = tpu.memref_slice %arg2[%arg1, %dma_start3A_166, %dma_start3A_167] : memref<16x80x128xi32, #tpu.memory_space<hbm>> -> memref<1x80x128xi32, #tpu.memory_space<hbm>>
    %dma_start3A_169 = tpu.memref_squeeze %dma_start3A_168 : memref<1x80x128xi32, #tpu.memory_space<hbm>> -> memref<80x128xi32, #tpu.memory_space<hbm>>
    %dma_start3A_170 = arith.constant 0 : i32
    %dma_start3A_171 = tpu.memref_slice %dma_start3A_169[%dma_start3A_161, %dma_start3A_170] : memref<80x128xi32, #tpu.memory_space<hbm>> -> memref<1x128xi32, #tpu.memory_space<hbm>>
    %dma_start3A_172 = tpu.memref_squeeze %dma_start3A_171 : memref<1x128xi32, #tpu.memory_space<hbm>> -> memref<128xi32, #tpu.memory_space<hbm>>
    %dma_start3A_173 = arith.constant 0 : i32
    %dma_start3A_174 = tpu.memref_slice %arg7[%dma_start3A_162, %dma_start3A_173] : memref<4x128xi32, #tpu.memory_space<vmem>> -> memref<1x128xi32, #tpu.memory_space<vmem>>
    %dma_start3A_175 = tpu.memref_squeeze %dma_start3A_174 : memref<1x128xi32, #tpu.memory_space<vmem>> -> memref<128xi32, #tpu.memory_space<vmem>>
    %dma_start3A_176 = arith.constant 0 : i32
    %dma_start3A_177 = arith.constant 0 : i32
    %dma_start3A_178 = tpu.memref_slice %arg2[%arg1, %dma_start3A_176, %dma_start3A_177] : memref<16x80x128xi32, #tpu.memory_space<hbm>> -> memref<1x80x128xi32, #tpu.memory_space<hbm>>
    %dma_start3A_179 = tpu.memref_squeeze %dma_start3A_178 : memref<1x80x128xi32, #tpu.memory_space<hbm>> -> memref<80x128xi32, #tpu.memory_space<hbm>>
    %dma_start3A_180 = arith.constant 0 : i32
    %dma_start3A_181 = tpu.memref_slice %dma_start3A_179[%dma_start3A_161, %dma_start3A_180] : memref<80x128xi32, #tpu.memory_space<hbm>> -> memref<1x128xi32, #tpu.memory_space<hbm>>
    %dma_start3A_182 = tpu.memref_squeeze %dma_start3A_181 : memref<1x128xi32, #tpu.memory_space<hbm>> -> memref<128xi32, #tpu.memory_space<hbm>>
    tpu.enqueue_dma source(%dma_start3A_182 : memref<128xi32, #tpu.memory_space<hbm>>) target(%dma_start3A_175 : memref<128xi32, #tpu.memory_space<vmem>>) target_semaphore(%arg12 : memref<!tpu.dma_semaphore, #tpu.memory_space<semaphore_mem>>)
    %dma_start3A_183 = arith.constant 2 : i32
    %dma_start3A_184 = arith.constant 2 : i32
    %dma_start3A_185 = arith.constant 0 : i32
    %dma_start3A_186 = tpu.memref_slice %arg7[%dma_start3A_184, %dma_start3A_185] : memref<4x128xi32, #tpu.memory_space<vmem>> -> memref<1x128xi32, #tpu.memory_space<vmem>>
    %dma_start3A_187 = tpu.memref_squeeze %dma_start3A_186 : memref<1x128xi32, #tpu.memory_space<vmem>> -> memref<128xi32, #tpu.memory_space<vmem>>
    %dma_start3A_188 = arith.constant 0 : i32
    %dma_start3A_189 = arith.constant 0 : i32
    %dma_start3A_190 = tpu.memref_slice %arg2[%arg1, %dma_start3A_188, %dma_start3A_189] : memref<16x80x128xi32, #tpu.memory_space<hbm>> -> memref<1x80x128xi32, #tpu.memory_space<hbm>>
    %dma_start3A_191 = tpu.memref_squeeze %dma_start3A_190 : memref<1x80x128xi32, #tpu.memory_space<hbm>> -> memref<80x128xi32, #tpu.memory_space<hbm>>
    %dma_start3A_192 = arith.constant 0 : i32
    %dma_start3A_193 = tpu.memref_slice %dma_start3A_191[%dma_start3A_183, %dma_start3A_192] : memref<80x128xi32, #tpu.memory_space<hbm>> -> memref<1x128xi32, #tpu.memory_space<hbm>>
    %dma_start3A_194 = tpu.memref_squeeze %dma_start3A_193 : memref<1x128xi32, #tpu.memory_space<hbm>> -> memref<128xi32, #tpu.memory_space<hbm>>
    %dma_start3A_195 = arith.constant 0 : i32
    %dma_start3A_196 = tpu.memref_slice %arg7[%dma_start3A_184, %dma_start3A_195] : memref<4x128xi32, #tpu.memory_space<vmem>> -> memref<1x128xi32, #tpu.memory_space<vmem>>
    %dma_start3A_197 = tpu.memref_squeeze %dma_start3A_196 : memref<1x128xi32, #tpu.memory_space<vmem>> -> memref<128xi32, #tpu.memory_space<vmem>>
    %dma_start3A_198 = arith.constant 0 : i32
    %dma_start3A_199 = arith.constant 0 : i32
    %dma_start3A_200 = tpu.memref_slice %arg2[%arg1, %dma_start3A_198, %dma_start3A_199] : memref<16x80x128xi32, #tpu.memory_space<hbm>> -> memref<1x80x128xi32, #tpu.memory_space<hbm>>
    %dma_start3A_201 = tpu.memref_squeeze %dma_start3A_200 : memref<1x80x128xi32, #tpu.memory_space<hbm>> -> memref<80x128xi32, #tpu.memory_space<hbm>>
    %dma_start3A_202 = arith.constant 0 : i32
    %dma_start3A_203 = tpu.memref_slice %dma_start3A_201[%dma_start3A_183, %dma_start3A_202] : memref<80x128xi32, #tpu.memory_space<hbm>> -> memref<1x128xi32, #tpu.memory_space<hbm>>
    %dma_start3A_204 = tpu.memref_squeeze %dma_start3A_203 : memref<1x128xi32, #tpu.memory_space<hbm>> -> memref<128xi32, #tpu.memory_space<hbm>>
    tpu.enqueue_dma source(%dma_start3A_204 : memref<128xi32, #tpu.memory_space<hbm>>) target(%dma_start3A_197 : memref<128xi32, #tpu.memory_space<vmem>>) target_semaphore(%arg13 : memref<!tpu.dma_semaphore, #tpu.memory_space<semaphore_mem>>)
    %barrier3A_205 = arith.constant 0 : index
    tpu.barrier barrier_id(%barrier3A_205)
    %scan3A_206 = arith.constant 0 : i32
    %scan3A_207 = arith.constant 0 : i32
    %scan3A_208 = arith.constant 20 : i32
    %scan3A_209 = arith.addi %scan3A_207, %scan3A_208 : i32
    %scan3A_210 = arith.constant 1 : i32
    scf.for %scan3A_248 = %scan3A_207 to %scan3A_209 step %scan3A_210  : i32 {
      %mul3A_249 = arith.constant 4 : i32
      %mul3A_250 = arith.muli %mul3A_249, %scan3A_248 : i32
      %add3A_251 = arith.constant 0 : i32
      %add3A_252 = arith.addi %mul3A_250, %add3A_251 : i32
      %dma_wait3A_253 = arith.constant 0 : i32
      %dma_wait3A_254 = arith.constant 0 : i32
      %dma_wait3A_255 = arith.constant 0 : i32
      %dma_wait3A_256 = tpu.memref_slice %arg7[%dma_wait3A_254, %dma_wait3A_255] : memref<4x128xi32, #tpu.memory_space<vmem>> -> memref<1x128xi32, #tpu.memory_space<vmem>>
      %dma_wait3A_257 = tpu.memref_squeeze %dma_wait3A_256 : memref<1x128xi32, #tpu.memory_space<vmem>> -> memref<128xi32, #tpu.memory_space<vmem>>
      %dma_wait3A_258 = arith.constant 0 : i32
      %dma_wait3A_259 = arith.constant 0 : i32
      %dma_wait3A_260 = tpu.memref_slice %arg2[%arg1, %dma_wait3A_258, %dma_wait3A_259] : memref<16x80x128xi32, #tpu.memory_space<hbm>> -> memref<1x80x128xi32, #tpu.memory_space<hbm>>
      %dma_wait3A_261 = tpu.memref_squeeze %dma_wait3A_260 : memref<1x80x128xi32, #tpu.memory_space<hbm>> -> memref<80x128xi32, #tpu.memory_space<hbm>>
      %dma_wait3A_262 = arith.constant 0 : i32
      %dma_wait3A_263 = tpu.memref_slice %dma_wait3A_261[%dma_wait3A_253, %dma_wait3A_262] : memref<80x128xi32, #tpu.memory_space<hbm>> -> memref<1x128xi32, #tpu.memory_space<hbm>>
      %dma_wait3A_264 = tpu.memref_squeeze %dma_wait3A_263 : memref<1x128xi32, #tpu.memory_space<hbm>> -> memref<128xi32, #tpu.memory_space<hbm>>
      %dma_wait3A_265 = arith.constant 0 : i32
      %dma_wait3A_266 = tpu.memref_slice %arg7[%dma_wait3A_254, %dma_wait3A_265] : memref<4x128xi32, #tpu.memory_space<vmem>> -> memref<1x128xi32, #tpu.memory_space<vmem>>
      %dma_wait3A_267 = tpu.memref_squeeze %dma_wait3A_266 : memref<1x128xi32, #tpu.memory_space<vmem>> -> memref<128xi32, #tpu.memory_space<vmem>>
      %dma_wait3A_268 = arith.constant 0 : i32
      %dma_wait3A_269 = arith.constant 0 : i32
      %dma_wait3A_270 = tpu.memref_slice %arg2[%arg1, %dma_wait3A_268, %dma_wait3A_269] : memref<16x80x128xi32, #tpu.memory_space<hbm>> -> memref<1x80x128xi32, #tpu.memory_space<hbm>>
      %dma_wait3A_271 = tpu.memref_squeeze %dma_wait3A_270 : memref<1x80x128xi32, #tpu.memory_space<hbm>> -> memref<80x128xi32, #tpu.memory_space<hbm>>
      %dma_wait3A_272 = arith.constant 0 : i32
      %dma_wait3A_273 = tpu.memref_slice %dma_wait3A_271[%dma_wait3A_253, %dma_wait3A_272] : memref<80x128xi32, #tpu.memory_space<hbm>> -> memref<1x128xi32, #tpu.memory_space<hbm>>
      %dma_wait3A_274 = tpu.memref_squeeze %dma_wait3A_273 : memref<1x128xi32, #tpu.memory_space<hbm>> -> memref<128xi32, #tpu.memory_space<hbm>>
      tpu.wait_dma2 semaphore(%arg11 : memref<!tpu.dma_semaphore, #tpu.memory_space<semaphore_mem>>) src(%dma_wait3A_274 : memref<128xi32, #tpu.memory_space<hbm>>) dst(%dma_wait3A_267 : memref<128xi32, #tpu.memory_space<vmem>>)
      %get3A = arith.constant 0 : i32
      %get3A_275 = arith.index_cast %get3A : i32 to index
      %get3A_276 = arith.constant 0 : index
      %get3A_277 = tpu.vector_load %arg7[%get3A_275, %get3A_276] {strides = array<i32>} : memref<4x128xi32, #tpu.memory_space<vmem>>, vector<1x16xi32>,
      %get3A_278 = vector.shape_cast %get3A_277 : vector<1x16xi32> to vector<16xi32>
      %add3A_279 = vector.broadcast %mul3A_126 : i32 to vector<16xi32>
      %add3A_280 = arith.addi %get3A_278, %add3A_279 : vector<16xi32>
      %swap3A = arith.constant 0 : i32
      %swap3A_281 = arith.index_cast %swap3A : i32 to index
      %swap3A_282 = arith.constant 0 : index
      %swap3A_283 = tpu.vector_load %arg7[%swap3A_281, %swap3A_282] {strides = array<i32>} : memref<4x128xi32, #tpu.memory_space<vmem>>, vector<1x16xi32>,
      %swap3A_284 = vector.shape_cast %swap3A_283 : vector<1x16xi32> to vector<16xi32>
      %swap3A_285 = vector.shape_cast %add3A_280 : vector<16xi32> to vector<1x16xi32>
      tpu.vector_store %arg7[%swap3A_281, %swap3A_282], %swap3A_285 {strides = array<i32>} : memref<4x128xi32, #tpu.memory_space<vmem>>, vector<1x16xi32>,
      %get3A_286 = arith.constant 0 : i32
      %get3A_287 = arith.index_cast %get3A_286 : i32 to index
      %get3A_288 = arith.constant 16 : index
      %get3A_289 = tpu.vector_load %arg7[%get3A_287, %get3A_288] {strides = array<i32>} : memref<4x128xi32, #tpu.memory_space<vmem>>, vector<1x16xi32>,
      %get3A_290 = vector.shape_cast %get3A_289 : vector<1x16xi32> to vector<16xi32>
      %add3A_291 = vector.broadcast %mul3A_126 : i32 to vector<16xi32>
      %add3A_292 = arith.addi %get3A_290, %add3A_291 : vector<16xi32>
      %swap3A_293 = arith.constant 0 : i32
      %swap3A_294 = arith.index_cast %swap3A_293 : i32 to index
      %swap3A_295 = arith.constant 16 : index
      %swap3A_296 = tpu.vector_load %arg7[%swap3A_294, %swap3A_295] {strides = array<i32>} : memref<4x128xi32, #tpu.memory_space<vmem>>, vector<1x16xi32>,
      %swap3A_297 = vector.shape_cast %swap3A_296 : vector<1x16xi32> to vector<16xi32>
      %swap3A_298 = vector.shape_cast %add3A_292 : vector<16xi32> to vector<1x16xi32>
      tpu.vector_store %arg7[%swap3A_294, %swap3A_295], %swap3A_298 {strides = array<i32>} : memref<4x128xi32, #tpu.memory_space<vmem>>, vector<1x16xi32>,
      %get3A_299 = arith.constant 0 : i32
      %get3A_300 = arith.index_cast %get3A_299 : i32 to index
      %get3A_301 = arith.constant 32 : index
      %get3A_302 = tpu.vector_load %arg7[%get3A_300, %get3A_301] {strides = array<i32>} : memref<4x128xi32, #tpu.memory_space<vmem>>, vector<1x16xi32>,
      %get3A_303 = vector.shape_cast %get3A_302 : vector<1x16xi32> to vector<16xi32>
      %add3A_304 = vector.broadcast %mul3A_126 : i32 to vector<16xi32>
      %add3A_305 = arith.addi %get3A_303, %add3A_304 : vector<16xi32>
      %swap3A_306 = arith.constant 0 : i32
      %swap3A_307 = arith.index_cast %swap3A_306 : i32 to index
      %swap3A_308 = arith.constant 32 : index
      %swap3A_309 = tpu.vector_load %arg7[%swap3A_307, %swap3A_308] {strides = array<i32>} : memref<4x128xi32, #tpu.memory_space<vmem>>, vector<1x16xi32>,
      %swap3A_310 = vector.shape_cast %swap3A_309 : vector<1x16xi32> to vector<16xi32>
      %swap3A_311 = vector.shape_cast %add3A_305 : vector<16xi32> to vector<1x16xi32>
      tpu.vector_store %arg7[%swap3A_307, %swap3A_308], %swap3A_311 {strides = array<i32>} : memref<4x128xi32, #tpu.memory_space<vmem>>, vector<1x16xi32>,
      %get3A_312 = arith.constant 0 : i32
      %get3A_313 = arith.index_cast %get3A_312 : i32 to index
      %get3A_314 = arith.constant 48 : index
      %get3A_315 = tpu.vector_load %arg7[%get3A_313, %get3A_314] {strides = array<i32>} : memref<4x128xi32, #tpu.memory_space<vmem>>, vector<1x16xi32>,
      %get3A_316 = vector.shape_cast %get3A_315 : vector<1x16xi32> to vector<16xi32>
      %add3A_317 = vector.broadcast %mul3A_126 : i32 to vector<16xi32>
      %add3A_318 = arith.addi %get3A_316, %add3A_317 : vector<16xi32>
      %swap3A_319 = arith.constant 0 : i32
      %swap3A_320 = arith.index_cast %swap3A_319 : i32 to index
      %swap3A_321 = arith.constant 48 : index
      %swap3A_322 = tpu.vector_load %arg7[%swap3A_320, %swap3A_321] {strides = array<i32>} : memref<4x128xi32, #tpu.memory_space<vmem>>, vector<1x16xi32>,
      %swap3A_323 = vector.shape_cast %swap3A_322 : vector<1x16xi32> to vector<16xi32>
      %swap3A_324 = vector.shape_cast %add3A_318 : vector<16xi32> to vector<1x16xi32>
      tpu.vector_store %arg7[%swap3A_320, %swap3A_321], %swap3A_324 {strides = array<i32>} : memref<4x128xi32, #tpu.memory_space<vmem>>, vector<1x16xi32>,
      %get3A_325 = arith.constant 0 : i32
      %get3A_326 = arith.index_cast %get3A_325 : i32 to index
      %get3A_327 = arith.constant 64 : index
      %get3A_328 = tpu.vector_load %arg7[%get3A_326, %get3A_327] {strides = array<i32>} : memref<4x128xi32, #tpu.memory_space<vmem>>, vector<1x16xi32>,
      %get3A_329 = vector.shape_cast %get3A_328 : vector<1x16xi32> to vector<16xi32>
      %add3A_330 = vector.broadcast %mul3A_126 : i32 to vector<16xi32>
      %add3A_331 = arith.addi %get3A_329, %add3A_330 : vector<16xi32>
      %swap3A_332 = arith.constant 0 : i32
      %swap3A_333 = arith.index_cast %swap3A_332 : i32 to index
      %swap3A_334 = arith.constant 64 : index
      %swap3A_335 = tpu.vector_load %arg7[%swap3A_333, %swap3A_334] {strides = array<i32>} : memref<4x128xi32, #tpu.memory_space<vmem>>, vector<1x16xi32>,
      %swap3A_336 = vector.shape_cast %swap3A_335 : vector<1x16xi32> to vector<16xi32>
      %swap3A_337 = vector.shape_cast %add3A_331 : vector<16xi32> to vector<1x16xi32>
      tpu.vector_store %arg7[%swap3A_333, %swap3A_334], %swap3A_337 {strides = array<i32>} : memref<4x128xi32, #tpu.memory_space<vmem>>, vector<1x16xi32>,
      %get3A_338 = arith.constant 0 : i32
      %get3A_339 = arith.index_cast %get3A_338 : i32 to index
      %get3A_340 = arith.constant 80 : index
      %get3A_341 = tpu.vector_load %arg7[%get3A_339, %get3A_340] {strides = array<i32>} : memref<4x128xi32, #tpu.memory_space<vmem>>, vector<1x16xi32>,
      %get3A_342 = vector.shape_cast %get3A_341 : vector<1x16xi32> to vector<16xi32>
      %add3A_343 = vector.broadcast %mul3A_126 : i32 to vector<16xi32>
      %add3A_344 = arith.addi %get3A_342, %add3A_343 : vector<16xi32>
      %swap3A_345 = arith.constant 0 : i32
      %swap3A_346 = arith.index_cast %swap3A_345 : i32 to index
      %swap3A_347 = arith.constant 80 : index
      %swap3A_348 = tpu.vector_load %arg7[%swap3A_346, %swap3A_347] {strides = array<i32>} : memref<4x128xi32, #tpu.memory_space<vmem>>, vector<1x16xi32>,
      %swap3A_349 = vector.shape_cast %swap3A_348 : vector<1x16xi32> to vector<16xi32>
      %swap3A_350 = vector.shape_cast %add3A_344 : vector<16xi32> to vector<1x16xi32>
      tpu.vector_store %arg7[%swap3A_346, %swap3A_347], %swap3A_350 {strides = array<i32>} : memref<4x128xi32, #tpu.memory_space<vmem>>, vector<1x16xi32>,
      %get3A_351 = arith.constant 0 : i32
      %get3A_352 = arith.index_cast %get3A_351 : i32 to index
      %get3A_353 = arith.constant 96 : index
      %get3A_354 = tpu.vector_load %arg7[%get3A_352, %get3A_353] {strides = array<i32>} : memref<4x128xi32, #tpu.memory_space<vmem>>, vector<1x16xi32>,
      %get3A_355 = vector.shape_cast %get3A_354 : vector<1x16xi32> to vector<16xi32>
      %add3A_356 = vector.broadcast %mul3A_126 : i32 to vector<16xi32>
      %add3A_357 = arith.addi %get3A_355, %add3A_356 : vector<16xi32>
      %swap3A_358 = arith.constant 0 : i32
      %swap3A_359 = arith.index_cast %swap3A_358 : i32 to index
      %swap3A_360 = arith.constant 96 : index
      %swap3A_361 = tpu.vector_load %arg7[%swap3A_359, %swap3A_360] {strides = array<i32>} : memref<4x128xi32, #tpu.memory_space<vmem>>, vector<1x16xi32>,
      %swap3A_362 = vector.shape_cast %swap3A_361 : vector<1x16xi32> to vector<16xi32>
      %swap3A_363 = vector.shape_cast %add3A_357 : vector<16xi32> to vector<1x16xi32>
      tpu.vector_store %arg7[%swap3A_359, %swap3A_360], %swap3A_363 {strides = array<i32>} : memref<4x128xi32, #tpu.memory_space<vmem>>, vector<1x16xi32>,
      %get3A_364 = arith.constant 0 : i32
      %get3A_365 = arith.index_cast %get3A_364 : i32 to index
      %get3A_366 = arith.constant 112 : index
      %get3A_367 = tpu.vector_load %arg7[%get3A_365, %get3A_366] {strides = array<i32>} : memref<4x128xi32, #tpu.memory_space<vmem>>, vector<1x16xi32>,
      %get3A_368 = vector.shape_cast %get3A_367 : vector<1x16xi32> to vector<16xi32>
      %add3A_369 = vector.broadcast %mul3A_126 : i32 to vector<16xi32>
      %add3A_370 = arith.addi %get3A_368, %add3A_369 : vector<16xi32>
      %swap3A_371 = arith.constant 0 : i32
      %swap3A_372 = arith.index_cast %swap3A_371 : i32 to index
      %swap3A_373 = arith.constant 112 : index
      %swap3A_374 = tpu.vector_load %arg7[%swap3A_372, %swap3A_373] {strides = array<i32>} : memref<4x128xi32, #tpu.memory_space<vmem>>, vector<1x16xi32>,
      %swap3A_375 = vector.shape_cast %swap3A_374 : vector<1x16xi32> to vector<16xi32>
      %swap3A_376 = vector.shape_cast %add3A_370 : vector<16xi32> to vector<1x16xi32>
      tpu.vector_store %arg7[%swap3A_372, %swap3A_373], %swap3A_376 {strides = array<i32>} : memref<4x128xi32, #tpu.memory_space<vmem>>, vector<1x16xi32>,
      %ge3A = arith.constant 2 : i32
      %ge3A_377 = arith.cmpi sge, %add3A_252, %ge3A : i32
      %convert_element_type3A = arith.extui %ge3A_377 : i1 to i32
      %cond3A = arith.constant 0 : i32
      %cond3A_378 = arith.cmpi ne, %convert_element_type3A, %cond3A : i32
      scf.if %cond3A_378 {
        %dma_wait3A_853 = arith.constant 0 : i32
        %dma_wait3A_854 = arith.constant 0 : i32
        %dma_wait3A_855 = tpu.memref_slice %arg6[%dma_wait3A_853, %dma_wait3A_854] : memref<80x128xi32, #tpu.memory_space<vmem>> -> memref<1x128xi32, #tpu.memory_space<vmem>>
        %dma_wait3A_856 = tpu.memref_squeeze %dma_wait3A_855 : memref<1x128xi32, #tpu.memory_space<vmem>> -> memref<128xi32, #tpu.memory_space<vmem>>
        %dma_wait3A_857 = arith.constant 0 : i32
        %dma_wait3A_858 = arith.constant 0 : i32
        %dma_wait3A_859 = tpu.memref_slice %arg10[%dma_wait3A_857, %dma_wait3A_858] : memref<10240x128xf32, #tpu.memory_space<vmem_shared>> -> memref<10240x128xf32, #tpu.memory_space<vmem_shared>>
        tpu.wait_indirect_dma semaphore(%arg17 : memref<!tpu.dma_semaphore, #tpu.memory_space<semaphore_mem>>) src(%arg8 : memref<128x128xf32, #tpu.memory_space<vmem>>) dst(%dma_wait3A_859 : memref<10240x128xf32, #tpu.memory_space<vmem_shared>>)
      } else {
      }
      %dma_start3A_379 = arith.constant 0 : i32
      %dma_start3A_380 = arith.constant 0 : i32
      %dma_start3A_381 = tpu.memref_slice %arg7[%dma_start3A_379, %dma_start3A_380] : memref<4x128xi32, #tpu.memory_space<vmem>> -> memref<1x128xi32, #tpu.memory_space<vmem>>
      %dma_start3A_382 = tpu.memref_squeeze %dma_start3A_381 : memref<1x128xi32, #tpu.memory_space<vmem>> -> memref<128xi32, #tpu.memory_space<vmem>>
      %dma_start3A_383 = arith.constant 0 : i32
      %dma_start3A_384 = arith.constant 0 : i32
      %dma_start3A_385 = tpu.memref_slice %arg4[%dma_start3A_383, %dma_start3A_384] : memref<40960x128xf32, #tpu.memory_space<hbm>> -> memref<40960x128xf32, #tpu.memory_space<hbm>>
      tpu.enqueue_indirect_dma source(%dma_start3A_385 : memref<40960x128xf32, #tpu.memory_space<hbm>>) target(%arg8 : memref<128x128xf32, #tpu.memory_space<vmem>>) offsets(%dma_start3A_382 : memref<128xi32, #tpu.memory_space<vmem>>) semaphore(%arg15 : memref<!tpu.dma_semaphore, #tpu.memory_space<semaphore_mem>>)
      %ge3A_386 = arith.constant 1 : i32
      %ge3A_387 = arith.cmpi sge, %add3A_252, %ge3A_386 : i32
      %convert_element_type3A_388 = arith.extui %ge3A_387 : i1 to i32
      %cond3A_389 = arith.constant 0 : i32
      %cond3A_390 = arith.cmpi ne, %convert_element_type3A_388, %cond3A_389 : i32
      scf.if %cond3A_390 {
        %dma_wait3A_853 = arith.constant 0 : i32
        %dma_wait3A_854 = arith.constant 0 : i32
        %dma_wait3A_855 = tpu.memref_slice %arg7[%dma_wait3A_853, %dma_wait3A_854] : memref<4x128xi32, #tpu.memory_space<vmem>> -> memref<1x128xi32, #tpu.memory_space<vmem>>
        %dma_wait3A_856 = tpu.memref_squeeze %dma_wait3A_855 : memref<1x128xi32, #tpu.memory_space<vmem>> -> memref<128xi32, #tpu.memory_space<vmem>>
        %dma_wait3A_857 = arith.constant 0 : i32
        %dma_wait3A_858 = arith.constant 0 : i32
        %dma_wait3A_859 = tpu.memref_slice %arg4[%dma_wait3A_857, %dma_wait3A_858] : memref<40960x128xf32, #tpu.memory_space<hbm>> -> memref<40960x128xf32, #tpu.memory_space<hbm>>
        tpu.wait_indirect_dma semaphore(%arg16 : memref<!tpu.dma_semaphore, #tpu.memory_space<semaphore_mem>>) src(%dma_wait3A_859 : memref<40960x128xf32, #tpu.memory_space<hbm>>) dst(%arg9 : memref<128x128xf32, #tpu.memory_space<vmem>>)
        %sub3A = arith.constant 1 : i32
        %sub3A_860 = arith.subi %add3A_252, %sub3A : i32
        %dma_start3A_861 = arith.constant 0 : i32
        %dma_start3A_862 = tpu.memref_slice %arg6[%sub3A_860, %dma_start3A_861] : memref<80x128xi32, #tpu.memory_space<vmem>> -> memref<1x128xi32, #tpu.memory_space<vmem>>
        %dma_start3A_863 = tpu.memref_squeeze %dma_start3A_862 : memref<1x128xi32, #tpu.memory_space<vmem>> -> memref<128xi32, #tpu.memory_space<vmem>>
        %dma_start3A_864 = arith.constant 0 : i32
        %dma_start3A_865 = arith.constant 0 : i32
        %dma_start3A_866 = tpu.memref_slice %arg10[%dma_start3A_864, %dma_start3A_865] : memref<10240x128xf32, #tpu.memory_space<vmem_shared>> -> memref<10240x128xf32, #tpu.memory_space<vmem_shared>>
        tpu.enqueue_indirect_dma source(%arg9 : memref<128x128xf32, #tpu.memory_space<vmem>>) target(%dma_start3A_866 : memref<10240x128xf32, #tpu.memory_space<vmem_shared>>) offsets(%dma_start3A_863 : memref<128xi32, #tpu.memory_space<vmem>>) semaphore(%arg18 : memref<!tpu.dma_semaphore, #tpu.memory_space<semaphore_mem>>) {add = true}
      } else {
      }
      %add3A_391 = arith.constant 3 : i32
      %add3A_392 = arith.addi %add3A_252, %add3A_391 : i32
      %lt3A = arith.constant 80 : i32
      %lt3A_393 = arith.cmpi slt, %add3A_392, %lt3A : i32
      %convert_element_type3A_394 = arith.extui %lt3A_393 : i1 to i32
      %cond3A_395 = arith.constant 0 : i32
      %cond3A_396 = arith.cmpi ne, %convert_element_type3A_394, %cond3A_395 : i32
      scf.if %cond3A_396 {
        %add3A_853 = arith.constant 3 : i32
        %add3A_854 = arith.addi %add3A_252, %add3A_853 : i32
        %dma_start3A_855 = arith.constant 3 : i32
        %dma_start3A_856 = arith.constant 0 : i32
        %dma_start3A_857 = tpu.memref_slice %arg7[%dma_start3A_855, %dma_start3A_856] : memref<4x128xi32, #tpu.memory_space<vmem>> -> memref<1x128xi32, #tpu.memory_space<vmem>>
        %dma_start3A_858 = tpu.memref_squeeze %dma_start3A_857 : memref<1x128xi32, #tpu.memory_space<vmem>> -> memref<128xi32, #tpu.memory_space<vmem>>
        %dma_start3A_859 = arith.constant 0 : i32
        %dma_start3A_860 = arith.constant 0 : i32
        %dma_start3A_861 = tpu.memref_slice %arg2[%arg1, %dma_start3A_859, %dma_start3A_860] : memref<16x80x128xi32, #tpu.memory_space<hbm>> -> memref<1x80x128xi32, #tpu.memory_space<hbm>>
        %dma_start3A_862 = tpu.memref_squeeze %dma_start3A_861 : memref<1x80x128xi32, #tpu.memory_space<hbm>> -> memref<80x128xi32, #tpu.memory_space<hbm>>
        %dma_start3A_863 = arith.constant 0 : i32
        %dma_start3A_864 = tpu.memref_slice %dma_start3A_862[%add3A_854, %dma_start3A_863] : memref<80x128xi32, #tpu.memory_space<hbm>> -> memref<1x128xi32, #tpu.memory_space<hbm>>
        %dma_start3A_865 = tpu.memref_squeeze %dma_start3A_864 : memref<1x128xi32, #tpu.memory_space<hbm>> -> memref<128xi32, #tpu.memory_space<hbm>>
        %dma_start3A_866 = arith.constant 0 : i32
        %dma_start3A_867 = tpu.memref_slice %arg7[%dma_start3A_855, %dma_start3A_866] : memref<4x128xi32, #tpu.memory_space<vmem>> -> memref<1x128xi32, #tpu.memory_space<vmem>>
        %dma_start3A_868 = tpu.memref_squeeze %dma_start3A_867 : memref<1x128xi32, #tpu.memory_space<vmem>> -> memref<128xi32, #tpu.memory_space<vmem>>
        %dma_start3A_869 = arith.constant 0 : i32
        %dma_start3A_870 = arith.constant 0 : i32
        %dma_start3A_871 = tpu.memref_slice %arg2[%arg1, %dma_start3A_869, %dma_start3A_870] : memref<16x80x128xi32, #tpu.memory_space<hbm>> -> memref<1x80x128xi32, #tpu.memory_space<hbm>>
        %dma_start3A_872 = tpu.memref_squeeze %dma_start3A_871 : memref<1x80x128xi32, #tpu.memory_space<hbm>> -> memref<80x128xi32, #tpu.memory_space<hbm>>
        %dma_start3A_873 = arith.constant 0 : i32
        %dma_start3A_874 = tpu.memref_slice %dma_start3A_872[%add3A_854, %dma_start3A_873] : memref<80x128xi32, #tpu.memory_space<hbm>> -> memref<1x128xi32, #tpu.memory_space<hbm>>
        %dma_start3A_875 = tpu.memref_squeeze %dma_start3A_874 : memref<1x128xi32, #tpu.memory_space<hbm>> -> memref<128xi32, #tpu.memory_space<hbm>>
        tpu.enqueue_dma source(%dma_start3A_875 : memref<128xi32, #tpu.memory_space<hbm>>) target(%dma_start3A_868 : memref<128xi32, #tpu.memory_space<vmem>>) target_semaphore(%arg14 : memref<!tpu.dma_semaphore, #tpu.memory_space<semaphore_mem>>)
      } else {
      }
      %add3A_397 = arith.constant 1 : i32
      %add3A_398 = arith.addi %mul3A_250, %add3A_397 : i32
      %dma_wait3A_399 = arith.constant 0 : i32
      %dma_wait3A_400 = arith.constant 1 : i32
      %dma_wait3A_401 = arith.constant 0 : i32
      %dma_wait3A_402 = tpu.memref_slice %arg7[%dma_wait3A_400, %dma_wait3A_401] : memref<4x128xi32, #tpu.memory_space<vmem>> -> memref<1x128xi32, #tpu.memory_space<vmem>>
      %dma_wait3A_403 = tpu.memref_squeeze %dma_wait3A_402 : memref<1x128xi32, #tpu.memory_space<vmem>> -> memref<128xi32, #tpu.memory_space<vmem>>
      %dma_wait3A_404 = arith.constant 0 : i32
      %dma_wait3A_405 = arith.constant 0 : i32
      %dma_wait3A_406 = tpu.memref_slice %arg2[%arg1, %dma_wait3A_404, %dma_wait3A_405] : memref<16x80x128xi32, #tpu.memory_space<hbm>> -> memref<1x80x128xi32, #tpu.memory_space<hbm>>
      %dma_wait3A_407 = tpu.memref_squeeze %dma_wait3A_406 : memref<1x80x128xi32, #tpu.memory_space<hbm>> -> memref<80x128xi32, #tpu.memory_space<hbm>>
      %dma_wait3A_408 = arith.constant 0 : i32
      %dma_wait3A_409 = tpu.memref_slice %dma_wait3A_407[%dma_wait3A_399, %dma_wait3A_408] : memref<80x128xi32, #tpu.memory_space<hbm>> -> memref<1x128xi32, #tpu.memory_space<hbm>>
      %dma_wait3A_410 = tpu.memref_squeeze %dma_wait3A_409 : memref<1x128xi32, #tpu.memory_space<hbm>> -> memref<128xi32, #tpu.memory_space<hbm>>
      %dma_wait3A_411 = arith.constant 0 : i32
      %dma_wait3A_412 = tpu.memref_slice %arg7[%dma_wait3A_400, %dma_wait3A_411] : memref<4x128xi32, #tpu.memory_space<vmem>> -> memref<1x128xi32, #tpu.memory_space<vmem>>
      %dma_wait3A_413 = tpu.memref_squeeze %dma_wait3A_412 : memref<1x128xi32, #tpu.memory_space<vmem>> -> memref<128xi32, #tpu.memory_space<vmem>>
      %dma_wait3A_414 = arith.constant 0 : i32
      %dma_wait3A_415 = arith.constant 0 : i32
      %dma_wait3A_416 = tpu.memref_slice %arg2[%arg1, %dma_wait3A_414, %dma_wait3A_415] : memref<16x80x128xi32, #tpu.memory_space<hbm>> -> memref<1x80x128xi32, #tpu.memory_space<hbm>>
      %dma_wait3A_417 = tpu.memref_squeeze %dma_wait3A_416 : memref<1x80x128xi32, #tpu.memory_space<hbm>> -> memref<80x128xi32, #tpu.memory_space<hbm>>
      %dma_wait3A_418 = arith.constant 0 : i32
      %dma_wait3A_419 = tpu.memref_slice %dma_wait3A_417[%dma_wait3A_399, %dma_wait3A_418] : memref<80x128xi32, #tpu.memory_space<hbm>> -> memref<1x128xi32, #tpu.memory_space<hbm>>
      %dma_wait3A_420 = tpu.memref_squeeze %dma_wait3A_419 : memref<1x128xi32, #tpu.memory_space<hbm>> -> memref<128xi32, #tpu.memory_space<hbm>>
      tpu.wait_dma2 semaphore(%arg12 : memref<!tpu.dma_semaphore, #tpu.memory_space<semaphore_mem>>) src(%dma_wait3A_420 : memref<128xi32, #tpu.memory_space<hbm>>) dst(%dma_wait3A_413 : memref<128xi32, #tpu.memory_space<vmem>>)
      %get3A_421 = arith.constant 1 : i32
      %get3A_422 = arith.index_cast %get3A_421 : i32 to index
      %get3A_423 = arith.constant 0 : index
      %get3A_424 = tpu.vector_load %arg7[%get3A_422, %get3A_423] {strides = array<i32>} : memref<4x128xi32, #tpu.memory_space<vmem>>, vector<1x16xi32>,
      %get3A_425 = vector.shape_cast %get3A_424 : vector<1x16xi32> to vector<16xi32>
      %add3A_426 = vector.broadcast %mul3A_126 : i32 to vector<16xi32>
      %add3A_427 = arith.addi %get3A_425, %add3A_426 : vector<16xi32>
      %swap3A_428 = arith.constant 1 : i32
      %swap3A_429 = arith.index_cast %swap3A_428 : i32 to index
      %swap3A_430 = arith.constant 0 : index
      %swap3A_431 = tpu.vector_load %arg7[%swap3A_429, %swap3A_430] {strides = array<i32>} : memref<4x128xi32, #tpu.memory_space<vmem>>, vector<1x16xi32>,
      %swap3A_432 = vector.shape_cast %swap3A_431 : vector<1x16xi32> to vector<16xi32>
      %swap3A_433 = vector.shape_cast %add3A_427 : vector<16xi32> to vector<1x16xi32>
      tpu.vector_store %arg7[%swap3A_429, %swap3A_430], %swap3A_433 {strides = array<i32>} : memref<4x128xi32, #tpu.memory_space<vmem>>, vector<1x16xi32>,
      %get3A_434 = arith.constant 1 : i32
      %get3A_435 = arith.index_cast %get3A_434 : i32 to index
      %get3A_436 = arith.constant 16 : index
      %get3A_437 = tpu.vector_load %arg7[%get3A_435, %get3A_436] {strides = array<i32>} : memref<4x128xi32, #tpu.memory_space<vmem>>, vector<1x16xi32>,
      %get3A_438 = vector.shape_cast %get3A_437 : vector<1x16xi32> to vector<16xi32>
      %add3A_439 = vector.broadcast %mul3A_126 : i32 to vector<16xi32>
      %add3A_440 = arith.addi %get3A_438, %add3A_439 : vector<16xi32>
      %swap3A_441 = arith.constant 1 : i32
      %swap3A_442 = arith.index_cast %swap3A_441 : i32 to index
      %swap3A_443 = arith.constant 16 : index
      %swap3A_444 = tpu.vector_load %arg7[%swap3A_442, %swap3A_443] {strides = array<i32>} : memref<4x128xi32, #tpu.memory_space<vmem>>, vector<1x16xi32>,
      %swap3A_445 = vector.shape_cast %swap3A_444 : vector<1x16xi32> to vector<16xi32>
      %swap3A_446 = vector.shape_cast %add3A_440 : vector<16xi32> to vector<1x16xi32>
      tpu.vector_store %arg7[%swap3A_442, %swap3A_443], %swap3A_446 {strides = array<i32>} : memref<4x128xi32, #tpu.memory_space<vmem>>, vector<1x16xi32>,
      %get3A_447 = arith.constant 1 : i32
      %get3A_448 = arith.index_cast %get3A_447 : i32 to index
      %get3A_449 = arith.constant 32 : index
      %get3A_450 = tpu.vector_load %arg7[%get3A_448, %get3A_449] {strides = array<i32>} : memref<4x128xi32, #tpu.memory_space<vmem>>, vector<1x16xi32>,
      %get3A_451 = vector.shape_cast %get3A_450 : vector<1x16xi32> to vector<16xi32>
      %add3A_452 = vector.broadcast %mul3A_126 : i32 to vector<16xi32>
      %add3A_453 = arith.addi %get3A_451, %add3A_452 : vector<16xi32>
      %swap3A_454 = arith.constant 1 : i32
      %swap3A_455 = arith.index_cast %swap3A_454 : i32 to index
      %swap3A_456 = arith.constant 32 : index
      %swap3A_457 = tpu.vector_load %arg7[%swap3A_455, %swap3A_456] {strides = array<i32>} : memref<4x128xi32, #tpu.memory_space<vmem>>, vector<1x16xi32>,
      %swap3A_458 = vector.shape_cast %swap3A_457 : vector<1x16xi32> to vector<16xi32>
      %swap3A_459 = vector.shape_cast %add3A_453 : vector<16xi32> to vector<1x16xi32>
      tpu.vector_store %arg7[%swap3A_455, %swap3A_456], %swap3A_459 {strides = array<i32>} : memref<4x128xi32, #tpu.memory_space<vmem>>, vector<1x16xi32>,
      %get3A_460 = arith.constant 1 : i32
      %get3A_461 = arith.index_cast %get3A_460 : i32 to index
      %get3A_462 = arith.constant 48 : index
      %get3A_463 = tpu.vector_load %arg7[%get3A_461, %get3A_462] {strides = array<i32>} : memref<4x128xi32, #tpu.memory_space<vmem>>, vector<1x16xi32>,
      %get3A_464 = vector.shape_cast %get3A_463 : vector<1x16xi32> to vector<16xi32>
      %add3A_465 = vector.broadcast %mul3A_126 : i32 to vector<16xi32>
      %add3A_466 = arith.addi %get3A_464, %add3A_465 : vector<16xi32>
      %swap3A_467 = arith.constant 1 : i32
      %swap3A_468 = arith.index_cast %swap3A_467 : i32 to index
      %swap3A_469 = arith.constant 48 : index
      %swap3A_470 = tpu.vector_load %arg7[%swap3A_468, %swap3A_469] {strides = array<i32>} : memref<4x128xi32, #tpu.memory_space<vmem>>, vector<1x16xi32>,
      %swap3A_471 = vector.shape_cast %swap3A_470 : vector<1x16xi32> to vector<16xi32>
      %swap3A_472 = vector.shape_cast %add3A_466 : vector<16xi32> to vector<1x16xi32>
      tpu.vector_store %arg7[%swap3A_468, %swap3A_469], %swap3A_472 {strides = array<i32>} : memref<4x128xi32, #tpu.memory_space<vmem>>, vector<1x16xi32>,
      %get3A_473 = arith.constant 1 : i32
      %get3A_474 = arith.index_cast %get3A_473 : i32 to index
      %get3A_475 = arith.constant 64 : index
      %get3A_476 = tpu.vector_load %arg7[%get3A_474, %get3A_475] {strides = array<i32>} : memref<4x128xi32, #tpu.memory_space<vmem>>, vector<1x16xi32>,
      %get3A_477 = vector.shape_cast %get3A_476 : vector<1x16xi32> to vector<16xi32>
      %add3A_478 = vector.broadcast %mul3A_126 : i32 to vector<16xi32>
      %add3A_479 = arith.addi %get3A_477, %add3A_478 : vector<16xi32>
      %swap3A_480 = arith.constant 1 : i32
      %swap3A_481 = arith.index_cast %swap3A_480 : i32 to index
      %swap3A_482 = arith.constant 64 : index
      %swap3A_483 = tpu.vector_load %arg7[%swap3A_481, %swap3A_482] {strides = array<i32>} : memref<4x128xi32, #tpu.memory_space<vmem>>, vector<1x16xi32>,
      %swap3A_484 = vector.shape_cast %swap3A_483 : vector<1x16xi32> to vector<16xi32>
      %swap3A_485 = vector.shape_cast %add3A_479 : vector<16xi32> to vector<1x16xi32>
      tpu.vector_store %arg7[%swap3A_481, %swap3A_482], %swap3A_485 {strides = array<i32>} : memref<4x128xi32, #tpu.memory_space<vmem>>, vector<1x16xi32>,
      %get3A_486 = arith.constant 1 : i32
      %get3A_487 = arith.index_cast %get3A_486 : i32 to index
      %get3A_488 = arith.constant 80 : index
      %get3A_489 = tpu.vector_load %arg7[%get3A_487, %get3A_488] {strides = array<i32>} : memref<4x128xi32, #tpu.memory_space<vmem>>, vector<1x16xi32>,
      %get3A_490 = vector.shape_cast %get3A_489 : vector<1x16xi32> to vector<16xi32>
      %add3A_491 = vector.broadcast %mul3A_126 : i32 to vector<16xi32>
      %add3A_492 = arith.addi %get3A_490, %add3A_491 : vector<16xi32>
      %swap3A_493 = arith.constant 1 : i32
      %swap3A_494 = arith.index_cast %swap3A_493 : i32 to index
      %swap3A_495 = arith.constant 80 : index
      %swap3A_496 = tpu.vector_load %arg7[%swap3A_494, %swap3A_495] {strides = array<i32>} : memref<4x128xi32, #tpu.memory_space<vmem>>, vector<1x16xi32>,
      %swap3A_497 = vector.shape_cast %swap3A_496 : vector<1x16xi32> to vector<16xi32>
      %swap3A_498 = vector.shape_cast %add3A_492 : vector<16xi32> to vector<1x16xi32>
      tpu.vector_store %arg7[%swap3A_494, %swap3A_495], %swap3A_498 {strides = array<i32>} : memref<4x128xi32, #tpu.memory_space<vmem>>, vector<1x16xi32>,
      %get3A_499 = arith.constant 1 : i32
      %get3A_500 = arith.index_cast %get3A_499 : i32 to index
      %get3A_501 = arith.constant 96 : index
      %get3A_502 = tpu.vector_load %arg7[%get3A_500, %get3A_501] {strides = array<i32>} : memref<4x128xi32, #tpu.memory_space<vmem>>, vector<1x16xi32>,
      %get3A_503 = vector.shape_cast %get3A_502 : vector<1x16xi32> to vector<16xi32>
      %add3A_504 = vector.broadcast %mul3A_126 : i32 to vector<16xi32>
      %add3A_505 = arith.addi %get3A_503, %add3A_504 : vector<16xi32>
      %swap3A_506 = arith.constant 1 : i32
      %swap3A_507 = arith.index_cast %swap3A_506 : i32 to index
      %swap3A_508 = arith.constant 96 : index
      %swap3A_509 = tpu.vector_load %arg7[%swap3A_507, %swap3A_508] {strides = array<i32>} : memref<4x128xi32, #tpu.memory_space<vmem>>, vector<1x16xi32>,
      %swap3A_510 = vector.shape_cast %swap3A_509 : vector<1x16xi32> to vector<16xi32>
      %swap3A_511 = vector.shape_cast %add3A_505 : vector<16xi32> to vector<1x16xi32>
      tpu.vector_store %arg7[%swap3A_507, %swap3A_508], %swap3A_511 {strides = array<i32>} : memref<4x128xi32, #tpu.memory_space<vmem>>, vector<1x16xi32>,
      %get3A_512 = arith.constant 1 : i32
      %get3A_513 = arith.index_cast %get3A_512 : i32 to index
      %get3A_514 = arith.constant 112 : index
      %get3A_515 = tpu.vector_load %arg7[%get3A_513, %get3A_514] {strides = array<i32>} : memref<4x128xi32, #tpu.memory_space<vmem>>, vector<1x16xi32>,
      %get3A_516 = vector.shape_cast %get3A_515 : vector<1x16xi32> to vector<16xi32>
      %add3A_517 = vector.broadcast %mul3A_126 : i32 to vector<16xi32>
      %add3A_518 = arith.addi %get3A_516, %add3A_517 : vector<16xi32>
      %swap3A_519 = arith.constant 1 : i32
      %swap3A_520 = arith.index_cast %swap3A_519 : i32 to index
      %swap3A_521 = arith.constant 112 : index
      %swap3A_522 = tpu.vector_load %arg7[%swap3A_520, %swap3A_521] {strides = array<i32>} : memref<4x128xi32, #tpu.memory_space<vmem>>, vector<1x16xi32>,
      %swap3A_523 = vector.shape_cast %swap3A_522 : vector<1x16xi32> to vector<16xi32>
      %swap3A_524 = vector.shape_cast %add3A_518 : vector<16xi32> to vector<1x16xi32>
      tpu.vector_store %arg7[%swap3A_520, %swap3A_521], %swap3A_524 {strides = array<i32>} : memref<4x128xi32, #tpu.memory_space<vmem>>, vector<1x16xi32>,
      %ge3A_525 = arith.constant 2 : i32
      %ge3A_526 = arith.cmpi sge, %add3A_398, %ge3A_525 : i32
      %convert_element_type3A_527 = arith.extui %ge3A_526 : i1 to i32
      %cond3A_528 = arith.constant 0 : i32
      %cond3A_529 = arith.cmpi ne, %convert_element_type3A_527, %cond3A_528 : i32
      scf.if %cond3A_529 {
        %dma_wait3A_853 = arith.constant 0 : i32
        %dma_wait3A_854 = arith.constant 0 : i32
        %dma_wait3A_855 = tpu.memref_slice %arg6[%dma_wait3A_853, %dma_wait3A_854] : memref<80x128xi32, #tpu.memory_space<vmem>> -> memref<1x128xi32, #tpu.memory_space<vmem>>
        %dma_wait3A_856 = tpu.memref_squeeze %dma_wait3A_855 : memref<1x128xi32, #tpu.memory_space<vmem>> -> memref<128xi32, #tpu.memory_space<vmem>>
        %dma_wait3A_857 = arith.constant 0 : i32
        %dma_wait3A_858 = arith.constant 0 : i32
        %dma_wait3A_859 = tpu.memref_slice %arg10[%dma_wait3A_857, %dma_wait3A_858] : memref<10240x128xf32, #tpu.memory_space<vmem_shared>> -> memref<10240x128xf32, #tpu.memory_space<vmem_shared>>
        tpu.wait_indirect_dma semaphore(%arg18 : memref<!tpu.dma_semaphore, #tpu.memory_space<semaphore_mem>>) src(%arg9 : memref<128x128xf32, #tpu.memory_space<vmem>>) dst(%dma_wait3A_859 : memref<10240x128xf32, #tpu.memory_space<vmem_shared>>)
      } else {
      }
      %dma_start3A_530 = arith.constant 1 : i32
      %dma_start3A_531 = arith.constant 0 : i32
      %dma_start3A_532 = tpu.memref_slice %arg7[%dma_start3A_530, %dma_start3A_531] : memref<4x128xi32, #tpu.memory_space<vmem>> -> memref<1x128xi32, #tpu.memory_space<vmem>>
      %dma_start3A_533 = tpu.memref_squeeze %dma_start3A_532 : memref<1x128xi32, #tpu.memory_space<vmem>> -> memref<128xi32, #tpu.memory_space<vmem>>
      %dma_start3A_534 = arith.constant 0 : i32
      %dma_start3A_535 = arith.constant 0 : i32
      %dma_start3A_536 = tpu.memref_slice %arg4[%dma_start3A_534, %dma_start3A_535] : memref<40960x128xf32, #tpu.memory_space<hbm>> -> memref<40960x128xf32, #tpu.memory_space<hbm>>
      tpu.enqueue_indirect_dma source(%dma_start3A_536 : memref<40960x128xf32, #tpu.memory_space<hbm>>) target(%arg9 : memref<128x128xf32, #tpu.memory_space<vmem>>) offsets(%dma_start3A_533 : memref<128xi32, #tpu.memory_space<vmem>>) semaphore(%arg16 : memref<!tpu.dma_semaphore, #tpu.memory_space<semaphore_mem>>)
      %ge3A_537 = arith.constant 1 : i32
      %ge3A_538 = arith.cmpi sge, %add3A_398, %ge3A_537 : i32
      %convert_element_type3A_539 = arith.extui %ge3A_538 : i1 to i32
      %cond3A_540 = arith.constant 0 : i32
      %cond3A_541 = arith.cmpi ne, %convert_element_type3A_539, %cond3A_540 : i32
      scf.if %cond3A_541 {
        %dma_wait3A_853 = arith.constant 1 : i32
        %dma_wait3A_854 = arith.constant 0 : i32
        %dma_wait3A_855 = tpu.memref_slice %arg7[%dma_wait3A_853, %dma_wait3A_854] : memref<4x128xi32, #tpu.memory_space<vmem>> -> memref<1x128xi32, #tpu.memory_space<vmem>>
        %dma_wait3A_856 = tpu.memref_squeeze %dma_wait3A_855 : memref<1x128xi32, #tpu.memory_space<vmem>> -> memref<128xi32, #tpu.memory_space<vmem>>
        %dma_wait3A_857 = arith.constant 0 : i32
        %dma_wait3A_858 = arith.constant 0 : i32
        %dma_wait3A_859 = tpu.memref_slice %arg4[%dma_wait3A_857, %dma_wait3A_858] : memref<40960x128xf32, #tpu.memory_space<hbm>> -> memref<40960x128xf32, #tpu.memory_space<hbm>>
        tpu.wait_indirect_dma semaphore(%arg15 : memref<!tpu.dma_semaphore, #tpu.memory_space<semaphore_mem>>) src(%dma_wait3A_859 : memref<40960x128xf32, #tpu.memory_space<hbm>>) dst(%arg8 : memref<128x128xf32, #tpu.memory_space<vmem>>)
        %sub3A = arith.constant 1 : i32
        %sub3A_860 = arith.subi %add3A_398, %sub3A : i32
        %dma_start3A_861 = arith.constant 0 : i32
        %dma_start3A_862 = tpu.memref_slice %arg6[%sub3A_860, %dma_start3A_861] : memref<80x128xi32, #tpu.memory_space<vmem>> -> memref<1x128xi32, #tpu.memory_space<vmem>>
        %dma_start3A_863 = tpu.memref_squeeze %dma_start3A_862 : memref<1x128xi32, #tpu.memory_space<vmem>> -> memref<128xi32, #tpu.memory_space<vmem>>
        %dma_start3A_864 = arith.constant 0 : i32
        %dma_start3A_865 = arith.constant 0 : i32
        %dma_start3A_866 = tpu.memref_slice %arg10[%dma_start3A_864, %dma_start3A_865] : memref<10240x128xf32, #tpu.memory_space<vmem_shared>> -> memref<10240x128xf32, #tpu.memory_space<vmem_shared>>
        tpu.enqueue_indirect_dma source(%arg8 : memref<128x128xf32, #tpu.memory_space<vmem>>) target(%dma_start3A_866 : memref<10240x128xf32, #tpu.memory_space<vmem_shared>>) offsets(%dma_start3A_863 : memref<128xi32, #tpu.memory_space<vmem>>) semaphore(%arg17 : memref<!tpu.dma_semaphore, #tpu.memory_space<semaphore_mem>>) {add = true}
      } else {
      }
      %add3A_542 = arith.constant 3 : i32
      %add3A_543 = arith.addi %add3A_398, %add3A_542 : i32
      %lt3A_544 = arith.constant 80 : i32
      %lt3A_545 = arith.cmpi slt, %add3A_543, %lt3A_544 : i32
      %convert_element_type3A_546 = arith.extui %lt3A_545 : i1 to i32
      %cond3A_547 = arith.constant 0 : i32
      %cond3A_548 = arith.cmpi ne, %convert_element_type3A_546, %cond3A_547 : i32
      scf.if %cond3A_548 {
        %add3A_853 = arith.constant 3 : i32
        %add3A_854 = arith.addi %add3A_398, %add3A_853 : i32
        %dma_start3A_855 = arith.constant 0 : i32
        %dma_start3A_856 = arith.constant 0 : i32
        %dma_start3A_857 = tpu.memref_slice %arg7[%dma_start3A_855, %dma_start3A_856] : memref<4x128xi32, #tpu.memory_space<vmem>> -> memref<1x128xi32, #tpu.memory_space<vmem>>
        %dma_start3A_858 = tpu.memref_squeeze %dma_start3A_857 : memref<1x128xi32, #tpu.memory_space<vmem>> -> memref<128xi32, #tpu.memory_space<vmem>>
        %dma_start3A_859 = arith.constant 0 : i32
        %dma_start3A_860 = arith.constant 0 : i32
        %dma_start3A_861 = tpu.memref_slice %arg2[%arg1, %dma_start3A_859, %dma_start3A_860] : memref<16x80x128xi32, #tpu.memory_space<hbm>> -> memref<1x80x128xi32, #tpu.memory_space<hbm>>
        %dma_start3A_862 = tpu.memref_squeeze %dma_start3A_861 : memref<1x80x128xi32, #tpu.memory_space<hbm>> -> memref<80x128xi32, #tpu.memory_space<hbm>>
        %dma_start3A_863 = arith.constant 0 : i32
        %dma_start3A_864 = tpu.memref_slice %dma_start3A_862[%add3A_854, %dma_start3A_863] : memref<80x128xi32, #tpu.memory_space<hbm>> -> memref<1x128xi32, #tpu.memory_space<hbm>>
        %dma_start3A_865 = tpu.memref_squeeze %dma_start3A_864 : memref<1x128xi32, #tpu.memory_space<hbm>> -> memref<128xi32, #tpu.memory_space<hbm>>
        %dma_start3A_866 = arith.constant 0 : i32
        %dma_start3A_867 = tpu.memref_slice %arg7[%dma_start3A_855, %dma_start3A_866] : memref<4x128xi32, #tpu.memory_space<vmem>> -> memref<1x128xi32, #tpu.memory_space<vmem>>
        %dma_start3A_868 = tpu.memref_squeeze %dma_start3A_867 : memref<1x128xi32, #tpu.memory_space<vmem>> -> memref<128xi32, #tpu.memory_space<vmem>>
        %dma_start3A_869 = arith.constant 0 : i32
        %dma_start3A_870 = arith.constant 0 : i32
        %dma_start3A_871 = tpu.memref_slice %arg2[%arg1, %dma_start3A_869, %dma_start3A_870] : memref<16x80x128xi32, #tpu.memory_space<hbm>> -> memref<1x80x128xi32, #tpu.memory_space<hbm>>
        %dma_start3A_872 = tpu.memref_squeeze %dma_start3A_871 : memref<1x80x128xi32, #tpu.memory_space<hbm>> -> memref<80x128xi32, #tpu.memory_space<hbm>>
        %dma_start3A_873 = arith.constant 0 : i32
        %dma_start3A_874 = tpu.memref_slice %dma_start3A_872[%add3A_854, %dma_start3A_873] : memref<80x128xi32, #tpu.memory_space<hbm>> -> memref<1x128xi32, #tpu.memory_space<hbm>>
        %dma_start3A_875 = tpu.memref_squeeze %dma_start3A_874 : memref<1x128xi32, #tpu.memory_space<hbm>> -> memref<128xi32, #tpu.memory_space<hbm>>
        tpu.enqueue_dma source(%dma_start3A_875 : memref<128xi32, #tpu.memory_space<hbm>>) target(%dma_start3A_868 : memref<128xi32, #tpu.memory_space<vmem>>) target_semaphore(%arg11 : memref<!tpu.dma_semaphore, #tpu.memory_space<semaphore_mem>>)
      } else {
      }
      %add3A_549 = arith.constant 2 : i32
      %add3A_550 = arith.addi %mul3A_250, %add3A_549 : i32
      %dma_wait3A_551 = arith.constant 0 : i32
      %dma_wait3A_552 = arith.constant 2 : i32
      %dma_wait3A_553 = arith.constant 0 : i32
      %dma_wait3A_554 = tpu.memref_slice %arg7[%dma_wait3A_552, %dma_wait3A_553] : memref<4x128xi32, #tpu.memory_space<vmem>> -> memref<1x128xi32, #tpu.memory_space<vmem>>
      %dma_wait3A_555 = tpu.memref_squeeze %dma_wait3A_554 : memref<1x128xi32, #tpu.memory_space<vmem>> -> memref<128xi32, #tpu.memory_space<vmem>>
      %dma_wait3A_556 = arith.constant 0 : i32
      %dma_wait3A_557 = arith.constant 0 : i32
      %dma_wait3A_558 = tpu.memref_slice %arg2[%arg1, %dma_wait3A_556, %dma_wait3A_557] : memref<16x80x128xi32, #tpu.memory_space<hbm>> -> memref<1x80x128xi32, #tpu.memory_space<hbm>>
      %dma_wait3A_559 = tpu.memref_squeeze %dma_wait3A_558 : memref<1x80x128xi32, #tpu.memory_space<hbm>> -> memref<80x128xi32, #tpu.memory_space<hbm>>
      %dma_wait3A_560 = arith.constant 0 : i32
      %dma_wait3A_561 = tpu.memref_slice %dma_wait3A_559[%dma_wait3A_551, %dma_wait3A_560] : memref<80x128xi32, #tpu.memory_space<hbm>> -> memref<1x128xi32, #tpu.memory_space<hbm>>
      %dma_wait3A_562 = tpu.memref_squeeze %dma_wait3A_561 : memref<1x128xi32, #tpu.memory_space<hbm>> -> memref<128xi32, #tpu.memory_space<hbm>>
      %dma_wait3A_563 = arith.constant 0 : i32
      %dma_wait3A_564 = tpu.memref_slice %arg7[%dma_wait3A_552, %dma_wait3A_563] : memref<4x128xi32, #tpu.memory_space<vmem>> -> memref<1x128xi32, #tpu.memory_space<vmem>>
      %dma_wait3A_565 = tpu.memref_squeeze %dma_wait3A_564 : memref<1x128xi32, #tpu.memory_space<vmem>> -> memref<128xi32, #tpu.memory_space<vmem>>
      %dma_wait3A_566 = arith.constant 0 : i32
      %dma_wait3A_567 = arith.constant 0 : i32
      %dma_wait3A_568 = tpu.memref_slice %arg2[%arg1, %dma_wait3A_566, %dma_wait3A_567] : memref<16x80x128xi32, #tpu.memory_space<hbm>> -> memref<1x80x128xi32, #tpu.memory_space<hbm>>
      %dma_wait3A_569 = tpu.memref_squeeze %dma_wait3A_568 : memref<1x80x128xi32, #tpu.memory_space<hbm>> -> memref<80x128xi32, #tpu.memory_space<hbm>>
      %dma_wait3A_570 = arith.constant 0 : i32
      %dma_wait3A_571 = tpu.memref_slice %dma_wait3A_569[%dma_wait3A_551, %dma_wait3A_570] : memref<80x128xi32, #tpu.memory_space<hbm>> -> memref<1x128xi32, #tpu.memory_space<hbm>>
      %dma_wait3A_572 = tpu.memref_squeeze %dma_wait3A_571 : memref<1x128xi32, #tpu.memory_space<hbm>> -> memref<128xi32, #tpu.memory_space<hbm>>
      tpu.wait_dma2 semaphore(%arg13 : memref<!tpu.dma_semaphore, #tpu.memory_space<semaphore_mem>>) src(%dma_wait3A_572 : memref<128xi32, #tpu.memory_space<hbm>>) dst(%dma_wait3A_565 : memref<128xi32, #tpu.memory_space<vmem>>)
      %get3A_573 = arith.constant 2 : i32
      %get3A_574 = arith.index_cast %get3A_573 : i32 to index
      %get3A_575 = arith.constant 0 : index
      %get3A_576 = tpu.vector_load %arg7[%get3A_574, %get3A_575] {strides = array<i32>} : memref<4x128xi32, #tpu.memory_space<vmem>>, vector<1x16xi32>,
      %get3A_577 = vector.shape_cast %get3A_576 : vector<1x16xi32> to vector<16xi32>
      %add3A_578 = vector.broadcast %mul3A_126 : i32 to vector<16xi32>
      %add3A_579 = arith.addi %get3A_577, %add3A_578 : vector<16xi32>
      %swap3A_580 = arith.constant 2 : i32
      %swap3A_581 = arith.index_cast %swap3A_580 : i32 to index
      %swap3A_582 = arith.constant 0 : index
      %swap3A_583 = tpu.vector_load %arg7[%swap3A_581, %swap3A_582] {strides = array<i32>} : memref<4x128xi32, #tpu.memory_space<vmem>>, vector<1x16xi32>,
      %swap3A_584 = vector.shape_cast %swap3A_583 : vector<1x16xi32> to vector<16xi32>
      %swap3A_585 = vector.shape_cast %add3A_579 : vector<16xi32> to vector<1x16xi32>
      tpu.vector_store %arg7[%swap3A_581, %swap3A_582], %swap3A_585 {strides = array<i32>} : memref<4x128xi32, #tpu.memory_space<vmem>>, vector<1x16xi32>,
      %get3A_586 = arith.constant 2 : i32
      %get3A_587 = arith.index_cast %get3A_586 : i32 to index
      %get3A_588 = arith.constant 16 : index
      %get3A_589 = tpu.vector_load %arg7[%get3A_587, %get3A_588] {strides = array<i32>} : memref<4x128xi32, #tpu.memory_space<vmem>>, vector<1x16xi32>,
      %get3A_590 = vector.shape_cast %get3A_589 : vector<1x16xi32> to vector<16xi32>
      %add3A_591 = vector.broadcast %mul3A_126 : i32 to vector<16xi32>
      %add3A_592 = arith.addi %get3A_590, %add3A_591 : vector<16xi32>
      %swap3A_593 = arith.constant 2 : i32
      %swap3A_594 = arith.index_cast %swap3A_593 : i32 to index
      %swap3A_595 = arith.constant 16 : index
      %swap3A_596 = tpu.vector_load %arg7[%swap3A_594, %swap3A_595] {strides = array<i32>} : memref<4x128xi32, #tpu.memory_space<vmem>>, vector<1x16xi32>,
      %swap3A_597 = vector.shape_cast %swap3A_596 : vector<1x16xi32> to vector<16xi32>
      %swap3A_598 = vector.shape_cast %add3A_592 : vector<16xi32> to vector<1x16xi32>
      tpu.vector_store %arg7[%swap3A_594, %swap3A_595], %swap3A_598 {strides = array<i32>} : memref<4x128xi32, #tpu.memory_space<vmem>>, vector<1x16xi32>,
      %get3A_599 = arith.constant 2 : i32
      %get3A_600 = arith.index_cast %get3A_599 : i32 to index
      %get3A_601 = arith.constant 32 : index
      %get3A_602 = tpu.vector_load %arg7[%get3A_600, %get3A_601] {strides = array<i32>} : memref<4x128xi32, #tpu.memory_space<vmem>>, vector<1x16xi32>,
      %get3A_603 = vector.shape_cast %get3A_602 : vector<1x16xi32> to vector<16xi32>
      %add3A_604 = vector.broadcast %mul3A_126 : i32 to vector<16xi32>
      %add3A_605 = arith.addi %get3A_603, %add3A_604 : vector<16xi32>
      %swap3A_606 = arith.constant 2 : i32
      %swap3A_607 = arith.index_cast %swap3A_606 : i32 to index
      %swap3A_608 = arith.constant 32 : index
      %swap3A_609 = tpu.vector_load %arg7[%swap3A_607, %swap3A_608] {strides = array<i32>} : memref<4x128xi32, #tpu.memory_space<vmem>>, vector<1x16xi32>,
      %swap3A_610 = vector.shape_cast %swap3A_609 : vector<1x16xi32> to vector<16xi32>
      %swap3A_611 = vector.shape_cast %add3A_605 : vector<16xi32> to vector<1x16xi32>
      tpu.vector_store %arg7[%swap3A_607, %swap3A_608], %swap3A_611 {strides = array<i32>} : memref<4x128xi32, #tpu.memory_space<vmem>>, vector<1x16xi32>,
      %get3A_612 = arith.constant 2 : i32
      %get3A_613 = arith.index_cast %get3A_612 : i32 to index
      %get3A_614 = arith.constant 48 : index
      %get3A_615 = tpu.vector_load %arg7[%get3A_613, %get3A_614] {strides = array<i32>} : memref<4x128xi32, #tpu.memory_space<vmem>>, vector<1x16xi32>,
      %get3A_616 = vector.shape_cast %get3A_615 : vector<1x16xi32> to vector<16xi32>
      %add3A_617 = vector.broadcast %mul3A_126 : i32 to vector<16xi32>
      %add3A_618 = arith.addi %get3A_616, %add3A_617 : vector<16xi32>
      %swap3A_619 = arith.constant 2 : i32
      %swap3A_620 = arith.index_cast %swap3A_619 : i32 to index
      %swap3A_621 = arith.constant 48 : index
      %swap3A_622 = tpu.vector_load %arg7[%swap3A_620, %swap3A_621] {strides = array<i32>} : memref<4x128xi32, #tpu.memory_space<vmem>>, vector<1x16xi32>,
      %swap3A_623 = vector.shape_cast %swap3A_622 : vector<1x16xi32> to vector<16xi32>
      %swap3A_624 = vector.shape_cast %add3A_618 : vector<16xi32> to vector<1x16xi32>
      tpu.vector_store %arg7[%swap3A_620, %swap3A_621], %swap3A_624 {strides = array<i32>} : memref<4x128xi32, #tpu.memory_space<vmem>>, vector<1x16xi32>,
      %get3A_625 = arith.constant 2 : i32
      %get3A_626 = arith.index_cast %get3A_625 : i32 to index
      %get3A_627 = arith.constant 64 : index
      %get3A_628 = tpu.vector_load %arg7[%get3A_626, %get3A_627] {strides = array<i32>} : memref<4x128xi32, #tpu.memory_space<vmem>>, vector<1x16xi32>,
      %get3A_629 = vector.shape_cast %get3A_628 : vector<1x16xi32> to vector<16xi32>
      %add3A_630 = vector.broadcast %mul3A_126 : i32 to vector<16xi32>
      %add3A_631 = arith.addi %get3A_629, %add3A_630 : vector<16xi32>
      %swap3A_632 = arith.constant 2 : i32
      %swap3A_633 = arith.index_cast %swap3A_632 : i32 to index
      %swap3A_634 = arith.constant 64 : index
      %swap3A_635 = tpu.vector_load %arg7[%swap3A_633, %swap3A_634] {strides = array<i32>} : memref<4x128xi32, #tpu.memory_space<vmem>>, vector<1x16xi32>,
      %swap3A_636 = vector.shape_cast %swap3A_635 : vector<1x16xi32> to vector<16xi32>
      %swap3A_637 = vector.shape_cast %add3A_631 : vector<16xi32> to vector<1x16xi32>
      tpu.vector_store %arg7[%swap3A_633, %swap3A_634], %swap3A_637 {strides = array<i32>} : memref<4x128xi32, #tpu.memory_space<vmem>>, vector<1x16xi32>,
      %get3A_638 = arith.constant 2 : i32
      %get3A_639 = arith.index_cast %get3A_638 : i32 to index
      %get3A_640 = arith.constant 80 : index
      %get3A_641 = tpu.vector_load %arg7[%get3A_639, %get3A_640] {strides = array<i32>} : memref<4x128xi32, #tpu.memory_space<vmem>>, vector<1x16xi32>,
      %get3A_642 = vector.shape_cast %get3A_641 : vector<1x16xi32> to vector<16xi32>
      %add3A_643 = vector.broadcast %mul3A_126 : i32 to vector<16xi32>
      %add3A_644 = arith.addi %get3A_642, %add3A_643 : vector<16xi32>
      %swap3A_645 = arith.constant 2 : i32
      %swap3A_646 = arith.index_cast %swap3A_645 : i32 to index
      %swap3A_647 = arith.constant 80 : index
      %swap3A_648 = tpu.vector_load %arg7[%swap3A_646, %swap3A_647] {strides = array<i32>} : memref<4x128xi32, #tpu.memory_space<vmem>>, vector<1x16xi32>,
      %swap3A_649 = vector.shape_cast %swap3A_648 : vector<1x16xi32> to vector<16xi32>
      %swap3A_650 = vector.shape_cast %add3A_644 : vector<16xi32> to vector<1x16xi32>
      tpu.vector_store %arg7[%swap3A_646, %swap3A_647], %swap3A_650 {strides = array<i32>} : memref<4x128xi32, #tpu.memory_space<vmem>>, vector<1x16xi32>,
      %get3A_651 = arith.constant 2 : i32
      %get3A_652 = arith.index_cast %get3A_651 : i32 to index
      %get3A_653 = arith.constant 96 : index
      %get3A_654 = tpu.vector_load %arg7[%get3A_652, %get3A_653] {strides = array<i32>} : memref<4x128xi32, #tpu.memory_space<vmem>>, vector<1x16xi32>,
      %get3A_655 = vector.shape_cast %get3A_654 : vector<1x16xi32> to vector<16xi32>
      %add3A_656 = vector.broadcast %mul3A_126 : i32 to vector<16xi32>
      %add3A_657 = arith.addi %get3A_655, %add3A_656 : vector<16xi32>
      %swap3A_658 = arith.constant 2 : i32
      %swap3A_659 = arith.index_cast %swap3A_658 : i32 to index
      %swap3A_660 = arith.constant 96 : index
      %swap3A_661 = tpu.vector_load %arg7[%swap3A_659, %swap3A_660] {strides = array<i32>} : memref<4x128xi32, #tpu.memory_space<vmem>>, vector<1x16xi32>,
      %swap3A_662 = vector.shape_cast %swap3A_661 : vector<1x16xi32> to vector<16xi32>
      %swap3A_663 = vector.shape_cast %add3A_657 : vector<16xi32> to vector<1x16xi32>
      tpu.vector_store %arg7[%swap3A_659, %swap3A_660], %swap3A_663 {strides = array<i32>} : memref<4x128xi32, #tpu.memory_space<vmem>>, vector<1x16xi32>,
      %get3A_664 = arith.constant 2 : i32
      %get3A_665 = arith.index_cast %get3A_664 : i32 to index
      %get3A_666 = arith.constant 112 : index
      %get3A_667 = tpu.vector_load %arg7[%get3A_665, %get3A_666] {strides = array<i32>} : memref<4x128xi32, #tpu.memory_space<vmem>>, vector<1x16xi32>,
      %get3A_668 = vector.shape_cast %get3A_667 : vector<1x16xi32> to vector<16xi32>
      %add3A_669 = vector.broadcast %mul3A_126 : i32 to vector<16xi32>
      %add3A_670 = arith.addi %get3A_668, %add3A_669 : vector<16xi32>
      %swap3A_671 = arith.constant 2 : i32
      %swap3A_672 = arith.index_cast %swap3A_671 : i32 to index
      %swap3A_673 = arith.constant 112 : index
      %swap3A_674 = tpu.vector_load %arg7[%swap3A_672, %swap3A_673] {strides = array<i32>} : memref<4x128xi32, #tpu.memory_space<vmem>>, vector<1x16xi32>,
      %swap3A_675 = vector.shape_cast %swap3A_674 : vector<1x16xi32> to vector<16xi32>
      %swap3A_676 = vector.shape_cast %add3A_670 : vector<16xi32> to vector<1x16xi32>
      tpu.vector_store %arg7[%swap3A_672, %swap3A_673], %swap3A_676 {strides = array<i32>} : memref<4x128xi32, #tpu.memory_space<vmem>>, vector<1x16xi32>,
      %ge3A_677 = arith.constant 2 : i32
      %ge3A_678 = arith.cmpi sge, %add3A_550, %ge3A_677 : i32
      %convert_element_type3A_679 = arith.extui %ge3A_678 : i1 to i32
      %cond3A_680 = arith.constant 0 : i32
      %cond3A_681 = arith.cmpi ne, %convert_element_type3A_679, %cond3A_680 : i32
      scf.if %cond3A_681 {
        %dma_wait3A_853 = arith.constant 0 : i32
        %dma_wait3A_854 = arith.constant 0 : i32
        %dma_wait3A_855 = tpu.memref_slice %arg6[%dma_wait3A_853, %dma_wait3A_854] : memref<80x128xi32, #tpu.memory_space<vmem>> -> memref<1x128xi32, #tpu.memory_space<vmem>>
        %dma_wait3A_856 = tpu.memref_squeeze %dma_wait3A_855 : memref<1x128xi32, #tpu.memory_space<vmem>> -> memref<128xi32, #tpu.memory_space<vmem>>
        %dma_wait3A_857 = arith.constant 0 : i32
        %dma_wait3A_858 = arith.constant 0 : i32
        %dma_wait3A_859 = tpu.memref_slice %arg10[%dma_wait3A_857, %dma_wait3A_858] : memref<10240x128xf32, #tpu.memory_space<vmem_shared>> -> memref<10240x128xf32, #tpu.memory_space<vmem_shared>>
        tpu.wait_indirect_dma semaphore(%arg17 : memref<!tpu.dma_semaphore, #tpu.memory_space<semaphore_mem>>) src(%arg8 : memref<128x128xf32, #tpu.memory_space<vmem>>) dst(%dma_wait3A_859 : memref<10240x128xf32, #tpu.memory_space<vmem_shared>>)
      } else {
      }
      %dma_start3A_682 = arith.constant 2 : i32
      %dma_start3A_683 = arith.constant 0 : i32
      %dma_start3A_684 = tpu.memref_slice %arg7[%dma_start3A_682, %dma_start3A_683] : memref<4x128xi32, #tpu.memory_space<vmem>> -> memref<1x128xi32, #tpu.memory_space<vmem>>
      %dma_start3A_685 = tpu.memref_squeeze %dma_start3A_684 : memref<1x128xi32, #tpu.memory_space<vmem>> -> memref<128xi32, #tpu.memory_space<vmem>>
      %dma_start3A_686 = arith.constant 0 : i32
      %dma_start3A_687 = arith.constant 0 : i32
      %dma_start3A_688 = tpu.memref_slice %arg4[%dma_start3A_686, %dma_start3A_687] : memref<40960x128xf32, #tpu.memory_space<hbm>> -> memref<40960x128xf32, #tpu.memory_space<hbm>>
      tpu.enqueue_indirect_dma source(%dma_start3A_688 : memref<40960x128xf32, #tpu.memory_space<hbm>>) target(%arg8 : memref<128x128xf32, #tpu.memory_space<vmem>>) offsets(%dma_start3A_685 : memref<128xi32, #tpu.memory_space<vmem>>) semaphore(%arg15 : memref<!tpu.dma_semaphore, #tpu.memory_space<semaphore_mem>>)
      %ge3A_689 = arith.constant 1 : i32
      %ge3A_690 = arith.cmpi sge, %add3A_550, %ge3A_689 : i32
      %convert_element_type3A_691 = arith.extui %ge3A_690 : i1 to i32
      %cond3A_692 = arith.constant 0 : i32
      %cond3A_693 = arith.cmpi ne, %convert_element_type3A_691, %cond3A_692 : i32
      scf.if %cond3A_693 {
        %dma_wait3A_853 = arith.constant 2 : i32
        %dma_wait3A_854 = arith.constant 0 : i32
        %dma_wait3A_855 = tpu.memref_slice %arg7[%dma_wait3A_853, %dma_wait3A_854] : memref<4x128xi32, #tpu.memory_space<vmem>> -> memref<1x128xi32, #tpu.memory_space<vmem>>
        %dma_wait3A_856 = tpu.memref_squeeze %dma_wait3A_855 : memref<1x128xi32, #tpu.memory_space<vmem>> -> memref<128xi32, #tpu.memory_space<vmem>>
        %dma_wait3A_857 = arith.constant 0 : i32
        %dma_wait3A_858 = arith.constant 0 : i32
        %dma_wait3A_859 = tpu.memref_slice %arg4[%dma_wait3A_857, %dma_wait3A_858] : memref<40960x128xf32, #tpu.memory_space<hbm>> -> memref<40960x128xf32, #tpu.memory_space<hbm>>
        tpu.wait_indirect_dma semaphore(%arg16 : memref<!tpu.dma_semaphore, #tpu.memory_space<semaphore_mem>>) src(%dma_wait3A_859 : memref<40960x128xf32, #tpu.memory_space<hbm>>) dst(%arg9 : memref<128x128xf32, #tpu.memory_space<vmem>>)
        %sub3A = arith.constant 1 : i32
        %sub3A_860 = arith.subi %add3A_550, %sub3A : i32
        %dma_start3A_861 = arith.constant 0 : i32
        %dma_start3A_862 = tpu.memref_slice %arg6[%sub3A_860, %dma_start3A_861] : memref<80x128xi32, #tpu.memory_space<vmem>> -> memref<1x128xi32, #tpu.memory_space<vmem>>
        %dma_start3A_863 = tpu.memref_squeeze %dma_start3A_862 : memref<1x128xi32, #tpu.memory_space<vmem>> -> memref<128xi32, #tpu.memory_space<vmem>>
        %dma_start3A_864 = arith.constant 0 : i32
        %dma_start3A_865 = arith.constant 0 : i32
        %dma_start3A_866 = tpu.memref_slice %arg10[%dma_start3A_864, %dma_start3A_865] : memref<10240x128xf32, #tpu.memory_space<vmem_shared>> -> memref<10240x128xf32, #tpu.memory_space<vmem_shared>>
        tpu.enqueue_indirect_dma source(%arg9 : memref<128x128xf32, #tpu.memory_space<vmem>>) target(%dma_start3A_866 : memref<10240x128xf32, #tpu.memory_space<vmem_shared>>) offsets(%dma_start3A_863 : memref<128xi32, #tpu.memory_space<vmem>>) semaphore(%arg18 : memref<!tpu.dma_semaphore, #tpu.memory_space<semaphore_mem>>) {add = true}
      } else {
      }
      %add3A_694 = arith.constant 3 : i32
      %add3A_695 = arith.addi %add3A_550, %add3A_694 : i32
      %lt3A_696 = arith.constant 80 : i32
      %lt3A_697 = arith.cmpi slt, %add3A_695, %lt3A_696 : i32
      %convert_element_type3A_698 = arith.extui %lt3A_697 : i1 to i32
      %cond3A_699 = arith.constant 0 : i32
      %cond3A_700 = arith.cmpi ne, %convert_element_type3A_698, %cond3A_699 : i32
      scf.if %cond3A_700 {
        %add3A_853 = arith.constant 3 : i32
        %add3A_854 = arith.addi %add3A_550, %add3A_853 : i32
        %dma_start3A_855 = arith.constant 1 : i32
        %dma_start3A_856 = arith.constant 0 : i32
        %dma_start3A_857 = tpu.memref_slice %arg7[%dma_start3A_855, %dma_start3A_856] : memref<4x128xi32, #tpu.memory_space<vmem>> -> memref<1x128xi32, #tpu.memory_space<vmem>>
        %dma_start3A_858 = tpu.memref_squeeze %dma_start3A_857 : memref<1x128xi32, #tpu.memory_space<vmem>> -> memref<128xi32, #tpu.memory_space<vmem>>
        %dma_start3A_859 = arith.constant 0 : i32
        %dma_start3A_860 = arith.constant 0 : i32
        %dma_start3A_861 = tpu.memref_slice %arg2[%arg1, %dma_start3A_859, %dma_start3A_860] : memref<16x80x128xi32, #tpu.memory_space<hbm>> -> memref<1x80x128xi32, #tpu.memory_space<hbm>>
        %dma_start3A_862 = tpu.memref_squeeze %dma_start3A_861 : memref<1x80x128xi32, #tpu.memory_space<hbm>> -> memref<80x128xi32, #tpu.memory_space<hbm>>
        %dma_start3A_863 = arith.constant 0 : i32
        %dma_start3A_864 = tpu.memref_slice %dma_start3A_862[%add3A_854, %dma_start3A_863] : memref<80x128xi32, #tpu.memory_space<hbm>> -> memref<1x128xi32, #tpu.memory_space<hbm>>
        %dma_start3A_865 = tpu.memref_squeeze %dma_start3A_864 : memref<1x128xi32, #tpu.memory_space<hbm>> -> memref<128xi32, #tpu.memory_space<hbm>>
        %dma_start3A_866 = arith.constant 0 : i32
        %dma_start3A_867 = tpu.memref_slice %arg7[%dma_start3A_855, %dma_start3A_866] : memref<4x128xi32, #tpu.memory_space<vmem>> -> memref<1x128xi32, #tpu.memory_space<vmem>>
        %dma_start3A_868 = tpu.memref_squeeze %dma_start3A_867 : memref<1x128xi32, #tpu.memory_space<vmem>> -> memref<128xi32, #tpu.memory_space<vmem>>
        %dma_start3A_869 = arith.constant 0 : i32
        %dma_start3A_870 = arith.constant 0 : i32
        %dma_start3A_871 = tpu.memref_slice %arg2[%arg1, %dma_start3A_869, %dma_start3A_870] : memref<16x80x128xi32, #tpu.memory_space<hbm>> -> memref<1x80x128xi32, #tpu.memory_space<hbm>>
        %dma_start3A_872 = tpu.memref_squeeze %dma_start3A_871 : memref<1x80x128xi32, #tpu.memory_space<hbm>> -> memref<80x128xi32, #tpu.memory_space<hbm>>
        %dma_start3A_873 = arith.constant 0 : i32
        %dma_start3A_874 = tpu.memref_slice %dma_start3A_872[%add3A_854, %dma_start3A_873] : memref<80x128xi32, #tpu.memory_space<hbm>> -> memref<1x128xi32, #tpu.memory_space<hbm>>
        %dma_start3A_875 = tpu.memref_squeeze %dma_start3A_874 : memref<1x128xi32, #tpu.memory_space<hbm>> -> memref<128xi32, #tpu.memory_space<hbm>>
        tpu.enqueue_dma source(%dma_start3A_875 : memref<128xi32, #tpu.memory_space<hbm>>) target(%dma_start3A_868 : memref<128xi32, #tpu.memory_space<vmem>>) target_semaphore(%arg12 : memref<!tpu.dma_semaphore, #tpu.memory_space<semaphore_mem>>)
      } else {
      }
      %add3A_701 = arith.constant 3 : i32
      %add3A_702 = arith.addi %mul3A_250, %add3A_701 : i32
      %dma_wait3A_703 = arith.constant 0 : i32
      %dma_wait3A_704 = arith.constant 3 : i32
      %dma_wait3A_705 = arith.constant 0 : i32
      %dma_wait3A_706 = tpu.memref_slice %arg7[%dma_wait3A_704, %dma_wait3A_705] : memref<4x128xi32, #tpu.memory_space<vmem>> -> memref<1x128xi32, #tpu.memory_space<vmem>>
      %dma_wait3A_707 = tpu.memref_squeeze %dma_wait3A_706 : memref<1x128xi32, #tpu.memory_space<vmem>> -> memref<128xi32, #tpu.memory_space<vmem>>
      %dma_wait3A_708 = arith.constant 0 : i32
      %dma_wait3A_709 = arith.constant 0 : i32
      %dma_wait3A_710 = tpu.memref_slice %arg2[%arg1, %dma_wait3A_708, %dma_wait3A_709] : memref<16x80x128xi32, #tpu.memory_space<hbm>> -> memref<1x80x128xi32, #tpu.memory_space<hbm>>
      %dma_wait3A_711 = tpu.memref_squeeze %dma_wait3A_710 : memref<1x80x128xi32, #tpu.memory_space<hbm>> -> memref<80x128xi32, #tpu.memory_space<hbm>>
      %dma_wait3A_712 = arith.constant 0 : i32
      %dma_wait3A_713 = tpu.memref_slice %dma_wait3A_711[%dma_wait3A_703, %dma_wait3A_712] : memref<80x128xi32, #tpu.memory_space<hbm>> -> memref<1x128xi32, #tpu.memory_space<hbm>>
      %dma_wait3A_714 = tpu.memref_squeeze %dma_wait3A_713 : memref<1x128xi32, #tpu.memory_space<hbm>> -> memref<128xi32, #tpu.memory_space<hbm>>
      %dma_wait3A_715 = arith.constant 0 : i32
      %dma_wait3A_716 = tpu.memref_slice %arg7[%dma_wait3A_704, %dma_wait3A_715] : memref<4x128xi32, #tpu.memory_space<vmem>> -> memref<1x128xi32, #tpu.memory_space<vmem>>
      %dma_wait3A_717 = tpu.memref_squeeze %dma_wait3A_716 : memref<1x128xi32, #tpu.memory_space<vmem>> -> memref<128xi32, #tpu.memory_space<vmem>>
      %dma_wait3A_718 = arith.constant 0 : i32
      %dma_wait3A_719 = arith.constant 0 : i32
      %dma_wait3A_720 = tpu.memref_slice %arg2[%arg1, %dma_wait3A_718, %dma_wait3A_719] : memref<16x80x128xi32, #tpu.memory_space<hbm>> -> memref<1x80x128xi32, #tpu.memory_space<hbm>>
      %dma_wait3A_721 = tpu.memref_squeeze %dma_wait3A_720 : memref<1x80x128xi32, #tpu.memory_space<hbm>> -> memref<80x128xi32, #tpu.memory_space<hbm>>
      %dma_wait3A_722 = arith.constant 0 : i32
      %dma_wait3A_723 = tpu.memref_slice %dma_wait3A_721[%dma_wait3A_703, %dma_wait3A_722] : memref<80x128xi32, #tpu.memory_space<hbm>> -> memref<1x128xi32, #tpu.memory_space<hbm>>
      %dma_wait3A_724 = tpu.memref_squeeze %dma_wait3A_723 : memref<1x128xi32, #tpu.memory_space<hbm>> -> memref<128xi32, #tpu.memory_space<hbm>>
      tpu.wait_dma2 semaphore(%arg14 : memref<!tpu.dma_semaphore, #tpu.memory_space<semaphore_mem>>) src(%dma_wait3A_724 : memref<128xi32, #tpu.memory_space<hbm>>) dst(%dma_wait3A_717 : memref<128xi32, #tpu.memory_space<vmem>>)
      %get3A_725 = arith.constant 3 : i32
      %get3A_726 = arith.index_cast %get3A_725 : i32 to index
      %get3A_727 = arith.constant 0 : index
      %get3A_728 = tpu.vector_load %arg7[%get3A_726, %get3A_727] {strides = array<i32>} : memref<4x128xi32, #tpu.memory_space<vmem>>, vector<1x16xi32>,
      %get3A_729 = vector.shape_cast %get3A_728 : vector<1x16xi32> to vector<16xi32>
      %add3A_730 = vector.broadcast %mul3A_126 : i32 to vector<16xi32>
      %add3A_731 = arith.addi %get3A_729, %add3A_730 : vector<16xi32>
      %swap3A_732 = arith.constant 3 : i32
      %swap3A_733 = arith.index_cast %swap3A_732 : i32 to index
      %swap3A_734 = arith.constant 0 : index
      %swap3A_735 = tpu.vector_load %arg7[%swap3A_733, %swap3A_734] {strides = array<i32>} : memref<4x128xi32, #tpu.memory_space<vmem>>, vector<1x16xi32>,
      %swap3A_736 = vector.shape_cast %swap3A_735 : vector<1x16xi32> to vector<16xi32>
      %swap3A_737 = vector.shape_cast %add3A_731 : vector<16xi32> to vector<1x16xi32>
      tpu.vector_store %arg7[%swap3A_733, %swap3A_734], %swap3A_737 {strides = array<i32>} : memref<4x128xi32, #tpu.memory_space<vmem>>, vector<1x16xi32>,
      %get3A_738 = arith.constant 3 : i32
      %get3A_739 = arith.index_cast %get3A_738 : i32 to index
      %get3A_740 = arith.constant 16 : index
      %get3A_741 = tpu.vector_load %arg7[%get3A_739, %get3A_740] {strides = array<i32>} : memref<4x128xi32, #tpu.memory_space<vmem>>, vector<1x16xi32>,
      %get3A_742 = vector.shape_cast %get3A_741 : vector<1x16xi32> to vector<16xi32>
      %add3A_743 = vector.broadcast %mul3A_126 : i32 to vector<16xi32>
      %add3A_744 = arith.addi %get3A_742, %add3A_743 : vector<16xi32>
      %swap3A_745 = arith.constant 3 : i32
      %swap3A_746 = arith.index_cast %swap3A_745 : i32 to index
      %swap3A_747 = arith.constant 16 : index
      %swap3A_748 = tpu.vector_load %arg7[%swap3A_746, %swap3A_747] {strides = array<i32>} : memref<4x128xi32, #tpu.memory_space<vmem>>, vector<1x16xi32>,
      %swap3A_749 = vector.shape_cast %swap3A_748 : vector<1x16xi32> to vector<16xi32>
      %swap3A_750 = vector.shape_cast %add3A_744 : vector<16xi32> to vector<1x16xi32>
      tpu.vector_store %arg7[%swap3A_746, %swap3A_747], %swap3A_750 {strides = array<i32>} : memref<4x128xi32, #tpu.memory_space<vmem>>, vector<1x16xi32>,
      %get3A_751 = arith.constant 3 : i32
      %get3A_752 = arith.index_cast %get3A_751 : i32 to index
      %get3A_753 = arith.constant 32 : index
      %get3A_754 = tpu.vector_load %arg7[%get3A_752, %get3A_753] {strides = array<i32>} : memref<4x128xi32, #tpu.memory_space<vmem>>, vector<1x16xi32>,
      %get3A_755 = vector.shape_cast %get3A_754 : vector<1x16xi32> to vector<16xi32>
      %add3A_756 = vector.broadcast %mul3A_126 : i32 to vector<16xi32>
      %add3A_757 = arith.addi %get3A_755, %add3A_756 : vector<16xi32>
      %swap3A_758 = arith.constant 3 : i32
      %swap3A_759 = arith.index_cast %swap3A_758 : i32 to index
      %swap3A_760 = arith.constant 32 : index
      %swap3A_761 = tpu.vector_load %arg7[%swap3A_759, %swap3A_760] {strides = array<i32>} : memref<4x128xi32, #tpu.memory_space<vmem>>, vector<1x16xi32>,
      %swap3A_762 = vector.shape_cast %swap3A_761 : vector<1x16xi32> to vector<16xi32>
      %swap3A_763 = vector.shape_cast %add3A_757 : vector<16xi32> to vector<1x16xi32>
      tpu.vector_store %arg7[%swap3A_759, %swap3A_760], %swap3A_763 {strides = array<i32>} : memref<4x128xi32, #tpu.memory_space<vmem>>, vector<1x16xi32>,
      %get3A_764 = arith.constant 3 : i32
      %get3A_765 = arith.index_cast %get3A_764 : i32 to index
      %get3A_766 = arith.constant 48 : index
      %get3A_767 = tpu.vector_load %arg7[%get3A_765, %get3A_766] {strides = array<i32>} : memref<4x128xi32, #tpu.memory_space<vmem>>, vector<1x16xi32>,
      %get3A_768 = vector.shape_cast %get3A_767 : vector<1x16xi32> to vector<16xi32>
      %add3A_769 = vector.broadcast %mul3A_126 : i32 to vector<16xi32>
      %add3A_770 = arith.addi %get3A_768, %add3A_769 : vector<16xi32>
      %swap3A_771 = arith.constant 3 : i32
      %swap3A_772 = arith.index_cast %swap3A_771 : i32 to index
      %swap3A_773 = arith.constant 48 : index
      %swap3A_774 = tpu.vector_load %arg7[%swap3A_772, %swap3A_773] {strides = array<i32>} : memref<4x128xi32, #tpu.memory_space<vmem>>, vector<1x16xi32>,
      %swap3A_775 = vector.shape_cast %swap3A_774 : vector<1x16xi32> to vector<16xi32>
      %swap3A_776 = vector.shape_cast %add3A_770 : vector<16xi32> to vector<1x16xi32>
      tpu.vector_store %arg7[%swap3A_772, %swap3A_773], %swap3A_776 {strides = array<i32>} : memref<4x128xi32, #tpu.memory_space<vmem>>, vector<1x16xi32>,
      %get3A_777 = arith.constant 3 : i32
      %get3A_778 = arith.index_cast %get3A_777 : i32 to index
      %get3A_779 = arith.constant 64 : index
      %get3A_780 = tpu.vector_load %arg7[%get3A_778, %get3A_779] {strides = array<i32>} : memref<4x128xi32, #tpu.memory_space<vmem>>, vector<1x16xi32>,
      %get3A_781 = vector.shape_cast %get3A_780 : vector<1x16xi32> to vector<16xi32>
      %add3A_782 = vector.broadcast %mul3A_126 : i32 to vector<16xi32>
      %add3A_783 = arith.addi %get3A_781, %add3A_782 : vector<16xi32>
      %swap3A_784 = arith.constant 3 : i32
      %swap3A_785 = arith.index_cast %swap3A_784 : i32 to index
      %swap3A_786 = arith.constant 64 : index
      %swap3A_787 = tpu.vector_load %arg7[%swap3A_785, %swap3A_786] {strides = array<i32>} : memref<4x128xi32, #tpu.memory_space<vmem>>, vector<1x16xi32>,
      %swap3A_788 = vector.shape_cast %swap3A_787 : vector<1x16xi32> to vector<16xi32>
      %swap3A_789 = vector.shape_cast %add3A_783 : vector<16xi32> to vector<1x16xi32>
      tpu.vector_store %arg7[%swap3A_785, %swap3A_786], %swap3A_789 {strides = array<i32>} : memref<4x128xi32, #tpu.memory_space<vmem>>, vector<1x16xi32>,
      %get3A_790 = arith.constant 3 : i32
      %get3A_791 = arith.index_cast %get3A_790 : i32 to index
      %get3A_792 = arith.constant 80 : index
      %get3A_793 = tpu.vector_load %arg7[%get3A_791, %get3A_792] {strides = array<i32>} : memref<4x128xi32, #tpu.memory_space<vmem>>, vector<1x16xi32>,
      %get3A_794 = vector.shape_cast %get3A_793 : vector<1x16xi32> to vector<16xi32>
      %add3A_795 = vector.broadcast %mul3A_126 : i32 to vector<16xi32>
      %add3A_796 = arith.addi %get3A_794, %add3A_795 : vector<16xi32>
      %swap3A_797 = arith.constant 3 : i32
      %swap3A_798 = arith.index_cast %swap3A_797 : i32 to index
      %swap3A_799 = arith.constant 80 : index
      %swap3A_800 = tpu.vector_load %arg7[%swap3A_798, %swap3A_799] {strides = array<i32>} : memref<4x128xi32, #tpu.memory_space<vmem>>, vector<1x16xi32>,
      %swap3A_801 = vector.shape_cast %swap3A_800 : vector<1x16xi32> to vector<16xi32>
      %swap3A_802 = vector.shape_cast %add3A_796 : vector<16xi32> to vector<1x16xi32>
      tpu.vector_store %arg7[%swap3A_798, %swap3A_799], %swap3A_802 {strides = array<i32>} : memref<4x128xi32, #tpu.memory_space<vmem>>, vector<1x16xi32>,
      %get3A_803 = arith.constant 3 : i32
      %get3A_804 = arith.index_cast %get3A_803 : i32 to index
      %get3A_805 = arith.constant 96 : index
      %get3A_806 = tpu.vector_load %arg7[%get3A_804, %get3A_805] {strides = array<i32>} : memref<4x128xi32, #tpu.memory_space<vmem>>, vector<1x16xi32>,
      %get3A_807 = vector.shape_cast %get3A_806 : vector<1x16xi32> to vector<16xi32>
      %add3A_808 = vector.broadcast %mul3A_126 : i32 to vector<16xi32>
      %add3A_809 = arith.addi %get3A_807, %add3A_808 : vector<16xi32>
      %swap3A_810 = arith.constant 3 : i32
      %swap3A_811 = arith.index_cast %swap3A_810 : i32 to index
      %swap3A_812 = arith.constant 96 : index
      %swap3A_813 = tpu.vector_load %arg7[%swap3A_811, %swap3A_812] {strides = array<i32>} : memref<4x128xi32, #tpu.memory_space<vmem>>, vector<1x16xi32>,
      %swap3A_814 = vector.shape_cast %swap3A_813 : vector<1x16xi32> to vector<16xi32>
      %swap3A_815 = vector.shape_cast %add3A_809 : vector<16xi32> to vector<1x16xi32>
      tpu.vector_store %arg7[%swap3A_811, %swap3A_812], %swap3A_815 {strides = array<i32>} : memref<4x128xi32, #tpu.memory_space<vmem>>, vector<1x16xi32>,
      %get3A_816 = arith.constant 3 : i32
      %get3A_817 = arith.index_cast %get3A_816 : i32 to index
      %get3A_818 = arith.constant 112 : index
      %get3A_819 = tpu.vector_load %arg7[%get3A_817, %get3A_818] {strides = array<i32>} : memref<4x128xi32, #tpu.memory_space<vmem>>, vector<1x16xi32>,
      %get3A_820 = vector.shape_cast %get3A_819 : vector<1x16xi32> to vector<16xi32>
      %add3A_821 = vector.broadcast %mul3A_126 : i32 to vector<16xi32>
      %add3A_822 = arith.addi %get3A_820, %add3A_821 : vector<16xi32>
      %swap3A_823 = arith.constant 3 : i32
      %swap3A_824 = arith.index_cast %swap3A_823 : i32 to index
      %swap3A_825 = arith.constant 112 : index
      %swap3A_826 = tpu.vector_load %arg7[%swap3A_824, %swap3A_825] {strides = array<i32>} : memref<4x128xi32, #tpu.memory_space<vmem>>, vector<1x16xi32>,
      %swap3A_827 = vector.shape_cast %swap3A_826 : vector<1x16xi32> to vector<16xi32>
      %swap3A_828 = vector.shape_cast %add3A_822 : vector<16xi32> to vector<1x16xi32>
      tpu.vector_store %arg7[%swap3A_824, %swap3A_825], %swap3A_828 {strides = array<i32>} : memref<4x128xi32, #tpu.memory_space<vmem>>, vector<1x16xi32>,
      %ge3A_829 = arith.constant 2 : i32
      %ge3A_830 = arith.cmpi sge, %add3A_702, %ge3A_829 : i32
      %convert_element_type3A_831 = arith.extui %ge3A_830 : i1 to i32
      %cond3A_832 = arith.constant 0 : i32
      %cond3A_833 = arith.cmpi ne, %convert_element_type3A_831, %cond3A_832 : i32
      scf.if %cond3A_833 {
        %dma_wait3A_853 = arith.constant 0 : i32
        %dma_wait3A_854 = arith.constant 0 : i32
        %dma_wait3A_855 = tpu.memref_slice %arg6[%dma_wait3A_853, %dma_wait3A_854] : memref<80x128xi32, #tpu.memory_space<vmem>> -> memref<1x128xi32, #tpu.memory_space<vmem>>
        %dma_wait3A_856 = tpu.memref_squeeze %dma_wait3A_855 : memref<1x128xi32, #tpu.memory_space<vmem>> -> memref<128xi32, #tpu.memory_space<vmem>>
        %dma_wait3A_857 = arith.constant 0 : i32
        %dma_wait3A_858 = arith.constant 0 : i32
        %dma_wait3A_859 = tpu.memref_slice %arg10[%dma_wait3A_857, %dma_wait3A_858] : memref<10240x128xf32, #tpu.memory_space<vmem_shared>> -> memref<10240x128xf32, #tpu.memory_space<vmem_shared>>
        tpu.wait_indirect_dma semaphore(%arg18 : memref<!tpu.dma_semaphore, #tpu.memory_space<semaphore_mem>>) src(%arg9 : memref<128x128xf32, #tpu.memory_space<vmem>>) dst(%dma_wait3A_859 : memref<10240x128xf32, #tpu.memory_space<vmem_shared>>)
      } else {
      }
      %dma_start3A_834 = arith.constant 3 : i32
      %dma_start3A_835 = arith.constant 0 : i32
      %dma_start3A_836 = tpu.memref_slice %arg7[%dma_start3A_834, %dma_start3A_835] : memref<4x128xi32, #tpu.memory_space<vmem>> -> memref<1x128xi32, #tpu.memory_space<vmem>>
      %dma_start3A_837 = tpu.memref_squeeze %dma_start3A_836 : memref<1x128xi32, #tpu.memory_space<vmem>> -> memref<128xi32, #tpu.memory_space<vmem>>
      %dma_start3A_838 = arith.constant 0 : i32
      %dma_start3A_839 = arith.constant 0 : i32
      %dma_start3A_840 = tpu.memref_slice %arg4[%dma_start3A_838, %dma_start3A_839] : memref<40960x128xf32, #tpu.memory_space<hbm>> -> memref<40960x128xf32, #tpu.memory_space<hbm>>
      tpu.enqueue_indirect_dma source(%dma_start3A_840 : memref<40960x128xf32, #tpu.memory_space<hbm>>) target(%arg9 : memref<128x128xf32, #tpu.memory_space<vmem>>) offsets(%dma_start3A_837 : memref<128xi32, #tpu.memory_space<vmem>>) semaphore(%arg16 : memref<!tpu.dma_semaphore, #tpu.memory_space<semaphore_mem>>)
      %ge3A_841 = arith.constant 1 : i32
      %ge3A_842 = arith.cmpi sge, %add3A_702, %ge3A_841 : i32
      %convert_element_type3A_843 = arith.extui %ge3A_842 : i1 to i32
      %cond3A_844 = arith.constant 0 : i32
      %cond3A_845 = arith.cmpi ne, %convert_element_type3A_843, %cond3A_844 : i32
      scf.if %cond3A_845 {
        %dma_wait3A_853 = arith.constant 3 : i32
        %dma_wait3A_854 = arith.constant 0 : i32
        %dma_wait3A_855 = tpu.memref_slice %arg7[%dma_wait3A_853, %dma_wait3A_854] : memref<4x128xi32, #tpu.memory_space<vmem>> -> memref<1x128xi32, #tpu.memory_space<vmem>>
        %dma_wait3A_856 = tpu.memref_squeeze %dma_wait3A_855 : memref<1x128xi32, #tpu.memory_space<vmem>> -> memref<128xi32, #tpu.memory_space<vmem>>
        %dma_wait3A_857 = arith.constant 0 : i32
        %dma_wait3A_858 = arith.constant 0 : i32
        %dma_wait3A_859 = tpu.memref_slice %arg4[%dma_wait3A_857, %dma_wait3A_858] : memref<40960x128xf32, #tpu.memory_space<hbm>> -> memref<40960x128xf32, #tpu.memory_space<hbm>>
        tpu.wait_indirect_dma semaphore(%arg15 : memref<!tpu.dma_semaphore, #tpu.memory_space<semaphore_mem>>) src(%dma_wait3A_859 : memref<40960x128xf32, #tpu.memory_space<hbm>>) dst(%arg8 : memref<128x128xf32, #tpu.memory_space<vmem>>)
        %sub3A = arith.constant 1 : i32
        %sub3A_860 = arith.subi %add3A_702, %sub3A : i32
        %dma_start3A_861 = arith.constant 0 : i32
        %dma_start3A_862 = tpu.memref_slice %arg6[%sub3A_860, %dma_start3A_861] : memref<80x128xi32, #tpu.memory_space<vmem>> -> memref<1x128xi32, #tpu.memory_space<vmem>>
        %dma_start3A_863 = tpu.memref_squeeze %dma_start3A_862 : memref<1x128xi32, #tpu.memory_space<vmem>> -> memref<128xi32, #tpu.memory_space<vmem>>
        %dma_start3A_864 = arith.constant 0 : i32
        %dma_start3A_865 = arith.constant 0 : i32
        %dma_start3A_866 = tpu.memref_slice %arg10[%dma_start3A_864, %dma_start3A_865] : memref<10240x128xf32, #tpu.memory_space<vmem_shared>> -> memref<10240x128xf32, #tpu.memory_space<vmem_shared>>
        tpu.enqueue_indirect_dma source(%arg8 : memref<128x128xf32, #tpu.memory_space<vmem>>) target(%dma_start3A_866 : memref<10240x128xf32, #tpu.memory_space<vmem_shared>>) offsets(%dma_start3A_863 : memref<128xi32, #tpu.memory_space<vmem>>) semaphore(%arg17 : memref<!tpu.dma_semaphore, #tpu.memory_space<semaphore_mem>>) {add = true}
      } else {
      }
      %add3A_846 = arith.constant 3 : i32
      %add3A_847 = arith.addi %add3A_702, %add3A_846 : i32
      %lt3A_848 = arith.constant 80 : i32
      %lt3A_849 = arith.cmpi slt, %add3A_847, %lt3A_848 : i32
      %convert_element_type3A_850 = arith.extui %lt3A_849 : i1 to i32
      %cond3A_851 = arith.constant 0 : i32
      %cond3A_852 = arith.cmpi ne, %convert_element_type3A_850, %cond3A_851 : i32
      scf.if %cond3A_852 {
        %add3A_853 = arith.constant 3 : i32
        %add3A_854 = arith.addi %add3A_702, %add3A_853 : i32
        %dma_start3A_855 = arith.constant 2 : i32
        %dma_start3A_856 = arith.constant 0 : i32
        %dma_start3A_857 = tpu.memref_slice %arg7[%dma_start3A_855, %dma_start3A_856] : memref<4x128xi32, #tpu.memory_space<vmem>> -> memref<1x128xi32, #tpu.memory_space<vmem>>
        %dma_start3A_858 = tpu.memref_squeeze %dma_start3A_857 : memref<1x128xi32, #tpu.memory_space<vmem>> -> memref<128xi32, #tpu.memory_space<vmem>>
        %dma_start3A_859 = arith.constant 0 : i32
        %dma_start3A_860 = arith.constant 0 : i32
        %dma_start3A_861 = tpu.memref_slice %arg2[%arg1, %dma_start3A_859, %dma_start3A_860] : memref<16x80x128xi32, #tpu.memory_space<hbm>> -> memref<1x80x128xi32, #tpu.memory_space<hbm>>
        %dma_start3A_862 = tpu.memref_squeeze %dma_start3A_861 : memref<1x80x128xi32, #tpu.memory_space<hbm>> -> memref<80x128xi32, #tpu.memory_space<hbm>>
        %dma_start3A_863 = arith.constant 0 : i32
        %dma_start3A_864 = tpu.memref_slice %dma_start3A_862[%add3A_854, %dma_start3A_863] : memref<80x128xi32, #tpu.memory_space<hbm>> -> memref<1x128xi32, #tpu.memory_space<hbm>>
        %dma_start3A_865 = tpu.memref_squeeze %dma_start3A_864 : memref<1x128xi32, #tpu.memory_space<hbm>> -> memref<128xi32, #tpu.memory_space<hbm>>
        %dma_start3A_866 = arith.constant 0 : i32
        %dma_start3A_867 = tpu.memref_slice %arg7[%dma_start3A_855, %dma_start3A_866] : memref<4x128xi32, #tpu.memory_space<vmem>> -> memref<1x128xi32, #tpu.memory_space<vmem>>
        %dma_start3A_868 = tpu.memref_squeeze %dma_start3A_867 : memref<1x128xi32, #tpu.memory_space<vmem>> -> memref<128xi32, #tpu.memory_space<vmem>>
        %dma_start3A_869 = arith.constant 0 : i32
        %dma_start3A_870 = arith.constant 0 : i32
        %dma_start3A_871 = tpu.memref_slice %arg2[%arg1, %dma_start3A_869, %dma_start3A_870] : memref<16x80x128xi32, #tpu.memory_space<hbm>> -> memref<1x80x128xi32, #tpu.memory_space<hbm>>
        %dma_start3A_872 = tpu.memref_squeeze %dma_start3A_871 : memref<1x80x128xi32, #tpu.memory_space<hbm>> -> memref<80x128xi32, #tpu.memory_space<hbm>>
        %dma_start3A_873 = arith.constant 0 : i32
        %dma_start3A_874 = tpu.memref_slice %dma_start3A_872[%add3A_854, %dma_start3A_873] : memref<80x128xi32, #tpu.memory_space<hbm>> -> memref<1x128xi32, #tpu.memory_space<hbm>>
        %dma_start3A_875 = tpu.memref_squeeze %dma_start3A_874 : memref<1x128xi32, #tpu.memory_space<hbm>> -> memref<128xi32, #tpu.memory_space<hbm>>
        tpu.enqueue_dma source(%dma_start3A_875 : memref<128xi32, #tpu.memory_space<hbm>>) target(%dma_start3A_868 : memref<128xi32, #tpu.memory_space<vmem>>) target_semaphore(%arg13 : memref<!tpu.dma_semaphore, #tpu.memory_space<semaphore_mem>>)
      } else {
      }
    }
    %scan3A_211 = arith.constant 20 : i32
    %dma_wait3A_212 = arith.constant 3 : i32
    %dma_wait3A_213 = arith.constant 0 : i32
    %dma_wait3A_214 = tpu.memref_slice %arg7[%dma_wait3A_212, %dma_wait3A_213] : memref<4x128xi32, #tpu.memory_space<vmem>> -> memref<1x128xi32, #tpu.memory_space<vmem>>
    %dma_wait3A_215 = tpu.memref_squeeze %dma_wait3A_214 : memref<1x128xi32, #tpu.memory_space<vmem>> -> memref<128xi32, #tpu.memory_space<vmem>>
    %dma_wait3A_216 = arith.constant 0 : i32
    %dma_wait3A_217 = arith.constant 0 : i32
    %dma_wait3A_218 = tpu.memref_slice %arg4[%dma_wait3A_216, %dma_wait3A_217] : memref<40960x128xf32, #tpu.memory_space<hbm>> -> memref<40960x128xf32, #tpu.memory_space<hbm>>
    tpu.wait_indirect_dma semaphore(%arg16 : memref<!tpu.dma_semaphore, #tpu.memory_space<semaphore_mem>>) src(%dma_wait3A_218 : memref<40960x128xf32, #tpu.memory_space<hbm>>) dst(%arg9 : memref<128x128xf32, #tpu.memory_space<vmem>>)
    %dma_start3A_219 = arith.constant 79 : i32
    %dma_start3A_220 = arith.constant 0 : i32
    %dma_start3A_221 = tpu.memref_slice %arg6[%dma_start3A_219, %dma_start3A_220] : memref<80x128xi32, #tpu.memory_space<vmem>> -> memref<1x128xi32, #tpu.memory_space<vmem>>
    %dma_start3A_222 = tpu.memref_squeeze %dma_start3A_221 : memref<1x128xi32, #tpu.memory_space<vmem>> -> memref<128xi32, #tpu.memory_space<vmem>>
    %dma_start3A_223 = arith.constant 0 : i32
    %dma_start3A_224 = arith.constant 0 : i32
    %dma_start3A_225 = tpu.memref_slice %arg10[%dma_start3A_223, %dma_start3A_224] : memref<10240x128xf32, #tpu.memory_space<vmem_shared>> -> memref<10240x128xf32, #tpu.memory_space<vmem_shared>>
    tpu.enqueue_indirect_dma source(%arg9 : memref<128x128xf32, #tpu.memory_space<vmem>>) target(%dma_start3A_225 : memref<10240x128xf32, #tpu.memory_space<vmem_shared>>) offsets(%dma_start3A_222 : memref<128xi32, #tpu.memory_space<vmem>>) semaphore(%arg18 : memref<!tpu.dma_semaphore, #tpu.memory_space<semaphore_mem>>) {add = true}
    %dma_wait3A_226 = arith.constant 0 : i32
    %dma_wait3A_227 = arith.constant 0 : i32
    %dma_wait3A_228 = tpu.memref_slice %arg6[%dma_wait3A_226, %dma_wait3A_227] : memref<80x128xi32, #tpu.memory_space<vmem>> -> memref<1x128xi32, #tpu.memory_space<vmem>>
    %dma_wait3A_229 = tpu.memref_squeeze %dma_wait3A_228 : memref<1x128xi32, #tpu.memory_space<vmem>> -> memref<128xi32, #tpu.memory_space<vmem>>
    %dma_wait3A_230 = arith.constant 0 : i32
    %dma_wait3A_231 = arith.constant 0 : i32
    %dma_wait3A_232 = tpu.memref_slice %arg10[%dma_wait3A_230, %dma_wait3A_231] : memref<10240x128xf32, #tpu.memory_space<vmem_shared>> -> memref<10240x128xf32, #tpu.memory_space<vmem_shared>>
    tpu.wait_indirect_dma semaphore(%arg17 : memref<!tpu.dma_semaphore, #tpu.memory_space<semaphore_mem>>) src(%arg8 : memref<128x128xf32, #tpu.memory_space<vmem>>) dst(%dma_wait3A_232 : memref<10240x128xf32, #tpu.memory_space<vmem_shared>>)
    %dma_wait3A_233 = arith.constant 0 : i32
    %dma_wait3A_234 = arith.constant 0 : i32
    %dma_wait3A_235 = tpu.memref_slice %arg6[%dma_wait3A_233, %dma_wait3A_234] : memref<80x128xi32, #tpu.memory_space<vmem>> -> memref<1x128xi32, #tpu.memory_space<vmem>>
    %dma_wait3A_236 = tpu.memref_squeeze %dma_wait3A_235 : memref<1x128xi32, #tpu.memory_space<vmem>> -> memref<128xi32, #tpu.memory_space<vmem>>
    %dma_wait3A_237 = arith.constant 0 : i32
    %dma_wait3A_238 = arith.constant 0 : i32
    %dma_wait3A_239 = tpu.memref_slice %arg10[%dma_wait3A_237, %dma_wait3A_238] : memref<10240x128xf32, #tpu.memory_space<vmem_shared>> -> memref<10240x128xf32, #tpu.memory_space<vmem_shared>>
    tpu.wait_indirect_dma semaphore(%arg18 : memref<!tpu.dma_semaphore, #tpu.memory_space<semaphore_mem>>) src(%arg9 : memref<128x128xf32, #tpu.memory_space<vmem>>) dst(%dma_wait3A_239 : memref<10240x128xf32, #tpu.memory_space<vmem_shared>>)
    %barrier3A_240 = arith.constant 0 : index
    tpu.barrier barrier_id(%barrier3A_240)
    %mul3A_241 = arith.constant 640 : i32
    %mul3A_242 = arith.muli %arg1, %mul3A_241 : i32
    %mul3A_243 = arith.constant 10240 : i32
    %mul3A_244 = arith.muli %add3A_124, %mul3A_243 : i32
    %mul3A_245 = arith.constant 640 : i32
    %mul3A_246 = arith.muli %arg1, %mul3A_245 : i32
    %add3A_247 = arith.addi %mul3A_244, %mul3A_246 : i32
    "tpu.region"() ({
      %run_scoped3A = tpu.sem_alloc : memref<!tpu.dma_semaphore, #tpu.memory_space<semaphore_mem>>
      %dma_start3A_248 = arith.constant 0 : i32
      %dma_start3A_249 = tpu.memref_slice %arg5[%add3A_247, %dma_start3A_248] : memref<40960x128xf32, #tpu.memory_space<hbm>> -> memref<640x128xf32, #tpu.memory_space<hbm>>
      %dma_start3A_250 = arith.constant 0 : i32
      %dma_start3A_251 = tpu.memref_slice %arg10[%mul3A_242, %dma_start3A_250] : memref<10240x128xf32, #tpu.memory_space<vmem_shared>> -> memref<640x128xf32, #tpu.memory_space<vmem_shared>>
      tpu.enqueue_dma source(%dma_start3A_251 : memref<640x128xf32, #tpu.memory_space<vmem_shared>>) target(%dma_start3A_249 : memref<640x128xf32, #tpu.memory_space<hbm>>) target_semaphore(%run_scoped3A : memref<!tpu.dma_semaphore, #tpu.memory_space<semaphore_mem>>)
      %dma_wait3A_252 = arith.constant 0 : i32
      %dma_wait3A_253 = tpu.memref_slice %arg5[%add3A_247, %dma_wait3A_252] : memref<40960x128xf32, #tpu.memory_space<hbm>> -> memref<640x128xf32, #tpu.memory_space<hbm>>
      %dma_wait3A_254 = arith.constant 0 : i32
      %dma_wait3A_255 = tpu.memref_slice %arg10[%mul3A_242, %dma_wait3A_254] : memref<10240x128xf32, #tpu.memory_space<vmem_shared>> -> memref<640x128xf32, #tpu.memory_space<vmem_shared>>
      tpu.wait_dma2 semaphore(%run_scoped3A : memref<!tpu.dma_semaphore, #tpu.memory_space<semaphore_mem>>) src(%dma_wait3A_255 : memref<640x128xf32, #tpu.memory_space<vmem_shared>>) dst(%dma_wait3A_253 : memref<640x128xf32, #tpu.memory_space<hbm>>)
      tpu.yield
    }) : () -> ()
    return
  }
}

module attributes {stable_mosaic.version = 14 : i64} {
  func.func @_tc_a_body(%arg0: i32, %arg1: memref<1024x256xf32, #tpu.memory_space<vmem>>, %arg2: memref<2x1024xf32, #tpu.memory_space<vmem>>, %arg3: memref<2x1024x128xf32, #tpu.memory_space<vmem>>) attributes {dimension_semantics = [#tpu.dimension_semantics<arbitrary>], iteration_bounds = array<i64: 10>, scalar_prefetch = 0 : i64, scratch_operands = 0 : i64, tpu.core_type = #tpu.core_type<tc>, window_params = [{transform_indices = @transform_0, window_bounds = array<i64: 1024, 256>}, {transform_indices = @transform_1, window_bounds = array<i64: 2, 1024>}, {transform_indices = @transform_2, window_bounds = array<i64: 2, 1024, 128>}]} {
    %get3A = arith.constant 0 : index
    %get3A_0 = arith.constant 0 : index
    %get3A_1 = vector.load %arg2[%get3A, %get3A_0] : memref<2x1024xf32, #tpu.memory_space<vmem>>, vector<2x1024xf32>
    %slice3A = vector.extract_strided_slice %get3A_1 {offsets = [0, 0], sizes = [1, 1024], strides = [1, 1]} : vector<2x1024xf32> to vector<1x1024xf32>
    %squeeze3A = vector.shape_cast %slice3A : vector<1x1024xf32> to vector<1024xf32>
    %slice3A_2 = vector.extract_strided_slice %get3A_1 {offsets = [1, 0], sizes = [1, 1024], strides = [1, 1]} : vector<2x1024xf32> to vector<1x1024xf32>
    %squeeze3A_3 = vector.shape_cast %slice3A_2 : vector<1x1024xf32> to vector<1024xf32>
    %add3A = arith.addf %squeeze3A, %squeeze3A_3 : vector<1024xf32>
    %add3A_4 = arith.constant 1.000000e+00 : f32
    %add3A_5 = vector.broadcast %add3A_4 : f32 to vector<1024xf32>
    %add3A_6 = arith.addf %add3A, %add3A_5 : vector<1024xf32>
    %rsqrt3A = math.rsqrt %add3A_6 : vector<1024xf32>
    %get3A_7 = arith.constant 0 : index
    %get3A_8 = arith.constant 0 : index
    %get3A_9 = vector.load %arg1[%get3A_7, %get3A_8] : memref<1024x256xf32, #tpu.memory_space<vmem>>, vector<1024x256xf32>
    %broadcast_in_dim3A = vector.shape_cast %rsqrt3A : vector<1024xf32> to vector<1024x1xf32>
    %mul3A = vector.broadcast %broadcast_in_dim3A : vector<1024x1xf32> to vector<1024x256xf32>
    %mul3A_10 = arith.mulf %get3A_9, %mul3A : vector<1024x256xf32>
    %slice3A_11 = vector.extract_strided_slice %mul3A_10 {offsets = [0, 0], sizes = [1024, 128], strides = [1, 1]} : vector<1024x256xf32> to vector<1024x128xf32>
    %swap3A = arith.constant 0 : index
    %swap3A_12 = arith.constant 0 : index
    %swap3A_13 = arith.constant 0 : index
    %swap3A_14 = vector.load %arg3[%swap3A, %swap3A_12, %swap3A_13] : memref<2x1024x128xf32, #tpu.memory_space<vmem>>, vector<1x1024x128xf32>
    %swap3A_15 = vector.shape_cast %swap3A_14 : vector<1x1024x128xf32> to vector<1024x128xf32>
    %swap3A_16 = vector.shape_cast %slice3A_11 : vector<1024x128xf32> to vector<1x1024x128xf32>
    tpu.vector_store %arg3[%swap3A, %swap3A_12, %swap3A_13], %swap3A_16 {strides = array<i32>} : memref<2x1024x128xf32, #tpu.memory_space<vmem>>, vector<1x1024x128xf32>,
    %slice3A_17 = vector.extract_strided_slice %mul3A_10 {offsets = [0, 128], sizes = [1024, 128], strides = [1, 1]} : vector<1024x256xf32> to vector<1024x128xf32>
    %swap3A_18 = arith.constant 1 : index
    %swap3A_19 = arith.constant 0 : index
    %swap3A_20 = arith.constant 0 : index
    %swap3A_21 = vector.load %arg3[%swap3A_18, %swap3A_19, %swap3A_20] : memref<2x1024x128xf32, #tpu.memory_space<vmem>>, vector<1x1024x128xf32>
    %swap3A_22 = vector.shape_cast %swap3A_21 : vector<1x1024x128xf32> to vector<1024x128xf32>
    %swap3A_23 = vector.shape_cast %slice3A_17 : vector<1024x128xf32> to vector<1x1024x128xf32>
    tpu.vector_store %arg3[%swap3A_18, %swap3A_19, %swap3A_20], %swap3A_23 {strides = array<i32>} : memref<2x1024x128xf32, #tpu.memory_space<vmem>>, vector<1x1024x128xf32>,
    return
  }
  func.func @transform_0(%arg0: i32) -> (i32, i32) {
    %c0_i32 = arith.constant 0 : i32
    %c0_i32_0 = arith.constant 0 : i32
    return %arg0, %c0_i32 : i32, i32
  }
  func.func @transform_1(%arg0: i32) -> (i32, i32) {
    %c0_i32 = arith.constant 0 : i32
    %c0_i32_0 = arith.constant 0 : i32
    return %c0_i32, %arg0 : i32, i32
  }
  func.func @transform_2(%arg0: i32) -> (i32, i32, i32) {
    %c0_i32 = arith.constant 0 : i32
    %c0_i32_0 = arith.constant 0 : i32
    %c0_i32_1 = arith.constant 0 : i32
    return %c0_i32, %arg0, %c0_i32_0 : i32, i32, i32
  }
}

module attributes {stable_mosaic.version = 14 : i64} {
  func.func @_tc_c_body(%arg0: i32, %arg1: memref<2x1024x128xf32, #tpu.memory_space<vmem>>, %arg2: memref<2x1024x128xf32, #tpu.memory_space<vmem>>, %arg3: memref<2x1024xf32, #tpu.memory_space<vmem>>, %arg4: memref<256x512xf32, #tpu.memory_space<vmem>>, %arg5: memref<512x512xf32, #tpu.memory_space<vmem>>, %arg6: memref<1x512xf32, #tpu.memory_space<vmem>>, %arg7: memref<4x1024x128xf32, #tpu.memory_space<vmem>>) attributes {dimension_semantics = [#tpu.dimension_semantics<arbitrary>], iteration_bounds = array<i64: 10>, scalar_prefetch = 0 : i64, scratch_operands = 0 : i64, tpu.core_type = #tpu.core_type<tc>, window_params = [{transform_indices = @transform_0, window_bounds = array<i64: 2, 1024, 128>}, {transform_indices = @transform_1, window_bounds = array<i64: 2, 1024, 128>}, {transform_indices = @transform_2, window_bounds = array<i64: 2, 1024>}, {pipeline_mode = #tpu.pipeline_mode<synchronous>, transform_indices = @transform_3, window_bounds = array<i64: 256, 512>}, {pipeline_mode = #tpu.pipeline_mode<synchronous>, transform_indices = @transform_4, window_bounds = array<i64: 512, 512>}, {pipeline_mode = #tpu.pipeline_mode<synchronous>, transform_indices = @transform_5, window_bounds = array<i64: 1, 512>}, {transform_indices = @transform_6, window_bounds = array<i64: 4, 1024, 128>}]} {
    %get3A = arith.constant 0 : index
    %get3A_0 = arith.constant 0 : index
    %get3A_1 = vector.load %arg3[%get3A, %get3A_0] : memref<2x1024xf32, #tpu.memory_space<vmem>>, vector<2x1024xf32>
    %slice3A = vector.extract_strided_slice %get3A_1 {offsets = [0, 0], sizes = [1, 1024], strides = [1, 1]} : vector<2x1024xf32> to vector<1x1024xf32>
    %squeeze3A = vector.shape_cast %slice3A : vector<1x1024xf32> to vector<1024xf32>
    %slice3A_2 = vector.extract_strided_slice %get3A_1 {offsets = [1, 0], sizes = [1, 1024], strides = [1, 1]} : vector<2x1024xf32> to vector<1x1024xf32>
    %squeeze3A_3 = vector.shape_cast %slice3A_2 : vector<1x1024xf32> to vector<1024xf32>
    %add3A = arith.addf %squeeze3A, %squeeze3A_3 : vector<1024xf32>
    %add3A_4 = arith.constant 1.000000e+00 : f32
    %add3A_5 = vector.broadcast %add3A_4 : f32 to vector<1024xf32>
    %add3A_6 = arith.addf %add3A, %add3A_5 : vector<1024xf32>
    %rsqrt3A = math.rsqrt %add3A_6 : vector<1024xf32>
    %broadcast_in_dim3A = vector.shape_cast %rsqrt3A : vector<1024xf32> to vector<1024x1xf32>
    %get3A_7 = arith.constant 0 : index
    %get3A_8 = arith.constant 0 : index
    %get3A_9 = arith.constant 0 : index
    %get3A_10 = vector.load %arg1[%get3A_7, %get3A_8, %get3A_9] : memref<2x1024x128xf32, #tpu.memory_space<vmem>>, vector<1x1024x128xf32>
    %get3A_11 = vector.shape_cast %get3A_10 : vector<1x1024x128xf32> to vector<1024x128xf32>
    %get3A_12 = arith.constant 0 : index
    %get3A_13 = arith.constant 0 : index
    %get3A_14 = arith.constant 0 : index
    %get3A_15 = vector.load %arg2[%get3A_12, %get3A_13, %get3A_14] : memref<2x1024x128xf32, #tpu.memory_space<vmem>>, vector<1x1024x128xf32>
    %get3A_16 = vector.shape_cast %get3A_15 : vector<1x1024x128xf32> to vector<1024x128xf32>
    %add3A_17 = arith.addf %get3A_11, %get3A_16 : vector<1024x128xf32>
    %mul3A = vector.broadcast %broadcast_in_dim3A : vector<1024x1xf32> to vector<1024x128xf32>
    %mul3A_18 = arith.mulf %mul3A, %add3A_17 : vector<1024x128xf32>
    %broadcast_in_dim3A_19 = vector.shape_cast %rsqrt3A : vector<1024xf32> to vector<1024x1xf32>
    %get3A_20 = arith.constant 1 : index
    %get3A_21 = arith.constant 0 : index
    %get3A_22 = arith.constant 0 : index
    %get3A_23 = vector.load %arg1[%get3A_20, %get3A_21, %get3A_22] : memref<2x1024x128xf32, #tpu.memory_space<vmem>>, vector<1x1024x128xf32>
    %get3A_24 = vector.shape_cast %get3A_23 : vector<1x1024x128xf32> to vector<1024x128xf32>
    %get3A_25 = arith.constant 1 : index
    %get3A_26 = arith.constant 0 : index
    %get3A_27 = arith.constant 0 : index
    %get3A_28 = vector.load %arg2[%get3A_25, %get3A_26, %get3A_27] : memref<2x1024x128xf32, #tpu.memory_space<vmem>>, vector<1x1024x128xf32>
    %get3A_29 = vector.shape_cast %get3A_28 : vector<1x1024x128xf32> to vector<1024x128xf32>
    %add3A_30 = arith.addf %get3A_24, %get3A_29 : vector<1024x128xf32>
    %mul3A_31 = vector.broadcast %broadcast_in_dim3A_19 : vector<1024x1xf32> to vector<1024x128xf32>
    %mul3A_32 = arith.mulf %mul3A_31, %add3A_30 : vector<1024x128xf32>
    %concatenate3A = tpu.concatenate %mul3A_18, %mul3A_32 in 1 : vector<1024x128xf32>, vector<1024x128xf32> -> vector<1024x256xf32>
    %get3A_33 = arith.constant 0 : index
    %get3A_34 = arith.constant 0 : index
    %get3A_35 = vector.load %arg4[%get3A_33, %get3A_34] : memref<256x512xf32, #tpu.memory_space<vmem>>, vector<256x512xf32>
    %dot_general3A = arith.constant dense<0.000000e+00> : vector<1024x512xf32>
    %dot_general3A_36 = tpu.matmul %concatenate3A, %get3A_35, %dot_general3A {dimension_numbers = #tpu.dot_dimension_numbers<[1], [0], [0], [1], [0, 0, 1, 1], [], []>, precision = #tpu.contract_precision<fp32>, transpose_lhs_hint = false} : vector<1024x256xf32>, vector<256x512xf32>, vector<1024x512xf32> -> vector<1024x512xf32>
    %get3A_37 = arith.constant 0 : index
    %get3A_38 = arith.constant 0 : index
    %get3A_39 = vector.load %arg6[%get3A_37, %get3A_38] : memref<1x512xf32, #tpu.memory_space<vmem>>, vector<1x512xf32>
    %add3A_40 = vector.broadcast %get3A_39 : vector<1x512xf32> to vector<1024x512xf32>
    %add3A_41 = arith.addf %dot_general3A_36, %add3A_40 : vector<1024x512xf32>
    %max3A = arith.constant 0.000000e+00 : f32
    %max3A_42 = vector.broadcast %max3A : f32 to vector<1024x512xf32>
    %max3A_43 = arith.maximumf %add3A_41, %max3A_42 : vector<1024x512xf32>
    %get3A_44 = arith.constant 0 : index
    %get3A_45 = arith.constant 0 : index
    %get3A_46 = vector.load %arg5[%get3A_44, %get3A_45] : memref<512x512xf32, #tpu.memory_space<vmem>>, vector<512x512xf32>
    %dot_general3A_47 = arith.constant dense<0.000000e+00> : vector<1024x512xf32>
    %dot_general3A_48 = tpu.matmul %max3A_43, %get3A_46, %dot_general3A_47 {dimension_numbers = #tpu.dot_dimension_numbers<[1], [0], [0], [1], [0, 0, 1, 1], [], []>, precision = #tpu.contract_precision<fp32>, transpose_lhs_hint = false} : vector<1024x512xf32>, vector<512x512xf32>, vector<1024x512xf32> -> vector<1024x512xf32>
    %broadcast_in_dim3A_49 = vector.shape_cast %rsqrt3A : vector<1024xf32> to vector<1024x1xf32>
    %mul3A_50 = vector.broadcast %broadcast_in_dim3A_49 : vector<1024x1xf32> to vector<1024x512xf32>
    %mul3A_51 = arith.mulf %dot_general3A_48, %mul3A_50 : vector<1024x512xf32>
    %slice3A_52 = vector.extract_strided_slice %mul3A_51 {offsets = [0, 0], sizes = [1024, 128], strides = [1, 1]} : vector<1024x512xf32> to vector<1024x128xf32>
    %swap3A = arith.constant 0 : index
    %swap3A_53 = arith.constant 0 : index
    %swap3A_54 = arith.constant 0 : index
    %swap3A_55 = vector.load %arg7[%swap3A, %swap3A_53, %swap3A_54] : memref<4x1024x128xf32, #tpu.memory_space<vmem>>, vector<1x1024x128xf32>
    %swap3A_56 = vector.shape_cast %swap3A_55 : vector<1x1024x128xf32> to vector<1024x128xf32>
    %swap3A_57 = vector.shape_cast %slice3A_52 : vector<1024x128xf32> to vector<1x1024x128xf32>
    tpu.vector_store %arg7[%swap3A, %swap3A_53, %swap3A_54], %swap3A_57 {strides = array<i32>} : memref<4x1024x128xf32, #tpu.memory_space<vmem>>, vector<1x1024x128xf32>,
    %slice3A_58 = vector.extract_strided_slice %mul3A_51 {offsets = [0, 128], sizes = [1024, 128], strides = [1, 1]} : vector<1024x512xf32> to vector<1024x128xf32>
    %swap3A_59 = arith.constant 1 : index
    %swap3A_60 = arith.constant 0 : index
    %swap3A_61 = arith.constant 0 : index
    %swap3A_62 = vector.load %arg7[%swap3A_59, %swap3A_60, %swap3A_61] : memref<4x1024x128xf32, #tpu.memory_space<vmem>>, vector<1x1024x128xf32>
    %swap3A_63 = vector.shape_cast %swap3A_62 : vector<1x1024x128xf32> to vector<1024x128xf32>
    %swap3A_64 = vector.shape_cast %slice3A_58 : vector<1024x128xf32> to vector<1x1024x128xf32>
    tpu.vector_store %arg7[%swap3A_59, %swap3A_60, %swap3A_61], %swap3A_64 {strides = array<i32>} : memref<4x1024x128xf32, #tpu.memory_space<vmem>>, vector<1x1024x128xf32>,
    %slice3A_65 = vector.extract_strided_slice %mul3A_51 {offsets = [0, 256], sizes = [1024, 128], strides = [1, 1]} : vector<1024x512xf32> to vector<1024x128xf32>
    %swap3A_66 = arith.constant 2 : index
    %swap3A_67 = arith.constant 0 : index
    %swap3A_68 = arith.constant 0 : index
    %swap3A_69 = vector.load %arg7[%swap3A_66, %swap3A_67, %swap3A_68] : memref<4x1024x128xf32, #tpu.memory_space<vmem>>, vector<1x1024x128xf32>
    %swap3A_70 = vector.shape_cast %swap3A_69 : vector<1x1024x128xf32> to vector<1024x128xf32>
    %swap3A_71 = vector.shape_cast %slice3A_65 : vector<1024x128xf32> to vector<1x1024x128xf32>
    tpu.vector_store %arg7[%swap3A_66, %swap3A_67, %swap3A_68], %swap3A_71 {strides = array<i32>} : memref<4x1024x128xf32, #tpu.memory_space<vmem>>, vector<1x1024x128xf32>,
    %slice3A_72 = vector.extract_strided_slice %mul3A_51 {offsets = [0, 384], sizes = [1024, 128], strides = [1, 1]} : vector<1024x512xf32> to vector<1024x128xf32>
    %swap3A_73 = arith.constant 3 : index
    %swap3A_74 = arith.constant 0 : index
    %swap3A_75 = arith.constant 0 : index
    %swap3A_76 = vector.load %arg7[%swap3A_73, %swap3A_74, %swap3A_75] : memref<4x1024x128xf32, #tpu.memory_space<vmem>>, vector<1x1024x128xf32>
    %swap3A_77 = vector.shape_cast %swap3A_76 : vector<1x1024x128xf32> to vector<1024x128xf32>
    %swap3A_78 = vector.shape_cast %slice3A_72 : vector<1024x128xf32> to vector<1x1024x128xf32>
    tpu.vector_store %arg7[%swap3A_73, %swap3A_74, %swap3A_75], %swap3A_78 {strides = array<i32>} : memref<4x1024x128xf32, #tpu.memory_space<vmem>>, vector<1x1024x128xf32>,
    return
  }
  func.func @transform_0(%arg0: i32) -> (i32, i32, i32) {
    %c0_i32 = arith.constant 0 : i32
    %c0_i32_0 = arith.constant 0 : i32
    %c0_i32_1 = arith.constant 0 : i32
    return %c0_i32, %arg0, %c0_i32_0 : i32, i32, i32
  }
  func.func @transform_1(%arg0: i32) -> (i32, i32, i32) {
    %c0_i32 = arith.constant 0 : i32
    %c0_i32_0 = arith.constant 0 : i32
    %c0_i32_1 = arith.constant 0 : i32
    return %c0_i32, %arg0, %c0_i32_0 : i32, i32, i32
  }
  func.func @transform_2(%arg0: i32) -> (i32, i32) {
    %c0_i32 = arith.constant 0 : i32
    %c0_i32_0 = arith.constant 0 : i32
    return %c0_i32, %arg0 : i32, i32
  }
  func.func @transform_3(%arg0: i32) -> (i32, i32) {
    %c0_i32 = arith.constant 0 : i32
    %c0_i32_0 = arith.constant 0 : i32
    %c0_i32_1 = arith.constant 0 : i32
    return %c0_i32, %c0_i32_0 : i32, i32
  }
  func.func @transform_4(%arg0: i32) -> (i32, i32) {
    %c0_i32 = arith.constant 0 : i32
    %c0_i32_0 = arith.constant 0 : i32
    %c0_i32_1 = arith.constant 0 : i32
    return %c0_i32, %c0_i32_0 : i32, i32
  }
  func.func @transform_5(%arg0: i32) -> (i32, i32) {
    %c0_i32 = arith.constant 0 : i32
    %c0_i32_0 = arith.constant 0 : i32
    %c0_i32_1 = arith.constant 0 : i32
    return %c0_i32, %c0_i32_0 : i32, i32
  }
  func.func @transform_6(%arg0: i32) -> (i32, i32, i32) {
    %c0_i32 = arith.constant 0 : i32
    %c0_i32_0 = arith.constant 0 : i32
    %c0_i32_1 = arith.constant 0 : i32
    return %c0_i32, %arg0, %c0_i32_0 : i32, i32, i32
  }
}

module attributes {stable_mosaic.version = 14 : i64} {
  func.func @_tc_d_body(%arg0: i32, %arg1: memref<4x1024x128xf32, #tpu.memory_space<vmem>>, %arg2: memref<4x1024x128xf32, #tpu.memory_space<vmem>>, %arg3: memref<2x1024xf32, #tpu.memory_space<vmem>>, %arg4: memref<1024x16xf32, #tpu.memory_space<vmem>>, %arg5: memref<512x512xf32, #tpu.memory_space<vmem>>, %arg6: memref<16x512xf32, #tpu.memory_space<vmem>>, %arg7: memref<1x512xf32, #tpu.memory_space<vmem>>, %arg8: memref<1x512xf32, #tpu.memory_space<vmem>>, %arg9: memref<1x512xf32, #tpu.memory_space<vmem>>, %arg10: memref<1xf32, #tpu.memory_space<smem>>, %arg11: memref<1x1xf32, #tpu.memory_space<vmem>>, %arg12: memref<1xf32, #tpu.memory_space<smem>>) attributes {dimension_semantics = [#tpu.dimension_semantics<arbitrary>], iteration_bounds = array<i64: 10>, scalar_prefetch = 0 : i64, scratch_operands = 1 : i64, tpu.core_type = #tpu.core_type<tc>, window_params = [{transform_indices = @transform_0, window_bounds = array<i64: 4, 1024, 128>}, {transform_indices = @transform_1, window_bounds = array<i64: 4, 1024, 128>}, {transform_indices = @transform_2, window_bounds = array<i64: 2, 1024>}, {transform_indices = @transform_3, window_bounds = array<i64: 1024, 16>}, {pipeline_mode = #tpu.pipeline_mode<synchronous>, transform_indices = @transform_4, window_bounds = array<i64: 512, 512>}, {pipeline_mode = #tpu.pipeline_mode<synchronous>, transform_indices = @transform_5, window_bounds = array<i64: 16, 512>}, {pipeline_mode = #tpu.pipeline_mode<synchronous>, transform_indices = @transform_6, window_bounds = array<i64: 1, 512>}, {pipeline_mode = #tpu.pipeline_mode<synchronous>, transform_indices = @transform_7, window_bounds = array<i64: 1, 512>}, {pipeline_mode = #tpu.pipeline_mode<synchronous>, transform_indices = @transform_8, window_bounds = array<i64: 1, 512>}, {transform_indices = @transform_9, window_bounds = array<i64: 1>}, {pipeline_mode = #tpu.pipeline_mode<synchronous>, transform_indices = @transform_10, window_bounds = array<i64: 1, 1>}]} {
    %get3A = arith.constant 0 : index
    %get3A_0 = arith.constant 0 : index
    %get3A_1 = vector.load %arg3[%get3A, %get3A_0] : memref<2x1024xf32, #tpu.memory_space<vmem>>, vector<2x1024xf32>
    %slice3A = vector.extract_strided_slice %get3A_1 {offsets = [0, 0], sizes = [1, 1024], strides = [1, 1]} : vector<2x1024xf32> to vector<1x1024xf32>
    %squeeze3A = vector.shape_cast %slice3A : vector<1x1024xf32> to vector<1024xf32>
    %slice3A_2 = vector.extract_strided_slice %get3A_1 {offsets = [1, 0], sizes = [1, 1024], strides = [1, 1]} : vector<2x1024xf32> to vector<1x1024xf32>
    %squeeze3A_3 = vector.shape_cast %slice3A_2 : vector<1x1024xf32> to vector<1024xf32>
    %add3A = arith.addf %squeeze3A, %squeeze3A_3 : vector<1024xf32>
    %add3A_4 = arith.constant 1.000000e+00 : f32
    %add3A_5 = vector.broadcast %add3A_4 : f32 to vector<1024xf32>
    %add3A_6 = arith.addf %add3A, %add3A_5 : vector<1024xf32>
    %rsqrt3A = math.rsqrt %add3A_6 : vector<1024xf32>
    %broadcast_in_dim3A = vector.shape_cast %rsqrt3A : vector<1024xf32> to vector<1024x1xf32>
    %get3A_7 = arith.constant 0 : index
    %get3A_8 = arith.constant 0 : index
    %get3A_9 = arith.constant 0 : index
    %get3A_10 = vector.load %arg1[%get3A_7, %get3A_8, %get3A_9] : memref<4x1024x128xf32, #tpu.memory_space<vmem>>, vector<1x1024x128xf32>
    %get3A_11 = vector.shape_cast %get3A_10 : vector<1x1024x128xf32> to vector<1024x128xf32>
    %get3A_12 = arith.constant 0 : index
    %get3A_13 = arith.constant 0 : index
    %get3A_14 = arith.constant 0 : index
    %get3A_15 = vector.load %arg2[%get3A_12, %get3A_13, %get3A_14] : memref<4x1024x128xf32, #tpu.memory_space<vmem>>, vector<1x1024x128xf32>
    %get3A_16 = vector.shape_cast %get3A_15 : vector<1x1024x128xf32> to vector<1024x128xf32>
    %add3A_17 = arith.addf %get3A_11, %get3A_16 : vector<1024x128xf32>
    %mul3A = vector.broadcast %broadcast_in_dim3A : vector<1024x1xf32> to vector<1024x128xf32>
    %mul3A_18 = arith.mulf %mul3A, %add3A_17 : vector<1024x128xf32>
    %broadcast_in_dim3A_19 = vector.shape_cast %rsqrt3A : vector<1024xf32> to vector<1024x1xf32>
    %get3A_20 = arith.constant 1 : index
    %get3A_21 = arith.constant 0 : index
    %get3A_22 = arith.constant 0 : index
    %get3A_23 = vector.load %arg1[%get3A_20, %get3A_21, %get3A_22] : memref<4x1024x128xf32, #tpu.memory_space<vmem>>, vector<1x1024x128xf32>
    %get3A_24 = vector.shape_cast %get3A_23 : vector<1x1024x128xf32> to vector<1024x128xf32>
    %get3A_25 = arith.constant 1 : index
    %get3A_26 = arith.constant 0 : index
    %get3A_27 = arith.constant 0 : index
    %get3A_28 = vector.load %arg2[%get3A_25, %get3A_26, %get3A_27] : memref<4x1024x128xf32, #tpu.memory_space<vmem>>, vector<1x1024x128xf32>
    %get3A_29 = vector.shape_cast %get3A_28 : vector<1x1024x128xf32> to vector<1024x128xf32>
    %add3A_30 = arith.addf %get3A_24, %get3A_29 : vector<1024x128xf32>
    %mul3A_31 = vector.broadcast %broadcast_in_dim3A_19 : vector<1024x1xf32> to vector<1024x128xf32>
    %mul3A_32 = arith.mulf %mul3A_31, %add3A_30 : vector<1024x128xf32>
    %broadcast_in_dim3A_33 = vector.shape_cast %rsqrt3A : vector<1024xf32> to vector<1024x1xf32>
    %get3A_34 = arith.constant 2 : index
    %get3A_35 = arith.constant 0 : index
    %get3A_36 = arith.constant 0 : index
    %get3A_37 = vector.load %arg1[%get3A_34, %get3A_35, %get3A_36] : memref<4x1024x128xf32, #tpu.memory_space<vmem>>, vector<1x1024x128xf32>
    %get3A_38 = vector.shape_cast %get3A_37 : vector<1x1024x128xf32> to vector<1024x128xf32>
    %get3A_39 = arith.constant 2 : index
    %get3A_40 = arith.constant 0 : index
    %get3A_41 = arith.constant 0 : index
    %get3A_42 = vector.load %arg2[%get3A_39, %get3A_40, %get3A_41] : memref<4x1024x128xf32, #tpu.memory_space<vmem>>, vector<1x1024x128xf32>
    %get3A_43 = vector.shape_cast %get3A_42 : vector<1x1024x128xf32> to vector<1024x128xf32>
    %add3A_44 = arith.addf %get3A_38, %get3A_43 : vector<1024x128xf32>
    %mul3A_45 = vector.broadcast %broadcast_in_dim3A_33 : vector<1024x1xf32> to vector<1024x128xf32>
    %mul3A_46 = arith.mulf %mul3A_45, %add3A_44 : vector<1024x128xf32>
    %broadcast_in_dim3A_47 = vector.shape_cast %rsqrt3A : vector<1024xf32> to vector<1024x1xf32>
    %get3A_48 = arith.constant 3 : index
    %get3A_49 = arith.constant 0 : index
    %get3A_50 = arith.constant 0 : index
    %get3A_51 = vector.load %arg1[%get3A_48, %get3A_49, %get3A_50] : memref<4x1024x128xf32, #tpu.memory_space<vmem>>, vector<1x1024x128xf32>
    %get3A_52 = vector.shape_cast %get3A_51 : vector<1x1024x128xf32> to vector<1024x128xf32>
    %get3A_53 = arith.constant 3 : index
    %get3A_54 = arith.constant 0 : index
    %get3A_55 = arith.constant 0 : index
    %get3A_56 = vector.load %arg2[%get3A_53, %get3A_54, %get3A_55] : memref<4x1024x128xf32, #tpu.memory_space<vmem>>, vector<1x1024x128xf32>
    %get3A_57 = vector.shape_cast %get3A_56 : vector<1x1024x128xf32> to vector<1024x128xf32>
    %add3A_58 = arith.addf %get3A_52, %get3A_57 : vector<1024x128xf32>
    %mul3A_59 = vector.broadcast %broadcast_in_dim3A_47 : vector<1024x1xf32> to vector<1024x128xf32>
    %mul3A_60 = arith.mulf %mul3A_59, %add3A_58 : vector<1024x128xf32>
    %concatenate3A = tpu.concatenate %mul3A_18, %mul3A_32, %mul3A_46, %mul3A_60 in 1 : vector<1024x128xf32>, vector<1024x128xf32>, vector<1024x128xf32>, vector<1024x128xf32> -> vector<1024x512xf32>
    %get3A_61 = arith.constant 0 : index
    %get3A_62 = arith.constant 0 : index
    %get3A_63 = vector.load %arg8[%get3A_61, %get3A_62] : memref<1x512xf32, #tpu.memory_space<vmem>>, vector<1x512xf32>
    %add3A_64 = vector.broadcast %get3A_63 : vector<1x512xf32> to vector<1024x512xf32>
    %add3A_65 = arith.addf %concatenate3A, %add3A_64 : vector<1024x512xf32>
    %max3A = arith.constant 0.000000e+00 : f32
    %max3A_66 = vector.broadcast %max3A : f32 to vector<1024x512xf32>
    %max3A_67 = arith.maximumf %add3A_65, %max3A_66 : vector<1024x512xf32>
    %get3A_68 = arith.constant 0 : index
    %get3A_69 = arith.constant 0 : index
    %get3A_70 = vector.load %arg5[%get3A_68, %get3A_69] : memref<512x512xf32, #tpu.memory_space<vmem>>, vector<512x512xf32>
    %dot_general3A = arith.constant dense<0.000000e+00> : vector<1024x512xf32>
    %dot_general3A_71 = tpu.matmul %max3A_67, %get3A_70, %dot_general3A {dimension_numbers = #tpu.dot_dimension_numbers<[1], [0], [0], [1], [0, 0, 1, 1], [], []>, transpose_lhs_hint = false} : vector<1024x512xf32>, vector<512x512xf32>, vector<1024x512xf32> -> vector<1024x512xf32>
    %get3A_72 = arith.constant 0 : index
    %get3A_73 = arith.constant 0 : index
    %get3A_74 = vector.load %arg4[%get3A_72, %get3A_73] : memref<1024x16xf32, #tpu.memory_space<vmem>>, vector<1024x16xf32>
    %get3A_75 = arith.constant 0 : index
    %get3A_76 = arith.constant 0 : index
    %get3A_77 = vector.load %arg6[%get3A_75, %get3A_76] : memref<16x512xf32, #tpu.memory_space<vmem>>, vector<16x512xf32>
    %dot_general3A_78 = arith.constant dense<0.000000e+00> : vector<1024x512xf32>
    %dot_general3A_79 = tpu.matmul %get3A_74, %get3A_77, %dot_general3A_78 {dimension_numbers = #tpu.dot_dimension_numbers<[1], [0], [0], [1], [0, 0, 1, 1], [], []>, transpose_lhs_hint = false} : vector<1024x16xf32>, vector<16x512xf32>, vector<1024x512xf32> -> vector<1024x512xf32>
    %add3A_80 = arith.addf %dot_general3A_71, %dot_general3A_79 : vector<1024x512xf32>
    %get3A_81 = arith.constant 0 : index
    %get3A_82 = arith.constant 0 : index
    %get3A_83 = vector.load %arg7[%get3A_81, %get3A_82] : memref<1x512xf32, #tpu.memory_space<vmem>>, vector<1x512xf32>
    %add3A_84 = vector.broadcast %get3A_83 : vector<1x512xf32> to vector<1024x512xf32>
    %add3A_85 = arith.addf %add3A_80, %add3A_84 : vector<1024x512xf32>
    %max3A_86 = arith.constant 0.000000e+00 : f32
    %max3A_87 = vector.broadcast %max3A_86 : f32 to vector<1024x512xf32>
    %max3A_88 = arith.maximumf %add3A_85, %max3A_87 : vector<1024x512xf32>
    %get3A_89 = arith.constant 0 : index
    %get3A_90 = arith.constant 0 : index
    %get3A_91 = vector.load %arg9[%get3A_89, %get3A_90] : memref<1x512xf32, #tpu.memory_space<vmem>>, vector<1x512xf32>
    %mul3A_92 = vector.broadcast %get3A_91 : vector<1x512xf32> to vector<1024x512xf32>
    %mul3A_93 = arith.mulf %max3A_88, %mul3A_92 : vector<1024x512xf32>
    %reduce_sum3A = arith.constant dense<0.000000e+00> : vector<1024xf32>
    %reduce_sum3A_94 = vector.multi_reduction <add>, %mul3A_93, %reduce_sum3A [1] : vector<1024x512xf32> to vector<1024xf32>
    %mul3A_95 = arith.constant 1024 : i32
    %mul3A_96 = arith.muli %arg0, %mul3A_95 : i32
    %iota3A = tpu.iota {dimensions = array<i32: 1>} : vector<1x1024xi32>
    %iota3A_97 = vector.shape_cast %iota3A : vector<1x1024xi32> to vector<1024xi32>
    %add3A_98 = vector.broadcast %mul3A_96 : i32 to vector<1024xi32>
    %add3A_99 = arith.addi %add3A_98, %iota3A_97 : vector<1024xi32>
    %lt3A = arith.constant 10000 : i32
    %lt3A_100 = vector.broadcast %lt3A : i32 to vector<1024xi32>
    %lt3A_101 = arith.cmpi slt, %add3A_99, %lt3A_100 : vector<1024xi32>
    %jit3A = arith.constant 0.000000e+00 : f32
    %broadcast_in_dim3A_102 = vector.broadcast %jit3A : f32 to vector<1024xf32>
    %select_n3A = arith.select %lt3A_101, %reduce_sum3A_94, %broadcast_in_dim3A_102 : vector<1024xi1>, vector<1024xf32>
    %reduce_sum3A_103 = vector.shape_cast %select_n3A : vector<1024xf32> to vector<1x1024xf32>
    %reduce_sum3A_104 = arith.constant dense<0.000000e+00> : vector<1xf32>
    %reduce_sum3A_105 = vector.multi_reduction <add>, %reduce_sum3A_103, %reduce_sum3A_104 [1] : vector<1x1024xf32> to vector<1xf32>
    %reduce_sum3A_106 = vector.shape_cast %reduce_sum3A_105 : vector<1xf32> to vector<1x1xf32>
    %reduce_sum3A_107 = vector.extract %reduce_sum3A_106[0, 0] : f32 from vector<1x1xf32>
    %eq3A = arith.constant 0 : i32
    %eq3A_108 = arith.cmpi eq, %arg0, %eq3A : i32
    %convert_element_type3A = arith.extui %eq3A_108 : i1 to i32
    %cond3A = arith.constant 0 : i32
    %cond3A_109 = arith.cmpi ne, %convert_element_type3A, %cond3A : i32
    scf.if %cond3A_109 {
      %swap3A = arith.constant 0 : index
      %swap3A_119 = memref.load %arg12[%swap3A] : memref<1xf32, #tpu.memory_space<smem>>
      memref.store %reduce_sum3A_107, %arg12[%swap3A] : memref<1xf32, #tpu.memory_space<smem>>
    } else {
    }
    %gt3A = arith.constant 0 : i32
    %gt3A_110 = arith.cmpi sgt, %arg0, %gt3A : i32
    %convert_element_type3A_111 = arith.extui %gt3A_110 : i1 to i32
    %cond3A_112 = arith.constant 0 : i32
    %cond3A_113 = arith.cmpi ne, %convert_element_type3A_111, %cond3A_112 : i32
    scf.if %cond3A_113 {
      %get3A_119 = arith.constant 0 : index
      %get3A_120 = memref.load %arg12[%get3A_119] : memref<1xf32, #tpu.memory_space<smem>>
      %add3A_121 = arith.addf %get3A_120, %reduce_sum3A_107 : f32
      %swap3A = arith.constant 0 : index
      %swap3A_122 = memref.load %arg12[%swap3A] : memref<1xf32, #tpu.memory_space<smem>>
      memref.store %add3A_121, %arg12[%swap3A] : memref<1xf32, #tpu.memory_space<smem>>
    } else {
    }
    %eq3A_114 = arith.constant 9 : i32
    %eq3A_115 = arith.cmpi eq, %arg0, %eq3A_114 : i32
    %convert_element_type3A_116 = arith.extui %eq3A_115 : i1 to i32
    %cond3A_117 = arith.constant 0 : i32
    %cond3A_118 = arith.cmpi ne, %convert_element_type3A_116, %cond3A_117 : i32
    scf.if %cond3A_118 {
      %get3A_119 = arith.constant 0 : index
      %get3A_120 = memref.load %arg12[%get3A_119] : memref<1xf32, #tpu.memory_space<smem>>
      %div3A = arith.constant 1.000000e+04 : f32
      %div3A_121 = arith.divf %get3A_120, %div3A : f32
      %get3A_122 = arith.constant 0 : index
      %get3A_123 = memref.load %arg10[%get3A_122] : memref<1xf32, #tpu.memory_space<smem>>
      %add3A_124 = arith.addf %div3A_121, %get3A_123 : f32
      %broadcast_in_dim3A_125 = vector.broadcast %add3A_124 : f32 to vector<1x1xf32>
      %swap3A = arith.constant 0 : index
      %swap3A_126 = arith.constant 0 : index
      %swap3A_127 = vector.load %arg11[%swap3A, %swap3A_126] : memref<1x1xf32, #tpu.memory_space<vmem>>, vector<1x1xf32>
      tpu.vector_store %arg11[%swap3A, %swap3A_126], %broadcast_in_dim3A_125 {strides = array<i32>} : memref<1x1xf32, #tpu.memory_space<vmem>>, vector<1x1xf32>,
    } else {
    }
    return
  }
  func.func @transform_0(%arg0: i32) -> (i32, i32, i32) {
    %c0_i32 = arith.constant 0 : i32
    %c0_i32_0 = arith.constant 0 : i32
    %c0_i32_1 = arith.constant 0 : i32
    return %c0_i32, %arg0, %c0_i32_0 : i32, i32, i32
  }
  func.func @transform_1(%arg0: i32) -> (i32, i32, i32) {
    %c0_i32 = arith.constant 0 : i32
    %c0_i32_0 = arith.constant 0 : i32
    %c0_i32_1 = arith.constant 0 : i32
    return %c0_i32, %arg0, %c0_i32_0 : i32, i32, i32
  }
  func.func @transform_2(%arg0: i32) -> (i32, i32) {
    %c0_i32 = arith.constant 0 : i32
    %c0_i32_0 = arith.constant 0 : i32
    return %c0_i32, %arg0 : i32, i32
  }
  func.func @transform_3(%arg0: i32) -> (i32, i32) {
    %c0_i32 = arith.constant 0 : i32
    %c0_i32_0 = arith.constant 0 : i32
    return %arg0, %c0_i32 : i32, i32
  }
  func.func @transform_4(%arg0: i32) -> (i32, i32) {
    %c0_i32 = arith.constant 0 : i32
    %c0_i32_0 = arith.constant 0 : i32
    %c0_i32_1 = arith.constant 0 : i32
    return %c0_i32, %c0_i32_0 : i32, i32
  }
  func.func @transform_5(%arg0: i32) -> (i32, i32) {
    %c0_i32 = arith.constant 0 : i32
    %c0_i32_0 = arith.constant 0 : i32
    %c0_i32_1 = arith.constant 0 : i32
    return %c0_i32, %c0_i32_0 : i32, i32
  }
  func.func @transform_6(%arg0: i32) -> (i32, i32) {
    %c0_i32 = arith.constant 0 : i32
    %c0_i32_0 = arith.constant 0 : i32
    %c0_i32_1 = arith.constant 0 : i32
    return %c0_i32, %c0_i32_0 : i32, i32
  }
  func.func @transform_7(%arg0: i32) -> (i32, i32) {
    %c0_i32 = arith.constant 0 : i32
    %c0_i32_0 = arith.constant 0 : i32
    %c0_i32_1 = arith.constant 0 : i32
    return %c0_i32, %c0_i32_0 : i32, i32
  }
  func.func @transform_8(%arg0: i32) -> (i32, i32) {
    %c0_i32 = arith.constant 0 : i32
    %c0_i32_0 = arith.constant 0 : i32
    %c0_i32_1 = arith.constant 0 : i32
    return %c0_i32, %c0_i32_0 : i32, i32
  }
  func.func @transform_9(%arg0: i32) -> i32 {
    %c0_i32 = arith.constant 0 : i32
    %c0_i32_0 = arith.constant 0 : i32
    return %c0_i32 : i32
  }
  func.func @transform_10(%arg0: i32) -> (i32, i32) {
    %c0_i32 = arith.constant 0 : i32
    %c0_i32_0 = arith.constant 0 : i32
    %c0_i32_1 = arith.constant 0 : i32
    return %c0_i32, %c0_i32_0 : i32, i32
  }
}

</mosaic_0001>

<sc_bundles>
// kernel: kernel.11.cloned.1.call-start
scs
__scs_entry_jumppad:
0x0: {  	(pc) =	sbr.rel $0x88, $3  }
0x1: {  	(tag) =	ssettag $0x0;
	lr =	simm.s32 $0x1  }
0x2: {  	[smem:$0x3F96] =	sst lr;
	_ =	strace $0xD0000000  }
0x3: {  	_ = 	snop  }
0x4: {  	_ = 	snop  }
0x5: {  	_ = 	snop  }
0x6: {  	_ = 	snop  }
0x7: {  	_ = 	snop  }
__scs_overlays_trampoline_lowered:
0x8: {  	[smem:$0x3FA5] =	sst s0  }
0x9: {  	[smem:$0x3FA6] =	sst s1  }
0xa: {  	[smem:$0x3FA7] =	sst s2  }
0xb: {  	[smem:$0x3FA8] =	sst s3  }
0xc: {  	[smem:$0x3FA9] =	sst s4  }
0xd: {  	[smem:$0x3FAA] =	sst s5  }
0xe: {  	[smem:$0x3FAB] =	sst s6  }
0xf: {  	[smem:$0x3FAC] =	sst s7  }
0x10: {  	[smem:$0x3FAD] =	sst s8  }
0x11: {  	[smem:$0x3FAE] =	sst s9;
	s0 =	simm.s32 @!p0 $0x0  }
0x12: {  	s1 =	sld [smem:$0x3F94];
	s0 =	simm.s32 @p0 $0x1  }
0x13: {  	[smem:$0x3FAF] =	sst s0;
	s0 =	simm.s32 @!p1 $0x0  }
0x14: {  	s2 =	sld [smem:$0x3F93];
	s0 =	simm.s32 @p1 $0x1  }
0x15: {  	[smem:$0x3FB0] =	sst s0;
	s0 =	simm.s32 @!p2 $0x0  }
0x16: {  	s3 =	sld [smem:$0x3FDB];
	s0 =	simm.s32 @p2 $0x1  }
0x17: {  	s4 =	simm.s32 $0x1BF5;
	[smem:$0x3FB2] =	sst s0  }
0x18: {  	s0 =	sld [smem:$0x3F95];
	_ =	swait.ge [sflag:s4], $0x0  }
0x19: {  	s7 =	sld [smem:$0x3F96]  }
0x1a: {  	s8 =	sadd.s32 $0xFFFFE003, lr  }
0x1b: {  	s9 =	sadd.s32 $0xFFFFFEF7, lr;
	s5 =	simm.s32 $0xFFFFFFFF;
	p2 =	slt.u32 s8, $0xFFFFF086  }
0x1c: {  	p1 =	slt.u32 s9, $0xF7A;
	s5 =	simm.s32 @!p2 $0x0  }
0x1d: {  	s5 =	simm.s32 @p1 $0x1;
	p0 =	seq.s32 s7, s2  }
0x1e: {  	s7 =	smul.u32 @!p0 $0xF7A, s2;
	p2 =	seq.s32 @!p0 s5, $0x0  }
0x1f: {  	s9 =	smul.u32 $0xF7A, s1;
	s8 =	simm.s32 @!p0 $0x1BF5;
	p2 =	por !p2, p0  }
0x20: {  	[sflag:s8] =	ssyncset.s32 @!p0 $0xFFFFF086;
	s6 =	sadd.s32 @!p0 s3, s7;
	s7 =	simm.s32 @!p0 $0x108  }
0x21: {  	s3 =	sadd.s32 s3, s9;
	s6 =	sadd.s32 @!p0 $0x88, s6;
	s7 =	simm.s32 @p2 $0x1082  }
0x22: {  	[simem:s7], [sflag:s8] =	dma.local @!p0 [hbm:s6], $0xF7A  }
0x23: {  	s9 =	sor.u32 $0xD0000000, s2;
	s6 =	simm.s32 $0x108;
	_ =	swait.ge @!p0 [sflag:s8], $0x0  }
0x24: {  	s3 =	sadd.s32 $0x88, s3;
	s6 =	simm.s32 @!p1 $0x1082;
	[sflag:s4] =	ssyncset.s32 $0xFFFFF086  }
0x25: {  	[simem:s6], [sflag:s4] =	dma.local [hbm:s3], $0xF7A  }
0x26: {  	[smem:$0x3F96] =	sst s1;
	(tag) =	ssettag s2;
	_ =	strace s9  }
0x27: {  	s1 =	sld [smem:$0x3FA6]  }
0x28: {  	s2 =	sld [smem:$0x3FA7]  }
0x29: {  	s4 =	sld [smem:$0x3FA9]  }
0x2a: {  	p0 =	seq.s32 s5, $0x0;
	s5 =	sld [smem:$0x3FAA]  }
0x2b: {  	s6 =	sld [smem:$0x3FAB]  }
0x2c: {  	s7 =	sld [smem:$0x3FAC]  }
0x2d: {  	s3 =	simm.s32 $0x108;
	s8 =	sld [smem:$0x3FAD]  }
0x2e: {  	s3 =	simm.s32 @!p0 $0x1082;
	s9 =	sld [smem:$0x3FAE]  }
0x2f: {  	lr =	sadd.s32 s0, s3;
	s0 =	sld [smem:$0x3FA5]  }
0x30: {  	s3 =	sld [smem:$0x3FA8]  }
0x31: {  	[smem:$0x3FB1] =	sst s10  }
0x32: {  	s10 =	sld [smem:$0x3FAF];
	_ =	sdelay $0x3  }
0x33: {  	p0 =	seq.s32 s10, $0x1;
	s10 =	sld [smem:$0x3FB1];
	_ =	sdelay $0x3  }
0x34: {  	[smem:$0x3FB1] =	sst s10  }
0x35: {  	s10 =	sld [smem:$0x3FB0];
	_ =	sdelay $0x3  }
0x36: {  	p1 =	seq.s32 s10, $0x1;
	s10 =	sld [smem:$0x3FB1];
	_ =	sdelay $0x3  }
0x37: {  	[smem:$0x3FB1] =	sst s10  }
0x38: {  	s10 =	sld [smem:$0x3FB2]  }
0x39: {  	_ = 	snop;
	(pc) =	sbr.ind lr, $3  }
0x3a: {  	_ = 	snop  }
0x3b: {  	_ = 	snop  }
0x3c: {  	p2 =	seq.s32 s10, $0x1;
	s10 =	sld [smem:$0x3FB1]  }
0x3d: {  	_ =	shalt  }
0x3e: {  	_ =	shalt  }
0x3f: {  	_ =	shalt  }
0x40: {  	_ =	shalt  }
0x41: {  	_ =	shalt  }
0x42: {  	_ =	shalt  }
0x43: {  	_ =	shalt  }
0x44: {  	_ =	shalt  }
0x45: {  	_ =	shalt  }
0x46: {  	_ =	shalt  }
0x47: {  	_ =	shalt  }
0x48: {  	_ =	shalt  }
0x49: {  	_ =	shalt  }
0x4a: {  	_ =	shalt  }
0x4b: {  	_ =	shalt  }
0x4c: {  	_ =	shalt  }
0x4d: {  	_ =	shalt  }
0x4e: {  	_ =	shalt  }
0x4f: {  	_ =	shalt  }
0x50: {  	_ =	shalt  }
0x51: {  	_ =	shalt  }
0x52: {  	_ =	shalt  }
0x53: {  	_ =	shalt  }
0x54: {  	_ =	shalt  }
0x55: {  	_ =	shalt  }
0x56: {  	_ =	shalt  }
0x57: {  	_ =	shalt  }
0x58: {  	_ =	shalt  }
0x59: {  	_ =	shalt  }
0x5a: {  	_ =	shalt  }
0x5b: {  	_ =	shalt  }
0x5c: {  	_ =	shalt  }
0x5d: {  	_ =	shalt  }
0x5e: {  	_ =	shalt  }
0x5f: {  	_ =	shalt  }
0x60: {  	_ =	shalt  }
0x61: {  	_ =	shalt  }
0x62: {  	_ =	shalt  }
0x63: {  	_ =	shalt  }
0x64: {  	_ =	shalt  }
0x65: {  	_ =	shalt  }
0x66: {  	_ =	shalt  }
0x67: {  	_ =	shalt  }
0x68: {  	_ =	shalt  }
0x69: {  	_ =	shalt  }
0x6a: {  	_ =	shalt  }
0x6b: {  	_ =	shalt  }
0x6c: {  	_ =	shalt  }
0x6d: {  	_ =	shalt  }
0x6e: {  	_ =	shalt  }
0x6f: {  	_ =	shalt  }
0x70: {  	_ =	shalt  }
0x71: {  	_ =	shalt  }
0x72: {  	_ =	shalt  }
0x73: {  	_ =	shalt  }
0x74: {  	_ =	shalt  }
0x75: {  	_ =	shalt  }
0x76: {  	_ =	shalt  }
0x77: {  	_ =	shalt  }
0x78: {  	_ =	shalt  }
0x79: {  	_ =	shalt  }
0x7a: {  	_ =	shalt  }
0x7b: {  	_ =	shalt  }
0x7c: {  	_ =	shalt  }
0x7d: {  	_ =	shalt  }
0x7e: {  	_ =	shalt  }
0x7f: {  	_ =	shalt  }
0x80: {  	_ =	shalt  }
0x81: {  	_ =	shalt  }
0x82: {  	_ =	shalt  }
0x83: {  	_ =	shalt  }
0x84: {  	_ =	shalt  }
0x85: {  	_ =	shalt  }
0x86: {  	_ =	shalt  }
0x87: {  	_ =	shalt  }
.Lfunc_end0:
.L_simem_size_0:
called_computation.1_lowered:
.L_overlay_start_0:
0x88: {  	s2 =	sld [smem:$0x3FD9]  }
0x89: {  	s3 =	sld [smem:$0x3FFE];
	_ =	sdelay $0x1  }
0x8a: {  	s1 =	srdreg.scid  }
0x8b: {  	s0 =	sand.u32 $0x1, s1  }
0x8c: {  	s16 =	sshll.u32 s0, $0xA;
	s2 =	sadd.s32 s3, s2  }
0x8d: {  	s2 =	sadd.s32 s2, s16  }
0x8e: {  	[smem:$0x3FBD] =	sst s2  }
0x8f: {  	_ = 	snop  }
0x90: {  	(tm) =	ssettm $0x1  }
0x91: {  	s17 =	sld [smem:$0x3FFB];
	_ =	sdelay $0x3  }
0x92: {  	_ =	strace s17  }
0x93: {  	s2 =	sld [smem:$0x3FFC];
	_ =	sdelay $0x3  }
0x94: {  	_ =	strace s2  }
0x95: {  	s2 =	sld [smem:$0x3FFD];
	_ =	sdelay $0x3  }
0x96: {  	_ =	strace s2  }
0x97: {  	_ =	strace $0x8FFFFFFF  }
0x98: {  	s18 =	sld [smem:$0x3FDB];
	_ =	sdelay $0x1  }
0x99: {  	s19 =	simm.s32 $_scs_section_size  }
0x9a: {  	s4 =	simm.s32 $_size__tile_overlayer_lowered;
	s5 =	simm.s32 $_tile_overlayer_lowered  }
0x9b: {  	s22 =	simm.s32 $0x1BFF;
	s21 =	sshll.u32 s5, $0x1;
	s2 =	sadd.s32 s19, s18  }
0x9c: {  	s6 =	simm.s32 $0x0;
	s20 =	sshll.u32 s4, $0x1;
	s4 =	sadd.s32 s21, s2  }
0x9d: {  	[timem:s6], [sflag:s22] =	dma.local [hbm:s4], s20  }
0x9e: {  	_ =	swait.ge [sflag:s22], s20  }
0x9f: {  	s3 =	ssub.s32 $0x0, s20;
	[sflag:s22] =	ssyncset.done $0x0  }
0xa0: {  	[sflag:s22] =	ssyncadd.s32 s3;
	_ =	sdelay $0x1  }
0xa1: {  	s23 =	simm.s32 $0x1B8B  }
0xa2: {  	_ =	swait.ge [sflag:s23], $0x1  }
0xa3: {  	[sflag:s23] =	ssyncset.done $0x0  }
0xa4: {  	s25 =	simm.s32 $0x1B8E;
	s24 =	sld [smem:$0x3FFE];
	[sflag:s23] =	ssyncadd.s32 $0xFFFFFFFF  }
0xa5: {  	s26 =	simm.s32 $execute0_lowered;
	[smem:$0x3FD2] =	sst s25  }
0xa6: {  	s4 =	sshll.u32 s26, $0x1;
	_ =	strace $0x80000049;
	[dreg:$0x1] =	wrdreg $0xFFFFFFFF  }
0xa7: {  	s28 =	simm.s32 $_size_execute0_lowered;
	s2 =	sadd.s32 s2, s4;
	[dreg:$0x0] =	wrdreg $0x0  }
0xa8: {  	s4 =	sshll.u32 s28, $0x1;
	[dreg:$0x2] =	wrdreg s2  }
0xa9: {  	[dreg:$0x3] =	wrdreg s4  }
0xaa: {  	[dreg:$0x4] =	wrdreg $0xC0  }
0xab: {  	_ =	task [dreg:s6], $0x5FFFF  }
0xac: {  	[dreg:$0x1] =	wrdreg $0xFFFFFFFF  }
0xad: {  	[dreg:$0x0] =	wrdreg $0x60  }
0xae: {  	[dreg:$0x2] =	wrdreg s24  }
0xaf: {  	[dreg:$0x3] =	wrdreg $0xAA000  }
0xb0: {  	[dreg:$0x4] =	wrdreg $0x9  }
0xb1: {  	_ =	task.clear_ibuf [dreg:s6], $0x5FFFF;
	_ =	strace $0x90000049  }
0xb2: {  	s29 =	simm.s32 $0x9;
	_ =	strace $0x8000004B  }
0xb3: {  	_ =	swait.ge [sflag:s29], $0x1  }
0xb4: {  	[sflag:s29] =	ssyncadd.s32 $0xFFFFFFFF  }
0xb5: {  	_ =	strace $0x9000004B  }
0xb6: {  	_ =	sfence  }
0xb7: {  	s30 =	sld [smem:$0x0];
	_ =	sdelay $0x2  }
0xb8: {  	s31 =	sshll.u32 s1, $0xD;
	s1 =	sshrl.u32 s1, $0x2  }
0xb9: {  	s3 =	sand.u32 $0x4000, s31;
	s1 =	sadd.s32 s1, s30  }
0xba: {  	s0 =	sor.u32 s3, s0;
	s1 =	sshll.u32 s1, $0x11  }
0xbb: {  	s0 =	sor.u32 s1, s0  }
0xbc: {  	s0 =	sadd.s32 $0x8F2B, s0  }
0xbd: {  	[sflag:s0] =	ssyncadd.remote.s32 $0x1  }
0xbe: {  	_ =	sfence.sel $0xFFFF  }
0xbf: {  	[dreg:$0x0] =	wrdreg $0xFFFFFFFF;
	(pc) =	sbr.abs _section_cstart, $3  }
0xc0: {  	[dreg:$0x1] =	wrdreg $0xFFFFFFFF  }
0xc1: {  	_ =	task.clear_ibuf [dreg:s6], $0x2FFFF;
	_ =	strace $0x9FFFFFFF  }
0xc2: {  	(tm) =	ssettm $0x7FFFFFFF  }
0xc3: {  	_ =	shalt  }
tec
execute0_lowered:
.L_overlay_start_1:
0x0: {  	(tag) =	ssettag $0x1  }
0x1: {  	s0 =	rddreg [dreg:$0x0];
	s8 =	stileid.u32  }
0x2: {  	s1 =	srdreg.scid;
	s2 =	rddreg [dreg:$0x1];
	s3 =	simm.s32 $0x0  }
0x3: {  	s14 =	simm.s32 $0x9;
	s15 =	simm.s32 $0x2A00;
	s18 =	simm.s32 $0x2880  }
0x4: {  	s20 =	simm.s32 $0x2900;
	s28 =	simm.s32 $0x5;
	s4 =	smul.u32 $0x500, s8  }
0x5: {  	s29 =	simm.s32 $0x3;
	s30 =	simm.s32 $0x7;
	s6 =	smul.u32 $0x280, s8  }
0x6: {  	s31 =	simm.s32 $0x6;
	s1 =	sand.u32 $0x1, s1;
	s8 =	smul.u32 $0x50000, s8  }
0x7: {  	s16 =	simm.s32 $0x8;
	[smem:$0x7FF] =	sst s3;
	s5 =	smul.u32 $0x2800, s1  }
0x8: {  	_ =	strace $0x8000004A;
	s1 =	ssub.s32 $0x2, s1;
	s7 =	sadd.s32 s4, s0  }
0x9: {  	s4 =	sadd.s32 $0xC800, s0;
	s9 =	sshrl.u32 s1, $0x1;
	s21 =	sshrl.u32 s8, $0x2  }
0xa: {  	s6 =	sadd.s32 s6, s5;
	s1 =	ssub.s32 s1, s9;
	s22 =	sadd.s32 $0x1C00, s7  }
0xb: {  	s7 =	sadd.s32 $0x7800, s7;
	s6 =	sshll.u32 s6, $0x4;
	[dreg:$0x3] =	wrdreg s22  }
0xc: {  	s23 =	smax.u32 s1, $0x1;
	s17 =	sadd.s32 $0x10, s7;
	s19 =	sadd.s32 $0x20, s7  }
0xd: {  	s8 =	sadd.s32 $0x60, s7;
	s22 =	simm.s32 $0x1;
	s0 =	sadd.s32 s6, s0  }
0xe: {  	s6 =	sadd.s32 s21, s2;
	[dreg:$0x5] =	wrdreg s23;
	s0 =	sadd.s32 $0x5C800, s0  }
.Ltmp0:
0xf: {  	s24 =	sadd.s32 $0x4000, s6;
	[dreg:$0x4] =	wrdreg s0;
	(pc) =	sbr.rel .LBB2_1-.Ltmp0, $4  }
0x10: {  	s1 =	simm.s32 $0x4;
	s25 =	sadd.s32 $0x8000, s6;
	[dreg:$0x6] =	wrdreg s24  }
0x11: {  	s23 =	simm.s32 $0x2980;
	s26 =	sadd.s32 $0xC000, s6;
	[dreg:$0x7] =	wrdreg s25  }
0x12: {  	s13 =	sadd.s32 $0x10000, s6;
	[dreg:$0x8] =	wrdreg s26;
	s24 =	simm.s32 $0x2  }
0x13: {  	v1 =	vimm.f32 $0.0e+00;
	v0 =	vmov s5;
	s25 =	simm.s32 $0x80;
	s26 =	simm.s32 $0x6A00;
	s0 =	simm.s32 $0x0  }
.LBB2_6:
0x14: {  	_ =	swait.ge [sflag:s31], $0x4000  }
0x15: {  	[sflag:s31] =	ssyncset.done $0x0  }
0x16: {  	s5 =	simm.s32 $0x2780;
	[sflag:s31] =	ssyncadd.s32 $0xFFFFC000  }
0x17: {  	[spmem:s2] =	stream.indirect.scatter.add.f32 [tilespmem:s26], [sflag:$0x8], $0x80, s5, s25, $0xb8;
	[tilespmem:$0x1EA00] =	vst v63  }
0x18: {  	_ =	swait.ge [sflag:s30], $0x4000  }
0x19: {  	[sflag:s30] =	ssyncset.done $0x0  }
0x1a: {  	[sflag:s30] =	ssyncadd.s32 $0xFFFFC000  }
0x1b: {  	_ =	swait.ge [sflag:s16], $0x4000  }
0x1c: {  	[sflag:s16] =	ssyncset.done $0x0  }
0x1d: {  	s12 =	stileid.u32;
	[sflag:s16] =	ssyncadd.s32 $0xFFFFC000  }
0x1e: {  	s5 =	sshll.u32 s12, $0x6;
	[bflag:$0x0] =	sbarrier.arrive $0xFFFF  }
0x1f: {  	s9 =	sshrl.u32 s6, $0x3;
	s5 =	sor.u32 $0x1C09, s5;
	s10 =	rddreg [dreg:$0x4]  }
0x20: {  	[hbm:s10], [sflag:s5] =	dma.local [spmem:s9], $0x2800  }
0x21: {  	_ =	swait.ge [sflag:s14], $0x2800  }
0x22: {  	s0 =	sadd.s32 $0x1, s0;
	s21 =	rddreg [dreg:$0x5]  }
0x23: {  	p0 =	sne.s32 s0, s21  }
.Ltmp1:
0x24: {  	_ = 	snop;
	(pc) =	sbr.rel @!p0 .LBB2_7-.Ltmp1, $3  }
0x25: {  	_ =	sdelay $0x1  }
0x26: {  	[sflag:s14] =	ssyncset.done $0x0  }
0x27: {  	[sflag:s14] =	ssyncadd.s32 $0xFFFFD800  }
.LBB2_1:
0x28: {  	s5 =	rddreg [dreg:$0x3]  }
0x29: {  	[tilespmem:s3], [sflag:$0x9] =	stream.linear.gather [hbm4b:s5+s3], $0x2800, $0x38;
	[tilespmem:$0x1EA00] =	vst v63  }
0x2a: {  	_ =	swait.ge [sflag:s14], $0x2800  }
0x2b: {  	[sflag:s14] =	ssyncset.done $0x0  }
0x2c: {  	s9 =	simm.s32 $0x200;
	s5 =	simm.s32 $0x0;
	[sflag:s14] =	ssyncadd.s32 $0xFFFFD800  }
.LBB2_2:
0x2d: {  	p0 =	sne.s32 s9, $0xFE00;
	[tilespmem:s5+$0x2A70] =	vst v1  }
0x2e: {  	[tilespmem:s5+$0x2A00] =	vst v1  }
0x2f: {  	[tilespmem:s5+$0x2A10] =	vst v1  }
.Ltmp2:
0x30: {  	[tilespmem:s5+$0x2A20] =	vst v1;
	(pc) =	sbr.rel @p0 .LBB2_2-.Ltmp2, $4  }
0x31: {  	[tilespmem:s5+$0x2A30] =	vst v1  }
0x32: {  	[tilespmem:s5+$0x2A40] =	vst v1  }
0x33: {  	[tilespmem:s5+$0x2A50] =	vst v1  }
0x34: {  	[tilespmem:s5+$0x2A60] =	vst v1;
	s5 =	sshra.s32 s9, $0x2;
	s9 =	sadd.s32 $0x200, s9  }
0x35: {  	[tilespmem:s5+$0x2A70] =	vst v1  }
0x36: {  	[tilespmem:s5+$0x2A00] =	vst v1  }
0x37: {  	[tilespmem:s5+$0x2A10] =	vst v1  }
0x38: {  	[tilespmem:s5+$0x2A20] =	vst v1  }
0x39: {  	[tilespmem:s5+$0x2A30] =	vst v1  }
0x3a: {  	[tilespmem:s5+$0x2A40] =	vst v1  }
0x3b: {  	[tilespmem:s5+$0x2A50] =	vst v1  }
0x3c: {  	[tilespmem:s5+$0x2A60] =	vst v1  }
0x3d: {  	[spmem:s6] =	stream.linear.scatter [tilespmem:s15], [sflag:$0x9], $0x4000, $0x38;
	[tilespmem:$0x1EA00] =	vst v63  }
0x3e: {  	_ =	swait.ge [sflag:s14], $0x4000  }
0x3f: {  	[sflag:s14] =	ssyncset.done $0x0  }
0x40: {  	s11 =	rddreg [dreg:$0x6];
	[sflag:s14] =	ssyncadd.s32 $0xFFFFC000  }
0x41: {  	[spmem:s11] =	stream.linear.scatter [tilespmem:s15], [sflag:$0x9], $0x4000, $0x38;
	[tilespmem:$0x1EA00] =	vst v63  }
0x42: {  	_ =	swait.ge [sflag:s14], $0x4000  }
0x43: {  	[sflag:s14] =	ssyncset.done $0x0  }
0x44: {  	s12 =	rddreg [dreg:$0x7];
	[sflag:s14] =	ssyncadd.s32 $0xFFFFC000  }
0x45: {  	[spmem:s12] =	stream.linear.scatter [tilespmem:s15], [sflag:$0x9], $0x4000, $0x38;
	[tilespmem:$0x1EA00] =	vst v63  }
0x46: {  	_ =	swait.ge [sflag:s14], $0x4000  }
0x47: {  	[sflag:s14] =	ssyncset.done $0x0  }
0x48: {  	s21 =	rddreg [dreg:$0x8];
	[sflag:s14] =	ssyncadd.s32 $0xFFFFC000  }
0x49: {  	[spmem:s21] =	stream.linear.scatter [tilespmem:s15], [sflag:$0x9], $0x4000, $0x38;
	[tilespmem:$0x1EA00] =	vst v63  }
0x4a: {  	_ =	swait.ge [sflag:s14], $0x4000  }
0x4b: {  	[sflag:s14] =	ssyncset.done $0x0  }
0x4c: {  	[sflag:s14] =	ssyncadd.s32 $0xFFFFC000  }
0x4d: {  	[spmem:s13] =	stream.linear.scatter [tilespmem:s15], [sflag:$0x9], $0x4000, $0x38;
	[tilespmem:$0x1EA00] =	vst v63  }
0x4e: {  	_ =	swait.ge [sflag:s14], $0x4000  }
0x4f: {  	[sflag:s14] =	ssyncset.done $0x0  }
0x50: {  	s5 =	simm.s32 $0x0;
	s9 =	simm.s32 $0x2800;
	[sflag:s14] =	ssyncadd.s32 $0xFFFFC000  }
0x51: {  	[tilespmem:s9], [sflag:$0x1] =	stream.linear.gather [hbm4b:s7+s5], $0x80, $0x38;
	[tilespmem:$0x1EA00] =	vst v63  }
0x52: {  	_ = 	snop  }
0x53: {  	[tilespmem:s18], [sflag:$0x2] =	stream.linear.gather [hbm4b:s17+s5], $0x80, $0x38;
	[tilespmem:$0x1EA00] =	vst v63  }
0x54: {  	_ = 	snop  }
0x55: {  	[tilespmem:s20], [sflag:$0x3] =	stream.linear.gather [hbm4b:s19+s5], $0x80, $0x38;
	[tilespmem:$0x1EA00] =	vst v63  }
0x56: {  	s21 =	smov.u32 s8;
	[bflag:$0x0] =	sbarrier.arrive $0xFFFF  }
.LBB2_4:
0x57: {  	_ =	swait.ge [sflag:s22], $0x80  }
0x58: {  	[sflag:s22] =	ssyncset.done $0x0  }
0x59: {  	[sflag:s22] =	ssyncadd.s32 $0xFFFFFF80  }
0x5a: {  	v2 =	vld [tilespmem:$0x2800]  }
0x5b: {  	v3 =	vld [tilespmem:$0x2810]  }
0x5c: {  	v4 =	vld [tilespmem:$0x2820]  }
0x5d: {  	v5 =	vld [tilespmem:$0x2830]  }
0x5e: {  	v6 =	vld [tilespmem:$0x2840]  }
0x5f: {  	v7 =	vld [tilespmem:$0x2850];
	v2 =	vadd.s32 v0, v2  }
0x60: {  	[tilespmem:$0x2800] =	vst v2;
	v2 =	vadd.s32 v0, v3;
	v3 =	vld [tilespmem:$0x2860]  }
0x61: {  	v48 =	vld [tilespmem:$0x2870];
	[tilespmem:$0x2810] =	vst v2;
	v2 =	vadd.s32 v0, v4  }
0x62: {  	[tilespmem:$0x2820] =	vst v2;
	v2 =	vadd.s32 v0, v5  }
0x63: {  	[tilespmem:$0x2830] =	vst v2;
	v2 =	vadd.s32 v0, v6  }
0x64: {  	[tilespmem:$0x2840] =	vst v2;
	v2 =	vadd.s32 v0, v7  }
0x65: {  	[tilespmem:$0x2850] =	vst v2;
	v2 =	vadd.s32 v0, v3  }
0x66: {  	p0 =	sne.s32 s5, $0x0;
	[tilespmem:$0x2860] =	vst v2;
	v2 =	vadd.s32 v0, v48  }
0x67: {  	s9 =	simm.s32 @p0 $0x7;
	[tilespmem:$0x2870] =	vst v2  }
0x68: {  	_ =	swait.ge @p0 [sflag:s9], $0x4000  }
0x69: {  	s10 =	simm.s32 @p0 $0x2800;
	[sflag:s9] =	ssyncset.done @p0 $0x0  }
0x6a: {  	s11 =	simm.s32 @p0 $0x2A00;
	[sflag:s9] =	ssyncadd.s32 @p0 $0xFFFFC000;
	s9 =	simm.s32 @p0 $0x80  }
0x6b: {  	[tilespmem:s11], [sflag:$0x5] =	stream.indirect.gather @p0 [hbm4b:s4+s9], $0x80, s10, s9, $0xb8;
	[tilespmem:$0x1EA00] =	vst v63  }
0x6c: {  	s10 =	simm.s32 @p0 $0x6  }
0x6d: {  	_ =	swait.ge @p0 [sflag:s10], $0x4000  }
0x6e: {  	s11 =	sshra.s32 @p0 s5, $0x2;
	[sflag:s10] =	ssyncset.done @p0 $0x0  }
0x6f: {  	[sflag:s10] =	ssyncadd.s32 @p0 $0xFFFFC000;
	s10 =	sadd.s32 @p0 $0xFFFFFF80, s11;
	s11 =	simm.s32 @p0 $0x6A00  }
0x70: {  	[spmem:s2] =	stream.indirect.scatter.add.f32 @p0 [tilespmem:s11], [sflag:$0x8], $0x80, s10, s9, $0xb8;
	[tilespmem:$0x1EA00] =	vst v63  }
0x71: {  	s9 =	simm.s32 @!p0 $0x80;
	s10 =	simm.s32 @!p0 $0x2800;
	s11 =	simm.s32 @!p0 $0x2A00  }
0x72: {  	[tilespmem:s11], [sflag:$0x5] =	stream.indirect.gather @!p0 [hbm4b:s4+s9], $0x80, s10, s9, $0xb8;
	[tilespmem:$0x1EA00] =	vst v63  }
0x73: {  	s11 =	sadd.s32 $0xFFFFFFD0, s21  }
0x74: {  	[tilespmem:s23], [sflag:$0x4] =	stream.linear.gather [hbm4b:s11+s3], $0x80, $0x38;
	[tilespmem:$0x1EA00] =	vst v63  }
0x75: {  	_ =	swait.ge [sflag:s24], $0x80  }
0x76: {  	[sflag:s24] =	ssyncset.done $0x0  }
0x77: {  	[sflag:s24] =	ssyncadd.s32 $0xFFFFFF80  }
0x78: {  	v2 =	vld [tilespmem:$0x2880]  }
0x79: {  	v3 =	vld [tilespmem:$0x2890]  }
0x7a: {  	v49 =	vld [tilespmem:$0x28A0]  }
0x7b: {  	v50 =	vld [tilespmem:$0x28B0]  }
0x7c: {  	v51 =	vld [tilespmem:$0x28C0]  }
0x7d: {  	v52 =	vld [tilespmem:$0x28D0];
	v2 =	vadd.s32 v0, v2  }
0x7e: {  	[tilespmem:$0x2880] =	vst v2;
	v2 =	vadd.s32 v0, v3;
	v3 =	vld [tilespmem:$0x28E0]  }
0x7f: {  	v53 =	vld [tilespmem:$0x28F0];
	[tilespmem:$0x2890] =	vst v2;
	v2 =	vadd.s32 v0, v49  }
0x80: {  	[tilespmem:$0x28A0] =	vst v2;
	v2 =	vadd.s32 v0, v50  }
0x81: {  	[tilespmem:$0x28B0] =	vst v2;
	v2 =	vadd.s32 v0, v51  }
0x82: {  	[tilespmem:$0x28C0] =	vst v2;
	v2 =	vadd.s32 v0, v52  }
0x83: {  	[tilespmem:$0x28D0] =	vst v2;
	v2 =	vadd.s32 v0, v3  }
0x84: {  	p0 =	seq.s32 s5, $0x0;
	[tilespmem:$0x28E0] =	vst v2;
	v2 =	vadd.s32 v0, v53  }
0x85: {  	s9 =	simm.s32 @!p0 $0x8;
	[tilespmem:$0x28F0] =	vst v2  }
0x86: {  	_ =	swait.ge @!p0 [sflag:s9], $0x4000  }
0x87: {  	[sflag:s9] =	ssyncset.done @!p0 $0x0  }
0x88: {  	[sflag:s9] =	ssyncadd.s32 @!p0 $0xFFFFC000  }
0x89: {  	[tilespmem:s26], [sflag:$0x6] =	stream.indirect.gather [hbm4b:s4+s25], $0x80, s18, s25, $0xb8;
	[tilespmem:$0x1EA00] =	vst v63  }
0x8a: {  	_ =	swait.ge [sflag:s28], $0x4000  }
0x8b: {  	[sflag:s28] =	ssyncset.done $0x0  }
0x8c: {  	s9 =	sshra.s32 s5, $0x2;
	p0 =	seq.s32 s5, $0x9800;
	[sflag:s28] =	ssyncadd.s32 $0xFFFFC000  }
0x8d: {  	[spmem:s2] =	stream.indirect.scatter.add.f32 [tilespmem:s15], [sflag:$0x7], $0x80, s9, s25, $0xb8;
	[tilespmem:$0x1EA00] =	vst v63  }
0x8e: {  	s10 =	sadd.s32 @!p0 $0xFFFFFFE0, s21;
	s11 =	simm.s32 @!p0 $0x0;
	s12 =	simm.s32 @!p0 $0x2800  }
0x8f: {  	[tilespmem:s12], [sflag:$0x1] =	stream.linear.gather @!p0 [hbm4b:s10+s11], $0x80, $0x38;
	[tilespmem:$0x1EA00] =	vst v63  }
0x90: {  	_ =	swait.ge [sflag:s29], $0x80  }
0x91: {  	[sflag:s29] =	ssyncset.done $0x0  }
0x92: {  	[sflag:s29] =	ssyncadd.s32 $0xFFFFFF80  }
0x93: {  	v2 =	vld [tilespmem:$0x2900]  }
0x94: {  	v3 =	vld [tilespmem:$0x2910]  }
0x95: {  	v54 =	vld [tilespmem:$0x2920]  }
0x96: {  	v55 =	vld [tilespmem:$0x2930]  }
0x97: {  	v56 =	vld [tilespmem:$0x2940]  }
0x98: {  	v57 =	vld [tilespmem:$0x2950];
	v2 =	vadd.s32 v0, v2  }
0x99: {  	[tilespmem:$0x2900] =	vst v2;
	v2 =	vadd.s32 v0, v3;
	v3 =	vld [tilespmem:$0x2960]  }
0x9a: {  	v58 =	vld [tilespmem:$0x2970];
	[tilespmem:$0x2910] =	vst v2;
	v2 =	vadd.s32 v0, v54  }
0x9b: {  	[tilespmem:$0x2920] =	vst v2;
	v2 =	vadd.s32 v0, v55  }
0x9c: {  	[tilespmem:$0x2930] =	vst v2;
	v2 =	vadd.s32 v0, v56  }
0x9d: {  	[tilespmem:$0x2940] =	vst v2;
	v2 =	vadd.s32 v0, v57  }
0x9e: {  	[tilespmem:$0x2950] =	vst v2;
	v2 =	vadd.s32 v0, v3  }
0x9f: {  	[tilespmem:$0x2960] =	vst v2;
	v2 =	vadd.s32 v0, v58  }
0xa0: {  	[tilespmem:$0x2970] =	vst v2  }
0xa1: {  	_ =	swait.ge [sflag:s30], $0x4000  }
0xa2: {  	[sflag:s30] =	ssyncset.done $0x0  }
0xa3: {  	[sflag:s30] =	ssyncadd.s32 $0xFFFFC000  }
0xa4: {  	[tilespmem:s15], [sflag:$0x5] =	stream.indirect.gather [hbm4b:s4+s25], $0x80, s20, s25, $0xb8;
	[tilespmem:$0x1EA00] =	vst v63  }
0xa5: {  	_ =	swait.ge [sflag:s31], $0x4000  }
0xa6: {  	[sflag:s31] =	ssyncset.done $0x0  }
0xa7: {  	s12 =	sadd.s32 $0x80, s9;
	[sflag:s31] =	ssyncadd.s32 $0xFFFFC000  }
0xa8: {  	[spmem:s2] =	stream.indirect.scatter.add.f32 [tilespmem:s26], [sflag:$0x8], $0x80, s12, s25, $0xb8;
	[tilespmem:$0x1EA00] =	vst v63  }
0xa9: {  	s10 =	sadd.s32 @!p0 $0xFFFFFFF0, s21;
	s12 =	simm.s32 @!p0 $0x2880  }
0xaa: {  	[tilespmem:s12], [sflag:$0x2] =	stream.linear.gather @!p0 [hbm4b:s10+s11], $0x80, $0x38;
	[tilespmem:$0x1EA00] =	vst v63  }
0xab: {  	_ =	swait.ge [sflag:s1], $0x80  }
0xac: {  	[sflag:s1] =	ssyncset.done $0x0  }
0xad: {  	[sflag:s1] =	ssyncadd.s32 $0xFFFFFF80  }
0xae: {  	v2 =	vld [tilespmem:$0x2980]  }
0xaf: {  	v3 =	vld [tilespmem:$0x2990]  }
0xb0: {  	v59 =	vld [tilespmem:$0x29A0]  }
0xb1: {  	v60 =	vld [tilespmem:$0x29B0]  }
0xb2: {  	v61 =	vld [tilespmem:$0x29C0]  }
0xb3: {  	v62 =	vld [tilespmem:$0x29D0];
	v2 =	vadd.s32 v0, v2  }
0xb4: {  	[tilespmem:$0x2980] =	vst v2;
	v2 =	vadd.s32 v0, v3;
	v3 =	vld [tilespmem:$0x29E0]  }
0xb5: {  	v63 =	vld [tilespmem:$0x29F0];
	[tilespmem:$0x2990] =	vst v2;
	v2 =	vadd.s32 v0, v59  }
0xb6: {  	[tilespmem:$0x29A0] =	vst v2;
	v2 =	vadd.s32 v0, v60  }
0xb7: {  	[tilespmem:$0x29B0] =	vst v2;
	v2 =	vadd.s32 v0, v61  }
0xb8: {  	[tilespmem:$0x29C0] =	vst v2;
	v2 =	vadd.s32 v0, v62  }
0xb9: {  	[tilespmem:$0x29D0] =	vst v2;
	v2 =	vadd.s32 v0, v3  }
0xba: {  	[tilespmem:$0x29E0] =	vst v2;
	v2 =	vadd.s32 v0, v63  }
0xbb: {  	[tilespmem:$0x29F0] =	vst v2  }
0xbc: {  	_ =	swait.ge [sflag:s16], $0x4000  }
0xbd: {  	[sflag:s16] =	ssyncset.done $0x0  }
0xbe: {  	[sflag:s16] =	ssyncadd.s32 $0xFFFFC000  }
0xbf: {  	[tilespmem:s26], [sflag:$0x6] =	stream.indirect.gather [hbm4b:s4+s25], $0x80, s23, s25, $0xb8;
	[tilespmem:$0x1EA00] =	vst v63  }
.Ltmp3:
0xc0: {  	_ = 	snop;
	(pc) =	sbr.rel @p0 .LBB2_6-.Ltmp3, $4  }
0xc1: {  	_ =	swait.ge [sflag:s28], $0x4000  }
0xc2: {  	[sflag:s28] =	ssyncset.done $0x0  }
0xc3: {  	s9 =	sadd.s32 $0x100, s9;
	[sflag:s28] =	ssyncadd.s32 $0xFFFFC000  }
0xc4: {  	[spmem:s2] =	stream.indirect.scatter.add.f32 [tilespmem:s15], [sflag:$0x7], $0x80, s9, s25, $0xb8;
	[tilespmem:$0x1EA00] =	vst v63  }
.Ltmp4:
0xc5: {  	(pc) =	sbr.rel .LBB2_4-.Ltmp4, $3  }
0xc6: {  	_ =	sdelay $0x1  }
0xc7: {  	[tilespmem:s20], [sflag:$0x3] =	stream.linear.gather [hbm4b:s21+s3], $0x80, $0x38;
	[tilespmem:$0x1EA00] =	vst v63  }
0xc8: {  	s5 =	sadd.s32 $0x800, s5;
	s21 =	sadd.s32 $0x40, s21  }
.LBB2_7:
0xc9: {  	_ =	sfence.sel $0x180000  }
0xca: {  	[bflag:$0x0] =	sbarrier.arrive $0xFFFF  }
0xcb: {  	_ =	strace $0x9000004A  }
0xcc: {  	s0 =	stileid.u32;
	[bflag:$0x2] =	sbarrier.arrive $0xFFFF  }
0xcd: {  	p0 =	sne.s32 s0, $0x0;
	s0 =	rddreg [dreg:$0x2]  }
0xce: {  	s0 =	sadd.s32 @!p0 $0x100000, s0  }
0xcf: {  	[sflag:s0] =	ssyncadd.tile.s32 @!p0 $0x1;
	_ =	shalt  }
.Lfunc_end2:
_tile_overlayer_lowered:
.L_overlay_start_2:
0xd0: {  	(tag) =	ssettag $0x2  }
0xd1: {  	s0 =	rddreg [dreg:$0x0];
	s2 =	stileid.u32  }
0xd2: {  	s1 =	rddreg [dreg:$0x1];
	p0 =	sne.s32 s2, $0x0  }
0xd3: {  	s3 =	rddreg [dreg:$0x2];
	[bflag:$0x3] =	sbarrier.arrive $0xFFFF;
	s2 =	simm.s32 @!p0 $0x1C09  }
0xd4: {  	[timem:s3], [sflag:s2] =	dma.local @!p0 [hbm:s0], s1  }
0xd5: {  	s0 =	simm.s32 @!p0 $0x9  }
0xd6: {  	_ =	swait.ge @!p0 [sflag:s0], s1  }
0xd7: {  	s1 =	ssub.s32 @!p0 $0x0, s1;
	[sflag:s0] =	ssyncset.done @!p0 $0x0  }
0xd8: {  	[sflag:s0] =	ssyncadd.s32 @!p0 s1  }
0xd9: {  	[bflag:$0x3] =	sbarrier.arrive $0xFFFF  }
0xda: {  	_ =	shalt  }

// kernel: kernel.14.cloned.1.call-start
scs
__scs_entry_jumppad:
0x0: {  	(pc) =	sbr.rel $0x88, $3  }
0x1: {  	(tag) =	ssettag $0x0;
	lr =	simm.s32 $0x1  }
0x2: {  	[smem:$0x3F96] =	sst lr;
	_ =	strace $0xD0000000  }
0x3: {  	_ = 	snop  }
0x4: {  	_ = 	snop  }
0x5: {  	_ = 	snop  }
0x6: {  	_ = 	snop  }
0x7: {  	_ = 	snop  }
__scs_overlays_trampoline_lowered:
0x8: {  	[smem:$0x3FA5] =	sst s0  }
0x9: {  	[smem:$0x3FA6] =	sst s1  }
0xa: {  	[smem:$0x3FA7] =	sst s2  }
0xb: {  	[smem:$0x3FA8] =	sst s3  }
0xc: {  	[smem:$0x3FA9] =	sst s4  }
0xd: {  	[smem:$0x3FAA] =	sst s5  }
0xe: {  	[smem:$0x3FAB] =	sst s6  }
0xf: {  	[smem:$0x3FAC] =	sst s7  }
0x10: {  	[smem:$0x3FAD] =	sst s8  }
0x11: {  	[smem:$0x3FAE] =	sst s9;
	s0 =	simm.s32 @!p0 $0x0  }
0x12: {  	s1 =	sld [smem:$0x3F94];
	s0 =	simm.s32 @p0 $0x1  }
0x13: {  	[smem:$0x3FAF] =	sst s0;
	s0 =	simm.s32 @!p1 $0x0  }
0x14: {  	s2 =	sld [smem:$0x3F93];
	s0 =	simm.s32 @p1 $0x1  }
0x15: {  	[smem:$0x3FB0] =	sst s0;
	s0 =	simm.s32 @!p2 $0x0  }
0x16: {  	s3 =	sld [smem:$0x3FDB];
	s0 =	simm.s32 @p2 $0x1  }
0x17: {  	s4 =	simm.s32 $0x1BF5;
	[smem:$0x3FB2] =	sst s0  }
0x18: {  	s0 =	sld [smem:$0x3F95];
	_ =	swait.ge [sflag:s4], $0x0  }
0x19: {  	s7 =	sld [smem:$0x3F96]  }
0x1a: {  	s8 =	sadd.s32 $0xFFFFE003, lr  }
0x1b: {  	s9 =	sadd.s32 $0xFFFFFEF7, lr;
	s5 =	simm.s32 $0xFFFFFFFF;
	p2 =	slt.u32 s8, $0xFFFFF086  }
0x1c: {  	p1 =	slt.u32 s9, $0xF7A;
	s5 =	simm.s32 @!p2 $0x0  }
0x1d: {  	s5 =	simm.s32 @p1 $0x1;
	p0 =	seq.s32 s7, s2  }
0x1e: {  	s7 =	smul.u32 @!p0 $0xF7A, s2;
	p2 =	seq.s32 @!p0 s5, $0x0  }
0x1f: {  	s9 =	smul.u32 $0xF7A, s1;
	s8 =	simm.s32 @!p0 $0x1BF5;
	p2 =	por !p2, p0  }
0x20: {  	[sflag:s8] =	ssyncset.s32 @!p0 $0xFFFFF086;
	s6 =	sadd.s32 @!p0 s3, s7;
	s7 =	simm.s32 @!p0 $0x108  }
0x21: {  	s3 =	sadd.s32 s3, s9;
	s6 =	sadd.s32 @!p0 $0x88, s6;
	s7 =	simm.s32 @p2 $0x1082  }
0x22: {  	[simem:s7], [sflag:s8] =	dma.local @!p0 [hbm:s6], $0xF7A  }
0x23: {  	s9 =	sor.u32 $0xD0000000, s2;
	s6 =	simm.s32 $0x108;
	_ =	swait.ge @!p0 [sflag:s8], $0x0  }
0x24: {  	s3 =	sadd.s32 $0x88, s3;
	s6 =	simm.s32 @!p1 $0x1082;
	[sflag:s4] =	ssyncset.s32 $0xFFFFF086  }
0x25: {  	[simem:s6], [sflag:s4] =	dma.local [hbm:s3], $0xF7A  }
0x26: {  	[smem:$0x3F96] =	sst s1;
	(tag) =	ssettag s2;
	_ =	strace s9  }
0x27: {  	s1 =	sld [smem:$0x3FA6]  }
0x28: {  	s2 =	sld [smem:$0x3FA7]  }
0x29: {  	s4 =	sld [smem:$0x3FA9]  }
0x2a: {  	p0 =	seq.s32 s5, $0x0;
	s5 =	sld [smem:$0x3FAA]  }
0x2b: {  	s6 =	sld [smem:$0x3FAB]  }
0x2c: {  	s7 =	sld [smem:$0x3FAC]  }
0x2d: {  	s3 =	simm.s32 $0x108;
	s8 =	sld [smem:$0x3FAD]  }
0x2e: {  	s3 =	simm.s32 @!p0 $0x1082;
	s9 =	sld [smem:$0x3FAE]  }
0x2f: {  	lr =	sadd.s32 s0, s3;
	s0 =	sld [smem:$0x3FA5]  }
0x30: {  	s3 =	sld [smem:$0x3FA8]  }
0x31: {  	[smem:$0x3FB1] =	sst s10  }
0x32: {  	s10 =	sld [smem:$0x3FAF];
	_ =	sdelay $0x3  }
0x33: {  	p0 =	seq.s32 s10, $0x1;
	s10 =	sld [smem:$0x3FB1];
	_ =	sdelay $0x3  }
0x34: {  	[smem:$0x3FB1] =	sst s10  }
0x35: {  	s10 =	sld [smem:$0x3FB0];
	_ =	sdelay $0x3  }
0x36: {  	p1 =	seq.s32 s10, $0x1;
	s10 =	sld [smem:$0x3FB1];
	_ =	sdelay $0x3  }
0x37: {  	[smem:$0x3FB1] =	sst s10  }
0x38: {  	s10 =	sld [smem:$0x3FB2]  }
0x39: {  	_ = 	snop;
	(pc) =	sbr.ind lr, $3  }
0x3a: {  	_ = 	snop  }
0x3b: {  	_ = 	snop  }
0x3c: {  	p2 =	seq.s32 s10, $0x1;
	s10 =	sld [smem:$0x3FB1]  }
0x3d: {  	_ =	shalt  }
0x3e: {  	_ =	shalt  }
0x3f: {  	_ =	shalt  }
0x40: {  	_ =	shalt  }
0x41: {  	_ =	shalt  }
0x42: {  	_ =	shalt  }
0x43: {  	_ =	shalt  }
0x44: {  	_ =	shalt  }
0x45: {  	_ =	shalt  }
0x46: {  	_ =	shalt  }
0x47: {  	_ =	shalt  }
0x48: {  	_ =	shalt  }
0x49: {  	_ =	shalt  }
0x4a: {  	_ =	shalt  }
0x4b: {  	_ =	shalt  }
0x4c: {  	_ =	shalt  }
0x4d: {  	_ =	shalt  }
0x4e: {  	_ =	shalt  }
0x4f: {  	_ =	shalt  }
0x50: {  	_ =	shalt  }
0x51: {  	_ =	shalt  }
0x52: {  	_ =	shalt  }
0x53: {  	_ =	shalt  }
0x54: {  	_ =	shalt  }
0x55: {  	_ =	shalt  }
0x56: {  	_ =	shalt  }
0x57: {  	_ =	shalt  }
0x58: {  	_ =	shalt  }
0x59: {  	_ =	shalt  }
0x5a: {  	_ =	shalt  }
0x5b: {  	_ =	shalt  }
0x5c: {  	_ =	shalt  }
0x5d: {  	_ =	shalt  }
0x5e: {  	_ =	shalt  }
0x5f: {  	_ =	shalt  }
0x60: {  	_ =	shalt  }
0x61: {  	_ =	shalt  }
0x62: {  	_ =	shalt  }
0x63: {  	_ =	shalt  }
0x64: {  	_ =	shalt  }
0x65: {  	_ =	shalt  }
0x66: {  	_ =	shalt  }
0x67: {  	_ =	shalt  }
0x68: {  	_ =	shalt  }
0x69: {  	_ =	shalt  }
0x6a: {  	_ =	shalt  }
0x6b: {  	_ =	shalt  }
0x6c: {  	_ =	shalt  }
0x6d: {  	_ =	shalt  }
0x6e: {  	_ =	shalt  }
0x6f: {  	_ =	shalt  }
0x70: {  	_ =	shalt  }
0x71: {  	_ =	shalt  }
0x72: {  	_ =	shalt  }
0x73: {  	_ =	shalt  }
0x74: {  	_ =	shalt  }
0x75: {  	_ =	shalt  }
0x76: {  	_ =	shalt  }
0x77: {  	_ =	shalt  }
0x78: {  	_ =	shalt  }
0x79: {  	_ =	shalt  }
0x7a: {  	_ =	shalt  }
0x7b: {  	_ =	shalt  }
0x7c: {  	_ =	shalt  }
0x7d: {  	_ =	shalt  }
0x7e: {  	_ =	shalt  }
0x7f: {  	_ =	shalt  }
0x80: {  	_ =	shalt  }
0x81: {  	_ =	shalt  }
0x82: {  	_ =	shalt  }
0x83: {  	_ =	shalt  }
0x84: {  	_ =	shalt  }
0x85: {  	_ =	shalt  }
0x86: {  	_ =	shalt  }
0x87: {  	_ =	shalt  }
.Lfunc_end0:
.L_simem_size_0:
called_computation.2_lowered:
.L_overlay_start_0:
0x88: {  	s2 =	sld [smem:$0x3FD9]  }
0x89: {  	s3 =	sld [smem:$0x3FFE];
	_ =	sdelay $0x1  }
0x8a: {  	s1 =	srdreg.scid  }
0x8b: {  	s0 =	sand.u32 $0x1, s1  }
0x8c: {  	s16 =	sshll.u32 s0, $0xA;
	s2 =	sadd.s32 s3, s2  }
0x8d: {  	s2 =	sadd.s32 s2, s16  }
0x8e: {  	[smem:$0x3FBD] =	sst s2  }
0x8f: {  	_ = 	snop  }
0x90: {  	(tm) =	ssettm $0x1  }
0x91: {  	s17 =	sld [smem:$0x3FFB];
	_ =	sdelay $0x3  }
0x92: {  	_ =	strace s17  }
0x93: {  	s2 =	sld [smem:$0x3FFC];
	_ =	sdelay $0x3  }
0x94: {  	_ =	strace s2  }
0x95: {  	s2 =	sld [smem:$0x3FFD];
	_ =	sdelay $0x3  }
0x96: {  	_ =	strace s2  }
0x97: {  	_ =	strace $0x8FFFFFFF  }
0x98: {  	s18 =	sld [smem:$0x3FDB];
	_ =	sdelay $0x1  }
0x99: {  	s19 =	simm.s32 $_scs_section_size  }
0x9a: {  	s4 =	simm.s32 $_size__tile_overlayer_lowered;
	s5 =	simm.s32 $_tile_overlayer_lowered  }
0x9b: {  	s22 =	simm.s32 $0x1BFF;
	s21 =	sshll.u32 s5, $0x1;
	s2 =	sadd.s32 s19, s18  }
0x9c: {  	s6 =	simm.s32 $0x0;
	s20 =	sshll.u32 s4, $0x1;
	s4 =	sadd.s32 s21, s2  }
0x9d: {  	[timem:s6], [sflag:s22] =	dma.local [hbm:s4], s20  }
0x9e: {  	_ =	swait.ge [sflag:s22], s20  }
0x9f: {  	s3 =	ssub.s32 $0x0, s20;
	[sflag:s22] =	ssyncset.done $0x0  }
0xa0: {  	[sflag:s22] =	ssyncadd.s32 s3;
	_ =	sdelay $0x1  }
0xa1: {  	s23 =	simm.s32 $0x1B8B  }
0xa2: {  	_ =	swait.ge [sflag:s23], $0x1  }
0xa3: {  	[sflag:s23] =	ssyncset.done $0x0  }
0xa4: {  	s25 =	simm.s32 $0x1B8E;
	s24 =	sld [smem:$0x3FFE];
	[sflag:s23] =	ssyncadd.s32 $0xFFFFFFFF  }
0xa5: {  	s26 =	simm.s32 $execute0_lowered;
	[smem:$0x3FD2] =	sst s25  }
0xa6: {  	s4 =	sshll.u32 s26, $0x1;
	_ =	strace $0x8000004C;
	[dreg:$0x1] =	wrdreg $0xFFFFFFFF  }
0xa7: {  	s28 =	simm.s32 $_size_execute0_lowered;
	s2 =	sadd.s32 s2, s4;
	[dreg:$0x0] =	wrdreg $0x0  }
0xa8: {  	s4 =	sshll.u32 s28, $0x1;
	[dreg:$0x2] =	wrdreg s2  }
0xa9: {  	[dreg:$0x3] =	wrdreg s4  }
0xaa: {  	[dreg:$0x4] =	wrdreg $0xC0  }
0xab: {  	_ =	task [dreg:s6], $0x5FFFF  }
0xac: {  	[dreg:$0x1] =	wrdreg $0xFFFFFFFF  }
0xad: {  	[dreg:$0x0] =	wrdreg $0x60  }
0xae: {  	[dreg:$0x2] =	wrdreg s24  }
0xaf: {  	[dreg:$0x3] =	wrdreg $0xAA000  }
0xb0: {  	[dreg:$0x4] =	wrdreg $0x9  }
0xb1: {  	_ =	task.clear_ibuf [dreg:s6], $0x5FFFF;
	_ =	strace $0x9000004C  }
0xb2: {  	s29 =	simm.s32 $0x9;
	_ =	strace $0x8000004E  }
0xb3: {  	_ =	swait.ge [sflag:s29], $0x1  }
0xb4: {  	[sflag:s29] =	ssyncadd.s32 $0xFFFFFFFF  }
0xb5: {  	_ =	strace $0x9000004E  }
0xb6: {  	_ =	sfence  }
0xb7: {  	s30 =	sld [smem:$0x0];
	_ =	sdelay $0x2  }
0xb8: {  	s31 =	sshll.u32 s1, $0xD;
	s1 =	sshrl.u32 s1, $0x2  }
0xb9: {  	s3 =	sand.u32 $0x4000, s31;
	s1 =	sadd.s32 s1, s30  }
0xba: {  	s0 =	sor.u32 s3, s0;
	s1 =	sshll.u32 s1, $0x11  }
0xbb: {  	s0 =	sor.u32 s1, s0  }
0xbc: {  	s0 =	sadd.s32 $0x8F2B, s0  }
0xbd: {  	[sflag:s0] =	ssyncadd.remote.s32 $0x1  }
0xbe: {  	_ =	sfence.sel $0xFFFF  }
0xbf: {  	[dreg:$0x0] =	wrdreg $0xFFFFFFFF;
	(pc) =	sbr.abs _section_cstart, $3  }
0xc0: {  	[dreg:$0x1] =	wrdreg $0xFFFFFFFF  }
0xc1: {  	_ =	task.clear_ibuf [dreg:s6], $0x2FFFF;
	_ =	strace $0x9FFFFFFF  }
0xc2: {  	(tm) =	ssettm $0x7FFFFFFF  }
0xc3: {  	_ =	shalt  }
tec
execute0_lowered:
.L_overlay_start_1:
0x0: {  	(tag) =	ssettag $0x1  }
0x1: {  	s0 =	rddreg [dreg:$0x0]  }
0x2: {  	s2 =	rddreg [dreg:$0x1]  }
0x3: {  	s9 =	stileid.u32;
	s3 =	simm.s32 $0x0;
	s4 =	srdreg.scid  }
0x4: {  	s15 =	simm.s32 $0x9;
	s16 =	simm.s32 $0x2A00;
	s19 =	simm.s32 $0x2880  }
0x5: {  	s28 =	simm.s32 $0x3;
	s29 =	simm.s32 $0x7;
	s1 =	smul.u32 $0x500, s9  }
0x6: {  	s30 =	simm.s32 $0x6;
	s31 =	simm.s32 $0x4;
	s6 =	smul.u32 $0x50000, s9  }
0x7: {  	[smem:$0x7FF] =	sst s3;
	s5 =	sand.u32 $0x1, s4;
	s9 =	smul.u32 $0x280, s9  }
0x8: {  	s4 =	sadd.s32 $0xC800, s0;
	s8 =	smul.u32 $0x5000, s5;
	s5 =	ssub.s32 $0x2, s5  }
0x9: {  	_ =	strace $0x8000004D;
	s1 =	sadd.s32 s1, s0;
	s7 =	sshrl.u32 s5, $0x1  }
0xa: {  	s0 =	sadd.s32 $0xAC800, s0;
	s6 =	sshrl.u32 s6, $0x2;
	s5 =	ssub.s32 s5, s7  }
0xb: {  	s20 =	sadd.s32 $0x1C00, s1;
	s10 =	sadd.s32 $0x2800, s8;
	s21 =	sadd.s32 s9, s8  }
0xc: {  	s6 =	sadd.s32 s6, s2;
	s7 =	sadd.s32 $0x7800, s1;
	[dreg:$0x3] =	wrdreg s20  }
0xd: {  	s9 =	sadd.s32 s9, s10;
	s11 =	sshll.u32 s21, $0x4;
	s23 =	smax.u32 s5, $0x1  }
0xe: {  	s24 =	sadd.s32 $0x4000, s6;
	s25 =	sadd.s32 $0x8000, s6;
	s26 =	sadd.s32 $0xC000, s6  }
0xf: {  	s14 =	sadd.s32 $0x10000, s6;
	s18 =	sadd.s32 $0x10, s7;
	[dreg:$0x6] =	wrdreg s23  }
0x10: {  	s20 =	simm.s32 $0x2900;
	s21 =	simm.s32 $0x1;
	[dreg:$0x7] =	wrdreg s24  }
.Ltmp0:
0x11: {  	s5 =	simm.s32 $0x0;
	[dreg:$0x8] =	wrdreg s25;
	(pc) =	sbr.rel .LBB2_1-.Ltmp0, $4  }
0x12: {  	s9 =	sshll.u32 s9, $0x4;
	s22 =	sadd.s32 s0, s11;
	[dreg:$0x9] =	wrdreg s26  }
0x13: {  	s23 =	simm.s32 $0x2;
	s24 =	simm.s32 $0x80;
	s25 =	simm.s32 $0x6A00  }
0x14: {  	s26 =	simm.s32 $0x5;
	[dreg:$0x4] =	wrdreg s22;
	s0 =	sadd.s32 s0, s9  }
0x15: {  	v2 =	vimm.f32 $0.0e+00;
	v0 =	vmov s8;
	v1 =	vmov s10;
	s22 =	simm.s32 $0x2980;
	[dreg:$0x5] =	wrdreg s0;
	s0 =	simm.s32 $0x8  }
.LBB2_11:
0x16: {  	_ =	swait.ge [sflag:s30], $0x4000  }
0x17: {  	[sflag:s30] =	ssyncset.done $0x0  }
0x18: {  	s1 =	simm.s32 $0x2780;
	[sflag:s30] =	ssyncadd.s32 $0xFFFFC000  }
0x19: {  	[spmem:s2] =	stream.indirect.scatter.add.f32 [tilespmem:s25], [sflag:$0x8], $0x80, s1, s24, $0xb8;
	[tilespmem:$0x1EA00] =	vst v63  }
0x1a: {  	_ =	swait.ge [sflag:s29], $0x4000  }
0x1b: {  	[sflag:s29] =	ssyncset.done $0x0  }
0x1c: {  	[sflag:s29] =	ssyncadd.s32 $0xFFFFC000  }
0x1d: {  	_ =	swait.ge [sflag:s0], $0x4000  }
0x1e: {  	[sflag:s0] =	ssyncset.done $0x0  }
0x1f: {  	[sflag:s0] =	ssyncadd.s32 $0xFFFFC000  }
0x20: {  	[bflag:$0x0] =	sbarrier.arrive $0xFFFF  }
0x21: {  	s13 =	rddreg [dreg:$0x5]  }
0x22: {  	[hbm:s13], [sflag:s9] =	dma.local [spmem:s10], $0x2800  }
0x23: {  	_ =	swait.ge [sflag:s15], $0x2800  }
0x24: {  	s5 =	sadd.s32 $0x1, s5;
	s17 =	rddreg [dreg:$0x6]  }
0x25: {  	p0 =	sne.s32 s5, s17  }
.Ltmp1:
0x26: {  	_ = 	snop;
	(pc) =	sbr.rel @!p0 .LBB2_12-.Ltmp1, $3  }
0x27: {  	_ =	sdelay $0x1  }
0x28: {  	[sflag:s15] =	ssyncset.done $0x0  }
0x29: {  	[sflag:s15] =	ssyncadd.s32 $0xFFFFD800  }
.LBB2_1:
0x2a: {  	s1 =	rddreg [dreg:$0x3]  }
0x2b: {  	[tilespmem:s3], [sflag:$0x9] =	stream.linear.gather [hbm4b:s1+s3], $0x2800, $0x38;
	[tilespmem:$0x1EA00] =	vst v63  }
0x2c: {  	_ =	swait.ge [sflag:s15], $0x2800  }
0x2d: {  	[sflag:s15] =	ssyncset.done $0x0  }
0x2e: {  	s8 =	simm.s32 $0x200;
	s1 =	simm.s32 $0x0;
	[sflag:s15] =	ssyncadd.s32 $0xFFFFD800  }
.LBB2_2:
0x2f: {  	p0 =	sne.s32 s8, $0xFE00;
	[tilespmem:s1+$0x2A70] =	vst v2  }
0x30: {  	[tilespmem:s1+$0x2A00] =	vst v2  }
0x31: {  	[tilespmem:s1+$0x2A10] =	vst v2  }
.Ltmp2:
0x32: {  	[tilespmem:s1+$0x2A20] =	vst v2;
	(pc) =	sbr.rel @p0 .LBB2_2-.Ltmp2, $4  }
0x33: {  	[tilespmem:s1+$0x2A30] =	vst v2  }
0x34: {  	[tilespmem:s1+$0x2A40] =	vst v2  }
0x35: {  	[tilespmem:s1+$0x2A50] =	vst v2  }
0x36: {  	[tilespmem:s1+$0x2A60] =	vst v2;
	s1 =	sshra.s32 s8, $0x2;
	s8 =	sadd.s32 $0x200, s8  }
0x37: {  	[tilespmem:s1+$0x2A70] =	vst v2  }
0x38: {  	[tilespmem:s1+$0x2A00] =	vst v2  }
0x39: {  	[tilespmem:s1+$0x2A10] =	vst v2  }
0x3a: {  	[tilespmem:s1+$0x2A20] =	vst v2  }
0x3b: {  	[tilespmem:s1+$0x2A30] =	vst v2  }
0x3c: {  	[tilespmem:s1+$0x2A40] =	vst v2  }
0x3d: {  	[tilespmem:s1+$0x2A50] =	vst v2  }
0x3e: {  	[tilespmem:s1+$0x2A60] =	vst v2  }
0x3f: {  	[spmem:s6] =	stream.linear.scatter [tilespmem:s16], [sflag:$0x9], $0x4000, $0x38;
	[tilespmem:$0x1EA00] =	vst v63  }
0x40: {  	_ =	swait.ge [sflag:s15], $0x4000  }
0x41: {  	[sflag:s15] =	ssyncset.done $0x0  }
0x42: {  	s11 =	rddreg [dreg:$0x7];
	[sflag:s15] =	ssyncadd.s32 $0xFFFFC000  }
0x43: {  	[spmem:s11] =	stream.linear.scatter [tilespmem:s16], [sflag:$0x9], $0x4000, $0x38;
	[tilespmem:$0x1EA00] =	vst v63  }
0x44: {  	_ =	swait.ge [sflag:s15], $0x4000  }
0x45: {  	[sflag:s15] =	ssyncset.done $0x0  }
0x46: {  	s12 =	rddreg [dreg:$0x8];
	[sflag:s15] =	ssyncadd.s32 $0xFFFFC000  }
0x47: {  	[spmem:s12] =	stream.linear.scatter [tilespmem:s16], [sflag:$0x9], $0x4000, $0x38;
	[tilespmem:$0x1EA00] =	vst v63  }
0x48: {  	_ =	swait.ge [sflag:s15], $0x4000  }
0x49: {  	[sflag:s15] =	ssyncset.done $0x0  }
0x4a: {  	s13 =	rddreg [dreg:$0x9];
	[sflag:s15] =	ssyncadd.s32 $0xFFFFC000  }
0x4b: {  	[spmem:s13] =	stream.linear.scatter [tilespmem:s16], [sflag:$0x9], $0x4000, $0x38;
	[tilespmem:$0x1EA00] =	vst v63  }
0x4c: {  	_ =	swait.ge [sflag:s15], $0x4000  }
0x4d: {  	[sflag:s15] =	ssyncset.done $0x0  }
0x4e: {  	[sflag:s15] =	ssyncadd.s32 $0xFFFFC000  }
0x4f: {  	[spmem:s14] =	stream.linear.scatter [tilespmem:s16], [sflag:$0x9], $0x4000, $0x38;
	[tilespmem:$0x1EA00] =	vst v63  }
0x50: {  	_ =	swait.ge [sflag:s15], $0x4000  }
0x51: {  	[sflag:s15] =	ssyncset.done $0x0  }
0x52: {  	s9 =	simm.s32 $0x0;
	s17 =	simm.s32 $0x2800;
	[sflag:s15] =	ssyncadd.s32 $0xFFFFC000  }
0x53: {  	[tilespmem:s17], [sflag:$0x1] =	stream.linear.gather [hbm4b:s7+s9], $0x80, $0x38;
	[tilespmem:$0x1EA00] =	vst v63  }
0x54: {  	_ = 	snop  }
0x55: {  	[tilespmem:s19], [sflag:$0x2] =	stream.linear.gather [hbm4b:s18+s9], $0x80, $0x38;
	[tilespmem:$0x1EA00] =	vst v63  }
0x56: {  	s8 =	sadd.s32 $0x60, s7;
	s17 =	sadd.s32 $0x20, s7  }
0x57: {  	[tilespmem:s20], [sflag:$0x3] =	stream.linear.gather [hbm4b:s17+s9], $0x80, $0x38;
	[tilespmem:$0x1EA00] =	vst v63  }
0x58: {  	s1 =	smov.u32 s8;
	[bflag:$0x0] =	sbarrier.arrive $0xFFFF  }
.LBB2_4:
0x59: {  	_ =	swait.ge [sflag:s21], $0x80  }
0x5a: {  	[sflag:s21] =	ssyncset.done $0x0  }
0x5b: {  	[sflag:s21] =	ssyncadd.s32 $0xFFFFFF80  }
0x5c: {  	v3 =	vld [tilespmem:$0x2800]  }
0x5d: {  	v4 =	vld [tilespmem:$0x2810]  }
0x5e: {  	v5 =	vld [tilespmem:$0x2820]  }
0x5f: {  	v6 =	vld [tilespmem:$0x2830]  }
0x60: {  	v7 =	vld [tilespmem:$0x2840]  }
0x61: {  	v8 =	vld [tilespmem:$0x2850];
	v3 =	vadd.s32 v0, v3  }
0x62: {  	v41 =	vld [tilespmem:$0x2860];
	[tilespmem:$0x2800] =	vst v3;
	v3 =	vadd.s32 v0, v4  }
0x63: {  	v42 =	vld [tilespmem:$0x2870];
	[tilespmem:$0x2810] =	vst v3;
	v3 =	vadd.s32 v0, v5  }
0x64: {  	[tilespmem:$0x2820] =	vst v3;
	v3 =	vadd.s32 v0, v6  }
0x65: {  	[tilespmem:$0x2830] =	vst v3;
	v3 =	vadd.s32 v0, v7  }
0x66: {  	[tilespmem:$0x2840] =	vst v3;
	v3 =	vadd.s32 v0, v8  }
0x67: {  	[tilespmem:$0x2850] =	vst v3;
	v3 =	vadd.s32 v0, v41  }
0x68: {  	p0 =	sne.s32 s9, $0x0;
	[tilespmem:$0x2860] =	vst v3;
	v3 =	vadd.s32 v0, v42  }
0x69: {  	s10 =	simm.s32 @p0 $0x7;
	[tilespmem:$0x2870] =	vst v3  }
0x6a: {  	_ =	swait.ge @p0 [sflag:s10], $0x4000  }
0x6b: {  	s11 =	simm.s32 @p0 $0x2800;
	[sflag:s10] =	ssyncset.done @p0 $0x0  }
0x6c: {  	s12 =	simm.s32 @p0 $0x2A00;
	[sflag:s10] =	ssyncadd.s32 @p0 $0xFFFFC000;
	s10 =	simm.s32 @p0 $0x80  }
0x6d: {  	[tilespmem:s12], [sflag:$0x5] =	stream.indirect.gather @p0 [hbm4b:s4+s10], $0x80, s11, s10, $0xb8;
	[tilespmem:$0x1EA00] =	vst v63  }
0x6e: {  	s11 =	simm.s32 @p0 $0x6  }
0x6f: {  	_ =	swait.ge @p0 [sflag:s11], $0x4000  }
0x70: {  	s12 =	sshra.s32 @p0 s9, $0x2;
	[sflag:s11] =	ssyncset.done @p0 $0x0  }
0x71: {  	[sflag:s11] =	ssyncadd.s32 @p0 $0xFFFFC000;
	s11 =	sadd.s32 @p0 $0xFFFFFF80, s12;
	s12 =	simm.s32 @p0 $0x6A00  }
0x72: {  	[spmem:s2] =	stream.indirect.scatter.add.f32 @p0 [tilespmem:s12], [sflag:$0x8], $0x80, s11, s10, $0xb8;
	[tilespmem:$0x1EA00] =	vst v63  }
0x73: {  	s10 =	simm.s32 @!p0 $0x80;
	s11 =	simm.s32 @!p0 $0x2800;
	s12 =	simm.s32 @!p0 $0x2A00  }
0x74: {  	[tilespmem:s12], [sflag:$0x5] =	stream.indirect.gather @!p0 [hbm4b:s4+s10], $0x80, s11, s10, $0xb8;
	[tilespmem:$0x1EA00] =	vst v63  }
0x75: {  	s12 =	sadd.s32 $0xFFFFFFD0, s1  }
0x76: {  	[tilespmem:s22], [sflag:$0x4] =	stream.linear.gather [hbm4b:s12+s3], $0x80, $0x38;
	[tilespmem:$0x1EA00] =	vst v63  }
0x77: {  	_ =	swait.ge [sflag:s23], $0x80  }
0x78: {  	[sflag:s23] =	ssyncset.done $0x0  }
0x79: {  	[sflag:s23] =	ssyncadd.s32 $0xFFFFFF80  }
0x7a: {  	v3 =	vld [tilespmem:$0x2880]  }
0x7b: {  	v43 =	vld [tilespmem:$0x2890]  }
0x7c: {  	v44 =	vld [tilespmem:$0x28A0]  }
0x7d: {  	v45 =	vld [tilespmem:$0x28B0]  }
0x7e: {  	v46 =	vld [tilespmem:$0x28C0]  }
0x7f: {  	v47 =	vld [tilespmem:$0x28D0];
	v3 =	vadd.s32 v0, v3  }
0x80: {  	v48 =	vld [tilespmem:$0x28E0];
	[tilespmem:$0x2880] =	vst v3;
	v3 =	vadd.s32 v0, v43  }
0x81: {  	v49 =	vld [tilespmem:$0x28F0];
	[tilespmem:$0x2890] =	vst v3;
	v3 =	vadd.s32 v0, v44  }
0x82: {  	[tilespmem:$0x28A0] =	vst v3;
	v3 =	vadd.s32 v0, v45  }
0x83: {  	[tilespmem:$0x28B0] =	vst v3;
	v3 =	vadd.s32 v0, v46  }
0x84: {  	[tilespmem:$0x28C0] =	vst v3;
	v3 =	vadd.s32 v0, v47  }
0x85: {  	[tilespmem:$0x28D0] =	vst v3;
	v3 =	vadd.s32 v0, v48  }
0x86: {  	p0 =	seq.s32 s9, $0x0;
	[tilespmem:$0x28E0] =	vst v3;
	v3 =	vadd.s32 v0, v49  }
0x87: {  	s10 =	simm.s32 @!p0 $0x8;
	[tilespmem:$0x28F0] =	vst v3  }
0x88: {  	_ =	swait.ge @!p0 [sflag:s10], $0x4000  }
0x89: {  	[sflag:s10] =	ssyncset.done @!p0 $0x0  }
0x8a: {  	[sflag:s10] =	ssyncadd.s32 @!p0 $0xFFFFC000  }
0x8b: {  	[tilespmem:s25], [sflag:$0x6] =	stream.indirect.gather [hbm4b:s4+s24], $0x80, s19, s24, $0xb8;
	[tilespmem:$0x1EA00] =	vst v63  }
0x8c: {  	_ =	swait.ge [sflag:s26], $0x4000  }
0x8d: {  	[sflag:s26] =	ssyncset.done $0x0  }
0x8e: {  	s10 =	sshra.s32 s9, $0x2;
	p0 =	seq.s32 s9, $0x9800;
	[sflag:s26] =	ssyncadd.s32 $0xFFFFC000  }
0x8f: {  	[spmem:s2] =	stream.indirect.scatter.add.f32 [tilespmem:s16], [sflag:$0x7], $0x80, s10, s24, $0xb8;
	[tilespmem:$0x1EA00] =	vst v63  }
0x90: {  	s11 =	sadd.s32 @!p0 $0xFFFFFFE0, s1;
	s12 =	simm.s32 @!p0 $0x0;
	s13 =	simm.s32 @!p0 $0x2800  }
0x91: {  	[tilespmem:s13], [sflag:$0x1] =	stream.linear.gather @!p0 [hbm4b:s11+s12], $0x80, $0x38;
	[tilespmem:$0x1EA00] =	vst v63  }
0x92: {  	_ =	swait.ge [sflag:s28], $0x80  }
0x93: {  	[sflag:s28] =	ssyncset.done $0x0  }
0x94: {  	[sflag:s28] =	ssyncadd.s32 $0xFFFFFF80  }
0x95: {  	v3 =	vld [tilespmem:$0x2900]  }
0x96: {  	v50 =	vld [tilespmem:$0x2910]  }
0x97: {  	v51 =	vld [tilespmem:$0x2920]  }
0x98: {  	v52 =	vld [tilespmem:$0x2930]  }
0x99: {  	v53 =	vld [tilespmem:$0x2940]  }
0x9a: {  	v54 =	vld [tilespmem:$0x2950];
	v3 =	vadd.s32 v0, v3  }
0x9b: {  	v55 =	vld [tilespmem:$0x2960];
	[tilespmem:$0x2900] =	vst v3;
	v3 =	vadd.s32 v0, v50  }
0x9c: {  	v56 =	vld [tilespmem:$0x2970];
	[tilespmem:$0x2910] =	vst v3;
	v3 =	vadd.s32 v0, v51  }
0x9d: {  	[tilespmem:$0x2920] =	vst v3;
	v3 =	vadd.s32 v0, v52  }
0x9e: {  	[tilespmem:$0x2930] =	vst v3;
	v3 =	vadd.s32 v0, v53  }
0x9f: {  	[tilespmem:$0x2940] =	vst v3;
	v3 =	vadd.s32 v0, v54  }
0xa0: {  	[tilespmem:$0x2950] =	vst v3;
	v3 =	vadd.s32 v0, v55  }
0xa1: {  	[tilespmem:$0x2960] =	vst v3;
	v3 =	vadd.s32 v0, v56  }
0xa2: {  	[tilespmem:$0x2970] =	vst v3  }
0xa3: {  	_ =	swait.ge [sflag:s29], $0x4000  }
0xa4: {  	[sflag:s29] =	ssyncset.done $0x0  }
0xa5: {  	[sflag:s29] =	ssyncadd.s32 $0xFFFFC000  }
0xa6: {  	[tilespmem:s16], [sflag:$0x5] =	stream.indirect.gather [hbm4b:s4+s24], $0x80, s20, s24, $0xb8;
	[tilespmem:$0x1EA00] =	vst v63  }
0xa7: {  	_ =	swait.ge [sflag:s30], $0x4000  }
0xa8: {  	[sflag:s30] =	ssyncset.done $0x0  }
0xa9: {  	s13 =	sadd.s32 $0x80, s10;
	[sflag:s30] =	ssyncadd.s32 $0xFFFFC000  }
0xaa: {  	[spmem:s2] =	stream.indirect.scatter.add.f32 [tilespmem:s25], [sflag:$0x8], $0x80, s13, s24, $0xb8;
	[tilespmem:$0x1EA00] =	vst v63  }
0xab: {  	s11 =	sadd.s32 @!p0 $0xFFFFFFF0, s1;
	s13 =	simm.s32 @!p0 $0x2880  }
0xac: {  	[tilespmem:s13], [sflag:$0x2] =	stream.linear.gather @!p0 [hbm4b:s11+s12], $0x80, $0x38;
	[tilespmem:$0x1EA00] =	vst v63  }
0xad: {  	_ =	swait.ge [sflag:s31], $0x80  }
0xae: {  	[sflag:s31] =	ssyncset.done $0x0  }
0xaf: {  	[sflag:s31] =	ssyncadd.s32 $0xFFFFFF80  }
0xb0: {  	v3 =	vld [tilespmem:$0x2980]  }
0xb1: {  	v57 =	vld [tilespmem:$0x2990]  }
0xb2: {  	v58 =	vld [tilespmem:$0x29A0]  }
0xb3: {  	v59 =	vld [tilespmem:$0x29B0]  }
0xb4: {  	v60 =	vld [tilespmem:$0x29C0]  }
0xb5: {  	v61 =	vld [tilespmem:$0x29D0];
	v3 =	vadd.s32 v0, v3  }
0xb6: {  	v62 =	vld [tilespmem:$0x29E0];
	[tilespmem:$0x2980] =	vst v3;
	v3 =	vadd.s32 v0, v57  }
0xb7: {  	v63 =	vld [tilespmem:$0x29F0];
	[tilespmem:$0x2990] =	vst v3;
	v3 =	vadd.s32 v0, v58  }
0xb8: {  	[tilespmem:$0x29A0] =	vst v3;
	v3 =	vadd.s32 v0, v59  }
0xb9: {  	[tilespmem:$0x29B0] =	vst v3;
	v3 =	vadd.s32 v0, v60  }
0xba: {  	[tilespmem:$0x29C0] =	vst v3;
	v3 =	vadd.s32 v0, v61  }
0xbb: {  	[tilespmem:$0x29D0] =	vst v3;
	v3 =	vadd.s32 v0, v62  }
0xbc: {  	[tilespmem:$0x29E0] =	vst v3;
	v3 =	vadd.s32 v0, v63  }
0xbd: {  	[tilespmem:$0x29F0] =	vst v3  }
0xbe: {  	_ =	swait.ge [sflag:s0], $0x4000  }
0xbf: {  	[sflag:s0] =	ssyncset.done $0x0  }
0xc0: {  	[sflag:s0] =	ssyncadd.s32 $0xFFFFC000  }
0xc1: {  	[tilespmem:s25], [sflag:$0x6] =	stream.indirect.gather [hbm4b:s4+s24], $0x80, s22, s24, $0xb8;
	[tilespmem:$0x1EA00] =	vst v63  }
.Ltmp3:
0xc2: {  	_ = 	snop;
	(pc) =	sbr.rel @p0 .LBB2_6-.Ltmp3, $4  }
0xc3: {  	_ =	swait.ge [sflag:s26], $0x4000  }
0xc4: {  	[sflag:s26] =	ssyncset.done $0x0  }
0xc5: {  	s10 =	sadd.s32 $0x100, s10;
	[sflag:s26] =	ssyncadd.s32 $0xFFFFC000  }
0xc6: {  	[spmem:s2] =	stream.indirect.scatter.add.f32 [tilespmem:s16], [sflag:$0x7], $0x80, s10, s24, $0xb8;
	[tilespmem:$0x1EA00] =	vst v63  }
.Ltmp4:
0xc7: {  	(pc) =	sbr.rel .LBB2_4-.Ltmp4, $3  }
0xc8: {  	_ =	sdelay $0x1  }
0xc9: {  	[tilespmem:s20], [sflag:$0x3] =	stream.linear.gather [hbm4b:s1+s3], $0x80, $0x38;
	[tilespmem:$0x1EA00] =	vst v63  }
0xca: {  	s9 =	sadd.s32 $0x800, s9;
	s1 =	sadd.s32 $0x40, s1  }
.LBB2_6:
0xcb: {  	_ =	swait.ge [sflag:s30], $0x4000  }
0xcc: {  	[sflag:s30] =	ssyncset.done $0x0  }
0xcd: {  	s1 =	simm.s32 $0x2780;
	[sflag:s30] =	ssyncadd.s32 $0xFFFFC000  }
0xce: {  	[spmem:s2] =	stream.indirect.scatter.add.f32 [tilespmem:s25], [sflag:$0x8], $0x80, s1, s24, $0xb8;
	[tilespmem:$0x1EA00] =	vst v63  }
0xcf: {  	_ =	swait.ge [sflag:s29], $0x4000  }
0xd0: {  	[sflag:s29] =	ssyncset.done $0x0  }
0xd1: {  	[sflag:s29] =	ssyncadd.s32 $0xFFFFC000  }
0xd2: {  	_ =	swait.ge [sflag:s0], $0x4000  }
0xd3: {  	[sflag:s0] =	ssyncset.done $0x0  }
0xd4: {  	s12 =	stileid.u32;
	[sflag:s0] =	ssyncadd.s32 $0xFFFFC000  }
0xd5: {  	s1 =	sshll.u32 s12, $0x6;
	[bflag:$0x0] =	sbarrier.arrive $0xFFFF  }
0xd6: {  	s10 =	sshrl.u32 s6, $0x3;
	s9 =	sor.u32 $0x1C09, s1;
	s13 =	rddreg [dreg:$0x4]  }
0xd7: {  	[hbm:s13], [sflag:s9] =	dma.local [spmem:s10], $0x2800  }
0xd8: {  	_ =	swait.ge [sflag:s15], $0x2800  }
0xd9: {  	[sflag:s15] =	ssyncset.done $0x0  }
0xda: {  	s11 =	simm.s32 $0x200;
	s1 =	simm.s32 $0x0;
	[sflag:s15] =	ssyncadd.s32 $0xFFFFD800  }
.LBB2_7:
0xdb: {  	p0 =	sne.s32 s11, $0xFE00;
	[tilespmem:s1+$0x2A70] =	vst v2  }
0xdc: {  	[tilespmem:s1+$0x2A00] =	vst v2  }
0xdd: {  	[tilespmem:s1+$0x2A10] =	vst v2  }
.Ltmp5:
0xde: {  	[tilespmem:s1+$0x2A20] =	vst v2;
	(pc) =	sbr.rel @p0 .LBB2_7-.Ltmp5, $4  }
0xdf: {  	[tilespmem:s1+$0x2A30] =	vst v2  }
0xe0: {  	[tilespmem:s1+$0x2A40] =	vst v2  }
0xe1: {  	[tilespmem:s1+$0x2A50] =	vst v2  }
0xe2: {  	[tilespmem:s1+$0x2A60] =	vst v2;
	s1 =	sshra.s32 s11, $0x2;
	s11 =	sadd.s32 $0x200, s11  }
0xe3: {  	[tilespmem:s1+$0x2A70] =	vst v2  }
0xe4: {  	[tilespmem:s1+$0x2A00] =	vst v2  }
0xe5: {  	[tilespmem:s1+$0x2A10] =	vst v2  }
0xe6: {  	[tilespmem:s1+$0x2A20] =	vst v2  }
0xe7: {  	[tilespmem:s1+$0x2A30] =	vst v2  }
0xe8: {  	[tilespmem:s1+$0x2A40] =	vst v2  }
0xe9: {  	[tilespmem:s1+$0x2A50] =	vst v2  }
0xea: {  	[tilespmem:s1+$0x2A60] =	vst v2  }
0xeb: {  	[spmem:s6] =	stream.linear.scatter [tilespmem:s16], [sflag:$0x9], $0x4000, $0x38;
	[tilespmem:$0x1EA00] =	vst v63  }
0xec: {  	_ =	swait.ge [sflag:s15], $0x4000  }
0xed: {  	[sflag:s15] =	ssyncset.done $0x0  }
0xee: {  	s11 =	rddreg [dreg:$0x7];
	[sflag:s15] =	ssyncadd.s32 $0xFFFFC000  }
0xef: {  	[spmem:s11] =	stream.linear.scatter [tilespmem:s16], [sflag:$0x9], $0x4000, $0x38;
	[tilespmem:$0x1EA00] =	vst v63  }
0xf0: {  	_ =	swait.ge [sflag:s15], $0x4000  }
0xf1: {  	[sflag:s15] =	ssyncset.done $0x0  }
0xf2: {  	s12 =	rddreg [dreg:$0x8];
	[sflag:s15] =	ssyncadd.s32 $0xFFFFC000  }
0xf3: {  	[spmem:s12] =	stream.linear.scatter [tilespmem:s16], [sflag:$0x9], $0x4000, $0x38;
	[tilespmem:$0x1EA00] =	vst v63  }
0xf4: {  	_ =	swait.ge [sflag:s15], $0x4000  }
0xf5: {  	[sflag:s15] =	ssyncset.done $0x0  }
0xf6: {  	s13 =	rddreg [dreg:$0x9];
	[sflag:s15] =	ssyncadd.s32 $0xFFFFC000  }
0xf7: {  	[spmem:s13] =	stream.linear.scatter [tilespmem:s16], [sflag:$0x9], $0x4000, $0x38;
	[tilespmem:$0x1EA00] =	vst v63  }
0xf8: {  	_ =	swait.ge [sflag:s15], $0x4000  }
0xf9: {  	[sflag:s15] =	ssyncset.done $0x0  }
0xfa: {  	[sflag:s15] =	ssyncadd.s32 $0xFFFFC000  }
0xfb: {  	[spmem:s14] =	stream.linear.scatter [tilespmem:s16], [sflag:$0x9], $0x4000, $0x38;
	[tilespmem:$0x1EA00] =	vst v63  }
0xfc: {  	_ =	swait.ge [sflag:s15], $0x4000  }
0xfd: {  	[sflag:s15] =	ssyncset.done $0x0  }
0xfe: {  	s1 =	simm.s32 $0x0;
	s11 =	simm.s32 $0x2800;
	[sflag:s15] =	ssyncadd.s32 $0xFFFFC000  }
0xff: {  	[tilespmem:s11], [sflag:$0x1] =	stream.linear.gather [hbm4b:s7+s1], $0x80, $0x38;
	[tilespmem:$0x1EA00] =	vst v63  }
0x100: {  	_ = 	snop  }
0x101: {  	[tilespmem:s19], [sflag:$0x2] =	stream.linear.gather [hbm4b:s18+s1], $0x80, $0x38;
	[tilespmem:$0x1EA00] =	vst v63  }
0x102: {  	_ = 	snop  }
0x103: {  	[tilespmem:s20], [sflag:$0x3] =	stream.linear.gather [hbm4b:s17+s1], $0x80, $0x38;
	[tilespmem:$0x1EA00] =	vst v63  }
0x104: {  	[bflag:$0x0] =	sbarrier.arrive $0xFFFF  }
.LBB2_9:
0x105: {  	_ =	swait.ge [sflag:s21], $0x80  }
0x106: {  	[sflag:s21] =	ssyncset.done $0x0  }
0x107: {  	[sflag:s21] =	ssyncadd.s32 $0xFFFFFF80  }
0x108: {  	v3 =	vld [tilespmem:$0x2800]  }
0x109: {  	v4 =	vld [tilespmem:$0x2810]  }
0x10a: {  	v5 =	vld [tilespmem:$0x2820]  }
0x10b: {  	v6 =	vld [tilespmem:$0x2830]  }
0x10c: {  	v7 =	vld [tilespmem:$0x2840]  }
0x10d: {  	v8 =	vld [tilespmem:$0x2850];
	v3 =	vadd.s32 v1, v3  }
0x10e: {  	v41 =	vld [tilespmem:$0x2860];
	[tilespmem:$0x2800] =	vst v3;
	v3 =	vadd.s32 v1, v4  }
0x10f: {  	v42 =	vld [tilespmem:$0x2870];
	[tilespmem:$0x2810] =	vst v3;
	v3 =	vadd.s32 v1, v5  }
0x110: {  	[tilespmem:$0x2820] =	vst v3;
	v3 =	vadd.s32 v1, v6  }
0x111: {  	[tilespmem:$0x2830] =	vst v3;
	v3 =	vadd.s32 v1, v7  }
0x112: {  	[tilespmem:$0x2840] =	vst v3;
	v3 =	vadd.s32 v1, v8  }
0x113: {  	[tilespmem:$0x2850] =	vst v3;
	v3 =	vadd.s32 v1, v41  }
0x114: {  	p0 =	sne.s32 s1, $0x0;
	[tilespmem:$0x2860] =	vst v3;
	v3 =	vadd.s32 v1, v42  }
0x115: {  	s11 =	simm.s32 @p0 $0x7;
	[tilespmem:$0x2870] =	vst v3  }
0x116: {  	_ =	swait.ge @p0 [sflag:s11], $0x4000  }
0x117: {  	s12 =	simm.s32 @p0 $0x2800;
	[sflag:s11] =	ssyncset.done @p0 $0x0  }
0x118: {  	s13 =	simm.s32 @p0 $0x2A00;
	[sflag:s11] =	ssyncadd.s32 @p0 $0xFFFFC000;
	s11 =	simm.s32 @p0 $0x80  }
0x119: {  	[tilespmem:s13], [sflag:$0x5] =	stream.indirect.gather @p0 [hbm4b:s4+s11], $0x80, s12, s11, $0xb8;
	[tilespmem:$0x1EA00] =	vst v63  }
0x11a: {  	s12 =	simm.s32 @p0 $0x6  }
0x11b: {  	_ =	swait.ge @p0 [sflag:s12], $0x4000  }
0x11c: {  	s13 =	sshra.s32 @p0 s1, $0x2;
	[sflag:s12] =	ssyncset.done @p0 $0x0  }
0x11d: {  	[sflag:s12] =	ssyncadd.s32 @p0 $0xFFFFC000;
	s12 =	sadd.s32 @p0 $0xFFFFFF80, s13;
	s13 =	simm.s32 @p0 $0x6A00  }
0x11e: {  	[spmem:s2] =	stream.indirect.scatter.add.f32 @p0 [tilespmem:s13], [sflag:$0x8], $0x80, s12, s11, $0xb8;
	[tilespmem:$0x1EA00] =	vst v63  }
0x11f: {  	s11 =	simm.s32 @!p0 $0x80;
	s12 =	simm.s32 @!p0 $0x2800;
	s13 =	simm.s32 @!p0 $0x2A00  }
0x120: {  	[tilespmem:s13], [sflag:$0x5] =	stream.indirect.gather @!p0 [hbm4b:s4+s11], $0x80, s12, s11, $0xb8;
	[tilespmem:$0x1EA00] =	vst v63  }
0x121: {  	s12 =	sadd.s32 $0xFFFFFFD0, s8  }
0x122: {  	[tilespmem:s22], [sflag:$0x4] =	stream.linear.gather [hbm4b:s12+s3], $0x80, $0x38;
	[tilespmem:$0x1EA00] =	vst v63  }
0x123: {  	_ =	swait.ge [sflag:s23], $0x80  }
0x124: {  	[sflag:s23] =	ssyncset.done $0x0  }
0x125: {  	[sflag:s23] =	ssyncadd.s32 $0xFFFFFF80  }
0x126: {  	v3 =	vld [tilespmem:$0x2880]  }
0x127: {  	v43 =	vld [tilespmem:$0x2890]  }
0x128: {  	v44 =	vld [tilespmem:$0x28A0]  }
0x129: {  	v45 =	vld [tilespmem:$0x28B0]  }
0x12a: {  	v46 =	vld [tilespmem:$0x28C0]  }
0x12b: {  	v47 =	vld [tilespmem:$0x28D0];
	v3 =	vadd.s32 v1, v3  }
0x12c: {  	v48 =	vld [tilespmem:$0x28E0];
	[tilespmem:$0x2880] =	vst v3;
	v3 =	vadd.s32 v1, v43  }
0x12d: {  	v49 =	vld [tilespmem:$0x28F0];
	[tilespmem:$0x2890] =	vst v3;
	v3 =	vadd.s32 v1, v44  }
0x12e: {  	[tilespmem:$0x28A0] =	vst v3;
	v3 =	vadd.s32 v1, v45  }
0x12f: {  	[tilespmem:$0x28B0] =	vst v3;
	v3 =	vadd.s32 v1, v46  }
0x130: {  	[tilespmem:$0x28C0] =	vst v3;
	v3 =	vadd.s32 v1, v47  }
0x131: {  	[tilespmem:$0x28D0] =	vst v3;
	v3 =	vadd.s32 v1, v48  }
0x132: {  	p0 =	seq.s32 s1, $0x0;
	[tilespmem:$0x28E0] =	vst v3;
	v3 =	vadd.s32 v1, v49  }
0x133: {  	s11 =	simm.s32 @!p0 $0x8;
	[tilespmem:$0x28F0] =	vst v3  }
0x134: {  	_ =	swait.ge @!p0 [sflag:s11], $0x4000  }
0x135: {  	[sflag:s11] =	ssyncset.done @!p0 $0x0  }
0x136: {  	[sflag:s11] =	ssyncadd.s32 @!p0 $0xFFFFC000  }
0x137: {  	[tilespmem:s25], [sflag:$0x6] =	stream.indirect.gather [hbm4b:s4+s24], $0x80, s19, s24, $0xb8;
	[tilespmem:$0x1EA00] =	vst v63  }
0x138: {  	_ =	swait.ge [sflag:s26], $0x4000  }
0x139: {  	[sflag:s26] =	ssyncset.done $0x0  }
0x13a: {  	s17 =	sshra.s32 s1, $0x2;
	p0 =	seq.s32 s1, $0x9800;
	[sflag:s26] =	ssyncadd.s32 $0xFFFFC000  }
0x13b: {  	[spmem:s2] =	stream.indirect.scatter.add.f32 [tilespmem:s16], [sflag:$0x7], $0x80, s17, s24, $0xb8;
	[tilespmem:$0x1EA00] =	vst v63  }
0x13c: {  	s11 =	sadd.s32 @!p0 $0xFFFFFFE0, s8;
	s12 =	simm.s32 @!p0 $0x0;
	s13 =	simm.s32 @!p0 $0x2800  }
0x13d: {  	[tilespmem:s13], [sflag:$0x1] =	stream.linear.gather @!p0 [hbm4b:s11+s12], $0x80, $0x38;
	[tilespmem:$0x1EA00] =	vst v63  }
0x13e: {  	_ =	swait.ge [sflag:s28], $0x80  }
0x13f: {  	[sflag:s28] =	ssyncset.done $0x0  }
0x140: {  	[sflag:s28] =	ssyncadd.s32 $0xFFFFFF80  }
0x141: {  	v3 =	vld [tilespmem:$0x2900]  }
0x142: {  	v50 =	vld [tilespmem:$0x2910]  }
0x143: {  	v51 =	vld [tilespmem:$0x2920]  }
0x144: {  	v52 =	vld [tilespmem:$0x2930]  }
0x145: {  	v53 =	vld [tilespmem:$0x2940]  }
0x146: {  	v54 =	vld [tilespmem:$0x2950];
	v3 =	vadd.s32 v1, v3  }
0x147: {  	v55 =	vld [tilespmem:$0x2960];
	[tilespmem:$0x2900] =	vst v3;
	v3 =	vadd.s32 v1, v50  }
0x148: {  	v56 =	vld [tilespmem:$0x2970];
	[tilespmem:$0x2910] =	vst v3;
	v3 =	vadd.s32 v1, v51  }
0x149: {  	[tilespmem:$0x2920] =	vst v3;
	v3 =	vadd.s32 v1, v52  }
0x14a: {  	[tilespmem:$0x2930] =	vst v3;
	v3 =	vadd.s32 v1, v53  }
0x14b: {  	[tilespmem:$0x2940] =	vst v3;
	v3 =	vadd.s32 v1, v54  }
0x14c: {  	[tilespmem:$0x2950] =	vst v3;
	v3 =	vadd.s32 v1, v55  }
0x14d: {  	[tilespmem:$0x2960] =	vst v3;
	v3 =	vadd.s32 v1, v56  }
0x14e: {  	[tilespmem:$0x2970] =	vst v3  }
0x14f: {  	_ =	swait.ge [sflag:s29], $0x4000  }
0x150: {  	[sflag:s29] =	ssyncset.done $0x0  }
0x151: {  	[sflag:s29] =	ssyncadd.s32 $0xFFFFC000  }
0x152: {  	[tilespmem:s16], [sflag:$0x5] =	stream.indirect.gather [hbm4b:s4+s24], $0x80, s20, s24, $0xb8;
	[tilespmem:$0x1EA00] =	vst v63  }
0x153: {  	_ =	swait.ge [sflag:s30], $0x4000  }
0x154: {  	[sflag:s30] =	ssyncset.done $0x0  }
0x155: {  	s13 =	sadd.s32 $0x80, s17;
	[sflag:s30] =	ssyncadd.s32 $0xFFFFC000  }
0x156: {  	[spmem:s2] =	stream.indirect.scatter.add.f32 [tilespmem:s25], [sflag:$0x8], $0x80, s13, s24, $0xb8;
	[tilespmem:$0x1EA00] =	vst v63  }
0x157: {  	s11 =	sadd.s32 @!p0 $0xFFFFFFF0, s8;
	s13 =	simm.s32 @!p0 $0x2880  }
0x158: {  	[tilespmem:s13], [sflag:$0x2] =	stream.linear.gather @!p0 [hbm4b:s11+s12], $0x80, $0x38;
	[tilespmem:$0x1EA00] =	vst v63  }
0x159: {  	_ =	swait.ge [sflag:s31], $0x80  }
0x15a: {  	[sflag:s31] =	ssyncset.done $0x0  }
0x15b: {  	[sflag:s31] =	ssyncadd.s32 $0xFFFFFF80  }
0x15c: {  	v3 =	vld [tilespmem:$0x2980]  }
0x15d: {  	v57 =	vld [tilespmem:$0x2990]  }
0x15e: {  	v58 =	vld [tilespmem:$0x29A0]  }
0x15f: {  	v59 =	vld [tilespmem:$0x29B0]  }
0x160: {  	v60 =	vld [tilespmem:$0x29C0]  }
0x161: {  	v61 =	vld [tilespmem:$0x29D0];
	v3 =	vadd.s32 v1, v3  }
0x162: {  	v62 =	vld [tilespmem:$0x29E0];
	[tilespmem:$0x2980] =	vst v3;
	v3 =	vadd.s32 v1, v57  }
0x163: {  	v63 =	vld [tilespmem:$0x29F0];
	[tilespmem:$0x2990] =	vst v3;
	v3 =	vadd.s32 v1, v58  }
0x164: {  	[tilespmem:$0x29A0] =	vst v3;
	v3 =	vadd.s32 v1, v59  }
0x165: {  	[tilespmem:$0x29B0] =	vst v3;
	v3 =	vadd.s32 v1, v60  }
0x166: {  	[tilespmem:$0x29C0] =	vst v3;
	v3 =	vadd.s32 v1, v61  }
0x167: {  	[tilespmem:$0x29D0] =	vst v3;
	v3 =	vadd.s32 v1, v62  }
0x168: {  	[tilespmem:$0x29E0] =	vst v3;
	v3 =	vadd.s32 v1, v63  }
0x169: {  	[tilespmem:$0x29F0] =	vst v3  }
0x16a: {  	_ =	swait.ge [sflag:s0], $0x4000  }
0x16b: {  	[sflag:s0] =	ssyncset.done $0x0  }
0x16c: {  	[sflag:s0] =	ssyncadd.s32 $0xFFFFC000  }
0x16d: {  	[tilespmem:s25], [sflag:$0x6] =	stream.indirect.gather [hbm4b:s4+s24], $0x80, s22, s24, $0xb8;
	[tilespmem:$0x1EA00] =	vst v63  }
.Ltmp6:
0x16e: {  	_ = 	snop;
	(pc) =	sbr.rel @p0 .LBB2_11-.Ltmp6, $4  }
0x16f: {  	_ =	swait.ge [sflag:s26], $0x4000  }
0x170: {  	[sflag:s26] =	ssyncset.done $0x0  }
0x171: {  	s17 =	sadd.s32 $0x100, s17;
	[sflag:s26] =	ssyncadd.s32 $0xFFFFC000  }
0x172: {  	[spmem:s2] =	stream.indirect.scatter.add.f32 [tilespmem:s16], [sflag:$0x7], $0x80, s17, s24, $0xb8;
	[tilespmem:$0x1EA00] =	vst v63  }
.Ltmp7:
0x173: {  	(pc) =	sbr.rel .LBB2_9-.Ltmp7, $3  }
0x174: {  	_ =	sdelay $0x1  }
0x175: {  	[tilespmem:s20], [sflag:$0x3] =	stream.linear.gather [hbm4b:s8+s3], $0x80, $0x38;
	[tilespmem:$0x1EA00] =	vst v63  }
0x176: {  	s1 =	sadd.s32 $0x800, s1;
	s8 =	sadd.s32 $0x40, s8  }
.LBB2_12:
0x177: {  	_ =	sfence.sel $0x180000  }
0x178: {  	[bflag:$0x0] =	sbarrier.arrive $0xFFFF  }
0x179: {  	_ =	strace $0x9000004D  }
0x17a: {  	s0 =	stileid.u32;
	[bflag:$0x2] =	sbarrier.arrive $0xFFFF  }
0x17b: {  	p0 =	sne.s32 s0, $0x0;
	s0 =	rddreg [dreg:$0x2]  }
0x17c: {  	s0 =	sadd.s32 @!p0 $0x100000, s0  }
0x17d: {  	[sflag:s0] =	ssyncadd.tile.s32 @!p0 $0x1;
	_ =	shalt  }
.Lfunc_end2:
_tile_overlayer_lowered:
.L_overlay_start_2:
0x17e: {  	(tag) =	ssettag $0x2  }
0x17f: {  	s0 =	rddreg [dreg:$0x0];
	s2 =	stileid.u32  }
0x180: {  	s1 =	rddreg [dreg:$0x1];
	p0 =	sne.s32 s2, $0x0  }
0x181: {  	s3 =	rddreg [dreg:$0x2];
	[bflag:$0x3] =	sbarrier.arrive $0xFFFF;
	s2 =	simm.s32 @!p0 $0x1C09  }
0x182: {  	[timem:s3], [sflag:s2] =	dma.local @!p0 [hbm:s0], s1  }
0x183: {  	s0 =	simm.s32 @!p0 $0x9  }
0x184: {  	_ =	swait.ge @!p0 [sflag:s0], s1  }
0x185: {  	s1 =	ssub.s32 @!p0 $0x0, s1;
	[sflag:s0] =	ssyncset.done @!p0 $0x0  }
0x186: {  	[sflag:s0] =	ssyncadd.s32 @!p0 s1  }
0x187: {  	[bflag:$0x3] =	sbarrier.arrive $0xFFFF  }
0x188: {  	_ =	shalt  }

// kernel: kernel.8.cloned.1.call-start
scs
__scs_entry_jumppad:
0x0: {  	(pc) =	sbr.rel $0x88, $3  }
0x1: {  	(tag) =	ssettag $0x0;
	lr =	simm.s32 $0x1  }
0x2: {  	[smem:$0x3F96] =	sst lr;
	_ =	strace $0xD0000000  }
0x3: {  	_ = 	snop  }
0x4: {  	_ = 	snop  }
0x5: {  	_ = 	snop  }
0x6: {  	_ = 	snop  }
0x7: {  	_ = 	snop  }
__scs_overlays_trampoline_lowered:
0x8: {  	[smem:$0x3FA5] =	sst s0  }
0x9: {  	[smem:$0x3FA6] =	sst s1  }
0xa: {  	[smem:$0x3FA7] =	sst s2  }
0xb: {  	[smem:$0x3FA8] =	sst s3  }
0xc: {  	[smem:$0x3FA9] =	sst s4  }
0xd: {  	[smem:$0x3FAA] =	sst s5  }
0xe: {  	[smem:$0x3FAB] =	sst s6  }
0xf: {  	[smem:$0x3FAC] =	sst s7  }
0x10: {  	[smem:$0x3FAD] =	sst s8  }
0x11: {  	[smem:$0x3FAE] =	sst s9;
	s0 =	simm.s32 @!p0 $0x0  }
0x12: {  	s1 =	sld [smem:$0x3F94];
	s0 =	simm.s32 @p0 $0x1  }
0x13: {  	[smem:$0x3FAF] =	sst s0;
	s0 =	simm.s32 @!p1 $0x0  }
0x14: {  	s2 =	sld [smem:$0x3F93];
	s0 =	simm.s32 @p1 $0x1  }
0x15: {  	[smem:$0x3FB0] =	sst s0;
	s0 =	simm.s32 @!p2 $0x0  }
0x16: {  	s3 =	sld [smem:$0x3FDB];
	s0 =	simm.s32 @p2 $0x1  }
0x17: {  	s4 =	simm.s32 $0x1BF5;
	[smem:$0x3FB2] =	sst s0  }
0x18: {  	s0 =	sld [smem:$0x3F95];
	_ =	swait.ge [sflag:s4], $0x0  }
0x19: {  	s7 =	sld [smem:$0x3F96]  }
0x1a: {  	s8 =	sadd.s32 $0xFFFFE003, lr  }
0x1b: {  	s9 =	sadd.s32 $0xFFFFFEF7, lr;
	s5 =	simm.s32 $0xFFFFFFFF;
	p2 =	slt.u32 s8, $0xFFFFF086  }
0x1c: {  	p1 =	slt.u32 s9, $0xF7A;
	s5 =	simm.s32 @!p2 $0x0  }
0x1d: {  	s5 =	simm.s32 @p1 $0x1;
	p0 =	seq.s32 s7, s2  }
0x1e: {  	s7 =	smul.u32 @!p0 $0xF7A, s2;
	p2 =	seq.s32 @!p0 s5, $0x0  }
0x1f: {  	s9 =	smul.u32 $0xF7A, s1;
	s8 =	simm.s32 @!p0 $0x1BF5;
	p2 =	por !p2, p0  }
0x20: {  	[sflag:s8] =	ssyncset.s32 @!p0 $0xFFFFF086;
	s6 =	sadd.s32 @!p0 s3, s7;
	s7 =	simm.s32 @!p0 $0x108  }
0x21: {  	s3 =	sadd.s32 s3, s9;
	s6 =	sadd.s32 @!p0 $0x88, s6;
	s7 =	simm.s32 @p2 $0x1082  }
0x22: {  	[simem:s7], [sflag:s8] =	dma.local @!p0 [hbm:s6], $0xF7A  }
0x23: {  	s9 =	sor.u32 $0xD0000000, s2;
	s6 =	simm.s32 $0x108;
	_ =	swait.ge @!p0 [sflag:s8], $0x0  }
0x24: {  	s3 =	sadd.s32 $0x88, s3;
	s6 =	simm.s32 @!p1 $0x1082;
	[sflag:s4] =	ssyncset.s32 $0xFFFFF086  }
0x25: {  	[simem:s6], [sflag:s4] =	dma.local [hbm:s3], $0xF7A  }
0x26: {  	[smem:$0x3F96] =	sst s1;
	(tag) =	ssettag s2;
	_ =	strace s9  }
0x27: {  	s1 =	sld [smem:$0x3FA6]  }
0x28: {  	s2 =	sld [smem:$0x3FA7]  }
0x29: {  	s4 =	sld [smem:$0x3FA9]  }
0x2a: {  	p0 =	seq.s32 s5, $0x0;
	s5 =	sld [smem:$0x3FAA]  }
0x2b: {  	s6 =	sld [smem:$0x3FAB]  }
0x2c: {  	s7 =	sld [smem:$0x3FAC]  }
0x2d: {  	s3 =	simm.s32 $0x108;
	s8 =	sld [smem:$0x3FAD]  }
0x2e: {  	s3 =	simm.s32 @!p0 $0x1082;
	s9 =	sld [smem:$0x3FAE]  }
0x2f: {  	lr =	sadd.s32 s0, s3;
	s0 =	sld [smem:$0x3FA5]  }
0x30: {  	s3 =	sld [smem:$0x3FA8]  }
0x31: {  	[smem:$0x3FB1] =	sst s10  }
0x32: {  	s10 =	sld [smem:$0x3FAF];
	_ =	sdelay $0x3  }
0x33: {  	p0 =	seq.s32 s10, $0x1;
	s10 =	sld [smem:$0x3FB1];
	_ =	sdelay $0x3  }
0x34: {  	[smem:$0x3FB1] =	sst s10  }
0x35: {  	s10 =	sld [smem:$0x3FB0];
	_ =	sdelay $0x3  }
0x36: {  	p1 =	seq.s32 s10, $0x1;
	s10 =	sld [smem:$0x3FB1];
	_ =	sdelay $0x3  }
0x37: {  	[smem:$0x3FB1] =	sst s10  }
0x38: {  	s10 =	sld [smem:$0x3FB2]  }
0x39: {  	_ = 	snop;
	(pc) =	sbr.ind lr, $3  }
0x3a: {  	_ = 	snop  }
0x3b: {  	_ = 	snop  }
0x3c: {  	p2 =	seq.s32 s10, $0x1;
	s10 =	sld [smem:$0x3FB1]  }
0x3d: {  	_ =	shalt  }
0x3e: {  	_ =	shalt  }
0x3f: {  	_ =	shalt  }
0x40: {  	_ =	shalt  }
0x41: {  	_ =	shalt  }
0x42: {  	_ =	shalt  }
0x43: {  	_ =	shalt  }
0x44: {  	_ =	shalt  }
0x45: {  	_ =	shalt  }
0x46: {  	_ =	shalt  }
0x47: {  	_ =	shalt  }
0x48: {  	_ =	shalt  }
0x49: {  	_ =	shalt  }
0x4a: {  	_ =	shalt  }
0x4b: {  	_ =	shalt  }
0x4c: {  	_ =	shalt  }
0x4d: {  	_ =	shalt  }
0x4e: {  	_ =	shalt  }
0x4f: {  	_ =	shalt  }
0x50: {  	_ =	shalt  }
0x51: {  	_ =	shalt  }
0x52: {  	_ =	shalt  }
0x53: {  	_ =	shalt  }
0x54: {  	_ =	shalt  }
0x55: {  	_ =	shalt  }
0x56: {  	_ =	shalt  }
0x57: {  	_ =	shalt  }
0x58: {  	_ =	shalt  }
0x59: {  	_ =	shalt  }
0x5a: {  	_ =	shalt  }
0x5b: {  	_ =	shalt  }
0x5c: {  	_ =	shalt  }
0x5d: {  	_ =	shalt  }
0x5e: {  	_ =	shalt  }
0x5f: {  	_ =	shalt  }
0x60: {  	_ =	shalt  }
0x61: {  	_ =	shalt  }
0x62: {  	_ =	shalt  }
0x63: {  	_ =	shalt  }
0x64: {  	_ =	shalt  }
0x65: {  	_ =	shalt  }
0x66: {  	_ =	shalt  }
0x67: {  	_ =	shalt  }
0x68: {  	_ =	shalt  }
0x69: {  	_ =	shalt  }
0x6a: {  	_ =	shalt  }
0x6b: {  	_ =	shalt  }
0x6c: {  	_ =	shalt  }
0x6d: {  	_ =	shalt  }
0x6e: {  	_ =	shalt  }
0x6f: {  	_ =	shalt  }
0x70: {  	_ =	shalt  }
0x71: {  	_ =	shalt  }
0x72: {  	_ =	shalt  }
0x73: {  	_ =	shalt  }
0x74: {  	_ =	shalt  }
0x75: {  	_ =	shalt  }
0x76: {  	_ =	shalt  }
0x77: {  	_ =	shalt  }
0x78: {  	_ =	shalt  }
0x79: {  	_ =	shalt  }
0x7a: {  	_ =	shalt  }
0x7b: {  	_ =	shalt  }
0x7c: {  	_ =	shalt  }
0x7d: {  	_ =	shalt  }
0x7e: {  	_ =	shalt  }
0x7f: {  	_ =	shalt  }
0x80: {  	_ =	shalt  }
0x81: {  	_ =	shalt  }
0x82: {  	_ =	shalt  }
0x83: {  	_ =	shalt  }
0x84: {  	_ =	shalt  }
0x85: {  	_ =	shalt  }
0x86: {  	_ =	shalt  }
0x87: {  	_ =	shalt  }
.Lfunc_end0:
.L_simem_size_0:
called_computation_lowered:
.L_overlay_start_0:
0x88: {  	s2 =	sld [smem:$0x3FD9]  }
0x89: {  	s3 =	sld [smem:$0x3FFE];
	_ =	sdelay $0x1  }
0x8a: {  	s1 =	srdreg.scid  }
0x8b: {  	s0 =	sand.u32 $0x1, s1  }
0x8c: {  	s16 =	sshll.u32 s0, $0xA;
	s2 =	sadd.s32 s3, s2  }
0x8d: {  	s2 =	sadd.s32 s2, s16  }
0x8e: {  	[smem:$0x3FBD] =	sst s2  }
0x8f: {  	_ = 	snop  }
0x90: {  	(tm) =	ssettm $0x1  }
0x91: {  	s17 =	sld [smem:$0x3FFB];
	_ =	sdelay $0x3  }
0x92: {  	_ =	strace s17  }
0x93: {  	s2 =	sld [smem:$0x3FFC];
	_ =	sdelay $0x3  }
0x94: {  	_ =	strace s2  }
0x95: {  	s2 =	sld [smem:$0x3FFD];
	_ =	sdelay $0x3  }
0x96: {  	_ =	strace s2  }
0x97: {  	_ =	strace $0x8FFFFFFF  }
0x98: {  	s18 =	sld [smem:$0x3FDB];
	_ =	sdelay $0x1  }
0x99: {  	s19 =	simm.s32 $_scs_section_size  }
0x9a: {  	s4 =	simm.s32 $_size__tile_overlayer_lowered;
	s5 =	simm.s32 $_tile_overlayer_lowered  }
0x9b: {  	s22 =	simm.s32 $0x1BFF;
	s21 =	sshll.u32 s5, $0x1;
	s2 =	sadd.s32 s19, s18  }
0x9c: {  	s6 =	simm.s32 $0x0;
	s20 =	sshll.u32 s4, $0x1;
	s4 =	sadd.s32 s21, s2  }
0x9d: {  	[timem:s6], [sflag:s22] =	dma.local [hbm:s4], s20  }
0x9e: {  	_ =	swait.ge [sflag:s22], s20  }
0x9f: {  	s3 =	ssub.s32 $0x0, s20;
	[sflag:s22] =	ssyncset.done $0x0  }
0xa0: {  	[sflag:s22] =	ssyncadd.s32 s3;
	_ =	sdelay $0x1  }
0xa1: {  	s23 =	simm.s32 $0x1B8B  }
0xa2: {  	_ =	swait.ge [sflag:s23], $0x1  }
0xa3: {  	[sflag:s23] =	ssyncset.done $0x0  }
0xa4: {  	s25 =	simm.s32 $0x1B8E;
	s24 =	sld [smem:$0x3FFE];
	[sflag:s23] =	ssyncadd.s32 $0xFFFFFFFF  }
0xa5: {  	s26 =	simm.s32 $execute0_lowered;
	[smem:$0x3FD2] =	sst s25  }
0xa6: {  	s4 =	sshll.u32 s26, $0x1;
	_ =	strace $0x80000046;
	[dreg:$0x1] =	wrdreg $0xFFFFFFFF  }
0xa7: {  	s28 =	simm.s32 $_size_execute0_lowered;
	s2 =	sadd.s32 s2, s4;
	[dreg:$0x0] =	wrdreg $0x0  }
0xa8: {  	s4 =	sshll.u32 s28, $0x1;
	[dreg:$0x2] =	wrdreg s2  }
0xa9: {  	[dreg:$0x3] =	wrdreg s4  }
0xaa: {  	[dreg:$0x4] =	wrdreg $0xC0  }
0xab: {  	_ =	task [dreg:s6], $0x5FFFF  }
0xac: {  	[dreg:$0x1] =	wrdreg $0xFFFFFFFF  }
0xad: {  	[dreg:$0x0] =	wrdreg $0x60  }
0xae: {  	[dreg:$0x2] =	wrdreg s24  }
0xaf: {  	[dreg:$0x3] =	wrdreg $0x14800  }
0xb0: {  	[dreg:$0x4] =	wrdreg $0x9  }
0xb1: {  	_ =	task.clear_ibuf [dreg:s6], $0x5FFFF;
	_ =	strace $0x90000046  }
0xb2: {  	s29 =	simm.s32 $0x9;
	_ =	strace $0x80000048  }
0xb3: {  	_ =	swait.ge [sflag:s29], $0x1  }
0xb4: {  	[sflag:s29] =	ssyncadd.s32 $0xFFFFFFFF  }
0xb5: {  	_ =	strace $0x90000048  }
0xb6: {  	_ =	sfence  }
0xb7: {  	s30 =	sld [smem:$0x0];
	_ =	sdelay $0x2  }
0xb8: {  	s31 =	sshll.u32 s1, $0xD;
	s1 =	sshrl.u32 s1, $0x2  }
0xb9: {  	s3 =	sand.u32 $0x4000, s31;
	s1 =	sadd.s32 s1, s30  }
0xba: {  	s0 =	sor.u32 s3, s0;
	s1 =	sshll.u32 s1, $0x11  }
0xbb: {  	s0 =	sor.u32 s1, s0  }
0xbc: {  	s0 =	sadd.s32 $0x8F2B, s0  }
0xbd: {  	[sflag:s0] =	ssyncadd.remote.s32 $0x1  }
0xbe: {  	_ =	sfence.sel $0xFFFF  }
0xbf: {  	[dreg:$0x0] =	wrdreg $0xFFFFFFFF;
	(pc) =	sbr.abs _section_cstart, $3  }
0xc0: {  	[dreg:$0x1] =	wrdreg $0xFFFFFFFF  }
0xc1: {  	_ =	task.clear_ibuf [dreg:s6], $0x2FFFF;
	_ =	strace $0x9FFFFFFF  }
0xc2: {  	(tm) =	ssettm $0x7FFFFFFF  }
0xc3: {  	_ =	shalt  }
tec
execute0_lowered:
.L_overlay_start_1:
0x0: {  	(tag) =	ssettag $0x1  }
0x1: {  	s5 =	rddreg [dreg:$0x0]  }
0x2: {  	s0 =	srdreg.scid;
	s2 =	rddreg [dreg:$0x1];
	s3 =	simm.s32 $0x0  }
0x3: {  	s11 =	simm.s32 $0x80;
	s12 =	simm.s32 $0x1400;
	s13 =	simm.s32 $0x20  }
0x4: {  	s14 =	simm.s32 $0x10;
	s15 =	simm.s32 $0x0;
	s4 =	sand.u32 $0x1, s0  }
0x5: {  	s0 =	stileid.u32;
	[smem:$0x7FF] =	sst s3;
	s1 =	sshll.u32 s4, $0x4  }
0x6: {  	s7 =	smul.u32 $0x500, s0;
	s8 =	sshll.u32 s4, $0x7;
	s28 =	ssub.s32 $0x2, s4  }
0x7: {  	s9 =	smul.u32 $0xA00, s0;
	s4 =	sadd.s32 $0x6C00, s5;
	s1 =	sor.u32 s0, s1  }
0x8: {  	s31 =	sshll.u32 s0, $0x6;
	s29 =	sshrl.u32 s28, $0x1;
	s6 =	smul.u32 $0x280, s1  }
0x9: {  	s1 =	rddreg [dreg:$0x2];
	_ =	strace $0x80000047;
	s7 =	sor.u32 s8, s7  }
0xa: {  	s8 =	ssub.s32 s28, s29;
	s30 =	sshrl.u32 s9, $0x2;
	s9 =	sor.u32 $0x1C01, s31  }
0xb: {  	s7 =	sshrl.u32 s7, $0x3;
	s10 =	sadd.s32 s30, s2;
	s6 =	sadd.s32 s6, s5  }
0xc: {  	s7 =	sadd.s32 s7, s5;
	s10 =	sshrl.u32 s10, $0x3;
	s5 =	sadd.s32 $0x1C00, s6  }
0xd: {  	v0 =	vimm.f32 $1.000000000e+00;
	s6 =	sadd.s32 $0x6E00, s7;
	s7 =	smax.u32 s8, $0x1;
	s8 =	simm.s32 $0x1  }
.LBB2_1:
0xe: {  	[tilespmem:s3], [sflag:$0x1] =	stream.linear.gather [hbm4b:s5+s3], $0x1400, $0x38;
	[tilespmem:$0x1700] =	vst v63  }
0xf: {  	_ =	swait.ge [sflag:s8], $0x1400  }
0x10: {  	[sflag:s8] =	ssyncset.done $0x0  }
0x11: {  	[sflag:s8] =	ssyncadd.s32 $0xFFFFEC00  }
0x12: {  	[tilespmem:$0x1400] =	vst v0  }
0x13: {  	[tilespmem:$0x1410] =	vst v0  }
0x14: {  	[tilespmem:$0x1420] =	vst v0  }
0x15: {  	[tilespmem:$0x1430] =	vst v0  }
0x16: {  	[tilespmem:$0x1440] =	vst v0  }
0x17: {  	[tilespmem:$0x1450] =	vst v0  }
0x18: {  	[tilespmem:$0x1460] =	vst v0  }
0x19: {  	[tilespmem:$0x1470] =	vst v0  }
0x1a: {  	[spmem:s10], [sflag:s9] =	dma.local [hbm:s4], $0x50  }
0x1b: {  	_ =	swait.ge [sflag:s8], $0x50  }
0x1c: {  	[sflag:s8] =	ssyncset.done $0x0  }
0x1d: {  	[sflag:s8] =	ssyncadd.s32 $0xFFFFFFB0  }
0x1e: {  	s16 =	simm.s32 $0x0;
	[bflag:$0x0] =	sbarrier.arrive $0xFFFF  }
0x1f: {  	[spmem:s2] =	stream.indirect.scatter.add.f32 [tilespmem:s12], [sflag:$0x1], $0x1, s16, s11, $0xb8;
	[tilespmem:$0x1700] =	vst v63  }
0x20: {  	_ =	swait.ge [sflag:s8], $0x80  }
0x21: {  	s16 =	simm.s32 $0x200;
	[sflag:s8] =	ssyncset.done $0x0  }
.LBB2_2:
0x22: {  	s17 =	sshra.s32 s16, $0x2;
	[sflag:s8] =	ssyncadd.s32 $0xFFFFFF80;
	p0 =	sne.s32 s16, $0x4E00  }
0x23: {  	[spmem:s2] =	stream.indirect.scatter.add.f32 [tilespmem:s12], [sflag:$0x1], $0x1, s17, s11, $0xb8;
	[tilespmem:$0x1700] =	vst v63  }
.Ltmp0:
0x24: {  	_ = 	snop;
	(pc) =	sbr.rel @p0 .LBB2_2-.Ltmp0, $4  }
0x25: {  	_ = 	snop  }
0x26: {  	s16 =	sadd.s32 $0x200, s16  }
0x27: {  	_ =	swait.ge [sflag:s8], $0x80  }
0x28: {  	[sflag:s8] =	ssyncset.done $0x0  }
0x29: {  	s15 =	sadd.s32 $0x1, s15  }
0x2a: {  	[sflag:s8] =	ssyncadd.s32 $0xFFFFFF80;
	p0 =	sne.s32 s15, s7  }
.Ltmp1:
0x2b: {  	[bflag:$0x0] =	sbarrier.arrive $0xFFFF;
	(pc) =	sbr.rel @p0 .LBB2_1-.Ltmp1, $4  }
0x2c: {  	[hbm:s6@s13], [sflag:s9] =	dma.strided [spmem:s10@s14], $0x50, s8, $0x10   }
0x2d: {  	_ =	swait.ge [sflag:s8], $0x50  }
0x2e: {  	[sflag:s8] =	ssyncset.done $0x0  }
0x2f: {  	[sflag:s8] =	ssyncadd.s32 $0xFFFFFFB0  }
0x30: {  	_ =	sfence.sel $0x180000  }
0x31: {  	[bflag:$0x0] =	sbarrier.arrive $0xFFFF  }
0x32: {  	p0 =	sne.s32 s0, $0x0;
	_ =	strace $0x90000047  }
0x33: {  	s0 =	sadd.s32 @!p0 $0x100000, s1;
	[bflag:$0x2] =	sbarrier.arrive $0xFFFF  }
0x34: {  	[sflag:s0] =	ssyncadd.tile.s32 @!p0 $0x1;
	_ =	shalt  }
.Lfunc_end2:
_tile_overlayer_lowered:
.L_overlay_start_2:
0x35: {  	(tag) =	ssettag $0x2  }
0x36: {  	s0 =	rddreg [dreg:$0x0];
	s2 =	stileid.u32  }
0x37: {  	s1 =	rddreg [dreg:$0x1];
	p0 =	sne.s32 s2, $0x0  }
0x38: {  	s3 =	rddreg [dreg:$0x2];
	[bflag:$0x3] =	sbarrier.arrive $0xFFFF;
	s2 =	simm.s32 @!p0 $0x1C01  }
0x39: {  	[timem:s3], [sflag:s2] =	dma.local @!p0 [hbm:s0], s1  }
0x3a: {  	s0 =	simm.s32 @!p0 $0x1  }
0x3b: {  	_ =	swait.ge @!p0 [sflag:s0], s1  }
0x3c: {  	s1 =	ssub.s32 @!p0 $0x0, s1;
	[sflag:s0] =	ssyncset.done @!p0 $0x0  }
0x3d: {  	[sflag:s0] =	ssyncadd.s32 @!p0 s1  }
0x3e: {  	[bflag:$0x3] =	sbarrier.arrive $0xFFFF  }
0x3f: {  	_ =	shalt  }

</sc_bundles>
